<compile_context>
chip_gen: v7x
topology: tpu7x:2x2x1
jax: 0.10.2.dev20260603
libtpu: 0.0.44.dev20260713+nightly
codegen_flags: <defaults>
</compile_context>

<pallas_src>
import jax
import jax.numpy as jnp
from jax import lax
from jax.experimental import pallas as pl
from jax.experimental.pallas import tpu as pltpu
from jax.experimental.pallas import tpu_sc as plsc

NX = 10
NE = 5
T = 1000
N_NODES = 1024

_NW = 32
_ECHUNK = 1024


def _alpha(t):
    halfpi = 0.5 * jnp.pi
    s = 0.01
    return jnp.cos(halfpi * (t / T + s) / (1 + s))


def _recip(x):
    ax = jnp.abs(x)
    seed = lax.bitcast_convert_type(
        jnp.int32(0x7EF477D5) - lax.bitcast_convert_type(ax, jnp.int32),
        jnp.float32)
    r = seed * (2.0 - ax * seed)
    r = r * (2.0 - ax * r)
    r = r * (2.0 - ax * r)
    return jnp.where(x < 0.0, -r, r)


def _rows16(inref, outref, rb, ca, cb, o, d, C):
    riv = rb + lax.iota(jnp.int32, 16)
    rin = riv * C
    rout = riv * (C * C)
    cols = [plsc.load_gather(inref, [rin + j]) for j in range(C)]
    s = cols[0]
    for j in range(1, C):
        s = s + cols[j]
    L = [ca * s + cb * cols[j] for j in range(C)]
    r = [_recip(jnp.where(L[j] == 0.0, 1e-6, L[j])) for j in range(C)]
    to = [o * L[k] for k in range(C)]
    td = [d * L[k] for k in range(C)]
    for j in range(C):
        for k in range(C):
            val = r[j] * (td[k] if j == k else to[k])
            plsc.store_scatter(outref, [rout + (j * C + k)], val)


def _sc_body(Xt_hbm, Et_hbm, par_hbm, outX_hbm, outE_hbm,
             par_v, inX, outXb,
             inE0, inE1, outE0, outE1,
             isem0, isem1, osem0, osem1):
    wid = lax.axis_index("s") * 2 + lax.axis_index("c")

    in_bufs = (inE0, inE1)
    out_bufs = (outE0, outE1)
    in_sems = (isem0, isem1)
    out_sems = (osem0, osem1)

    erows = N_NODES * N_NODES // _NW
    nchunk = erows // _ECHUNK
    ebase = wid * erows

    def e_src(t):
        return Et_hbm.at[pl.ds((ebase + t * _ECHUNK) * NE, _ECHUNK * NE)]

    def e_dst(t):
        return outE_hbm.at[
            pl.ds((ebase + t * _ECHUNK) * NE * NE, _ECHUNK * NE * NE)]

    pltpu.make_async_copy(e_src(0), inE0, isem0).start()
    pltpu.make_async_copy(e_src(1), inE1, isem1).start()

    pltpu.sync_copy(par_hbm, par_v)
    caE, cbE, oE, dE = par_v[0], par_v[1], par_v[2], par_v[3]
    caX, cbX, oX, dX = par_v[4], par_v[5], par_v[6], par_v[7]

    xrows = N_NODES // _NW
    xbase = wid * xrows
    pltpu.sync_copy(Xt_hbm.at[pl.ds(xbase * NX, xrows * NX)], inX)
    for i in range(xrows // 16):
        _rows16(inX, outXb, i * 16, caX, cbX, oX, dX, NX)
    pltpu.sync_copy(outXb, outX_hbm.at[pl.ds(xbase * NX * NX,
                                             xrows * NX * NX)])

    def chunk_compute(inref, outref):
        def body(i, c):
            _rows16(inref, outref, i * 16, caE, cbE, oE, dE, NE)
            return c
        lax.fori_loop(0, _ECHUNK // 16, body, 0)

    def pair(p, c):
        for b in range(2):
            t = 2 * p + b
            pltpu.make_async_copy(e_src(0), in_bufs[b], in_sems[b]).wait()

            @pl.when(t >= 2)
            def _():
                pltpu.make_async_copy(
                    out_bufs[b], e_dst(0), out_sems[b]).wait()

            chunk_compute(in_bufs[b], out_bufs[b])

            @pl.when(t < nchunk - 2)
            def _():
                pltpu.make_async_copy(
                    e_src(t + 2), in_bufs[b], in_sems[b]).start()

            pltpu.make_async_copy(out_bufs[b], e_dst(t), out_sems[b]).start()
        return c

    lax.fori_loop(0, nchunk // 2, pair, 0)
    pltpu.make_async_copy(outE0, e_dst(0), osem0).wait()
    pltpu.make_async_copy(outE1, e_dst(1), osem1).wait()


def kernel(Xt, Et, t):
    if Et.ndim == 3:
        Et = Et.reshape((-1, Et.shape[-1]))
    n_edges = Et.shape[0]

    a = _alpha(t).astype(jnp.float32)
    ab = _alpha(t - 1).astype(jnp.float32)
    caE, cbE = a / NE, 1.0 - a
    oE = ab / NE
    dE = oE + (1.0 - ab)
    caX, cbX = a / NX, 1.0 - a
    oX = ab / NX
    dX = oX + (1.0 - ab)
    par = jnp.stack([caE, cbE, oE, dE, caX, cbX, oX, dX]).astype(jnp.float32)
    par = jnp.tile(par[:, None], (1, 16))

    mesh = plsc.VectorSubcoreMesh(core_axis_name="c", subcore_axis_name="s")
    run = pl.kernel(
        _sc_body,
        out_type=(
            jax.ShapeDtypeStruct((N_NODES * NX * NX,), jnp.float32),
            jax.ShapeDtypeStruct((n_edges * NE * NE,), jnp.float32),
        ),
        mesh=mesh,
        scratch_types=[
            pltpu.VMEM((8, 16), jnp.float32),
            pltpu.VMEM((N_NODES // _NW * NX,), jnp.float32),
            pltpu.VMEM((N_NODES // _NW * NX * NX,), jnp.float32),
            pltpu.VMEM((_ECHUNK * NE,), jnp.float32),
            pltpu.VMEM((_ECHUNK * NE,), jnp.float32),
            pltpu.VMEM((_ECHUNK * NE * NE,), jnp.float32),
            pltpu.VMEM((_ECHUNK * NE * NE,), jnp.float32),
            pltpu.SemaphoreType.DMA,
            pltpu.SemaphoreType.DMA,
            pltpu.SemaphoreType.DMA,
            pltpu.SemaphoreType.DMA,
        ],
        compiler_params=pltpu.CompilerParams(needs_layout_passes=False),
        name="discrete_noise_posterior_sc",
    )
    Xp, Ep = run(Xt.reshape(-1), Et.reshape(-1), par)
    return (Xp.reshape(N_NODES, NX, NX), Ep.reshape(n_edges, NE, NE))

# --- scband reference (transcript-rebuilt; emitter-appended) ---
"""Pipeline reference for scband-discrete-noise-model-8005819040004 (READ-ONLY COPY).

The authoritative reference and input builder live on the scoring server;
editing this copy changes nothing except your own understanding.
"""

import jax, jax.numpy as jnp
import numpy as np

NX = 10
NE = 5
T = 1000
N_NODES = 1024


def _alpha(t):
    halfpi = 0.5 * jnp.pi
    s = 0.01
    return jnp.cos(halfpi * (t / T + s) / (1 + s))


def _qt(Q, t, n):
    a = _alpha(t)
    return a * Q + (1 - a) * jnp.eye(n)


def setup_inputs(seed: int = 0) -> dict:
    key = jax.random.key(seed)
    k1, k2 = jax.random.split(key)
    Xt = jax.random.uniform(k1, (N_NODES, NX), dtype=jnp.float32)
    Et = jax.random.uniform(k2, (N_NODES * N_NODES, NE), dtype=jnp.float32)
    return {"Xt": Xt, "Et": Et, "t": 500}


def reference(Xt, Et, t):
    # mode == 'uniform' transition matrices from __init__
    QX = jnp.ones((NX, NX), dtype=jnp.float32) / NX
    QE = jnp.ones((NE, NE), dtype=jnp.float32) / NE
    if Et.ndim == 3:
        Et = Et.reshape((-1, Et.shape[-1]))
    # get_Qt(t)
    qxt = _qt(QX, t, NX)
    qet = _qt(QE, t, NE)
    # get_Qt_bar(t - 1)
    qxbs = _qt(QX, t - 1, NX)
    qebs = _qt(QE, t - 1, NE)
    X_left = (Xt @ qxt.T)[:, None, :]
    E_left = (Et @ qet.T)[:, None, :]
    X_right = qxbs[None, ...]
    E_right = qebs[None, ...]
    X_num = X_left * X_right
    E_num = E_left * E_right
    X_prod = (qxt @ Xt.T).T[..., None]
    E_prod = (qet @ Et.T).T[..., None]
    X_den = jnp.where(X_prod == 0.0, 1e-06, X_prod)
    E_den = jnp.where(E_prod == 0.0, 1e-06, E_prod)
    return (X_num / X_den, E_num / E_den)

if __name__ == "__main__":
    import jax
    _d = setup_inputs()
    print(jax.jit(kernel)(*tuple(_d.values())))

</pallas_src>

<mosaic_0001>
#map = affine_map<(d0, d1) -> (0)>
#map1 = affine_map<(d0, d1) -> (0, 0)>
module attributes {stable_mosaic.version = 14 : i64} {
  func.func @discrete_noise_posterior_sc(%arg0: i32, %arg1: i32, %arg2: memref<10240xf32, #tpu.memory_space<hbm>>, %arg3: memref<5242880xf32, #tpu.memory_space<hbm>>, %arg4: memref<8x16xf32, #tpu.memory_space<hbm>>, %arg5: memref<102400xf32, #tpu.memory_space<hbm>>, %arg6: memref<26214400xf32, #tpu.memory_space<hbm>>, %arg7: memref<8x16xf32, #tpu.memory_space<vmem>>, %arg8: memref<320xf32, #tpu.memory_space<vmem>>, %arg9: memref<3200xf32, #tpu.memory_space<vmem>>, %arg10: memref<5120xf32, #tpu.memory_space<vmem>>, %arg11: memref<5120xf32, #tpu.memory_space<vmem>>, %arg12: memref<25600xf32, #tpu.memory_space<vmem>>, %arg13: memref<25600xf32, #tpu.memory_space<vmem>>, %arg14: memref<!tpu.dma_semaphore, #tpu.memory_space<semaphore_mem>>, %arg15: memref<!tpu.dma_semaphore, #tpu.memory_space<semaphore_mem>>, %arg16: memref<!tpu.dma_semaphore, #tpu.memory_space<semaphore_mem>>, %arg17: memref<!tpu.dma_semaphore, #tpu.memory_space<semaphore_mem>>) attributes {dimension_semantics = [#tpu.dimension_semantics<core_parallel>, #tpu.dimension_semantics<subcore_parallel>], iteration_bounds = array<i64: 2, 16>, scalar_prefetch = 0 : i64, scratch_operands = 11 : i64, tpu.core_type = #tpu.core_type<sc_vector_subcore>, window_params = [{transform_indices = #map}, {transform_indices = #map}, {transform_indices = #map1}, {transform_indices = #map}, {transform_indices = #map}]} {
    %mul3A = arith.constant 2 : i32
    %mul3A_0 = arith.muli %arg1, %mul3A : i32
    %add3A = arith.addi %mul3A_0, %arg0 : i32
    %mul3A_1 = arith.constant 32768 : i32
    %mul3A_2 = arith.muli %add3A, %mul3A_1 : i32
    %add3A_3 = arith.constant 0 : i32
    %add3A_4 = arith.addi %mul3A_2, %add3A_3 : i32
    %mul3A_5 = arith.constant 5 : i32
    %mul3A_6 = arith.muli %add3A_4, %mul3A_5 : i32
    %dma_start3A = tpu.memref_slice %arg3[%mul3A_6] : memref<5242880xf32, #tpu.memory_space<hbm>> -> memref<5120xf32, #tpu.memory_space<hbm>>
    %dma_start3A_7 = tpu.memref_slice %arg3[%mul3A_6] : memref<5242880xf32, #tpu.memory_space<hbm>> -> memref<5120xf32, #tpu.memory_space<hbm>>
    tpu.enqueue_dma source(%dma_start3A_7 : memref<5120xf32, #tpu.memory_space<hbm>>) target(%arg10 : memref<5120xf32, #tpu.memory_space<vmem>>) target_semaphore(%arg14 : memref<!tpu.dma_semaphore, #tpu.memory_space<semaphore_mem>>)
    %add3A_8 = arith.constant 1024 : i32
    %add3A_9 = arith.addi %mul3A_2, %add3A_8 : i32
    %mul3A_10 = arith.constant 5 : i32
    %mul3A_11 = arith.muli %add3A_9, %mul3A_10 : i32
    %dma_start3A_12 = tpu.memref_slice %arg3[%mul3A_11] : memref<5242880xf32, #tpu.memory_space<hbm>> -> memref<5120xf32, #tpu.memory_space<hbm>>
    %dma_start3A_13 = tpu.memref_slice %arg3[%mul3A_11] : memref<5242880xf32, #tpu.memory_space<hbm>> -> memref<5120xf32, #tpu.memory_space<hbm>>
    tpu.enqueue_dma source(%dma_start3A_13 : memref<5120xf32, #tpu.memory_space<hbm>>) target(%arg11 : memref<5120xf32, #tpu.memory_space<vmem>>) target_semaphore(%arg15 : memref<!tpu.dma_semaphore, #tpu.memory_space<semaphore_mem>>)
    "tpu.region"() ({
      %run_scoped3A = tpu.sem_alloc : memref<!tpu.dma_semaphore, #tpu.memory_space<semaphore_mem>>
      tpu.enqueue_dma source(%arg4 : memref<8x16xf32, #tpu.memory_space<hbm>>) target(%arg7 : memref<8x16xf32, #tpu.memory_space<vmem>>) target_semaphore(%run_scoped3A : memref<!tpu.dma_semaphore, #tpu.memory_space<semaphore_mem>>)
      tpu.wait_dma2 semaphore(%run_scoped3A : memref<!tpu.dma_semaphore, #tpu.memory_space<semaphore_mem>>) src(%arg4 : memref<8x16xf32, #tpu.memory_space<hbm>>) dst(%arg7 : memref<8x16xf32, #tpu.memory_space<vmem>>)
      tpu.yield
    }) : () -> ()
    %get3A = arith.constant 0 : i32
    %get3A_14 = arith.index_cast %get3A : i32 to index
    %get3A_15 = arith.constant 0 : index
    %get3A_16 = tpu.vector_load %arg7[%get3A_14, %get3A_15] {strides = array<i32>} : memref<8x16xf32, #tpu.memory_space<vmem>>, vector<16xf32>,
    %get3A_17 = arith.constant 1 : i32
    %get3A_18 = arith.index_cast %get3A_17 : i32 to index
    %get3A_19 = arith.constant 0 : index
    %get3A_20 = tpu.vector_load %arg7[%get3A_18, %get3A_19] {strides = array<i32>} : memref<8x16xf32, #tpu.memory_space<vmem>>, vector<16xf32>,
    %get3A_21 = arith.constant 2 : i32
    %get3A_22 = arith.index_cast %get3A_21 : i32 to index
    %get3A_23 = arith.constant 0 : index
    %get3A_24 = tpu.vector_load %arg7[%get3A_22, %get3A_23] {strides = array<i32>} : memref<8x16xf32, #tpu.memory_space<vmem>>, vector<16xf32>,
    %get3A_25 = arith.constant 3 : i32
    %get3A_26 = arith.index_cast %get3A_25 : i32 to index
    %get3A_27 = arith.constant 0 : index
    %get3A_28 = tpu.vector_load %arg7[%get3A_26, %get3A_27] {strides = array<i32>} : memref<8x16xf32, #tpu.memory_space<vmem>>, vector<16xf32>,
    %get3A_29 = arith.constant 4 : i32
    %get3A_30 = arith.index_cast %get3A_29 : i32 to index
    %get3A_31 = arith.constant 0 : index
    %get3A_32 = tpu.vector_load %arg7[%get3A_30, %get3A_31] {strides = array<i32>} : memref<8x16xf32, #tpu.memory_space<vmem>>, vector<16xf32>,
    %get3A_33 = arith.constant 5 : i32
    %get3A_34 = arith.index_cast %get3A_33 : i32 to index
    %get3A_35 = arith.constant 0 : index
    %get3A_36 = tpu.vector_load %arg7[%get3A_34, %get3A_35] {strides = array<i32>} : memref<8x16xf32, #tpu.memory_space<vmem>>, vector<16xf32>,
    %get3A_37 = arith.constant 6 : i32
    %get3A_38 = arith.index_cast %get3A_37 : i32 to index
    %get3A_39 = arith.constant 0 : index
    %get3A_40 = tpu.vector_load %arg7[%get3A_38, %get3A_39] {strides = array<i32>} : memref<8x16xf32, #tpu.memory_space<vmem>>, vector<16xf32>,
    %get3A_41 = arith.constant 7 : i32
    %get3A_42 = arith.index_cast %get3A_41 : i32 to index
    %get3A_43 = arith.constant 0 : index
    %get3A_44 = tpu.vector_load %arg7[%get3A_42, %get3A_43] {strides = array<i32>} : memref<8x16xf32, #tpu.memory_space<vmem>>, vector<16xf32>,
    %mul3A_45 = arith.constant 32 : i32
    %mul3A_46 = arith.muli %add3A, %mul3A_45 : i32
    %mul3A_47 = arith.constant 10 : i32
    %mul3A_48 = arith.muli %mul3A_46, %mul3A_47 : i32
    "tpu.region"() ({
      %run_scoped3A = tpu.sem_alloc : memref<!tpu.dma_semaphore, #tpu.memory_space<semaphore_mem>>
      %dma_start3A_1760 = tpu.memref_slice %arg2[%mul3A_48] : memref<10240xf32, #tpu.memory_space<hbm>> -> memref<320xf32, #tpu.memory_space<hbm>>
      %dma_start3A_1761 = tpu.memref_slice %arg2[%mul3A_48] : memref<10240xf32, #tpu.memory_space<hbm>> -> memref<320xf32, #tpu.memory_space<hbm>>
      tpu.enqueue_dma source(%dma_start3A_1761 : memref<320xf32, #tpu.memory_space<hbm>>) target(%arg8 : memref<320xf32, #tpu.memory_space<vmem>>) target_semaphore(%run_scoped3A : memref<!tpu.dma_semaphore, #tpu.memory_space<semaphore_mem>>)
      %dma_wait3A_1762 = tpu.memref_slice %arg2[%mul3A_48] : memref<10240xf32, #tpu.memory_space<hbm>> -> memref<320xf32, #tpu.memory_space<hbm>>
      %dma_wait3A_1763 = tpu.memref_slice %arg2[%mul3A_48] : memref<10240xf32, #tpu.memory_space<hbm>> -> memref<320xf32, #tpu.memory_space<hbm>>
      tpu.wait_dma2 semaphore(%run_scoped3A : memref<!tpu.dma_semaphore, #tpu.memory_space<semaphore_mem>>) src(%dma_wait3A_1763 : memref<320xf32, #tpu.memory_space<hbm>>) dst(%arg8 : memref<320xf32, #tpu.memory_space<vmem>>)
      tpu.yield
    }) : () -> ()
    %iota3A = tpu.iota {dimensions = array<i32: 0>} : vector<16xi32>
    %add3A_49 = arith.constant 0 : i32
    %add3A_50 = vector.broadcast %add3A_49 : i32 to vector<16xi32>
    %add3A_51 = arith.addi %add3A_50, %iota3A : vector<16xi32>
    %mul3A_52 = arith.constant 10 : i32
    %mul3A_53 = vector.broadcast %mul3A_52 : i32 to vector<16xi32>
    %mul3A_54 = arith.muli %add3A_51, %mul3A_53 : vector<16xi32>
    %mul3A_55 = arith.constant 100 : i32
    %mul3A_56 = vector.broadcast %mul3A_55 : i32 to vector<16xi32>
    %mul3A_57 = arith.muli %add3A_51, %mul3A_56 : vector<16xi32>
    %add3A_58 = arith.constant 0 : i32
    %add3A_59 = vector.broadcast %add3A_58 : i32 to vector<16xi32>
    %add3A_60 = arith.addi %mul3A_54, %add3A_59 : vector<16xi32>
    %gather3A = tpu.vector_load_idx %arg8[%add3A_60] : memref<320xf32, #tpu.memory_space<vmem>>[vector<16xi32>], vector<16xf32>,
    %add3A_61 = arith.constant 1 : i32
    %add3A_62 = vector.broadcast %add3A_61 : i32 to vector<16xi32>
    %add3A_63 = arith.addi %mul3A_54, %add3A_62 : vector<16xi32>
    %gather3A_64 = tpu.vector_load_idx %arg8[%add3A_63] : memref<320xf32, #tpu.memory_space<vmem>>[vector<16xi32>], vector<16xf32>,
    %add3A_65 = arith.constant 2 : i32
    %add3A_66 = vector.broadcast %add3A_65 : i32 to vector<16xi32>
    %add3A_67 = arith.addi %mul3A_54, %add3A_66 : vector<16xi32>
    %gather3A_68 = tpu.vector_load_idx %arg8[%add3A_67] : memref<320xf32, #tpu.memory_space<vmem>>[vector<16xi32>], vector<16xf32>,
    %add3A_69 = arith.constant 3 : i32
    %add3A_70 = vector.broadcast %add3A_69 : i32 to vector<16xi32>
    %add3A_71 = arith.addi %mul3A_54, %add3A_70 : vector<16xi32>
    %gather3A_72 = tpu.vector_load_idx %arg8[%add3A_71] : memref<320xf32, #tpu.memory_space<vmem>>[vector<16xi32>], vector<16xf32>,
    %add3A_73 = arith.constant 4 : i32
    %add3A_74 = vector.broadcast %add3A_73 : i32 to vector<16xi32>
    %add3A_75 = arith.addi %mul3A_54, %add3A_74 : vector<16xi32>
    %gather3A_76 = tpu.vector_load_idx %arg8[%add3A_75] : memref<320xf32, #tpu.memory_space<vmem>>[vector<16xi32>], vector<16xf32>,
    %add3A_77 = arith.constant 5 : i32
    %add3A_78 = vector.broadcast %add3A_77 : i32 to vector<16xi32>
    %add3A_79 = arith.addi %mul3A_54, %add3A_78 : vector<16xi32>
    %gather3A_80 = tpu.vector_load_idx %arg8[%add3A_79] : memref<320xf32, #tpu.memory_space<vmem>>[vector<16xi32>], vector<16xf32>,
    %add3A_81 = arith.constant 6 : i32
    %add3A_82 = vector.broadcast %add3A_81 : i32 to vector<16xi32>
    %add3A_83 = arith.addi %mul3A_54, %add3A_82 : vector<16xi32>
    %gather3A_84 = tpu.vector_load_idx %arg8[%add3A_83] : memref<320xf32, #tpu.memory_space<vmem>>[vector<16xi32>], vector<16xf32>,
    %add3A_85 = arith.constant 7 : i32
    %add3A_86 = vector.broadcast %add3A_85 : i32 to vector<16xi32>
    %add3A_87 = arith.addi %mul3A_54, %add3A_86 : vector<16xi32>
    %gather3A_88 = tpu.vector_load_idx %arg8[%add3A_87] : memref<320xf32, #tpu.memory_space<vmem>>[vector<16xi32>], vector<16xf32>,
    %add3A_89 = arith.constant 8 : i32
    %add3A_90 = vector.broadcast %add3A_89 : i32 to vector<16xi32>
    %add3A_91 = arith.addi %mul3A_54, %add3A_90 : vector<16xi32>
    %gather3A_92 = tpu.vector_load_idx %arg8[%add3A_91] : memref<320xf32, #tpu.memory_space<vmem>>[vector<16xi32>], vector<16xf32>,
    %add3A_93 = arith.constant 9 : i32
    %add3A_94 = vector.broadcast %add3A_93 : i32 to vector<16xi32>
    %add3A_95 = arith.addi %mul3A_54, %add3A_94 : vector<16xi32>
    %gather3A_96 = tpu.vector_load_idx %arg8[%add3A_95] : memref<320xf32, #tpu.memory_space<vmem>>[vector<16xi32>], vector<16xf32>,
    %add3A_97 = arith.addf %gather3A, %gather3A_64 : vector<16xf32>
    %add3A_98 = arith.addf %add3A_97, %gather3A_68 : vector<16xf32>
    %add3A_99 = arith.addf %add3A_98, %gather3A_72 : vector<16xf32>
    %add3A_100 = arith.addf %add3A_99, %gather3A_76 : vector<16xf32>
    %add3A_101 = arith.addf %add3A_100, %gather3A_80 : vector<16xf32>
    %add3A_102 = arith.addf %add3A_101, %gather3A_84 : vector<16xf32>
    %add3A_103 = arith.addf %add3A_102, %gather3A_88 : vector<16xf32>
    %add3A_104 = arith.addf %add3A_103, %gather3A_92 : vector<16xf32>
    %add3A_105 = arith.addf %add3A_104, %gather3A_96 : vector<16xf32>
    %mul3A_106 = arith.mulf %get3A_32, %add3A_105 : vector<16xf32>
    %mul3A_107 = arith.mulf %get3A_36, %gather3A : vector<16xf32>
    %add3A_108 = arith.addf %mul3A_106, %mul3A_107 : vector<16xf32>
    %mul3A_109 = arith.mulf %get3A_32, %add3A_105 : vector<16xf32>
    %mul3A_110 = arith.mulf %get3A_36, %gather3A_64 : vector<16xf32>
    %add3A_111 = arith.addf %mul3A_109, %mul3A_110 : vector<16xf32>
    %mul3A_112 = arith.mulf %get3A_32, %add3A_105 : vector<16xf32>
    %mul3A_113 = arith.mulf %get3A_36, %gather3A_68 : vector<16xf32>
    %add3A_114 = arith.addf %mul3A_112, %mul3A_113 : vector<16xf32>
    %mul3A_115 = arith.mulf %get3A_32, %add3A_105 : vector<16xf32>
    %mul3A_116 = arith.mulf %get3A_36, %gather3A_72 : vector<16xf32>
    %add3A_117 = arith.addf %mul3A_115, %mul3A_116 : vector<16xf32>
    %mul3A_118 = arith.mulf %get3A_32, %add3A_105 : vector<16xf32>
    %mul3A_119 = arith.mulf %get3A_36, %gather3A_76 : vector<16xf32>
    %add3A_120 = arith.addf %mul3A_118, %mul3A_119 : vector<16xf32>
    %mul3A_121 = arith.mulf %get3A_32, %add3A_105 : vector<16xf32>
    %mul3A_122 = arith.mulf %get3A_36, %gather3A_80 : vector<16xf32>
    %add3A_123 = arith.addf %mul3A_121, %mul3A_122 : vector<16xf32>
    %mul3A_124 = arith.mulf %get3A_32, %add3A_105 : vector<16xf32>
    %mul3A_125 = arith.mulf %get3A_36, %gather3A_84 : vector<16xf32>
    %add3A_126 = arith.addf %mul3A_124, %mul3A_125 : vector<16xf32>
    %mul3A_127 = arith.mulf %get3A_32, %add3A_105 : vector<16xf32>
    %mul3A_128 = arith.mulf %get3A_36, %gather3A_88 : vector<16xf32>
    %add3A_129 = arith.addf %mul3A_127, %mul3A_128 : vector<16xf32>
    %mul3A_130 = arith.mulf %get3A_32, %add3A_105 : vector<16xf32>
    %mul3A_131 = arith.mulf %get3A_36, %gather3A_92 : vector<16xf32>
    %add3A_132 = arith.addf %mul3A_130, %mul3A_131 : vector<16xf32>
    %mul3A_133 = arith.mulf %get3A_32, %add3A_105 : vector<16xf32>
    %mul3A_134 = arith.mulf %get3A_36, %gather3A_96 : vector<16xf32>
    %add3A_135 = arith.addf %mul3A_133, %mul3A_134 : vector<16xf32>
    %eq3A = arith.constant 0.000000e+00 : f32
    %eq3A_136 = vector.broadcast %eq3A : f32 to vector<16xf32>
    %eq3A_137 = arith.cmpf oeq, %add3A_108, %eq3A_136 : vector<16xf32>
    %jit3A = arith.constant 9.99999997E-7 : f32
    %broadcast_in_dim3A = vector.broadcast %jit3A : f32 to vector<16xf32>
    %select_n3A = arith.select %eq3A_137, %broadcast_in_dim3A, %add3A_108 : vector<16xi1>, vector<16xf32>
    %abs3A = math.absf %select_n3A : vector<16xf32>
    %bitcast_convert_type3A = tpu.bitcast %abs3A : vector<16xf32> -> vector<16xi32>
    %sub3A = arith.constant 2129950677 : i32
    %sub3A_138 = vector.broadcast %sub3A : i32 to vector<16xi32>
    %sub3A_139 = arith.subi %sub3A_138, %bitcast_convert_type3A : vector<16xi32>
    %bitcast_convert_type3A_140 = tpu.bitcast %sub3A_139 : vector<16xi32> -> vector<16xf32>
    %mul3A_141 = arith.mulf %abs3A, %bitcast_convert_type3A_140 : vector<16xf32>
    %sub3A_142 = arith.constant 2.000000e+00 : f32
    %sub3A_143 = vector.broadcast %sub3A_142 : f32 to vector<16xf32>
    %sub3A_144 = arith.subf %sub3A_143, %mul3A_141 : vector<16xf32>
    %mul3A_145 = arith.mulf %bitcast_convert_type3A_140, %sub3A_144 : vector<16xf32>
    %mul3A_146 = arith.mulf %abs3A, %mul3A_145 : vector<16xf32>
    %sub3A_147 = arith.constant 2.000000e+00 : f32
    %sub3A_148 = vector.broadcast %sub3A_147 : f32 to vector<16xf32>
    %sub3A_149 = arith.subf %sub3A_148, %mul3A_146 : vector<16xf32>
    %mul3A_150 = arith.mulf %mul3A_145, %sub3A_149 : vector<16xf32>
    %mul3A_151 = arith.mulf %abs3A, %mul3A_150 : vector<16xf32>
    %sub3A_152 = arith.constant 2.000000e+00 : f32
    %sub3A_153 = vector.broadcast %sub3A_152 : f32 to vector<16xf32>
    %sub3A_154 = arith.subf %sub3A_153, %mul3A_151 : vector<16xf32>
    %mul3A_155 = arith.mulf %mul3A_150, %sub3A_154 : vector<16xf32>
    %lt3A = arith.constant 0.000000e+00 : f32
    %lt3A_156 = vector.broadcast %lt3A : f32 to vector<16xf32>
    %lt3A_157 = arith.cmpf olt, %select_n3A, %lt3A_156 : vector<16xf32>
    %neg3A = arith.constant 0.000000e+00 : f32
    %neg3A_158 = vector.broadcast %neg3A : f32 to vector<16xf32>
    %neg3A_159 = arith.subf %neg3A_158, %mul3A_155 : vector<16xf32>
    %select_n3A_160 = arith.select %lt3A_157, %neg3A_159, %mul3A_155 : vector<16xi1>, vector<16xf32>
    %eq3A_161 = arith.constant 0.000000e+00 : f32
    %eq3A_162 = vector.broadcast %eq3A_161 : f32 to vector<16xf32>
    %eq3A_163 = arith.cmpf oeq, %add3A_111, %eq3A_162 : vector<16xf32>
    %jit3A_164 = arith.constant 9.99999997E-7 : f32
    %broadcast_in_dim3A_165 = vector.broadcast %jit3A_164 : f32 to vector<16xf32>
    %select_n3A_166 = arith.select %eq3A_163, %broadcast_in_dim3A_165, %add3A_111 : vector<16xi1>, vector<16xf32>
    %abs3A_167 = math.absf %select_n3A_166 : vector<16xf32>
    %bitcast_convert_type3A_168 = tpu.bitcast %abs3A_167 : vector<16xf32> -> vector<16xi32>
    %sub3A_169 = arith.constant 2129950677 : i32
    %sub3A_170 = vector.broadcast %sub3A_169 : i32 to vector<16xi32>
    %sub3A_171 = arith.subi %sub3A_170, %bitcast_convert_type3A_168 : vector<16xi32>
    %bitcast_convert_type3A_172 = tpu.bitcast %sub3A_171 : vector<16xi32> -> vector<16xf32>
    %mul3A_173 = arith.mulf %abs3A_167, %bitcast_convert_type3A_172 : vector<16xf32>
    %sub3A_174 = arith.constant 2.000000e+00 : f32
    %sub3A_175 = vector.broadcast %sub3A_174 : f32 to vector<16xf32>
    %sub3A_176 = arith.subf %sub3A_175, %mul3A_173 : vector<16xf32>
    %mul3A_177 = arith.mulf %bitcast_convert_type3A_172, %sub3A_176 : vector<16xf32>
    %mul3A_178 = arith.mulf %abs3A_167, %mul3A_177 : vector<16xf32>
    %sub3A_179 = arith.constant 2.000000e+00 : f32
    %sub3A_180 = vector.broadcast %sub3A_179 : f32 to vector<16xf32>
    %sub3A_181 = arith.subf %sub3A_180, %mul3A_178 : vector<16xf32>
    %mul3A_182 = arith.mulf %mul3A_177, %sub3A_181 : vector<16xf32>
    %mul3A_183 = arith.mulf %abs3A_167, %mul3A_182 : vector<16xf32>
    %sub3A_184 = arith.constant 2.000000e+00 : f32
    %sub3A_185 = vector.broadcast %sub3A_184 : f32 to vector<16xf32>
    %sub3A_186 = arith.subf %sub3A_185, %mul3A_183 : vector<16xf32>
    %mul3A_187 = arith.mulf %mul3A_182, %sub3A_186 : vector<16xf32>
    %lt3A_188 = arith.constant 0.000000e+00 : f32
    %lt3A_189 = vector.broadcast %lt3A_188 : f32 to vector<16xf32>
    %lt3A_190 = arith.cmpf olt, %select_n3A_166, %lt3A_189 : vector<16xf32>
    %neg3A_191 = arith.constant 0.000000e+00 : f32
    %neg3A_192 = vector.broadcast %neg3A_191 : f32 to vector<16xf32>
    %neg3A_193 = arith.subf %neg3A_192, %mul3A_187 : vector<16xf32>
    %select_n3A_194 = arith.select %lt3A_190, %neg3A_193, %mul3A_187 : vector<16xi1>, vector<16xf32>
    %eq3A_195 = arith.constant 0.000000e+00 : f32
    %eq3A_196 = vector.broadcast %eq3A_195 : f32 to vector<16xf32>
    %eq3A_197 = arith.cmpf oeq, %add3A_114, %eq3A_196 : vector<16xf32>
    %jit3A_198 = arith.constant 9.99999997E-7 : f32
    %broadcast_in_dim3A_199 = vector.broadcast %jit3A_198 : f32 to vector<16xf32>
    %select_n3A_200 = arith.select %eq3A_197, %broadcast_in_dim3A_199, %add3A_114 : vector<16xi1>, vector<16xf32>
    %abs3A_201 = math.absf %select_n3A_200 : vector<16xf32>
    %bitcast_convert_type3A_202 = tpu.bitcast %abs3A_201 : vector<16xf32> -> vector<16xi32>
    %sub3A_203 = arith.constant 2129950677 : i32
    %sub3A_204 = vector.broadcast %sub3A_203 : i32 to vector<16xi32>
    %sub3A_205 = arith.subi %sub3A_204, %bitcast_convert_type3A_202 : vector<16xi32>
    %bitcast_convert_type3A_206 = tpu.bitcast %sub3A_205 : vector<16xi32> -> vector<16xf32>
    %mul3A_207 = arith.mulf %abs3A_201, %bitcast_convert_type3A_206 : vector<16xf32>
    %sub3A_208 = arith.constant 2.000000e+00 : f32
    %sub3A_209 = vector.broadcast %sub3A_208 : f32 to vector<16xf32>
    %sub3A_210 = arith.subf %sub3A_209, %mul3A_207 : vector<16xf32>
    %mul3A_211 = arith.mulf %bitcast_convert_type3A_206, %sub3A_210 : vector<16xf32>
    %mul3A_212 = arith.mulf %abs3A_201, %mul3A_211 : vector<16xf32>
    %sub3A_213 = arith.constant 2.000000e+00 : f32
    %sub3A_214 = vector.broadcast %sub3A_213 : f32 to vector<16xf32>
    %sub3A_215 = arith.subf %sub3A_214, %mul3A_212 : vector<16xf32>
    %mul3A_216 = arith.mulf %mul3A_211, %sub3A_215 : vector<16xf32>
    %mul3A_217 = arith.mulf %abs3A_201, %mul3A_216 : vector<16xf32>
    %sub3A_218 = arith.constant 2.000000e+00 : f32
    %sub3A_219 = vector.broadcast %sub3A_218 : f32 to vector<16xf32>
    %sub3A_220 = arith.subf %sub3A_219, %mul3A_217 : vector<16xf32>
    %mul3A_221 = arith.mulf %mul3A_216, %sub3A_220 : vector<16xf32>
    %lt3A_222 = arith.constant 0.000000e+00 : f32
    %lt3A_223 = vector.broadcast %lt3A_222 : f32 to vector<16xf32>
    %lt3A_224 = arith.cmpf olt, %select_n3A_200, %lt3A_223 : vector<16xf32>
    %neg3A_225 = arith.constant 0.000000e+00 : f32
    %neg3A_226 = vector.broadcast %neg3A_225 : f32 to vector<16xf32>
    %neg3A_227 = arith.subf %neg3A_226, %mul3A_221 : vector<16xf32>
    %select_n3A_228 = arith.select %lt3A_224, %neg3A_227, %mul3A_221 : vector<16xi1>, vector<16xf32>
    %eq3A_229 = arith.constant 0.000000e+00 : f32
    %eq3A_230 = vector.broadcast %eq3A_229 : f32 to vector<16xf32>
    %eq3A_231 = arith.cmpf oeq, %add3A_117, %eq3A_230 : vector<16xf32>
    %jit3A_232 = arith.constant 9.99999997E-7 : f32
    %broadcast_in_dim3A_233 = vector.broadcast %jit3A_232 : f32 to vector<16xf32>
    %select_n3A_234 = arith.select %eq3A_231, %broadcast_in_dim3A_233, %add3A_117 : vector<16xi1>, vector<16xf32>
    %abs3A_235 = math.absf %select_n3A_234 : vector<16xf32>
    %bitcast_convert_type3A_236 = tpu.bitcast %abs3A_235 : vector<16xf32> -> vector<16xi32>
    %sub3A_237 = arith.constant 2129950677 : i32
    %sub3A_238 = vector.broadcast %sub3A_237 : i32 to vector<16xi32>
    %sub3A_239 = arith.subi %sub3A_238, %bitcast_convert_type3A_236 : vector<16xi32>
    %bitcast_convert_type3A_240 = tpu.bitcast %sub3A_239 : vector<16xi32> -> vector<16xf32>
    %mul3A_241 = arith.mulf %abs3A_235, %bitcast_convert_type3A_240 : vector<16xf32>
    %sub3A_242 = arith.constant 2.000000e+00 : f32
    %sub3A_243 = vector.broadcast %sub3A_242 : f32 to vector<16xf32>
    %sub3A_244 = arith.subf %sub3A_243, %mul3A_241 : vector<16xf32>
    %mul3A_245 = arith.mulf %bitcast_convert_type3A_240, %sub3A_244 : vector<16xf32>
    %mul3A_246 = arith.mulf %abs3A_235, %mul3A_245 : vector<16xf32>
    %sub3A_247 = arith.constant 2.000000e+00 : f32
    %sub3A_248 = vector.broadcast %sub3A_247 : f32 to vector<16xf32>
    %sub3A_249 = arith.subf %sub3A_248, %mul3A_246 : vector<16xf32>
    %mul3A_250 = arith.mulf %mul3A_245, %sub3A_249 : vector<16xf32>
    %mul3A_251 = arith.mulf %abs3A_235, %mul3A_250 : vector<16xf32>
    %sub3A_252 = arith.constant 2.000000e+00 : f32
    %sub3A_253 = vector.broadcast %sub3A_252 : f32 to vector<16xf32>
    %sub3A_254 = arith.subf %sub3A_253, %mul3A_251 : vector<16xf32>
    %mul3A_255 = arith.mulf %mul3A_250, %sub3A_254 : vector<16xf32>
    %lt3A_256 = arith.constant 0.000000e+00 : f32
    %lt3A_257 = vector.broadcast %lt3A_256 : f32 to vector<16xf32>
    %lt3A_258 = arith.cmpf olt, %select_n3A_234, %lt3A_257 : vector<16xf32>
    %neg3A_259 = arith.constant 0.000000e+00 : f32
    %neg3A_260 = vector.broadcast %neg3A_259 : f32 to vector<16xf32>
    %neg3A_261 = arith.subf %neg3A_260, %mul3A_255 : vector<16xf32>
    %select_n3A_262 = arith.select %lt3A_258, %neg3A_261, %mul3A_255 : vector<16xi1>, vector<16xf32>
    %eq3A_263 = arith.constant 0.000000e+00 : f32
    %eq3A_264 = vector.broadcast %eq3A_263 : f32 to vector<16xf32>
    %eq3A_265 = arith.cmpf oeq, %add3A_120, %eq3A_264 : vector<16xf32>
    %jit3A_266 = arith.constant 9.99999997E-7 : f32
    %broadcast_in_dim3A_267 = vector.broadcast %jit3A_266 : f32 to vector<16xf32>
    %select_n3A_268 = arith.select %eq3A_265, %broadcast_in_dim3A_267, %add3A_120 : vector<16xi1>, vector<16xf32>
    %abs3A_269 = math.absf %select_n3A_268 : vector<16xf32>
    %bitcast_convert_type3A_270 = tpu.bitcast %abs3A_269 : vector<16xf32> -> vector<16xi32>
    %sub3A_271 = arith.constant 2129950677 : i32
    %sub3A_272 = vector.broadcast %sub3A_271 : i32 to vector<16xi32>
    %sub3A_273 = arith.subi %sub3A_272, %bitcast_convert_type3A_270 : vector<16xi32>
    %bitcast_convert_type3A_274 = tpu.bitcast %sub3A_273 : vector<16xi32> -> vector<16xf32>
    %mul3A_275 = arith.mulf %abs3A_269, %bitcast_convert_type3A_274 : vector<16xf32>
    %sub3A_276 = arith.constant 2.000000e+00 : f32
    %sub3A_277 = vector.broadcast %sub3A_276 : f32 to vector<16xf32>
    %sub3A_278 = arith.subf %sub3A_277, %mul3A_275 : vector<16xf32>
    %mul3A_279 = arith.mulf %bitcast_convert_type3A_274, %sub3A_278 : vector<16xf32>
    %mul3A_280 = arith.mulf %abs3A_269, %mul3A_279 : vector<16xf32>
    %sub3A_281 = arith.constant 2.000000e+00 : f32
    %sub3A_282 = vector.broadcast %sub3A_281 : f32 to vector<16xf32>
    %sub3A_283 = arith.subf %sub3A_282, %mul3A_280 : vector<16xf32>
    %mul3A_284 = arith.mulf %mul3A_279, %sub3A_283 : vector<16xf32>
    %mul3A_285 = arith.mulf %abs3A_269, %mul3A_284 : vector<16xf32>
    %sub3A_286 = arith.constant 2.000000e+00 : f32
    %sub3A_287 = vector.broadcast %sub3A_286 : f32 to vector<16xf32>
    %sub3A_288 = arith.subf %sub3A_287, %mul3A_285 : vector<16xf32>
    %mul3A_289 = arith.mulf %mul3A_284, %sub3A_288 : vector<16xf32>
    %lt3A_290 = arith.constant 0.000000e+00 : f32
    %lt3A_291 = vector.broadcast %lt3A_290 : f32 to vector<16xf32>
    %lt3A_292 = arith.cmpf olt, %select_n3A_268, %lt3A_291 : vector<16xf32>
    %neg3A_293 = arith.constant 0.000000e+00 : f32
    %neg3A_294 = vector.broadcast %neg3A_293 : f32 to vector<16xf32>
    %neg3A_295 = arith.subf %neg3A_294, %mul3A_289 : vector<16xf32>
    %select_n3A_296 = arith.select %lt3A_292, %neg3A_295, %mul3A_289 : vector<16xi1>, vector<16xf32>
    %eq3A_297 = arith.constant 0.000000e+00 : f32
    %eq3A_298 = vector.broadcast %eq3A_297 : f32 to vector<16xf32>
    %eq3A_299 = arith.cmpf oeq, %add3A_123, %eq3A_298 : vector<16xf32>
    %jit3A_300 = arith.constant 9.99999997E-7 : f32
    %broadcast_in_dim3A_301 = vector.broadcast %jit3A_300 : f32 to vector<16xf32>
    %select_n3A_302 = arith.select %eq3A_299, %broadcast_in_dim3A_301, %add3A_123 : vector<16xi1>, vector<16xf32>
    %abs3A_303 = math.absf %select_n3A_302 : vector<16xf32>
    %bitcast_convert_type3A_304 = tpu.bitcast %abs3A_303 : vector<16xf32> -> vector<16xi32>
    %sub3A_305 = arith.constant 2129950677 : i32
    %sub3A_306 = vector.broadcast %sub3A_305 : i32 to vector<16xi32>
    %sub3A_307 = arith.subi %sub3A_306, %bitcast_convert_type3A_304 : vector<16xi32>
    %bitcast_convert_type3A_308 = tpu.bitcast %sub3A_307 : vector<16xi32> -> vector<16xf32>
    %mul3A_309 = arith.mulf %abs3A_303, %bitcast_convert_type3A_308 : vector<16xf32>
    %sub3A_310 = arith.constant 2.000000e+00 : f32
    %sub3A_311 = vector.broadcast %sub3A_310 : f32 to vector<16xf32>
    %sub3A_312 = arith.subf %sub3A_311, %mul3A_309 : vector<16xf32>
    %mul3A_313 = arith.mulf %bitcast_convert_type3A_308, %sub3A_312 : vector<16xf32>
    %mul3A_314 = arith.mulf %abs3A_303, %mul3A_313 : vector<16xf32>
    %sub3A_315 = arith.constant 2.000000e+00 : f32
    %sub3A_316 = vector.broadcast %sub3A_315 : f32 to vector<16xf32>
    %sub3A_317 = arith.subf %sub3A_316, %mul3A_314 : vector<16xf32>
    %mul3A_318 = arith.mulf %mul3A_313, %sub3A_317 : vector<16xf32>
    %mul3A_319 = arith.mulf %abs3A_303, %mul3A_318 : vector<16xf32>
    %sub3A_320 = arith.constant 2.000000e+00 : f32
    %sub3A_321 = vector.broadcast %sub3A_320 : f32 to vector<16xf32>
    %sub3A_322 = arith.subf %sub3A_321, %mul3A_319 : vector<16xf32>
    %mul3A_323 = arith.mulf %mul3A_318, %sub3A_322 : vector<16xf32>
    %lt3A_324 = arith.constant 0.000000e+00 : f32
    %lt3A_325 = vector.broadcast %lt3A_324 : f32 to vector<16xf32>
    %lt3A_326 = arith.cmpf olt, %select_n3A_302, %lt3A_325 : vector<16xf32>
    %neg3A_327 = arith.constant 0.000000e+00 : f32
    %neg3A_328 = vector.broadcast %neg3A_327 : f32 to vector<16xf32>
    %neg3A_329 = arith.subf %neg3A_328, %mul3A_323 : vector<16xf32>
    %select_n3A_330 = arith.select %lt3A_326, %neg3A_329, %mul3A_323 : vector<16xi1>, vector<16xf32>
    %eq3A_331 = arith.constant 0.000000e+00 : f32
    %eq3A_332 = vector.broadcast %eq3A_331 : f32 to vector<16xf32>
    %eq3A_333 = arith.cmpf oeq, %add3A_126, %eq3A_332 : vector<16xf32>
    %jit3A_334 = arith.constant 9.99999997E-7 : f32
    %broadcast_in_dim3A_335 = vector.broadcast %jit3A_334 : f32 to vector<16xf32>
    %select_n3A_336 = arith.select %eq3A_333, %broadcast_in_dim3A_335, %add3A_126 : vector<16xi1>, vector<16xf32>
    %abs3A_337 = math.absf %select_n3A_336 : vector<16xf32>
    %bitcast_convert_type3A_338 = tpu.bitcast %abs3A_337 : vector<16xf32> -> vector<16xi32>
    %sub3A_339 = arith.constant 2129950677 : i32
    %sub3A_340 = vector.broadcast %sub3A_339 : i32 to vector<16xi32>
    %sub3A_341 = arith.subi %sub3A_340, %bitcast_convert_type3A_338 : vector<16xi32>
    %bitcast_convert_type3A_342 = tpu.bitcast %sub3A_341 : vector<16xi32> -> vector<16xf32>
    %mul3A_343 = arith.mulf %abs3A_337, %bitcast_convert_type3A_342 : vector<16xf32>
    %sub3A_344 = arith.constant 2.000000e+00 : f32
    %sub3A_345 = vector.broadcast %sub3A_344 : f32 to vector<16xf32>
    %sub3A_346 = arith.subf %sub3A_345, %mul3A_343 : vector<16xf32>
    %mul3A_347 = arith.mulf %bitcast_convert_type3A_342, %sub3A_346 : vector<16xf32>
    %mul3A_348 = arith.mulf %abs3A_337, %mul3A_347 : vector<16xf32>
    %sub3A_349 = arith.constant 2.000000e+00 : f32
    %sub3A_350 = vector.broadcast %sub3A_349 : f32 to vector<16xf32>
    %sub3A_351 = arith.subf %sub3A_350, %mul3A_348 : vector<16xf32>
    %mul3A_352 = arith.mulf %mul3A_347, %sub3A_351 : vector<16xf32>
    %mul3A_353 = arith.mulf %abs3A_337, %mul3A_352 : vector<16xf32>
    %sub3A_354 = arith.constant 2.000000e+00 : f32
    %sub3A_355 = vector.broadcast %sub3A_354 : f32 to vector<16xf32>
    %sub3A_356 = arith.subf %sub3A_355, %mul3A_353 : vector<16xf32>
    %mul3A_357 = arith.mulf %mul3A_352, %sub3A_356 : vector<16xf32>
    %lt3A_358 = arith.constant 0.000000e+00 : f32
    %lt3A_359 = vector.broadcast %lt3A_358 : f32 to vector<16xf32>
    %lt3A_360 = arith.cmpf olt, %select_n3A_336, %lt3A_359 : vector<16xf32>
    %neg3A_361 = arith.constant 0.000000e+00 : f32
    %neg3A_362 = vector.broadcast %neg3A_361 : f32 to vector<16xf32>
    %neg3A_363 = arith.subf %neg3A_362, %mul3A_357 : vector<16xf32>
    %select_n3A_364 = arith.select %lt3A_360, %neg3A_363, %mul3A_357 : vector<16xi1>, vector<16xf32>
    %eq3A_365 = arith.constant 0.000000e+00 : f32
    %eq3A_366 = vector.broadcast %eq3A_365 : f32 to vector<16xf32>
    %eq3A_367 = arith.cmpf oeq, %add3A_129, %eq3A_366 : vector<16xf32>
    %jit3A_368 = arith.constant 9.99999997E-7 : f32
    %broadcast_in_dim3A_369 = vector.broadcast %jit3A_368 : f32 to vector<16xf32>
    %select_n3A_370 = arith.select %eq3A_367, %broadcast_in_dim3A_369, %add3A_129 : vector<16xi1>, vector<16xf32>
    %abs3A_371 = math.absf %select_n3A_370 : vector<16xf32>
    %bitcast_convert_type3A_372 = tpu.bitcast %abs3A_371 : vector<16xf32> -> vector<16xi32>
    %sub3A_373 = arith.constant 2129950677 : i32
    %sub3A_374 = vector.broadcast %sub3A_373 : i32 to vector<16xi32>
    %sub3A_375 = arith.subi %sub3A_374, %bitcast_convert_type3A_372 : vector<16xi32>
    %bitcast_convert_type3A_376 = tpu.bitcast %sub3A_375 : vector<16xi32> -> vector<16xf32>
    %mul3A_377 = arith.mulf %abs3A_371, %bitcast_convert_type3A_376 : vector<16xf32>
    %sub3A_378 = arith.constant 2.000000e+00 : f32
    %sub3A_379 = vector.broadcast %sub3A_378 : f32 to vector<16xf32>
    %sub3A_380 = arith.subf %sub3A_379, %mul3A_377 : vector<16xf32>
    %mul3A_381 = arith.mulf %bitcast_convert_type3A_376, %sub3A_380 : vector<16xf32>
    %mul3A_382 = arith.mulf %abs3A_371, %mul3A_381 : vector<16xf32>
    %sub3A_383 = arith.constant 2.000000e+00 : f32
    %sub3A_384 = vector.broadcast %sub3A_383 : f32 to vector<16xf32>
    %sub3A_385 = arith.subf %sub3A_384, %mul3A_382 : vector<16xf32>
    %mul3A_386 = arith.mulf %mul3A_381, %sub3A_385 : vector<16xf32>
    %mul3A_387 = arith.mulf %abs3A_371, %mul3A_386 : vector<16xf32>
    %sub3A_388 = arith.constant 2.000000e+00 : f32
    %sub3A_389 = vector.broadcast %sub3A_388 : f32 to vector<16xf32>
    %sub3A_390 = arith.subf %sub3A_389, %mul3A_387 : vector<16xf32>
    %mul3A_391 = arith.mulf %mul3A_386, %sub3A_390 : vector<16xf32>
    %lt3A_392 = arith.constant 0.000000e+00 : f32
    %lt3A_393 = vector.broadcast %lt3A_392 : f32 to vector<16xf32>
    %lt3A_394 = arith.cmpf olt, %select_n3A_370, %lt3A_393 : vector<16xf32>
    %neg3A_395 = arith.constant 0.000000e+00 : f32
    %neg3A_396 = vector.broadcast %neg3A_395 : f32 to vector<16xf32>
    %neg3A_397 = arith.subf %neg3A_396, %mul3A_391 : vector<16xf32>
    %select_n3A_398 = arith.select %lt3A_394, %neg3A_397, %mul3A_391 : vector<16xi1>, vector<16xf32>
    %eq3A_399 = arith.constant 0.000000e+00 : f32
    %eq3A_400 = vector.broadcast %eq3A_399 : f32 to vector<16xf32>
    %eq3A_401 = arith.cmpf oeq, %add3A_132, %eq3A_400 : vector<16xf32>
    %jit3A_402 = arith.constant 9.99999997E-7 : f32
    %broadcast_in_dim3A_403 = vector.broadcast %jit3A_402 : f32 to vector<16xf32>
    %select_n3A_404 = arith.select %eq3A_401, %broadcast_in_dim3A_403, %add3A_132 : vector<16xi1>, vector<16xf32>
    %abs3A_405 = math.absf %select_n3A_404 : vector<16xf32>
    %bitcast_convert_type3A_406 = tpu.bitcast %abs3A_405 : vector<16xf32> -> vector<16xi32>
    %sub3A_407 = arith.constant 2129950677 : i32
    %sub3A_408 = vector.broadcast %sub3A_407 : i32 to vector<16xi32>
    %sub3A_409 = arith.subi %sub3A_408, %bitcast_convert_type3A_406 : vector<16xi32>
    %bitcast_convert_type3A_410 = tpu.bitcast %sub3A_409 : vector<16xi32> -> vector<16xf32>
    %mul3A_411 = arith.mulf %abs3A_405, %bitcast_convert_type3A_410 : vector<16xf32>
    %sub3A_412 = arith.constant 2.000000e+00 : f32
    %sub3A_413 = vector.broadcast %sub3A_412 : f32 to vector<16xf32>
    %sub3A_414 = arith.subf %sub3A_413, %mul3A_411 : vector<16xf32>
    %mul3A_415 = arith.mulf %bitcast_convert_type3A_410, %sub3A_414 : vector<16xf32>
    %mul3A_416 = arith.mulf %abs3A_405, %mul3A_415 : vector<16xf32>
    %sub3A_417 = arith.constant 2.000000e+00 : f32
    %sub3A_418 = vector.broadcast %sub3A_417 : f32 to vector<16xf32>
    %sub3A_419 = arith.subf %sub3A_418, %mul3A_416 : vector<16xf32>
    %mul3A_420 = arith.mulf %mul3A_415, %sub3A_419 : vector<16xf32>
    %mul3A_421 = arith.mulf %abs3A_405, %mul3A_420 : vector<16xf32>
    %sub3A_422 = arith.constant 2.000000e+00 : f32
    %sub3A_423 = vector.broadcast %sub3A_422 : f32 to vector<16xf32>
    %sub3A_424 = arith.subf %sub3A_423, %mul3A_421 : vector<16xf32>
    %mul3A_425 = arith.mulf %mul3A_420, %sub3A_424 : vector<16xf32>
    %lt3A_426 = arith.constant 0.000000e+00 : f32
    %lt3A_427 = vector.broadcast %lt3A_426 : f32 to vector<16xf32>
    %lt3A_428 = arith.cmpf olt, %select_n3A_404, %lt3A_427 : vector<16xf32>
    %neg3A_429 = arith.constant 0.000000e+00 : f32
    %neg3A_430 = vector.broadcast %neg3A_429 : f32 to vector<16xf32>
    %neg3A_431 = arith.subf %neg3A_430, %mul3A_425 : vector<16xf32>
    %select_n3A_432 = arith.select %lt3A_428, %neg3A_431, %mul3A_425 : vector<16xi1>, vector<16xf32>
    %eq3A_433 = arith.constant 0.000000e+00 : f32
    %eq3A_434 = vector.broadcast %eq3A_433 : f32 to vector<16xf32>
    %eq3A_435 = arith.cmpf oeq, %add3A_135, %eq3A_434 : vector<16xf32>
    %jit3A_436 = arith.constant 9.99999997E-7 : f32
    %broadcast_in_dim3A_437 = vector.broadcast %jit3A_436 : f32 to vector<16xf32>
    %select_n3A_438 = arith.select %eq3A_435, %broadcast_in_dim3A_437, %add3A_135 : vector<16xi1>, vector<16xf32>
    %abs3A_439 = math.absf %select_n3A_438 : vector<16xf32>
    %bitcast_convert_type3A_440 = tpu.bitcast %abs3A_439 : vector<16xf32> -> vector<16xi32>
    %sub3A_441 = arith.constant 2129950677 : i32
    %sub3A_442 = vector.broadcast %sub3A_441 : i32 to vector<16xi32>
    %sub3A_443 = arith.subi %sub3A_442, %bitcast_convert_type3A_440 : vector<16xi32>
    %bitcast_convert_type3A_444 = tpu.bitcast %sub3A_443 : vector<16xi32> -> vector<16xf32>
    %mul3A_445 = arith.mulf %abs3A_439, %bitcast_convert_type3A_444 : vector<16xf32>
    %sub3A_446 = arith.constant 2.000000e+00 : f32
    %sub3A_447 = vector.broadcast %sub3A_446 : f32 to vector<16xf32>
    %sub3A_448 = arith.subf %sub3A_447, %mul3A_445 : vector<16xf32>
    %mul3A_449 = arith.mulf %bitcast_convert_type3A_444, %sub3A_448 : vector<16xf32>
    %mul3A_450 = arith.mulf %abs3A_439, %mul3A_449 : vector<16xf32>
    %sub3A_451 = arith.constant 2.000000e+00 : f32
    %sub3A_452 = vector.broadcast %sub3A_451 : f32 to vector<16xf32>
    %sub3A_453 = arith.subf %sub3A_452, %mul3A_450 : vector<16xf32>
    %mul3A_454 = arith.mulf %mul3A_449, %sub3A_453 : vector<16xf32>
    %mul3A_455 = arith.mulf %abs3A_439, %mul3A_454 : vector<16xf32>
    %sub3A_456 = arith.constant 2.000000e+00 : f32
    %sub3A_457 = vector.broadcast %sub3A_456 : f32 to vector<16xf32>
    %sub3A_458 = arith.subf %sub3A_457, %mul3A_455 : vector<16xf32>
    %mul3A_459 = arith.mulf %mul3A_454, %sub3A_458 : vector<16xf32>
    %lt3A_460 = arith.constant 0.000000e+00 : f32
    %lt3A_461 = vector.broadcast %lt3A_460 : f32 to vector<16xf32>
    %lt3A_462 = arith.cmpf olt, %select_n3A_438, %lt3A_461 : vector<16xf32>
    %neg3A_463 = arith.constant 0.000000e+00 : f32
    %neg3A_464 = vector.broadcast %neg3A_463 : f32 to vector<16xf32>
    %neg3A_465 = arith.subf %neg3A_464, %mul3A_459 : vector<16xf32>
    %select_n3A_466 = arith.select %lt3A_462, %neg3A_465, %mul3A_459 : vector<16xi1>, vector<16xf32>
    %mul3A_467 = arith.mulf %get3A_40, %add3A_108 : vector<16xf32>
    %mul3A_468 = arith.mulf %get3A_40, %add3A_111 : vector<16xf32>
    %mul3A_469 = arith.mulf %get3A_40, %add3A_114 : vector<16xf32>
    %mul3A_470 = arith.mulf %get3A_40, %add3A_117 : vector<16xf32>
    %mul3A_471 = arith.mulf %get3A_40, %add3A_120 : vector<16xf32>
    %mul3A_472 = arith.mulf %get3A_40, %add3A_123 : vector<16xf32>
    %mul3A_473 = arith.mulf %get3A_40, %add3A_126 : vector<16xf32>
    %mul3A_474 = arith.mulf %get3A_40, %add3A_129 : vector<16xf32>
    %mul3A_475 = arith.mulf %get3A_40, %add3A_132 : vector<16xf32>
    %mul3A_476 = arith.mulf %get3A_40, %add3A_135 : vector<16xf32>
    %mul3A_477 = arith.mulf %get3A_44, %add3A_108 : vector<16xf32>
    %mul3A_478 = arith.mulf %get3A_44, %add3A_111 : vector<16xf32>
    %mul3A_479 = arith.mulf %get3A_44, %add3A_114 : vector<16xf32>
    %mul3A_480 = arith.mulf %get3A_44, %add3A_117 : vector<16xf32>
    %mul3A_481 = arith.mulf %get3A_44, %add3A_120 : vector<16xf32>
    %mul3A_482 = arith.mulf %get3A_44, %add3A_123 : vector<16xf32>
    %mul3A_483 = arith.mulf %get3A_44, %add3A_126 : vector<16xf32>
    %mul3A_484 = arith.mulf %get3A_44, %add3A_129 : vector<16xf32>
    %mul3A_485 = arith.mulf %get3A_44, %add3A_132 : vector<16xf32>
    %mul3A_486 = arith.mulf %get3A_44, %add3A_135 : vector<16xf32>
    %mul3A_487 = arith.mulf %select_n3A_160, %mul3A_477 : vector<16xf32>
    %add3A_488 = arith.constant 0 : i32
    %add3A_489 = vector.broadcast %add3A_488 : i32 to vector<16xi32>
    %add3A_490 = arith.addi %mul3A_57, %add3A_489 : vector<16xi32>
    tpu.vector_store_idx %arg9[%add3A_490], %mul3A_487 : memref<3200xf32, #tpu.memory_space<vmem>>[vector<16xi32>], vector<16xf32>,
    %mul3A_491 = arith.mulf %select_n3A_160, %mul3A_468 : vector<16xf32>
    %add3A_492 = arith.constant 1 : i32
    %add3A_493 = vector.broadcast %add3A_492 : i32 to vector<16xi32>
    %add3A_494 = arith.addi %mul3A_57, %add3A_493 : vector<16xi32>
    tpu.vector_store_idx %arg9[%add3A_494], %mul3A_491 : memref<3200xf32, #tpu.memory_space<vmem>>[vector<16xi32>], vector<16xf32>,
    %mul3A_495 = arith.mulf %select_n3A_160, %mul3A_469 : vector<16xf32>
    %add3A_496 = arith.constant 2 : i32
    %add3A_497 = vector.broadcast %add3A_496 : i32 to vector<16xi32>
    %add3A_498 = arith.addi %mul3A_57, %add3A_497 : vector<16xi32>
    tpu.vector_store_idx %arg9[%add3A_498], %mul3A_495 : memref<3200xf32, #tpu.memory_space<vmem>>[vector<16xi32>], vector<16xf32>,
    %mul3A_499 = arith.mulf %select_n3A_160, %mul3A_470 : vector<16xf32>
    %add3A_500 = arith.constant 3 : i32
    %add3A_501 = vector.broadcast %add3A_500 : i32 to vector<16xi32>
    %add3A_502 = arith.addi %mul3A_57, %add3A_501 : vector<16xi32>
    tpu.vector_store_idx %arg9[%add3A_502], %mul3A_499 : memref<3200xf32, #tpu.memory_space<vmem>>[vector<16xi32>], vector<16xf32>,
    %mul3A_503 = arith.mulf %select_n3A_160, %mul3A_471 : vector<16xf32>
    %add3A_504 = arith.constant 4 : i32
    %add3A_505 = vector.broadcast %add3A_504 : i32 to vector<16xi32>
    %add3A_506 = arith.addi %mul3A_57, %add3A_505 : vector<16xi32>
    tpu.vector_store_idx %arg9[%add3A_506], %mul3A_503 : memref<3200xf32, #tpu.memory_space<vmem>>[vector<16xi32>], vector<16xf32>,
    %mul3A_507 = arith.mulf %select_n3A_160, %mul3A_472 : vector<16xf32>
    %add3A_508 = arith.constant 5 : i32
    %add3A_509 = vector.broadcast %add3A_508 : i32 to vector<16xi32>
    %add3A_510 = arith.addi %mul3A_57, %add3A_509 : vector<16xi32>
    tpu.vector_store_idx %arg9[%add3A_510], %mul3A_507 : memref<3200xf32, #tpu.memory_space<vmem>>[vector<16xi32>], vector<16xf32>,
    %mul3A_511 = arith.mulf %select_n3A_160, %mul3A_473 : vector<16xf32>
    %add3A_512 = arith.constant 6 : i32
    %add3A_513 = vector.broadcast %add3A_512 : i32 to vector<16xi32>
    %add3A_514 = arith.addi %mul3A_57, %add3A_513 : vector<16xi32>
    tpu.vector_store_idx %arg9[%add3A_514], %mul3A_511 : memref<3200xf32, #tpu.memory_space<vmem>>[vector<16xi32>], vector<16xf32>,
    %mul3A_515 = arith.mulf %select_n3A_160, %mul3A_474 : vector<16xf32>
    %add3A_516 = arith.constant 7 : i32
    %add3A_517 = vector.broadcast %add3A_516 : i32 to vector<16xi32>
    %add3A_518 = arith.addi %mul3A_57, %add3A_517 : vector<16xi32>
    tpu.vector_store_idx %arg9[%add3A_518], %mul3A_515 : memref<3200xf32, #tpu.memory_space<vmem>>[vector<16xi32>], vector<16xf32>,
    %mul3A_519 = arith.mulf %select_n3A_160, %mul3A_475 : vector<16xf32>
    %add3A_520 = arith.constant 8 : i32
    %add3A_521 = vector.broadcast %add3A_520 : i32 to vector<16xi32>
    %add3A_522 = arith.addi %mul3A_57, %add3A_521 : vector<16xi32>
    tpu.vector_store_idx %arg9[%add3A_522], %mul3A_519 : memref<3200xf32, #tpu.memory_space<vmem>>[vector<16xi32>], vector<16xf32>,
    %mul3A_523 = arith.mulf %select_n3A_160, %mul3A_476 : vector<16xf32>
    %add3A_524 = arith.constant 9 : i32
    %add3A_525 = vector.broadcast %add3A_524 : i32 to vector<16xi32>
    %add3A_526 = arith.addi %mul3A_57, %add3A_525 : vector<16xi32>
    tpu.vector_store_idx %arg9[%add3A_526], %mul3A_523 : memref<3200xf32, #tpu.memory_space<vmem>>[vector<16xi32>], vector<16xf32>,
    %mul3A_527 = arith.mulf %select_n3A_194, %mul3A_467 : vector<16xf32>
    %add3A_528 = arith.constant 10 : i32
    %add3A_529 = vector.broadcast %add3A_528 : i32 to vector<16xi32>
    %add3A_530 = arith.addi %mul3A_57, %add3A_529 : vector<16xi32>
    tpu.vector_store_idx %arg9[%add3A_530], %mul3A_527 : memref<3200xf32, #tpu.memory_space<vmem>>[vector<16xi32>], vector<16xf32>,
    %mul3A_531 = arith.mulf %select_n3A_194, %mul3A_478 : vector<16xf32>
    %add3A_532 = arith.constant 11 : i32
    %add3A_533 = vector.broadcast %add3A_532 : i32 to vector<16xi32>
    %add3A_534 = arith.addi %mul3A_57, %add3A_533 : vector<16xi32>
    tpu.vector_store_idx %arg9[%add3A_534], %mul3A_531 : memref<3200xf32, #tpu.memory_space<vmem>>[vector<16xi32>], vector<16xf32>,
    %mul3A_535 = arith.mulf %select_n3A_194, %mul3A_469 : vector<16xf32>
    %add3A_536 = arith.constant 12 : i32
    %add3A_537 = vector.broadcast %add3A_536 : i32 to vector<16xi32>
    %add3A_538 = arith.addi %mul3A_57, %add3A_537 : vector<16xi32>
    tpu.vector_store_idx %arg9[%add3A_538], %mul3A_535 : memref<3200xf32, #tpu.memory_space<vmem>>[vector<16xi32>], vector<16xf32>,
    %mul3A_539 = arith.mulf %select_n3A_194, %mul3A_470 : vector<16xf32>
    %add3A_540 = arith.constant 13 : i32
    %add3A_541 = vector.broadcast %add3A_540 : i32 to vector<16xi32>
    %add3A_542 = arith.addi %mul3A_57, %add3A_541 : vector<16xi32>
    tpu.vector_store_idx %arg9[%add3A_542], %mul3A_539 : memref<3200xf32, #tpu.memory_space<vmem>>[vector<16xi32>], vector<16xf32>,
    %mul3A_543 = arith.mulf %select_n3A_194, %mul3A_471 : vector<16xf32>
    %add3A_544 = arith.constant 14 : i32
    %add3A_545 = vector.broadcast %add3A_544 : i32 to vector<16xi32>
    %add3A_546 = arith.addi %mul3A_57, %add3A_545 : vector<16xi32>
    tpu.vector_store_idx %arg9[%add3A_546], %mul3A_543 : memref<3200xf32, #tpu.memory_space<vmem>>[vector<16xi32>], vector<16xf32>,
    %mul3A_547 = arith.mulf %select_n3A_194, %mul3A_472 : vector<16xf32>
    %add3A_548 = arith.constant 15 : i32
    %add3A_549 = vector.broadcast %add3A_548 : i32 to vector<16xi32>
    %add3A_550 = arith.addi %mul3A_57, %add3A_549 : vector<16xi32>
    tpu.vector_store_idx %arg9[%add3A_550], %mul3A_547 : memref<3200xf32, #tpu.memory_space<vmem>>[vector<16xi32>], vector<16xf32>,
    %mul3A_551 = arith.mulf %select_n3A_194, %mul3A_473 : vector<16xf32>
    %add3A_552 = arith.constant 16 : i32
    %add3A_553 = vector.broadcast %add3A_552 : i32 to vector<16xi32>
    %add3A_554 = arith.addi %mul3A_57, %add3A_553 : vector<16xi32>
    tpu.vector_store_idx %arg9[%add3A_554], %mul3A_551 : memref<3200xf32, #tpu.memory_space<vmem>>[vector<16xi32>], vector<16xf32>,
    %mul3A_555 = arith.mulf %select_n3A_194, %mul3A_474 : vector<16xf32>
    %add3A_556 = arith.constant 17 : i32
    %add3A_557 = vector.broadcast %add3A_556 : i32 to vector<16xi32>
    %add3A_558 = arith.addi %mul3A_57, %add3A_557 : vector<16xi32>
    tpu.vector_store_idx %arg9[%add3A_558], %mul3A_555 : memref<3200xf32, #tpu.memory_space<vmem>>[vector<16xi32>], vector<16xf32>,
    %mul3A_559 = arith.mulf %select_n3A_194, %mul3A_475 : vector<16xf32>
    %add3A_560 = arith.constant 18 : i32
    %add3A_561 = vector.broadcast %add3A_560 : i32 to vector<16xi32>
    %add3A_562 = arith.addi %mul3A_57, %add3A_561 : vector<16xi32>
    tpu.vector_store_idx %arg9[%add3A_562], %mul3A_559 : memref<3200xf32, #tpu.memory_space<vmem>>[vector<16xi32>], vector<16xf32>,
    %mul3A_563 = arith.mulf %select_n3A_194, %mul3A_476 : vector<16xf32>
    %add3A_564 = arith.constant 19 : i32
    %add3A_565 = vector.broadcast %add3A_564 : i32 to vector<16xi32>
    %add3A_566 = arith.addi %mul3A_57, %add3A_565 : vector<16xi32>
    tpu.vector_store_idx %arg9[%add3A_566], %mul3A_563 : memref<3200xf32, #tpu.memory_space<vmem>>[vector<16xi32>], vector<16xf32>,
    %mul3A_567 = arith.mulf %select_n3A_228, %mul3A_467 : vector<16xf32>
    %add3A_568 = arith.constant 20 : i32
    %add3A_569 = vector.broadcast %add3A_568 : i32 to vector<16xi32>
    %add3A_570 = arith.addi %mul3A_57, %add3A_569 : vector<16xi32>
    tpu.vector_store_idx %arg9[%add3A_570], %mul3A_567 : memref<3200xf32, #tpu.memory_space<vmem>>[vector<16xi32>], vector<16xf32>,
    %mul3A_571 = arith.mulf %select_n3A_228, %mul3A_468 : vector<16xf32>
    %add3A_572 = arith.constant 21 : i32
    %add3A_573 = vector.broadcast %add3A_572 : i32 to vector<16xi32>
    %add3A_574 = arith.addi %mul3A_57, %add3A_573 : vector<16xi32>
    tpu.vector_store_idx %arg9[%add3A_574], %mul3A_571 : memref<3200xf32, #tpu.memory_space<vmem>>[vector<16xi32>], vector<16xf32>,
    %mul3A_575 = arith.mulf %select_n3A_228, %mul3A_479 : vector<16xf32>
    %add3A_576 = arith.constant 22 : i32
    %add3A_577 = vector.broadcast %add3A_576 : i32 to vector<16xi32>
    %add3A_578 = arith.addi %mul3A_57, %add3A_577 : vector<16xi32>
    tpu.vector_store_idx %arg9[%add3A_578], %mul3A_575 : memref<3200xf32, #tpu.memory_space<vmem>>[vector<16xi32>], vector<16xf32>,
    %mul3A_579 = arith.mulf %select_n3A_228, %mul3A_470 : vector<16xf32>
    %add3A_580 = arith.constant 23 : i32
    %add3A_581 = vector.broadcast %add3A_580 : i32 to vector<16xi32>
    %add3A_582 = arith.addi %mul3A_57, %add3A_581 : vector<16xi32>
    tpu.vector_store_idx %arg9[%add3A_582], %mul3A_579 : memref<3200xf32, #tpu.memory_space<vmem>>[vector<16xi32>], vector<16xf32>,
    %mul3A_583 = arith.mulf %select_n3A_228, %mul3A_471 : vector<16xf32>
    %add3A_584 = arith.constant 24 : i32
    %add3A_585 = vector.broadcast %add3A_584 : i32 to vector<16xi32>
    %add3A_586 = arith.addi %mul3A_57, %add3A_585 : vector<16xi32>
    tpu.vector_store_idx %arg9[%add3A_586], %mul3A_583 : memref<3200xf32, #tpu.memory_space<vmem>>[vector<16xi32>], vector<16xf32>,
    %mul3A_587 = arith.mulf %select_n3A_228, %mul3A_472 : vector<16xf32>
    %add3A_588 = arith.constant 25 : i32
    %add3A_589 = vector.broadcast %add3A_588 : i32 to vector<16xi32>
    %add3A_590 = arith.addi %mul3A_57, %add3A_589 : vector<16xi32>
    tpu.vector_store_idx %arg9[%add3A_590], %mul3A_587 : memref<3200xf32, #tpu.memory_space<vmem>>[vector<16xi32>], vector<16xf32>,
    %mul3A_591 = arith.mulf %select_n3A_228, %mul3A_473 : vector<16xf32>
    %add3A_592 = arith.constant 26 : i32
    %add3A_593 = vector.broadcast %add3A_592 : i32 to vector<16xi32>
    %add3A_594 = arith.addi %mul3A_57, %add3A_593 : vector<16xi32>
    tpu.vector_store_idx %arg9[%add3A_594], %mul3A_591 : memref<3200xf32, #tpu.memory_space<vmem>>[vector<16xi32>], vector<16xf32>,
    %mul3A_595 = arith.mulf %select_n3A_228, %mul3A_474 : vector<16xf32>
    %add3A_596 = arith.constant 27 : i32
    %add3A_597 = vector.broadcast %add3A_596 : i32 to vector<16xi32>
    %add3A_598 = arith.addi %mul3A_57, %add3A_597 : vector<16xi32>
    tpu.vector_store_idx %arg9[%add3A_598], %mul3A_595 : memref<3200xf32, #tpu.memory_space<vmem>>[vector<16xi32>], vector<16xf32>,
    %mul3A_599 = arith.mulf %select_n3A_228, %mul3A_475 : vector<16xf32>
    %add3A_600 = arith.constant 28 : i32
    %add3A_601 = vector.broadcast %add3A_600 : i32 to vector<16xi32>
    %add3A_602 = arith.addi %mul3A_57, %add3A_601 : vector<16xi32>
    tpu.vector_store_idx %arg9[%add3A_602], %mul3A_599 : memref<3200xf32, #tpu.memory_space<vmem>>[vector<16xi32>], vector<16xf32>,
    %mul3A_603 = arith.mulf %select_n3A_228, %mul3A_476 : vector<16xf32>
    %add3A_604 = arith.constant 29 : i32
    %add3A_605 = vector.broadcast %add3A_604 : i32 to vector<16xi32>
    %add3A_606 = arith.addi %mul3A_57, %add3A_605 : vector<16xi32>
    tpu.vector_store_idx %arg9[%add3A_606], %mul3A_603 : memref<3200xf32, #tpu.memory_space<vmem>>[vector<16xi32>], vector<16xf32>,
    %mul3A_607 = arith.mulf %select_n3A_262, %mul3A_467 : vector<16xf32>
    %add3A_608 = arith.constant 30 : i32
    %add3A_609 = vector.broadcast %add3A_608 : i32 to vector<16xi32>
    %add3A_610 = arith.addi %mul3A_57, %add3A_609 : vector<16xi32>
    tpu.vector_store_idx %arg9[%add3A_610], %mul3A_607 : memref<3200xf32, #tpu.memory_space<vmem>>[vector<16xi32>], vector<16xf32>,
    %mul3A_611 = arith.mulf %select_n3A_262, %mul3A_468 : vector<16xf32>
    %add3A_612 = arith.constant 31 : i32
    %add3A_613 = vector.broadcast %add3A_612 : i32 to vector<16xi32>
    %add3A_614 = arith.addi %mul3A_57, %add3A_613 : vector<16xi32>
    tpu.vector_store_idx %arg9[%add3A_614], %mul3A_611 : memref<3200xf32, #tpu.memory_space<vmem>>[vector<16xi32>], vector<16xf32>,
    %mul3A_615 = arith.mulf %select_n3A_262, %mul3A_469 : vector<16xf32>
    %add3A_616 = arith.constant 32 : i32
    %add3A_617 = vector.broadcast %add3A_616 : i32 to vector<16xi32>
    %add3A_618 = arith.addi %mul3A_57, %add3A_617 : vector<16xi32>
    tpu.vector_store_idx %arg9[%add3A_618], %mul3A_615 : memref<3200xf32, #tpu.memory_space<vmem>>[vector<16xi32>], vector<16xf32>,
    %mul3A_619 = arith.mulf %select_n3A_262, %mul3A_480 : vector<16xf32>
    %add3A_620 = arith.constant 33 : i32
    %add3A_621 = vector.broadcast %add3A_620 : i32 to vector<16xi32>
    %add3A_622 = arith.addi %mul3A_57, %add3A_621 : vector<16xi32>
    tpu.vector_store_idx %arg9[%add3A_622], %mul3A_619 : memref<3200xf32, #tpu.memory_space<vmem>>[vector<16xi32>], vector<16xf32>,
    %mul3A_623 = arith.mulf %select_n3A_262, %mul3A_471 : vector<16xf32>
    %add3A_624 = arith.constant 34 : i32
    %add3A_625 = vector.broadcast %add3A_624 : i32 to vector<16xi32>
    %add3A_626 = arith.addi %mul3A_57, %add3A_625 : vector<16xi32>
    tpu.vector_store_idx %arg9[%add3A_626], %mul3A_623 : memref<3200xf32, #tpu.memory_space<vmem>>[vector<16xi32>], vector<16xf32>,
    %mul3A_627 = arith.mulf %select_n3A_262, %mul3A_472 : vector<16xf32>
    %add3A_628 = arith.constant 35 : i32
    %add3A_629 = vector.broadcast %add3A_628 : i32 to vector<16xi32>
    %add3A_630 = arith.addi %mul3A_57, %add3A_629 : vector<16xi32>
    tpu.vector_store_idx %arg9[%add3A_630], %mul3A_627 : memref<3200xf32, #tpu.memory_space<vmem>>[vector<16xi32>], vector<16xf32>,
    %mul3A_631 = arith.mulf %select_n3A_262, %mul3A_473 : vector<16xf32>
    %add3A_632 = arith.constant 36 : i32
    %add3A_633 = vector.broadcast %add3A_632 : i32 to vector<16xi32>
    %add3A_634 = arith.addi %mul3A_57, %add3A_633 : vector<16xi32>
    tpu.vector_store_idx %arg9[%add3A_634], %mul3A_631 : memref<3200xf32, #tpu.memory_space<vmem>>[vector<16xi32>], vector<16xf32>,
    %mul3A_635 = arith.mulf %select_n3A_262, %mul3A_474 : vector<16xf32>
    %add3A_636 = arith.constant 37 : i32
    %add3A_637 = vector.broadcast %add3A_636 : i32 to vector<16xi32>
    %add3A_638 = arith.addi %mul3A_57, %add3A_637 : vector<16xi32>
    tpu.vector_store_idx %arg9[%add3A_638], %mul3A_635 : memref<3200xf32, #tpu.memory_space<vmem>>[vector<16xi32>], vector<16xf32>,
    %mul3A_639 = arith.mulf %select_n3A_262, %mul3A_475 : vector<16xf32>
    %add3A_640 = arith.constant 38 : i32
    %add3A_641 = vector.broadcast %add3A_640 : i32 to vector<16xi32>
    %add3A_642 = arith.addi %mul3A_57, %add3A_641 : vector<16xi32>
    tpu.vector_store_idx %arg9[%add3A_642], %mul3A_639 : memref<3200xf32, #tpu.memory_space<vmem>>[vector<16xi32>], vector<16xf32>,
    %mul3A_643 = arith.mulf %select_n3A_262, %mul3A_476 : vector<16xf32>
    %add3A_644 = arith.constant 39 : i32
    %add3A_645 = vector.broadcast %add3A_644 : i32 to vector<16xi32>
    %add3A_646 = arith.addi %mul3A_57, %add3A_645 : vector<16xi32>
    tpu.vector_store_idx %arg9[%add3A_646], %mul3A_643 : memref<3200xf32, #tpu.memory_space<vmem>>[vector<16xi32>], vector<16xf32>,
    %mul3A_647 = arith.mulf %select_n3A_296, %mul3A_467 : vector<16xf32>
    %add3A_648 = arith.constant 40 : i32
    %add3A_649 = vector.broadcast %add3A_648 : i32 to vector<16xi32>
    %add3A_650 = arith.addi %mul3A_57, %add3A_649 : vector<16xi32>
    tpu.vector_store_idx %arg9[%add3A_650], %mul3A_647 : memref<3200xf32, #tpu.memory_space<vmem>>[vector<16xi32>], vector<16xf32>,
    %mul3A_651 = arith.mulf %select_n3A_296, %mul3A_468 : vector<16xf32>
    %add3A_652 = arith.constant 41 : i32
    %add3A_653 = vector.broadcast %add3A_652 : i32 to vector<16xi32>
    %add3A_654 = arith.addi %mul3A_57, %add3A_653 : vector<16xi32>
    tpu.vector_store_idx %arg9[%add3A_654], %mul3A_651 : memref<3200xf32, #tpu.memory_space<vmem>>[vector<16xi32>], vector<16xf32>,
    %mul3A_655 = arith.mulf %select_n3A_296, %mul3A_469 : vector<16xf32>
    %add3A_656 = arith.constant 42 : i32
    %add3A_657 = vector.broadcast %add3A_656 : i32 to vector<16xi32>
    %add3A_658 = arith.addi %mul3A_57, %add3A_657 : vector<16xi32>
    tpu.vector_store_idx %arg9[%add3A_658], %mul3A_655 : memref<3200xf32, #tpu.memory_space<vmem>>[vector<16xi32>], vector<16xf32>,
    %mul3A_659 = arith.mulf %select_n3A_296, %mul3A_470 : vector<16xf32>
    %add3A_660 = arith.constant 43 : i32
    %add3A_661 = vector.broadcast %add3A_660 : i32 to vector<16xi32>
    %add3A_662 = arith.addi %mul3A_57, %add3A_661 : vector<16xi32>
    tpu.vector_store_idx %arg9[%add3A_662], %mul3A_659 : memref<3200xf32, #tpu.memory_space<vmem>>[vector<16xi32>], vector<16xf32>,
    %mul3A_663 = arith.mulf %select_n3A_296, %mul3A_481 : vector<16xf32>
    %add3A_664 = arith.constant 44 : i32
    %add3A_665 = vector.broadcast %add3A_664 : i32 to vector<16xi32>
    %add3A_666 = arith.addi %mul3A_57, %add3A_665 : vector<16xi32>
    tpu.vector_store_idx %arg9[%add3A_666], %mul3A_663 : memref<3200xf32, #tpu.memory_space<vmem>>[vector<16xi32>], vector<16xf32>,
    %mul3A_667 = arith.mulf %select_n3A_296, %mul3A_472 : vector<16xf32>
    %add3A_668 = arith.constant 45 : i32
    %add3A_669 = vector.broadcast %add3A_668 : i32 to vector<16xi32>
    %add3A_670 = arith.addi %mul3A_57, %add3A_669 : vector<16xi32>
    tpu.vector_store_idx %arg9[%add3A_670], %mul3A_667 : memref<3200xf32, #tpu.memory_space<vmem>>[vector<16xi32>], vector<16xf32>,
    %mul3A_671 = arith.mulf %select_n3A_296, %mul3A_473 : vector<16xf32>
    %add3A_672 = arith.constant 46 : i32
    %add3A_673 = vector.broadcast %add3A_672 : i32 to vector<16xi32>
    %add3A_674 = arith.addi %mul3A_57, %add3A_673 : vector<16xi32>
    tpu.vector_store_idx %arg9[%add3A_674], %mul3A_671 : memref<3200xf32, #tpu.memory_space<vmem>>[vector<16xi32>], vector<16xf32>,
    %mul3A_675 = arith.mulf %select_n3A_296, %mul3A_474 : vector<16xf32>
    %add3A_676 = arith.constant 47 : i32
    %add3A_677 = vector.broadcast %add3A_676 : i32 to vector<16xi32>
    %add3A_678 = arith.addi %mul3A_57, %add3A_677 : vector<16xi32>
    tpu.vector_store_idx %arg9[%add3A_678], %mul3A_675 : memref<3200xf32, #tpu.memory_space<vmem>>[vector<16xi32>], vector<16xf32>,
    %mul3A_679 = arith.mulf %select_n3A_296, %mul3A_475 : vector<16xf32>
    %add3A_680 = arith.constant 48 : i32
    %add3A_681 = vector.broadcast %add3A_680 : i32 to vector<16xi32>
    %add3A_682 = arith.addi %mul3A_57, %add3A_681 : vector<16xi32>
    tpu.vector_store_idx %arg9[%add3A_682], %mul3A_679 : memref<3200xf32, #tpu.memory_space<vmem>>[vector<16xi32>], vector<16xf32>,
    %mul3A_683 = arith.mulf %select_n3A_296, %mul3A_476 : vector<16xf32>
    %add3A_684 = arith.constant 49 : i32
    %add3A_685 = vector.broadcast %add3A_684 : i32 to vector<16xi32>
    %add3A_686 = arith.addi %mul3A_57, %add3A_685 : vector<16xi32>
    tpu.vector_store_idx %arg9[%add3A_686], %mul3A_683 : memref<3200xf32, #tpu.memory_space<vmem>>[vector<16xi32>], vector<16xf32>,
    %mul3A_687 = arith.mulf %select_n3A_330, %mul3A_467 : vector<16xf32>
    %add3A_688 = arith.constant 50 : i32
    %add3A_689 = vector.broadcast %add3A_688 : i32 to vector<16xi32>
    %add3A_690 = arith.addi %mul3A_57, %add3A_689 : vector<16xi32>
    tpu.vector_store_idx %arg9[%add3A_690], %mul3A_687 : memref<3200xf32, #tpu.memory_space<vmem>>[vector<16xi32>], vector<16xf32>,
    %mul3A_691 = arith.mulf %select_n3A_330, %mul3A_468 : vector<16xf32>
    %add3A_692 = arith.constant 51 : i32
    %add3A_693 = vector.broadcast %add3A_692 : i32 to vector<16xi32>
    %add3A_694 = arith.addi %mul3A_57, %add3A_693 : vector<16xi32>
    tpu.vector_store_idx %arg9[%add3A_694], %mul3A_691 : memref<3200xf32, #tpu.memory_space<vmem>>[vector<16xi32>], vector<16xf32>,
    %mul3A_695 = arith.mulf %select_n3A_330, %mul3A_469 : vector<16xf32>
    %add3A_696 = arith.constant 52 : i32
    %add3A_697 = vector.broadcast %add3A_696 : i32 to vector<16xi32>
    %add3A_698 = arith.addi %mul3A_57, %add3A_697 : vector<16xi32>
    tpu.vector_store_idx %arg9[%add3A_698], %mul3A_695 : memref<3200xf32, #tpu.memory_space<vmem>>[vector<16xi32>], vector<16xf32>,
    %mul3A_699 = arith.mulf %select_n3A_330, %mul3A_470 : vector<16xf32>
    %add3A_700 = arith.constant 53 : i32
    %add3A_701 = vector.broadcast %add3A_700 : i32 to vector<16xi32>
    %add3A_702 = arith.addi %mul3A_57, %add3A_701 : vector<16xi32>
    tpu.vector_store_idx %arg9[%add3A_702], %mul3A_699 : memref<3200xf32, #tpu.memory_space<vmem>>[vector<16xi32>], vector<16xf32>,
    %mul3A_703 = arith.mulf %select_n3A_330, %mul3A_471 : vector<16xf32>
    %add3A_704 = arith.constant 54 : i32
    %add3A_705 = vector.broadcast %add3A_704 : i32 to vector<16xi32>
    %add3A_706 = arith.addi %mul3A_57, %add3A_705 : vector<16xi32>
    tpu.vector_store_idx %arg9[%add3A_706], %mul3A_703 : memref<3200xf32, #tpu.memory_space<vmem>>[vector<16xi32>], vector<16xf32>,
    %mul3A_707 = arith.mulf %select_n3A_330, %mul3A_482 : vector<16xf32>
    %add3A_708 = arith.constant 55 : i32
    %add3A_709 = vector.broadcast %add3A_708 : i32 to vector<16xi32>
    %add3A_710 = arith.addi %mul3A_57, %add3A_709 : vector<16xi32>
    tpu.vector_store_idx %arg9[%add3A_710], %mul3A_707 : memref<3200xf32, #tpu.memory_space<vmem>>[vector<16xi32>], vector<16xf32>,
    %mul3A_711 = arith.mulf %select_n3A_330, %mul3A_473 : vector<16xf32>
    %add3A_712 = arith.constant 56 : i32
    %add3A_713 = vector.broadcast %add3A_712 : i32 to vector<16xi32>
    %add3A_714 = arith.addi %mul3A_57, %add3A_713 : vector<16xi32>
    tpu.vector_store_idx %arg9[%add3A_714], %mul3A_711 : memref<3200xf32, #tpu.memory_space<vmem>>[vector<16xi32>], vector<16xf32>,
    %mul3A_715 = arith.mulf %select_n3A_330, %mul3A_474 : vector<16xf32>
    %add3A_716 = arith.constant 57 : i32
    %add3A_717 = vector.broadcast %add3A_716 : i32 to vector<16xi32>
    %add3A_718 = arith.addi %mul3A_57, %add3A_717 : vector<16xi32>
    tpu.vector_store_idx %arg9[%add3A_718], %mul3A_715 : memref<3200xf32, #tpu.memory_space<vmem>>[vector<16xi32>], vector<16xf32>,
    %mul3A_719 = arith.mulf %select_n3A_330, %mul3A_475 : vector<16xf32>
    %add3A_720 = arith.constant 58 : i32
    %add3A_721 = vector.broadcast %add3A_720 : i32 to vector<16xi32>
    %add3A_722 = arith.addi %mul3A_57, %add3A_721 : vector<16xi32>
    tpu.vector_store_idx %arg9[%add3A_722], %mul3A_719 : memref<3200xf32, #tpu.memory_space<vmem>>[vector<16xi32>], vector<16xf32>,
    %mul3A_723 = arith.mulf %select_n3A_330, %mul3A_476 : vector<16xf32>
    %add3A_724 = arith.constant 59 : i32
    %add3A_725 = vector.broadcast %add3A_724 : i32 to vector<16xi32>
    %add3A_726 = arith.addi %mul3A_57, %add3A_725 : vector<16xi32>
    tpu.vector_store_idx %arg9[%add3A_726], %mul3A_723 : memref<3200xf32, #tpu.memory_space<vmem>>[vector<16xi32>], vector<16xf32>,
    %mul3A_727 = arith.mulf %select_n3A_364, %mul3A_467 : vector<16xf32>
    %add3A_728 = arith.constant 60 : i32
    %add3A_729 = vector.broadcast %add3A_728 : i32 to vector<16xi32>
    %add3A_730 = arith.addi %mul3A_57, %add3A_729 : vector<16xi32>
    tpu.vector_store_idx %arg9[%add3A_730], %mul3A_727 : memref<3200xf32, #tpu.memory_space<vmem>>[vector<16xi32>], vector<16xf32>,
    %mul3A_731 = arith.mulf %select_n3A_364, %mul3A_468 : vector<16xf32>
    %add3A_732 = arith.constant 61 : i32
    %add3A_733 = vector.broadcast %add3A_732 : i32 to vector<16xi32>
    %add3A_734 = arith.addi %mul3A_57, %add3A_733 : vector<16xi32>
    tpu.vector_store_idx %arg9[%add3A_734], %mul3A_731 : memref<3200xf32, #tpu.memory_space<vmem>>[vector<16xi32>], vector<16xf32>,
    %mul3A_735 = arith.mulf %select_n3A_364, %mul3A_469 : vector<16xf32>
    %add3A_736 = arith.constant 62 : i32
    %add3A_737 = vector.broadcast %add3A_736 : i32 to vector<16xi32>
    %add3A_738 = arith.addi %mul3A_57, %add3A_737 : vector<16xi32>
    tpu.vector_store_idx %arg9[%add3A_738], %mul3A_735 : memref<3200xf32, #tpu.memory_space<vmem>>[vector<16xi32>], vector<16xf32>,
    %mul3A_739 = arith.mulf %select_n3A_364, %mul3A_470 : vector<16xf32>
    %add3A_740 = arith.constant 63 : i32
    %add3A_741 = vector.broadcast %add3A_740 : i32 to vector<16xi32>
    %add3A_742 = arith.addi %mul3A_57, %add3A_741 : vector<16xi32>
    tpu.vector_store_idx %arg9[%add3A_742], %mul3A_739 : memref<3200xf32, #tpu.memory_space<vmem>>[vector<16xi32>], vector<16xf32>,
    %mul3A_743 = arith.mulf %select_n3A_364, %mul3A_471 : vector<16xf32>
    %add3A_744 = arith.constant 64 : i32
    %add3A_745 = vector.broadcast %add3A_744 : i32 to vector<16xi32>
    %add3A_746 = arith.addi %mul3A_57, %add3A_745 : vector<16xi32>
    tpu.vector_store_idx %arg9[%add3A_746], %mul3A_743 : memref<3200xf32, #tpu.memory_space<vmem>>[vector<16xi32>], vector<16xf32>,
    %mul3A_747 = arith.mulf %select_n3A_364, %mul3A_472 : vector<16xf32>
    %add3A_748 = arith.constant 65 : i32
    %add3A_749 = vector.broadcast %add3A_748 : i32 to vector<16xi32>
    %add3A_750 = arith.addi %mul3A_57, %add3A_749 : vector<16xi32>
    tpu.vector_store_idx %arg9[%add3A_750], %mul3A_747 : memref<3200xf32, #tpu.memory_space<vmem>>[vector<16xi32>], vector<16xf32>,
    %mul3A_751 = arith.mulf %select_n3A_364, %mul3A_483 : vector<16xf32>
    %add3A_752 = arith.constant 66 : i32
    %add3A_753 = vector.broadcast %add3A_752 : i32 to vector<16xi32>
    %add3A_754 = arith.addi %mul3A_57, %add3A_753 : vector<16xi32>
    tpu.vector_store_idx %arg9[%add3A_754], %mul3A_751 : memref<3200xf32, #tpu.memory_space<vmem>>[vector<16xi32>], vector<16xf32>,
    %mul3A_755 = arith.mulf %select_n3A_364, %mul3A_474 : vector<16xf32>
    %add3A_756 = arith.constant 67 : i32
    %add3A_757 = vector.broadcast %add3A_756 : i32 to vector<16xi32>
    %add3A_758 = arith.addi %mul3A_57, %add3A_757 : vector<16xi32>
    tpu.vector_store_idx %arg9[%add3A_758], %mul3A_755 : memref<3200xf32, #tpu.memory_space<vmem>>[vector<16xi32>], vector<16xf32>,
    %mul3A_759 = arith.mulf %select_n3A_364, %mul3A_475 : vector<16xf32>
    %add3A_760 = arith.constant 68 : i32
    %add3A_761 = vector.broadcast %add3A_760 : i32 to vector<16xi32>
    %add3A_762 = arith.addi %mul3A_57, %add3A_761 : vector<16xi32>
    tpu.vector_store_idx %arg9[%add3A_762], %mul3A_759 : memref<3200xf32, #tpu.memory_space<vmem>>[vector<16xi32>], vector<16xf32>,
    %mul3A_763 = arith.mulf %select_n3A_364, %mul3A_476 : vector<16xf32>
    %add3A_764 = arith.constant 69 : i32
    %add3A_765 = vector.broadcast %add3A_764 : i32 to vector<16xi32>
    %add3A_766 = arith.addi %mul3A_57, %add3A_765 : vector<16xi32>
    tpu.vector_store_idx %arg9[%add3A_766], %mul3A_763 : memref<3200xf32, #tpu.memory_space<vmem>>[vector<16xi32>], vector<16xf32>,
    %mul3A_767 = arith.mulf %select_n3A_398, %mul3A_467 : vector<16xf32>
    %add3A_768 = arith.constant 70 : i32
    %add3A_769 = vector.broadcast %add3A_768 : i32 to vector<16xi32>
    %add3A_770 = arith.addi %mul3A_57, %add3A_769 : vector<16xi32>
    tpu.vector_store_idx %arg9[%add3A_770], %mul3A_767 : memref<3200xf32, #tpu.memory_space<vmem>>[vector<16xi32>], vector<16xf32>,
    %mul3A_771 = arith.mulf %select_n3A_398, %mul3A_468 : vector<16xf32>
    %add3A_772 = arith.constant 71 : i32
    %add3A_773 = vector.broadcast %add3A_772 : i32 to vector<16xi32>
    %add3A_774 = arith.addi %mul3A_57, %add3A_773 : vector<16xi32>
    tpu.vector_store_idx %arg9[%add3A_774], %mul3A_771 : memref<3200xf32, #tpu.memory_space<vmem>>[vector<16xi32>], vector<16xf32>,
    %mul3A_775 = arith.mulf %select_n3A_398, %mul3A_469 : vector<16xf32>
    %add3A_776 = arith.constant 72 : i32
    %add3A_777 = vector.broadcast %add3A_776 : i32 to vector<16xi32>
    %add3A_778 = arith.addi %mul3A_57, %add3A_777 : vector<16xi32>
    tpu.vector_store_idx %arg9[%add3A_778], %mul3A_775 : memref<3200xf32, #tpu.memory_space<vmem>>[vector<16xi32>], vector<16xf32>,
    %mul3A_779 = arith.mulf %select_n3A_398, %mul3A_470 : vector<16xf32>
    %add3A_780 = arith.constant 73 : i32
    %add3A_781 = vector.broadcast %add3A_780 : i32 to vector<16xi32>
    %add3A_782 = arith.addi %mul3A_57, %add3A_781 : vector<16xi32>
    tpu.vector_store_idx %arg9[%add3A_782], %mul3A_779 : memref<3200xf32, #tpu.memory_space<vmem>>[vector<16xi32>], vector<16xf32>,
    %mul3A_783 = arith.mulf %select_n3A_398, %mul3A_471 : vector<16xf32>
    %add3A_784 = arith.constant 74 : i32
    %add3A_785 = vector.broadcast %add3A_784 : i32 to vector<16xi32>
    %add3A_786 = arith.addi %mul3A_57, %add3A_785 : vector<16xi32>
    tpu.vector_store_idx %arg9[%add3A_786], %mul3A_783 : memref<3200xf32, #tpu.memory_space<vmem>>[vector<16xi32>], vector<16xf32>,
    %mul3A_787 = arith.mulf %select_n3A_398, %mul3A_472 : vector<16xf32>
    %add3A_788 = arith.constant 75 : i32
    %add3A_789 = vector.broadcast %add3A_788 : i32 to vector<16xi32>
    %add3A_790 = arith.addi %mul3A_57, %add3A_789 : vector<16xi32>
    tpu.vector_store_idx %arg9[%add3A_790], %mul3A_787 : memref<3200xf32, #tpu.memory_space<vmem>>[vector<16xi32>], vector<16xf32>,
    %mul3A_791 = arith.mulf %select_n3A_398, %mul3A_473 : vector<16xf32>
    %add3A_792 = arith.constant 76 : i32
    %add3A_793 = vector.broadcast %add3A_792 : i32 to vector<16xi32>
    %add3A_794 = arith.addi %mul3A_57, %add3A_793 : vector<16xi32>
    tpu.vector_store_idx %arg9[%add3A_794], %mul3A_791 : memref<3200xf32, #tpu.memory_space<vmem>>[vector<16xi32>], vector<16xf32>,
    %mul3A_795 = arith.mulf %select_n3A_398, %mul3A_484 : vector<16xf32>
    %add3A_796 = arith.constant 77 : i32
    %add3A_797 = vector.broadcast %add3A_796 : i32 to vector<16xi32>
    %add3A_798 = arith.addi %mul3A_57, %add3A_797 : vector<16xi32>
    tpu.vector_store_idx %arg9[%add3A_798], %mul3A_795 : memref<3200xf32, #tpu.memory_space<vmem>>[vector<16xi32>], vector<16xf32>,
    %mul3A_799 = arith.mulf %select_n3A_398, %mul3A_475 : vector<16xf32>
    %add3A_800 = arith.constant 78 : i32
    %add3A_801 = vector.broadcast %add3A_800 : i32 to vector<16xi32>
    %add3A_802 = arith.addi %mul3A_57, %add3A_801 : vector<16xi32>
    tpu.vector_store_idx %arg9[%add3A_802], %mul3A_799 : memref<3200xf32, #tpu.memory_space<vmem>>[vector<16xi32>], vector<16xf32>,
    %mul3A_803 = arith.mulf %select_n3A_398, %mul3A_476 : vector<16xf32>
    %add3A_804 = arith.constant 79 : i32
    %add3A_805 = vector.broadcast %add3A_804 : i32 to vector<16xi32>
    %add3A_806 = arith.addi %mul3A_57, %add3A_805 : vector<16xi32>
    tpu.vector_store_idx %arg9[%add3A_806], %mul3A_803 : memref<3200xf32, #tpu.memory_space<vmem>>[vector<16xi32>], vector<16xf32>,
    %mul3A_807 = arith.mulf %select_n3A_432, %mul3A_467 : vector<16xf32>
    %add3A_808 = arith.constant 80 : i32
    %add3A_809 = vector.broadcast %add3A_808 : i32 to vector<16xi32>
    %add3A_810 = arith.addi %mul3A_57, %add3A_809 : vector<16xi32>
    tpu.vector_store_idx %arg9[%add3A_810], %mul3A_807 : memref<3200xf32, #tpu.memory_space<vmem>>[vector<16xi32>], vector<16xf32>,
    %mul3A_811 = arith.mulf %select_n3A_432, %mul3A_468 : vector<16xf32>
    %add3A_812 = arith.constant 81 : i32
    %add3A_813 = vector.broadcast %add3A_812 : i32 to vector<16xi32>
    %add3A_814 = arith.addi %mul3A_57, %add3A_813 : vector<16xi32>
    tpu.vector_store_idx %arg9[%add3A_814], %mul3A_811 : memref<3200xf32, #tpu.memory_space<vmem>>[vector<16xi32>], vector<16xf32>,
    %mul3A_815 = arith.mulf %select_n3A_432, %mul3A_469 : vector<16xf32>
    %add3A_816 = arith.constant 82 : i32
    %add3A_817 = vector.broadcast %add3A_816 : i32 to vector<16xi32>
    %add3A_818 = arith.addi %mul3A_57, %add3A_817 : vector<16xi32>
    tpu.vector_store_idx %arg9[%add3A_818], %mul3A_815 : memref<3200xf32, #tpu.memory_space<vmem>>[vector<16xi32>], vector<16xf32>,
    %mul3A_819 = arith.mulf %select_n3A_432, %mul3A_470 : vector<16xf32>
    %add3A_820 = arith.constant 83 : i32
    %add3A_821 = vector.broadcast %add3A_820 : i32 to vector<16xi32>
    %add3A_822 = arith.addi %mul3A_57, %add3A_821 : vector<16xi32>
    tpu.vector_store_idx %arg9[%add3A_822], %mul3A_819 : memref<3200xf32, #tpu.memory_space<vmem>>[vector<16xi32>], vector<16xf32>,
    %mul3A_823 = arith.mulf %select_n3A_432, %mul3A_471 : vector<16xf32>
    %add3A_824 = arith.constant 84 : i32
    %add3A_825 = vector.broadcast %add3A_824 : i32 to vector<16xi32>
    %add3A_826 = arith.addi %mul3A_57, %add3A_825 : vector<16xi32>
    tpu.vector_store_idx %arg9[%add3A_826], %mul3A_823 : memref<3200xf32, #tpu.memory_space<vmem>>[vector<16xi32>], vector<16xf32>,
    %mul3A_827 = arith.mulf %select_n3A_432, %mul3A_472 : vector<16xf32>
    %add3A_828 = arith.constant 85 : i32
    %add3A_829 = vector.broadcast %add3A_828 : i32 to vector<16xi32>
    %add3A_830 = arith.addi %mul3A_57, %add3A_829 : vector<16xi32>
    tpu.vector_store_idx %arg9[%add3A_830], %mul3A_827 : memref<3200xf32, #tpu.memory_space<vmem>>[vector<16xi32>], vector<16xf32>,
    %mul3A_831 = arith.mulf %select_n3A_432, %mul3A_473 : vector<16xf32>
    %add3A_832 = arith.constant 86 : i32
    %add3A_833 = vector.broadcast %add3A_832 : i32 to vector<16xi32>
    %add3A_834 = arith.addi %mul3A_57, %add3A_833 : vector<16xi32>
    tpu.vector_store_idx %arg9[%add3A_834], %mul3A_831 : memref<3200xf32, #tpu.memory_space<vmem>>[vector<16xi32>], vector<16xf32>,
    %mul3A_835 = arith.mulf %select_n3A_432, %mul3A_474 : vector<16xf32>
    %add3A_836 = arith.constant 87 : i32
    %add3A_837 = vector.broadcast %add3A_836 : i32 to vector<16xi32>
    %add3A_838 = arith.addi %mul3A_57, %add3A_837 : vector<16xi32>
    tpu.vector_store_idx %arg9[%add3A_838], %mul3A_835 : memref<3200xf32, #tpu.memory_space<vmem>>[vector<16xi32>], vector<16xf32>,
    %mul3A_839 = arith.mulf %select_n3A_432, %mul3A_485 : vector<16xf32>
    %add3A_840 = arith.constant 88 : i32
    %add3A_841 = vector.broadcast %add3A_840 : i32 to vector<16xi32>
    %add3A_842 = arith.addi %mul3A_57, %add3A_841 : vector<16xi32>
    tpu.vector_store_idx %arg9[%add3A_842], %mul3A_839 : memref<3200xf32, #tpu.memory_space<vmem>>[vector<16xi32>], vector<16xf32>,
    %mul3A_843 = arith.mulf %select_n3A_432, %mul3A_476 : vector<16xf32>
    %add3A_844 = arith.constant 89 : i32
    %add3A_845 = vector.broadcast %add3A_844 : i32 to vector<16xi32>
    %add3A_846 = arith.addi %mul3A_57, %add3A_845 : vector<16xi32>
    tpu.vector_store_idx %arg9[%add3A_846], %mul3A_843 : memref<3200xf32, #tpu.memory_space<vmem>>[vector<16xi32>], vector<16xf32>,
    %mul3A_847 = arith.mulf %select_n3A_466, %mul3A_467 : vector<16xf32>
    %add3A_848 = arith.constant 90 : i32
    %add3A_849 = vector.broadcast %add3A_848 : i32 to vector<16xi32>
    %add3A_850 = arith.addi %mul3A_57, %add3A_849 : vector<16xi32>
    tpu.vector_store_idx %arg9[%add3A_850], %mul3A_847 : memref<3200xf32, #tpu.memory_space<vmem>>[vector<16xi32>], vector<16xf32>,
    %mul3A_851 = arith.mulf %select_n3A_466, %mul3A_468 : vector<16xf32>
    %add3A_852 = arith.constant 91 : i32
    %add3A_853 = vector.broadcast %add3A_852 : i32 to vector<16xi32>
    %add3A_854 = arith.addi %mul3A_57, %add3A_853 : vector<16xi32>
    tpu.vector_store_idx %arg9[%add3A_854], %mul3A_851 : memref<3200xf32, #tpu.memory_space<vmem>>[vector<16xi32>], vector<16xf32>,
    %mul3A_855 = arith.mulf %select_n3A_466, %mul3A_469 : vector<16xf32>
    %add3A_856 = arith.constant 92 : i32
    %add3A_857 = vector.broadcast %add3A_856 : i32 to vector<16xi32>
    %add3A_858 = arith.addi %mul3A_57, %add3A_857 : vector<16xi32>
    tpu.vector_store_idx %arg9[%add3A_858], %mul3A_855 : memref<3200xf32, #tpu.memory_space<vmem>>[vector<16xi32>], vector<16xf32>,
    %mul3A_859 = arith.mulf %select_n3A_466, %mul3A_470 : vector<16xf32>
    %add3A_860 = arith.constant 93 : i32
    %add3A_861 = vector.broadcast %add3A_860 : i32 to vector<16xi32>
    %add3A_862 = arith.addi %mul3A_57, %add3A_861 : vector<16xi32>
    tpu.vector_store_idx %arg9[%add3A_862], %mul3A_859 : memref<3200xf32, #tpu.memory_space<vmem>>[vector<16xi32>], vector<16xf32>,
    %mul3A_863 = arith.mulf %select_n3A_466, %mul3A_471 : vector<16xf32>
    %add3A_864 = arith.constant 94 : i32
    %add3A_865 = vector.broadcast %add3A_864 : i32 to vector<16xi32>
    %add3A_866 = arith.addi %mul3A_57, %add3A_865 : vector<16xi32>
    tpu.vector_store_idx %arg9[%add3A_866], %mul3A_863 : memref<3200xf32, #tpu.memory_space<vmem>>[vector<16xi32>], vector<16xf32>,
    %mul3A_867 = arith.mulf %select_n3A_466, %mul3A_472 : vector<16xf32>
    %add3A_868 = arith.constant 95 : i32
    %add3A_869 = vector.broadcast %add3A_868 : i32 to vector<16xi32>
    %add3A_870 = arith.addi %mul3A_57, %add3A_869 : vector<16xi32>
    tpu.vector_store_idx %arg9[%add3A_870], %mul3A_867 : memref<3200xf32, #tpu.memory_space<vmem>>[vector<16xi32>], vector<16xf32>,
    %mul3A_871 = arith.mulf %select_n3A_466, %mul3A_473 : vector<16xf32>
    %add3A_872 = arith.constant 96 : i32
    %add3A_873 = vector.broadcast %add3A_872 : i32 to vector<16xi32>
    %add3A_874 = arith.addi %mul3A_57, %add3A_873 : vector<16xi32>
    tpu.vector_store_idx %arg9[%add3A_874], %mul3A_871 : memref<3200xf32, #tpu.memory_space<vmem>>[vector<16xi32>], vector<16xf32>,
    %mul3A_875 = arith.mulf %select_n3A_466, %mul3A_474 : vector<16xf32>
    %add3A_876 = arith.constant 97 : i32
    %add3A_877 = vector.broadcast %add3A_876 : i32 to vector<16xi32>
    %add3A_878 = arith.addi %mul3A_57, %add3A_877 : vector<16xi32>
    tpu.vector_store_idx %arg9[%add3A_878], %mul3A_875 : memref<3200xf32, #tpu.memory_space<vmem>>[vector<16xi32>], vector<16xf32>,
    %mul3A_879 = arith.mulf %select_n3A_466, %mul3A_475 : vector<16xf32>
    %add3A_880 = arith.constant 98 : i32
    %add3A_881 = vector.broadcast %add3A_880 : i32 to vector<16xi32>
    %add3A_882 = arith.addi %mul3A_57, %add3A_881 : vector<16xi32>
    tpu.vector_store_idx %arg9[%add3A_882], %mul3A_879 : memref<3200xf32, #tpu.memory_space<vmem>>[vector<16xi32>], vector<16xf32>,
    %mul3A_883 = arith.mulf %select_n3A_466, %mul3A_486 : vector<16xf32>
    %add3A_884 = arith.constant 99 : i32
    %add3A_885 = vector.broadcast %add3A_884 : i32 to vector<16xi32>
    %add3A_886 = arith.addi %mul3A_57, %add3A_885 : vector<16xi32>
    tpu.vector_store_idx %arg9[%add3A_886], %mul3A_883 : memref<3200xf32, #tpu.memory_space<vmem>>[vector<16xi32>], vector<16xf32>,
    %iota3A_887 = tpu.iota {dimensions = array<i32: 0>} : vector<16xi32>
    %add3A_888 = arith.constant 16 : i32
    %add3A_889 = vector.broadcast %add3A_888 : i32 to vector<16xi32>
    %add3A_890 = arith.addi %add3A_889, %iota3A_887 : vector<16xi32>
    %mul3A_891 = arith.constant 10 : i32
    %mul3A_892 = vector.broadcast %mul3A_891 : i32 to vector<16xi32>
    %mul3A_893 = arith.muli %add3A_890, %mul3A_892 : vector<16xi32>
    %mul3A_894 = arith.constant 100 : i32
    %mul3A_895 = vector.broadcast %mul3A_894 : i32 to vector<16xi32>
    %mul3A_896 = arith.muli %add3A_890, %mul3A_895 : vector<16xi32>
    %add3A_897 = arith.constant 0 : i32
    %add3A_898 = vector.broadcast %add3A_897 : i32 to vector<16xi32>
    %add3A_899 = arith.addi %mul3A_893, %add3A_898 : vector<16xi32>
    %gather3A_900 = tpu.vector_load_idx %arg8[%add3A_899] : memref<320xf32, #tpu.memory_space<vmem>>[vector<16xi32>], vector<16xf32>,
    %add3A_901 = arith.constant 1 : i32
    %add3A_902 = vector.broadcast %add3A_901 : i32 to vector<16xi32>
    %add3A_903 = arith.addi %mul3A_893, %add3A_902 : vector<16xi32>
    %gather3A_904 = tpu.vector_load_idx %arg8[%add3A_903] : memref<320xf32, #tpu.memory_space<vmem>>[vector<16xi32>], vector<16xf32>,
    %add3A_905 = arith.constant 2 : i32
    %add3A_906 = vector.broadcast %add3A_905 : i32 to vector<16xi32>
    %add3A_907 = arith.addi %mul3A_893, %add3A_906 : vector<16xi32>
    %gather3A_908 = tpu.vector_load_idx %arg8[%add3A_907] : memref<320xf32, #tpu.memory_space<vmem>>[vector<16xi32>], vector<16xf32>,
    %add3A_909 = arith.constant 3 : i32
    %add3A_910 = vector.broadcast %add3A_909 : i32 to vector<16xi32>
    %add3A_911 = arith.addi %mul3A_893, %add3A_910 : vector<16xi32>
    %gather3A_912 = tpu.vector_load_idx %arg8[%add3A_911] : memref<320xf32, #tpu.memory_space<vmem>>[vector<16xi32>], vector<16xf32>,
    %add3A_913 = arith.constant 4 : i32
    %add3A_914 = vector.broadcast %add3A_913 : i32 to vector<16xi32>
    %add3A_915 = arith.addi %mul3A_893, %add3A_914 : vector<16xi32>
    %gather3A_916 = tpu.vector_load_idx %arg8[%add3A_915] : memref<320xf32, #tpu.memory_space<vmem>>[vector<16xi32>], vector<16xf32>,
    %add3A_917 = arith.constant 5 : i32
    %add3A_918 = vector.broadcast %add3A_917 : i32 to vector<16xi32>
    %add3A_919 = arith.addi %mul3A_893, %add3A_918 : vector<16xi32>
    %gather3A_920 = tpu.vector_load_idx %arg8[%add3A_919] : memref<320xf32, #tpu.memory_space<vmem>>[vector<16xi32>], vector<16xf32>,
    %add3A_921 = arith.constant 6 : i32
    %add3A_922 = vector.broadcast %add3A_921 : i32 to vector<16xi32>
    %add3A_923 = arith.addi %mul3A_893, %add3A_922 : vector<16xi32>
    %gather3A_924 = tpu.vector_load_idx %arg8[%add3A_923] : memref<320xf32, #tpu.memory_space<vmem>>[vector<16xi32>], vector<16xf32>,
    %add3A_925 = arith.constant 7 : i32
    %add3A_926 = vector.broadcast %add3A_925 : i32 to vector<16xi32>
    %add3A_927 = arith.addi %mul3A_893, %add3A_926 : vector<16xi32>
    %gather3A_928 = tpu.vector_load_idx %arg8[%add3A_927] : memref<320xf32, #tpu.memory_space<vmem>>[vector<16xi32>], vector<16xf32>,
    %add3A_929 = arith.constant 8 : i32
    %add3A_930 = vector.broadcast %add3A_929 : i32 to vector<16xi32>
    %add3A_931 = arith.addi %mul3A_893, %add3A_930 : vector<16xi32>
    %gather3A_932 = tpu.vector_load_idx %arg8[%add3A_931] : memref<320xf32, #tpu.memory_space<vmem>>[vector<16xi32>], vector<16xf32>,
    %add3A_933 = arith.constant 9 : i32
    %add3A_934 = vector.broadcast %add3A_933 : i32 to vector<16xi32>
    %add3A_935 = arith.addi %mul3A_893, %add3A_934 : vector<16xi32>
    %gather3A_936 = tpu.vector_load_idx %arg8[%add3A_935] : memref<320xf32, #tpu.memory_space<vmem>>[vector<16xi32>], vector<16xf32>,
    %add3A_937 = arith.addf %gather3A_900, %gather3A_904 : vector<16xf32>
    %add3A_938 = arith.addf %add3A_937, %gather3A_908 : vector<16xf32>
    %add3A_939 = arith.addf %add3A_938, %gather3A_912 : vector<16xf32>
    %add3A_940 = arith.addf %add3A_939, %gather3A_916 : vector<16xf32>
    %add3A_941 = arith.addf %add3A_940, %gather3A_920 : vector<16xf32>
    %add3A_942 = arith.addf %add3A_941, %gather3A_924 : vector<16xf32>
    %add3A_943 = arith.addf %add3A_942, %gather3A_928 : vector<16xf32>
    %add3A_944 = arith.addf %add3A_943, %gather3A_932 : vector<16xf32>
    %add3A_945 = arith.addf %add3A_944, %gather3A_936 : vector<16xf32>
    %mul3A_946 = arith.mulf %get3A_32, %add3A_945 : vector<16xf32>
    %mul3A_947 = arith.mulf %get3A_36, %gather3A_900 : vector<16xf32>
    %add3A_948 = arith.addf %mul3A_946, %mul3A_947 : vector<16xf32>
    %mul3A_949 = arith.mulf %get3A_32, %add3A_945 : vector<16xf32>
    %mul3A_950 = arith.mulf %get3A_36, %gather3A_904 : vector<16xf32>
    %add3A_951 = arith.addf %mul3A_949, %mul3A_950 : vector<16xf32>
    %mul3A_952 = arith.mulf %get3A_32, %add3A_945 : vector<16xf32>
    %mul3A_953 = arith.mulf %get3A_36, %gather3A_908 : vector<16xf32>
    %add3A_954 = arith.addf %mul3A_952, %mul3A_953 : vector<16xf32>
    %mul3A_955 = arith.mulf %get3A_32, %add3A_945 : vector<16xf32>
    %mul3A_956 = arith.mulf %get3A_36, %gather3A_912 : vector<16xf32>
    %add3A_957 = arith.addf %mul3A_955, %mul3A_956 : vector<16xf32>
    %mul3A_958 = arith.mulf %get3A_32, %add3A_945 : vector<16xf32>
    %mul3A_959 = arith.mulf %get3A_36, %gather3A_916 : vector<16xf32>
    %add3A_960 = arith.addf %mul3A_958, %mul3A_959 : vector<16xf32>
    %mul3A_961 = arith.mulf %get3A_32, %add3A_945 : vector<16xf32>
    %mul3A_962 = arith.mulf %get3A_36, %gather3A_920 : vector<16xf32>
    %add3A_963 = arith.addf %mul3A_961, %mul3A_962 : vector<16xf32>
    %mul3A_964 = arith.mulf %get3A_32, %add3A_945 : vector<16xf32>
    %mul3A_965 = arith.mulf %get3A_36, %gather3A_924 : vector<16xf32>
    %add3A_966 = arith.addf %mul3A_964, %mul3A_965 : vector<16xf32>
    %mul3A_967 = arith.mulf %get3A_32, %add3A_945 : vector<16xf32>
    %mul3A_968 = arith.mulf %get3A_36, %gather3A_928 : vector<16xf32>
    %add3A_969 = arith.addf %mul3A_967, %mul3A_968 : vector<16xf32>
    %mul3A_970 = arith.mulf %get3A_32, %add3A_945 : vector<16xf32>
    %mul3A_971 = arith.mulf %get3A_36, %gather3A_932 : vector<16xf32>
    %add3A_972 = arith.addf %mul3A_970, %mul3A_971 : vector<16xf32>
    %mul3A_973 = arith.mulf %get3A_32, %add3A_945 : vector<16xf32>
    %mul3A_974 = arith.mulf %get3A_36, %gather3A_936 : vector<16xf32>
    %add3A_975 = arith.addf %mul3A_973, %mul3A_974 : vector<16xf32>
    %eq3A_976 = arith.constant 0.000000e+00 : f32
    %eq3A_977 = vector.broadcast %eq3A_976 : f32 to vector<16xf32>
    %eq3A_978 = arith.cmpf oeq, %add3A_948, %eq3A_977 : vector<16xf32>
    %jit3A_979 = arith.constant 9.99999997E-7 : f32
    %broadcast_in_dim3A_980 = vector.broadcast %jit3A_979 : f32 to vector<16xf32>
    %select_n3A_981 = arith.select %eq3A_978, %broadcast_in_dim3A_980, %add3A_948 : vector<16xi1>, vector<16xf32>
    %abs3A_982 = math.absf %select_n3A_981 : vector<16xf32>
    %bitcast_convert_type3A_983 = tpu.bitcast %abs3A_982 : vector<16xf32> -> vector<16xi32>
    %sub3A_984 = arith.constant 2129950677 : i32
    %sub3A_985 = vector.broadcast %sub3A_984 : i32 to vector<16xi32>
    %sub3A_986 = arith.subi %sub3A_985, %bitcast_convert_type3A_983 : vector<16xi32>
    %bitcast_convert_type3A_987 = tpu.bitcast %sub3A_986 : vector<16xi32> -> vector<16xf32>
    %mul3A_988 = arith.mulf %abs3A_982, %bitcast_convert_type3A_987 : vector<16xf32>
    %sub3A_989 = arith.constant 2.000000e+00 : f32
    %sub3A_990 = vector.broadcast %sub3A_989 : f32 to vector<16xf32>
    %sub3A_991 = arith.subf %sub3A_990, %mul3A_988 : vector<16xf32>
    %mul3A_992 = arith.mulf %bitcast_convert_type3A_987, %sub3A_991 : vector<16xf32>
    %mul3A_993 = arith.mulf %abs3A_982, %mul3A_992 : vector<16xf32>
    %sub3A_994 = arith.constant 2.000000e+00 : f32
    %sub3A_995 = vector.broadcast %sub3A_994 : f32 to vector<16xf32>
    %sub3A_996 = arith.subf %sub3A_995, %mul3A_993 : vector<16xf32>
    %mul3A_997 = arith.mulf %mul3A_992, %sub3A_996 : vector<16xf32>
    %mul3A_998 = arith.mulf %abs3A_982, %mul3A_997 : vector<16xf32>
    %sub3A_999 = arith.constant 2.000000e+00 : f32
    %sub3A_1000 = vector.broadcast %sub3A_999 : f32 to vector<16xf32>
    %sub3A_1001 = arith.subf %sub3A_1000, %mul3A_998 : vector<16xf32>
    %mul3A_1002 = arith.mulf %mul3A_997, %sub3A_1001 : vector<16xf32>
    %lt3A_1003 = arith.constant 0.000000e+00 : f32
    %lt3A_1004 = vector.broadcast %lt3A_1003 : f32 to vector<16xf32>
    %lt3A_1005 = arith.cmpf olt, %select_n3A_981, %lt3A_1004 : vector<16xf32>
    %neg3A_1006 = arith.constant 0.000000e+00 : f32
    %neg3A_1007 = vector.broadcast %neg3A_1006 : f32 to vector<16xf32>
    %neg3A_1008 = arith.subf %neg3A_1007, %mul3A_1002 : vector<16xf32>
    %select_n3A_1009 = arith.select %lt3A_1005, %neg3A_1008, %mul3A_1002 : vector<16xi1>, vector<16xf32>
    %eq3A_1010 = arith.constant 0.000000e+00 : f32
    %eq3A_1011 = vector.broadcast %eq3A_1010 : f32 to vector<16xf32>
    %eq3A_1012 = arith.cmpf oeq, %add3A_951, %eq3A_1011 : vector<16xf32>
    %jit3A_1013 = arith.constant 9.99999997E-7 : f32
    %broadcast_in_dim3A_1014 = vector.broadcast %jit3A_1013 : f32 to vector<16xf32>
    %select_n3A_1015 = arith.select %eq3A_1012, %broadcast_in_dim3A_1014, %add3A_951 : vector<16xi1>, vector<16xf32>
    %abs3A_1016 = math.absf %select_n3A_1015 : vector<16xf32>
    %bitcast_convert_type3A_1017 = tpu.bitcast %abs3A_1016 : vector<16xf32> -> vector<16xi32>
    %sub3A_1018 = arith.constant 2129950677 : i32
    %sub3A_1019 = vector.broadcast %sub3A_1018 : i32 to vector<16xi32>
    %sub3A_1020 = arith.subi %sub3A_1019, %bitcast_convert_type3A_1017 : vector<16xi32>
    %bitcast_convert_type3A_1021 = tpu.bitcast %sub3A_1020 : vector<16xi32> -> vector<16xf32>
    %mul3A_1022 = arith.mulf %abs3A_1016, %bitcast_convert_type3A_1021 : vector<16xf32>
    %sub3A_1023 = arith.constant 2.000000e+00 : f32
    %sub3A_1024 = vector.broadcast %sub3A_1023 : f32 to vector<16xf32>
    %sub3A_1025 = arith.subf %sub3A_1024, %mul3A_1022 : vector<16xf32>
    %mul3A_1026 = arith.mulf %bitcast_convert_type3A_1021, %sub3A_1025 : vector<16xf32>
    %mul3A_1027 = arith.mulf %abs3A_1016, %mul3A_1026 : vector<16xf32>
    %sub3A_1028 = arith.constant 2.000000e+00 : f32
    %sub3A_1029 = vector.broadcast %sub3A_1028 : f32 to vector<16xf32>
    %sub3A_1030 = arith.subf %sub3A_1029, %mul3A_1027 : vector<16xf32>
    %mul3A_1031 = arith.mulf %mul3A_1026, %sub3A_1030 : vector<16xf32>
    %mul3A_1032 = arith.mulf %abs3A_1016, %mul3A_1031 : vector<16xf32>
    %sub3A_1033 = arith.constant 2.000000e+00 : f32
    %sub3A_1034 = vector.broadcast %sub3A_1033 : f32 to vector<16xf32>
    %sub3A_1035 = arith.subf %sub3A_1034, %mul3A_1032 : vector<16xf32>
    %mul3A_1036 = arith.mulf %mul3A_1031, %sub3A_1035 : vector<16xf32>
    %lt3A_1037 = arith.constant 0.000000e+00 : f32
    %lt3A_1038 = vector.broadcast %lt3A_1037 : f32 to vector<16xf32>
    %lt3A_1039 = arith.cmpf olt, %select_n3A_1015, %lt3A_1038 : vector<16xf32>
    %neg3A_1040 = arith.constant 0.000000e+00 : f32
    %neg3A_1041 = vector.broadcast %neg3A_1040 : f32 to vector<16xf32>
    %neg3A_1042 = arith.subf %neg3A_1041, %mul3A_1036 : vector<16xf32>
    %select_n3A_1043 = arith.select %lt3A_1039, %neg3A_1042, %mul3A_1036 : vector<16xi1>, vector<16xf32>
    %eq3A_1044 = arith.constant 0.000000e+00 : f32
    %eq3A_1045 = vector.broadcast %eq3A_1044 : f32 to vector<16xf32>
    %eq3A_1046 = arith.cmpf oeq, %add3A_954, %eq3A_1045 : vector<16xf32>
    %jit3A_1047 = arith.constant 9.99999997E-7 : f32
    %broadcast_in_dim3A_1048 = vector.broadcast %jit3A_1047 : f32 to vector<16xf32>
    %select_n3A_1049 = arith.select %eq3A_1046, %broadcast_in_dim3A_1048, %add3A_954 : vector<16xi1>, vector<16xf32>
    %abs3A_1050 = math.absf %select_n3A_1049 : vector<16xf32>
    %bitcast_convert_type3A_1051 = tpu.bitcast %abs3A_1050 : vector<16xf32> -> vector<16xi32>
    %sub3A_1052 = arith.constant 2129950677 : i32
    %sub3A_1053 = vector.broadcast %sub3A_1052 : i32 to vector<16xi32>
    %sub3A_1054 = arith.subi %sub3A_1053, %bitcast_convert_type3A_1051 : vector<16xi32>
    %bitcast_convert_type3A_1055 = tpu.bitcast %sub3A_1054 : vector<16xi32> -> vector<16xf32>
    %mul3A_1056 = arith.mulf %abs3A_1050, %bitcast_convert_type3A_1055 : vector<16xf32>
    %sub3A_1057 = arith.constant 2.000000e+00 : f32
    %sub3A_1058 = vector.broadcast %sub3A_1057 : f32 to vector<16xf32>
    %sub3A_1059 = arith.subf %sub3A_1058, %mul3A_1056 : vector<16xf32>
    %mul3A_1060 = arith.mulf %bitcast_convert_type3A_1055, %sub3A_1059 : vector<16xf32>
    %mul3A_1061 = arith.mulf %abs3A_1050, %mul3A_1060 : vector<16xf32>
    %sub3A_1062 = arith.constant 2.000000e+00 : f32
    %sub3A_1063 = vector.broadcast %sub3A_1062 : f32 to vector<16xf32>
    %sub3A_1064 = arith.subf %sub3A_1063, %mul3A_1061 : vector<16xf32>
    %mul3A_1065 = arith.mulf %mul3A_1060, %sub3A_1064 : vector<16xf32>
    %mul3A_1066 = arith.mulf %abs3A_1050, %mul3A_1065 : vector<16xf32>
    %sub3A_1067 = arith.constant 2.000000e+00 : f32
    %sub3A_1068 = vector.broadcast %sub3A_1067 : f32 to vector<16xf32>
    %sub3A_1069 = arith.subf %sub3A_1068, %mul3A_1066 : vector<16xf32>
    %mul3A_1070 = arith.mulf %mul3A_1065, %sub3A_1069 : vector<16xf32>
    %lt3A_1071 = arith.constant 0.000000e+00 : f32
    %lt3A_1072 = vector.broadcast %lt3A_1071 : f32 to vector<16xf32>
    %lt3A_1073 = arith.cmpf olt, %select_n3A_1049, %lt3A_1072 : vector<16xf32>
    %neg3A_1074 = arith.constant 0.000000e+00 : f32
    %neg3A_1075 = vector.broadcast %neg3A_1074 : f32 to vector<16xf32>
    %neg3A_1076 = arith.subf %neg3A_1075, %mul3A_1070 : vector<16xf32>
    %select_n3A_1077 = arith.select %lt3A_1073, %neg3A_1076, %mul3A_1070 : vector<16xi1>, vector<16xf32>
    %eq3A_1078 = arith.constant 0.000000e+00 : f32
    %eq3A_1079 = vector.broadcast %eq3A_1078 : f32 to vector<16xf32>
    %eq3A_1080 = arith.cmpf oeq, %add3A_957, %eq3A_1079 : vector<16xf32>
    %jit3A_1081 = arith.constant 9.99999997E-7 : f32
    %broadcast_in_dim3A_1082 = vector.broadcast %jit3A_1081 : f32 to vector<16xf32>
    %select_n3A_1083 = arith.select %eq3A_1080, %broadcast_in_dim3A_1082, %add3A_957 : vector<16xi1>, vector<16xf32>
    %abs3A_1084 = math.absf %select_n3A_1083 : vector<16xf32>
    %bitcast_convert_type3A_1085 = tpu.bitcast %abs3A_1084 : vector<16xf32> -> vector<16xi32>
    %sub3A_1086 = arith.constant 2129950677 : i32
    %sub3A_1087 = vector.broadcast %sub3A_1086 : i32 to vector<16xi32>
    %sub3A_1088 = arith.subi %sub3A_1087, %bitcast_convert_type3A_1085 : vector<16xi32>
    %bitcast_convert_type3A_1089 = tpu.bitcast %sub3A_1088 : vector<16xi32> -> vector<16xf32>
    %mul3A_1090 = arith.mulf %abs3A_1084, %bitcast_convert_type3A_1089 : vector<16xf32>
    %sub3A_1091 = arith.constant 2.000000e+00 : f32
    %sub3A_1092 = vector.broadcast %sub3A_1091 : f32 to vector<16xf32>
    %sub3A_1093 = arith.subf %sub3A_1092, %mul3A_1090 : vector<16xf32>
    %mul3A_1094 = arith.mulf %bitcast_convert_type3A_1089, %sub3A_1093 : vector<16xf32>
    %mul3A_1095 = arith.mulf %abs3A_1084, %mul3A_1094 : vector<16xf32>
    %sub3A_1096 = arith.constant 2.000000e+00 : f32
    %sub3A_1097 = vector.broadcast %sub3A_1096 : f32 to vector<16xf32>
    %sub3A_1098 = arith.subf %sub3A_1097, %mul3A_1095 : vector<16xf32>
    %mul3A_1099 = arith.mulf %mul3A_1094, %sub3A_1098 : vector<16xf32>
    %mul3A_1100 = arith.mulf %abs3A_1084, %mul3A_1099 : vector<16xf32>
    %sub3A_1101 = arith.constant 2.000000e+00 : f32
    %sub3A_1102 = vector.broadcast %sub3A_1101 : f32 to vector<16xf32>
    %sub3A_1103 = arith.subf %sub3A_1102, %mul3A_1100 : vector<16xf32>
    %mul3A_1104 = arith.mulf %mul3A_1099, %sub3A_1103 : vector<16xf32>
    %lt3A_1105 = arith.constant 0.000000e+00 : f32
    %lt3A_1106 = vector.broadcast %lt3A_1105 : f32 to vector<16xf32>
    %lt3A_1107 = arith.cmpf olt, %select_n3A_1083, %lt3A_1106 : vector<16xf32>
    %neg3A_1108 = arith.constant 0.000000e+00 : f32
    %neg3A_1109 = vector.broadcast %neg3A_1108 : f32 to vector<16xf32>
    %neg3A_1110 = arith.subf %neg3A_1109, %mul3A_1104 : vector<16xf32>
    %select_n3A_1111 = arith.select %lt3A_1107, %neg3A_1110, %mul3A_1104 : vector<16xi1>, vector<16xf32>
    %eq3A_1112 = arith.constant 0.000000e+00 : f32
    %eq3A_1113 = vector.broadcast %eq3A_1112 : f32 to vector<16xf32>
    %eq3A_1114 = arith.cmpf oeq, %add3A_960, %eq3A_1113 : vector<16xf32>
    %jit3A_1115 = arith.constant 9.99999997E-7 : f32
    %broadcast_in_dim3A_1116 = vector.broadcast %jit3A_1115 : f32 to vector<16xf32>
    %select_n3A_1117 = arith.select %eq3A_1114, %broadcast_in_dim3A_1116, %add3A_960 : vector<16xi1>, vector<16xf32>
    %abs3A_1118 = math.absf %select_n3A_1117 : vector<16xf32>
    %bitcast_convert_type3A_1119 = tpu.bitcast %abs3A_1118 : vector<16xf32> -> vector<16xi32>
    %sub3A_1120 = arith.constant 2129950677 : i32
    %sub3A_1121 = vector.broadcast %sub3A_1120 : i32 to vector<16xi32>
    %sub3A_1122 = arith.subi %sub3A_1121, %bitcast_convert_type3A_1119 : vector<16xi32>
    %bitcast_convert_type3A_1123 = tpu.bitcast %sub3A_1122 : vector<16xi32> -> vector<16xf32>
    %mul3A_1124 = arith.mulf %abs3A_1118, %bitcast_convert_type3A_1123 : vector<16xf32>
    %sub3A_1125 = arith.constant 2.000000e+00 : f32
    %sub3A_1126 = vector.broadcast %sub3A_1125 : f32 to vector<16xf32>
    %sub3A_1127 = arith.subf %sub3A_1126, %mul3A_1124 : vector<16xf32>
    %mul3A_1128 = arith.mulf %bitcast_convert_type3A_1123, %sub3A_1127 : vector<16xf32>
    %mul3A_1129 = arith.mulf %abs3A_1118, %mul3A_1128 : vector<16xf32>
    %sub3A_1130 = arith.constant 2.000000e+00 : f32
    %sub3A_1131 = vector.broadcast %sub3A_1130 : f32 to vector<16xf32>
    %sub3A_1132 = arith.subf %sub3A_1131, %mul3A_1129 : vector<16xf32>
    %mul3A_1133 = arith.mulf %mul3A_1128, %sub3A_1132 : vector<16xf32>
    %mul3A_1134 = arith.mulf %abs3A_1118, %mul3A_1133 : vector<16xf32>
    %sub3A_1135 = arith.constant 2.000000e+00 : f32
    %sub3A_1136 = vector.broadcast %sub3A_1135 : f32 to vector<16xf32>
    %sub3A_1137 = arith.subf %sub3A_1136, %mul3A_1134 : vector<16xf32>
    %mul3A_1138 = arith.mulf %mul3A_1133, %sub3A_1137 : vector<16xf32>
    %lt3A_1139 = arith.constant 0.000000e+00 : f32
    %lt3A_1140 = vector.broadcast %lt3A_1139 : f32 to vector<16xf32>
    %lt3A_1141 = arith.cmpf olt, %select_n3A_1117, %lt3A_1140 : vector<16xf32>
    %neg3A_1142 = arith.constant 0.000000e+00 : f32
    %neg3A_1143 = vector.broadcast %neg3A_1142 : f32 to vector<16xf32>
    %neg3A_1144 = arith.subf %neg3A_1143, %mul3A_1138 : vector<16xf32>
    %select_n3A_1145 = arith.select %lt3A_1141, %neg3A_1144, %mul3A_1138 : vector<16xi1>, vector<16xf32>
    %eq3A_1146 = arith.constant 0.000000e+00 : f32
    %eq3A_1147 = vector.broadcast %eq3A_1146 : f32 to vector<16xf32>
    %eq3A_1148 = arith.cmpf oeq, %add3A_963, %eq3A_1147 : vector<16xf32>
    %jit3A_1149 = arith.constant 9.99999997E-7 : f32
    %broadcast_in_dim3A_1150 = vector.broadcast %jit3A_1149 : f32 to vector<16xf32>
    %select_n3A_1151 = arith.select %eq3A_1148, %broadcast_in_dim3A_1150, %add3A_963 : vector<16xi1>, vector<16xf32>
    %abs3A_1152 = math.absf %select_n3A_1151 : vector<16xf32>
    %bitcast_convert_type3A_1153 = tpu.bitcast %abs3A_1152 : vector<16xf32> -> vector<16xi32>
    %sub3A_1154 = arith.constant 2129950677 : i32
    %sub3A_1155 = vector.broadcast %sub3A_1154 : i32 to vector<16xi32>
    %sub3A_1156 = arith.subi %sub3A_1155, %bitcast_convert_type3A_1153 : vector<16xi32>
    %bitcast_convert_type3A_1157 = tpu.bitcast %sub3A_1156 : vector<16xi32> -> vector<16xf32>
    %mul3A_1158 = arith.mulf %abs3A_1152, %bitcast_convert_type3A_1157 : vector<16xf32>
    %sub3A_1159 = arith.constant 2.000000e+00 : f32
    %sub3A_1160 = vector.broadcast %sub3A_1159 : f32 to vector<16xf32>
    %sub3A_1161 = arith.subf %sub3A_1160, %mul3A_1158 : vector<16xf32>
    %mul3A_1162 = arith.mulf %bitcast_convert_type3A_1157, %sub3A_1161 : vector<16xf32>
    %mul3A_1163 = arith.mulf %abs3A_1152, %mul3A_1162 : vector<16xf32>
    %sub3A_1164 = arith.constant 2.000000e+00 : f32
    %sub3A_1165 = vector.broadcast %sub3A_1164 : f32 to vector<16xf32>
    %sub3A_1166 = arith.subf %sub3A_1165, %mul3A_1163 : vector<16xf32>
    %mul3A_1167 = arith.mulf %mul3A_1162, %sub3A_1166 : vector<16xf32>
    %mul3A_1168 = arith.mulf %abs3A_1152, %mul3A_1167 : vector<16xf32>
    %sub3A_1169 = arith.constant 2.000000e+00 : f32
    %sub3A_1170 = vector.broadcast %sub3A_1169 : f32 to vector<16xf32>
    %sub3A_1171 = arith.subf %sub3A_1170, %mul3A_1168 : vector<16xf32>
    %mul3A_1172 = arith.mulf %mul3A_1167, %sub3A_1171 : vector<16xf32>
    %lt3A_1173 = arith.constant 0.000000e+00 : f32
    %lt3A_1174 = vector.broadcast %lt3A_1173 : f32 to vector<16xf32>
    %lt3A_1175 = arith.cmpf olt, %select_n3A_1151, %lt3A_1174 : vector<16xf32>
    %neg3A_1176 = arith.constant 0.000000e+00 : f32
    %neg3A_1177 = vector.broadcast %neg3A_1176 : f32 to vector<16xf32>
    %neg3A_1178 = arith.subf %neg3A_1177, %mul3A_1172 : vector<16xf32>
    %select_n3A_1179 = arith.select %lt3A_1175, %neg3A_1178, %mul3A_1172 : vector<16xi1>, vector<16xf32>
    %eq3A_1180 = arith.constant 0.000000e+00 : f32
    %eq3A_1181 = vector.broadcast %eq3A_1180 : f32 to vector<16xf32>
    %eq3A_1182 = arith.cmpf oeq, %add3A_966, %eq3A_1181 : vector<16xf32>
    %jit3A_1183 = arith.constant 9.99999997E-7 : f32
    %broadcast_in_dim3A_1184 = vector.broadcast %jit3A_1183 : f32 to vector<16xf32>
    %select_n3A_1185 = arith.select %eq3A_1182, %broadcast_in_dim3A_1184, %add3A_966 : vector<16xi1>, vector<16xf32>
    %abs3A_1186 = math.absf %select_n3A_1185 : vector<16xf32>
    %bitcast_convert_type3A_1187 = tpu.bitcast %abs3A_1186 : vector<16xf32> -> vector<16xi32>
    %sub3A_1188 = arith.constant 2129950677 : i32
    %sub3A_1189 = vector.broadcast %sub3A_1188 : i32 to vector<16xi32>
    %sub3A_1190 = arith.subi %sub3A_1189, %bitcast_convert_type3A_1187 : vector<16xi32>
    %bitcast_convert_type3A_1191 = tpu.bitcast %sub3A_1190 : vector<16xi32> -> vector<16xf32>
    %mul3A_1192 = arith.mulf %abs3A_1186, %bitcast_convert_type3A_1191 : vector<16xf32>
    %sub3A_1193 = arith.constant 2.000000e+00 : f32
    %sub3A_1194 = vector.broadcast %sub3A_1193 : f32 to vector<16xf32>
    %sub3A_1195 = arith.subf %sub3A_1194, %mul3A_1192 : vector<16xf32>
    %mul3A_1196 = arith.mulf %bitcast_convert_type3A_1191, %sub3A_1195 : vector<16xf32>
    %mul3A_1197 = arith.mulf %abs3A_1186, %mul3A_1196 : vector<16xf32>
    %sub3A_1198 = arith.constant 2.000000e+00 : f32
    %sub3A_1199 = vector.broadcast %sub3A_1198 : f32 to vector<16xf32>
    %sub3A_1200 = arith.subf %sub3A_1199, %mul3A_1197 : vector<16xf32>
    %mul3A_1201 = arith.mulf %mul3A_1196, %sub3A_1200 : vector<16xf32>
    %mul3A_1202 = arith.mulf %abs3A_1186, %mul3A_1201 : vector<16xf32>
    %sub3A_1203 = arith.constant 2.000000e+00 : f32
    %sub3A_1204 = vector.broadcast %sub3A_1203 : f32 to vector<16xf32>
    %sub3A_1205 = arith.subf %sub3A_1204, %mul3A_1202 : vector<16xf32>
    %mul3A_1206 = arith.mulf %mul3A_1201, %sub3A_1205 : vector<16xf32>
    %lt3A_1207 = arith.constant 0.000000e+00 : f32
    %lt3A_1208 = vector.broadcast %lt3A_1207 : f32 to vector<16xf32>
    %lt3A_1209 = arith.cmpf olt, %select_n3A_1185, %lt3A_1208 : vector<16xf32>
    %neg3A_1210 = arith.constant 0.000000e+00 : f32
    %neg3A_1211 = vector.broadcast %neg3A_1210 : f32 to vector<16xf32>
    %neg3A_1212 = arith.subf %neg3A_1211, %mul3A_1206 : vector<16xf32>
    %select_n3A_1213 = arith.select %lt3A_1209, %neg3A_1212, %mul3A_1206 : vector<16xi1>, vector<16xf32>
    %eq3A_1214 = arith.constant 0.000000e+00 : f32
    %eq3A_1215 = vector.broadcast %eq3A_1214 : f32 to vector<16xf32>
    %eq3A_1216 = arith.cmpf oeq, %add3A_969, %eq3A_1215 : vector<16xf32>
    %jit3A_1217 = arith.constant 9.99999997E-7 : f32
    %broadcast_in_dim3A_1218 = vector.broadcast %jit3A_1217 : f32 to vector<16xf32>
    %select_n3A_1219 = arith.select %eq3A_1216, %broadcast_in_dim3A_1218, %add3A_969 : vector<16xi1>, vector<16xf32>
    %abs3A_1220 = math.absf %select_n3A_1219 : vector<16xf32>
    %bitcast_convert_type3A_1221 = tpu.bitcast %abs3A_1220 : vector<16xf32> -> vector<16xi32>
    %sub3A_1222 = arith.constant 2129950677 : i32
    %sub3A_1223 = vector.broadcast %sub3A_1222 : i32 to vector<16xi32>
    %sub3A_1224 = arith.subi %sub3A_1223, %bitcast_convert_type3A_1221 : vector<16xi32>
    %bitcast_convert_type3A_1225 = tpu.bitcast %sub3A_1224 : vector<16xi32> -> vector<16xf32>
    %mul3A_1226 = arith.mulf %abs3A_1220, %bitcast_convert_type3A_1225 : vector<16xf32>
    %sub3A_1227 = arith.constant 2.000000e+00 : f32
    %sub3A_1228 = vector.broadcast %sub3A_1227 : f32 to vector<16xf32>
    %sub3A_1229 = arith.subf %sub3A_1228, %mul3A_1226 : vector<16xf32>
    %mul3A_1230 = arith.mulf %bitcast_convert_type3A_1225, %sub3A_1229 : vector<16xf32>
    %mul3A_1231 = arith.mulf %abs3A_1220, %mul3A_1230 : vector<16xf32>
    %sub3A_1232 = arith.constant 2.000000e+00 : f32
    %sub3A_1233 = vector.broadcast %sub3A_1232 : f32 to vector<16xf32>
    %sub3A_1234 = arith.subf %sub3A_1233, %mul3A_1231 : vector<16xf32>
    %mul3A_1235 = arith.mulf %mul3A_1230, %sub3A_1234 : vector<16xf32>
    %mul3A_1236 = arith.mulf %abs3A_1220, %mul3A_1235 : vector<16xf32>
    %sub3A_1237 = arith.constant 2.000000e+00 : f32
    %sub3A_1238 = vector.broadcast %sub3A_1237 : f32 to vector<16xf32>
    %sub3A_1239 = arith.subf %sub3A_1238, %mul3A_1236 : vector<16xf32>
    %mul3A_1240 = arith.mulf %mul3A_1235, %sub3A_1239 : vector<16xf32>
    %lt3A_1241 = arith.constant 0.000000e+00 : f32
    %lt3A_1242 = vector.broadcast %lt3A_1241 : f32 to vector<16xf32>
    %lt3A_1243 = arith.cmpf olt, %select_n3A_1219, %lt3A_1242 : vector<16xf32>
    %neg3A_1244 = arith.constant 0.000000e+00 : f32
    %neg3A_1245 = vector.broadcast %neg3A_1244 : f32 to vector<16xf32>
    %neg3A_1246 = arith.subf %neg3A_1245, %mul3A_1240 : vector<16xf32>
    %select_n3A_1247 = arith.select %lt3A_1243, %neg3A_1246, %mul3A_1240 : vector<16xi1>, vector<16xf32>
    %eq3A_1248 = arith.constant 0.000000e+00 : f32
    %eq3A_1249 = vector.broadcast %eq3A_1248 : f32 to vector<16xf32>
    %eq3A_1250 = arith.cmpf oeq, %add3A_972, %eq3A_1249 : vector<16xf32>
    %jit3A_1251 = arith.constant 9.99999997E-7 : f32
    %broadcast_in_dim3A_1252 = vector.broadcast %jit3A_1251 : f32 to vector<16xf32>
    %select_n3A_1253 = arith.select %eq3A_1250, %broadcast_in_dim3A_1252, %add3A_972 : vector<16xi1>, vector<16xf32>
    %abs3A_1254 = math.absf %select_n3A_1253 : vector<16xf32>
    %bitcast_convert_type3A_1255 = tpu.bitcast %abs3A_1254 : vector<16xf32> -> vector<16xi32>
    %sub3A_1256 = arith.constant 2129950677 : i32
    %sub3A_1257 = vector.broadcast %sub3A_1256 : i32 to vector<16xi32>
    %sub3A_1258 = arith.subi %sub3A_1257, %bitcast_convert_type3A_1255 : vector<16xi32>
    %bitcast_convert_type3A_1259 = tpu.bitcast %sub3A_1258 : vector<16xi32> -> vector<16xf32>
    %mul3A_1260 = arith.mulf %abs3A_1254, %bitcast_convert_type3A_1259 : vector<16xf32>
    %sub3A_1261 = arith.constant 2.000000e+00 : f32
    %sub3A_1262 = vector.broadcast %sub3A_1261 : f32 to vector<16xf32>
    %sub3A_1263 = arith.subf %sub3A_1262, %mul3A_1260 : vector<16xf32>
    %mul3A_1264 = arith.mulf %bitcast_convert_type3A_1259, %sub3A_1263 : vector<16xf32>
    %mul3A_1265 = arith.mulf %abs3A_1254, %mul3A_1264 : vector<16xf32>
    %sub3A_1266 = arith.constant 2.000000e+00 : f32
    %sub3A_1267 = vector.broadcast %sub3A_1266 : f32 to vector<16xf32>
    %sub3A_1268 = arith.subf %sub3A_1267, %mul3A_1265 : vector<16xf32>
    %mul3A_1269 = arith.mulf %mul3A_1264, %sub3A_1268 : vector<16xf32>
    %mul3A_1270 = arith.mulf %abs3A_1254, %mul3A_1269 : vector<16xf32>
    %sub3A_1271 = arith.constant 2.000000e+00 : f32
    %sub3A_1272 = vector.broadcast %sub3A_1271 : f32 to vector<16xf32>
    %sub3A_1273 = arith.subf %sub3A_1272, %mul3A_1270 : vector<16xf32>
    %mul3A_1274 = arith.mulf %mul3A_1269, %sub3A_1273 : vector<16xf32>
    %lt3A_1275 = arith.constant 0.000000e+00 : f32
    %lt3A_1276 = vector.broadcast %lt3A_1275 : f32 to vector<16xf32>
    %lt3A_1277 = arith.cmpf olt, %select_n3A_1253, %lt3A_1276 : vector<16xf32>
    %neg3A_1278 = arith.constant 0.000000e+00 : f32
    %neg3A_1279 = vector.broadcast %neg3A_1278 : f32 to vector<16xf32>
    %neg3A_1280 = arith.subf %neg3A_1279, %mul3A_1274 : vector<16xf32>
    %select_n3A_1281 = arith.select %lt3A_1277, %neg3A_1280, %mul3A_1274 : vector<16xi1>, vector<16xf32>
    %eq3A_1282 = arith.constant 0.000000e+00 : f32
    %eq3A_1283 = vector.broadcast %eq3A_1282 : f32 to vector<16xf32>
    %eq3A_1284 = arith.cmpf oeq, %add3A_975, %eq3A_1283 : vector<16xf32>
    %jit3A_1285 = arith.constant 9.99999997E-7 : f32
    %broadcast_in_dim3A_1286 = vector.broadcast %jit3A_1285 : f32 to vector<16xf32>
    %select_n3A_1287 = arith.select %eq3A_1284, %broadcast_in_dim3A_1286, %add3A_975 : vector<16xi1>, vector<16xf32>
    %abs3A_1288 = math.absf %select_n3A_1287 : vector<16xf32>
    %bitcast_convert_type3A_1289 = tpu.bitcast %abs3A_1288 : vector<16xf32> -> vector<16xi32>
    %sub3A_1290 = arith.constant 2129950677 : i32
    %sub3A_1291 = vector.broadcast %sub3A_1290 : i32 to vector<16xi32>
    %sub3A_1292 = arith.subi %sub3A_1291, %bitcast_convert_type3A_1289 : vector<16xi32>
    %bitcast_convert_type3A_1293 = tpu.bitcast %sub3A_1292 : vector<16xi32> -> vector<16xf32>
    %mul3A_1294 = arith.mulf %abs3A_1288, %bitcast_convert_type3A_1293 : vector<16xf32>
    %sub3A_1295 = arith.constant 2.000000e+00 : f32
    %sub3A_1296 = vector.broadcast %sub3A_1295 : f32 to vector<16xf32>
    %sub3A_1297 = arith.subf %sub3A_1296, %mul3A_1294 : vector<16xf32>
    %mul3A_1298 = arith.mulf %bitcast_convert_type3A_1293, %sub3A_1297 : vector<16xf32>
    %mul3A_1299 = arith.mulf %abs3A_1288, %mul3A_1298 : vector<16xf32>
    %sub3A_1300 = arith.constant 2.000000e+00 : f32
    %sub3A_1301 = vector.broadcast %sub3A_1300 : f32 to vector<16xf32>
    %sub3A_1302 = arith.subf %sub3A_1301, %mul3A_1299 : vector<16xf32>
    %mul3A_1303 = arith.mulf %mul3A_1298, %sub3A_1302 : vector<16xf32>
    %mul3A_1304 = arith.mulf %abs3A_1288, %mul3A_1303 : vector<16xf32>
    %sub3A_1305 = arith.constant 2.000000e+00 : f32
    %sub3A_1306 = vector.broadcast %sub3A_1305 : f32 to vector<16xf32>
    %sub3A_1307 = arith.subf %sub3A_1306, %mul3A_1304 : vector<16xf32>
    %mul3A_1308 = arith.mulf %mul3A_1303, %sub3A_1307 : vector<16xf32>
    %lt3A_1309 = arith.constant 0.000000e+00 : f32
    %lt3A_1310 = vector.broadcast %lt3A_1309 : f32 to vector<16xf32>
    %lt3A_1311 = arith.cmpf olt, %select_n3A_1287, %lt3A_1310 : vector<16xf32>
    %neg3A_1312 = arith.constant 0.000000e+00 : f32
    %neg3A_1313 = vector.broadcast %neg3A_1312 : f32 to vector<16xf32>
    %neg3A_1314 = arith.subf %neg3A_1313, %mul3A_1308 : vector<16xf32>
    %select_n3A_1315 = arith.select %lt3A_1311, %neg3A_1314, %mul3A_1308 : vector<16xi1>, vector<16xf32>
    %mul3A_1316 = arith.mulf %get3A_40, %add3A_948 : vector<16xf32>
    %mul3A_1317 = arith.mulf %get3A_40, %add3A_951 : vector<16xf32>
    %mul3A_1318 = arith.mulf %get3A_40, %add3A_954 : vector<16xf32>
    %mul3A_1319 = arith.mulf %get3A_40, %add3A_957 : vector<16xf32>
    %mul3A_1320 = arith.mulf %get3A_40, %add3A_960 : vector<16xf32>
    %mul3A_1321 = arith.mulf %get3A_40, %add3A_963 : vector<16xf32>
    %mul3A_1322 = arith.mulf %get3A_40, %add3A_966 : vector<16xf32>
    %mul3A_1323 = arith.mulf %get3A_40, %add3A_969 : vector<16xf32>
    %mul3A_1324 = arith.mulf %get3A_40, %add3A_972 : vector<16xf32>
    %mul3A_1325 = arith.mulf %get3A_40, %add3A_975 : vector<16xf32>
    %mul3A_1326 = arith.mulf %get3A_44, %add3A_948 : vector<16xf32>
    %mul3A_1327 = arith.mulf %get3A_44, %add3A_951 : vector<16xf32>
    %mul3A_1328 = arith.mulf %get3A_44, %add3A_954 : vector<16xf32>
    %mul3A_1329 = arith.mulf %get3A_44, %add3A_957 : vector<16xf32>
    %mul3A_1330 = arith.mulf %get3A_44, %add3A_960 : vector<16xf32>
    %mul3A_1331 = arith.mulf %get3A_44, %add3A_963 : vector<16xf32>
    %mul3A_1332 = arith.mulf %get3A_44, %add3A_966 : vector<16xf32>
    %mul3A_1333 = arith.mulf %get3A_44, %add3A_969 : vector<16xf32>
    %mul3A_1334 = arith.mulf %get3A_44, %add3A_972 : vector<16xf32>
    %mul3A_1335 = arith.mulf %get3A_44, %add3A_975 : vector<16xf32>
    %mul3A_1336 = arith.mulf %select_n3A_1009, %mul3A_1326 : vector<16xf32>
    %add3A_1337 = arith.constant 0 : i32
    %add3A_1338 = vector.broadcast %add3A_1337 : i32 to vector<16xi32>
    %add3A_1339 = arith.addi %mul3A_896, %add3A_1338 : vector<16xi32>
    tpu.vector_store_idx %arg9[%add3A_1339], %mul3A_1336 : memref<3200xf32, #tpu.memory_space<vmem>>[vector<16xi32>], vector<16xf32>,
    %mul3A_1340 = arith.mulf %select_n3A_1009, %mul3A_1317 : vector<16xf32>
    %add3A_1341 = arith.constant 1 : i32
    %add3A_1342 = vector.broadcast %add3A_1341 : i32 to vector<16xi32>
    %add3A_1343 = arith.addi %mul3A_896, %add3A_1342 : vector<16xi32>
    tpu.vector_store_idx %arg9[%add3A_1343], %mul3A_1340 : memref<3200xf32, #tpu.memory_space<vmem>>[vector<16xi32>], vector<16xf32>,
    %mul3A_1344 = arith.mulf %select_n3A_1009, %mul3A_1318 : vector<16xf32>
    %add3A_1345 = arith.constant 2 : i32
    %add3A_1346 = vector.broadcast %add3A_1345 : i32 to vector<16xi32>
    %add3A_1347 = arith.addi %mul3A_896, %add3A_1346 : vector<16xi32>
    tpu.vector_store_idx %arg9[%add3A_1347], %mul3A_1344 : memref<3200xf32, #tpu.memory_space<vmem>>[vector<16xi32>], vector<16xf32>,
    %mul3A_1348 = arith.mulf %select_n3A_1009, %mul3A_1319 : vector<16xf32>
    %add3A_1349 = arith.constant 3 : i32
    %add3A_1350 = vector.broadcast %add3A_1349 : i32 to vector<16xi32>
    %add3A_1351 = arith.addi %mul3A_896, %add3A_1350 : vector<16xi32>
    tpu.vector_store_idx %arg9[%add3A_1351], %mul3A_1348 : memref<3200xf32, #tpu.memory_space<vmem>>[vector<16xi32>], vector<16xf32>,
    %mul3A_1352 = arith.mulf %select_n3A_1009, %mul3A_1320 : vector<16xf32>
    %add3A_1353 = arith.constant 4 : i32
    %add3A_1354 = vector.broadcast %add3A_1353 : i32 to vector<16xi32>
    %add3A_1355 = arith.addi %mul3A_896, %add3A_1354 : vector<16xi32>
    tpu.vector_store_idx %arg9[%add3A_1355], %mul3A_1352 : memref<3200xf32, #tpu.memory_space<vmem>>[vector<16xi32>], vector<16xf32>,
    %mul3A_1356 = arith.mulf %select_n3A_1009, %mul3A_1321 : vector<16xf32>
    %add3A_1357 = arith.constant 5 : i32
    %add3A_1358 = vector.broadcast %add3A_1357 : i32 to vector<16xi32>
    %add3A_1359 = arith.addi %mul3A_896, %add3A_1358 : vector<16xi32>
    tpu.vector_store_idx %arg9[%add3A_1359], %mul3A_1356 : memref<3200xf32, #tpu.memory_space<vmem>>[vector<16xi32>], vector<16xf32>,
    %mul3A_1360 = arith.mulf %select_n3A_1009, %mul3A_1322 : vector<16xf32>
    %add3A_1361 = arith.constant 6 : i32
    %add3A_1362 = vector.broadcast %add3A_1361 : i32 to vector<16xi32>
    %add3A_1363 = arith.addi %mul3A_896, %add3A_1362 : vector<16xi32>
    tpu.vector_store_idx %arg9[%add3A_1363], %mul3A_1360 : memref<3200xf32, #tpu.memory_space<vmem>>[vector<16xi32>], vector<16xf32>,
    %mul3A_1364 = arith.mulf %select_n3A_1009, %mul3A_1323 : vector<16xf32>
    %add3A_1365 = arith.constant 7 : i32
    %add3A_1366 = vector.broadcast %add3A_1365 : i32 to vector<16xi32>
    %add3A_1367 = arith.addi %mul3A_896, %add3A_1366 : vector<16xi32>
    tpu.vector_store_idx %arg9[%add3A_1367], %mul3A_1364 : memref<3200xf32, #tpu.memory_space<vmem>>[vector<16xi32>], vector<16xf32>,
    %mul3A_1368 = arith.mulf %select_n3A_1009, %mul3A_1324 : vector<16xf32>
    %add3A_1369 = arith.constant 8 : i32
    %add3A_1370 = vector.broadcast %add3A_1369 : i32 to vector<16xi32>
    %add3A_1371 = arith.addi %mul3A_896, %add3A_1370 : vector<16xi32>
    tpu.vector_store_idx %arg9[%add3A_1371], %mul3A_1368 : memref<3200xf32, #tpu.memory_space<vmem>>[vector<16xi32>], vector<16xf32>,
    %mul3A_1372 = arith.mulf %select_n3A_1009, %mul3A_1325 : vector<16xf32>
    %add3A_1373 = arith.constant 9 : i32
    %add3A_1374 = vector.broadcast %add3A_1373 : i32 to vector<16xi32>
    %add3A_1375 = arith.addi %mul3A_896, %add3A_1374 : vector<16xi32>
    tpu.vector_store_idx %arg9[%add3A_1375], %mul3A_1372 : memref<3200xf32, #tpu.memory_space<vmem>>[vector<16xi32>], vector<16xf32>,
    %mul3A_1376 = arith.mulf %select_n3A_1043, %mul3A_1316 : vector<16xf32>
    %add3A_1377 = arith.constant 10 : i32
    %add3A_1378 = vector.broadcast %add3A_1377 : i32 to vector<16xi32>
    %add3A_1379 = arith.addi %mul3A_896, %add3A_1378 : vector<16xi32>
    tpu.vector_store_idx %arg9[%add3A_1379], %mul3A_1376 : memref<3200xf32, #tpu.memory_space<vmem>>[vector<16xi32>], vector<16xf32>,
    %mul3A_1380 = arith.mulf %select_n3A_1043, %mul3A_1327 : vector<16xf32>
    %add3A_1381 = arith.constant 11 : i32
    %add3A_1382 = vector.broadcast %add3A_1381 : i32 to vector<16xi32>
    %add3A_1383 = arith.addi %mul3A_896, %add3A_1382 : vector<16xi32>
    tpu.vector_store_idx %arg9[%add3A_1383], %mul3A_1380 : memref<3200xf32, #tpu.memory_space<vmem>>[vector<16xi32>], vector<16xf32>,
    %mul3A_1384 = arith.mulf %select_n3A_1043, %mul3A_1318 : vector<16xf32>
    %add3A_1385 = arith.constant 12 : i32
    %add3A_1386 = vector.broadcast %add3A_1385 : i32 to vector<16xi32>
    %add3A_1387 = arith.addi %mul3A_896, %add3A_1386 : vector<16xi32>
    tpu.vector_store_idx %arg9[%add3A_1387], %mul3A_1384 : memref<3200xf32, #tpu.memory_space<vmem>>[vector<16xi32>], vector<16xf32>,
    %mul3A_1388 = arith.mulf %select_n3A_1043, %mul3A_1319 : vector<16xf32>
    %add3A_1389 = arith.constant 13 : i32
    %add3A_1390 = vector.broadcast %add3A_1389 : i32 to vector<16xi32>
    %add3A_1391 = arith.addi %mul3A_896, %add3A_1390 : vector<16xi32>
    tpu.vector_store_idx %arg9[%add3A_1391], %mul3A_1388 : memref<3200xf32, #tpu.memory_space<vmem>>[vector<16xi32>], vector<16xf32>,
    %mul3A_1392 = arith.mulf %select_n3A_1043, %mul3A_1320 : vector<16xf32>
    %add3A_1393 = arith.constant 14 : i32
    %add3A_1394 = vector.broadcast %add3A_1393 : i32 to vector<16xi32>
    %add3A_1395 = arith.addi %mul3A_896, %add3A_1394 : vector<16xi32>
    tpu.vector_store_idx %arg9[%add3A_1395], %mul3A_1392 : memref<3200xf32, #tpu.memory_space<vmem>>[vector<16xi32>], vector<16xf32>,
    %mul3A_1396 = arith.mulf %select_n3A_1043, %mul3A_1321 : vector<16xf32>
    %add3A_1397 = arith.constant 15 : i32
    %add3A_1398 = vector.broadcast %add3A_1397 : i32 to vector<16xi32>
    %add3A_1399 = arith.addi %mul3A_896, %add3A_1398 : vector<16xi32>
    tpu.vector_store_idx %arg9[%add3A_1399], %mul3A_1396 : memref<3200xf32, #tpu.memory_space<vmem>>[vector<16xi32>], vector<16xf32>,
    %mul3A_1400 = arith.mulf %select_n3A_1043, %mul3A_1322 : vector<16xf32>
    %add3A_1401 = arith.constant 16 : i32
    %add3A_1402 = vector.broadcast %add3A_1401 : i32 to vector<16xi32>
    %add3A_1403 = arith.addi %mul3A_896, %add3A_1402 : vector<16xi32>
    tpu.vector_store_idx %arg9[%add3A_1403], %mul3A_1400 : memref<3200xf32, #tpu.memory_space<vmem>>[vector<16xi32>], vector<16xf32>,
    %mul3A_1404 = arith.mulf %select_n3A_1043, %mul3A_1323 : vector<16xf32>
    %add3A_1405 = arith.constant 17 : i32
    %add3A_1406 = vector.broadcast %add3A_1405 : i32 to vector<16xi32>
    %add3A_1407 = arith.addi %mul3A_896, %add3A_1406 : vector<16xi32>
    tpu.vector_store_idx %arg9[%add3A_1407], %mul3A_1404 : memref<3200xf32, #tpu.memory_space<vmem>>[vector<16xi32>], vector<16xf32>,
    %mul3A_1408 = arith.mulf %select_n3A_1043, %mul3A_1324 : vector<16xf32>
    %add3A_1409 = arith.constant 18 : i32
    %add3A_1410 = vector.broadcast %add3A_1409 : i32 to vector<16xi32>
    %add3A_1411 = arith.addi %mul3A_896, %add3A_1410 : vector<16xi32>
    tpu.vector_store_idx %arg9[%add3A_1411], %mul3A_1408 : memref<3200xf32, #tpu.memory_space<vmem>>[vector<16xi32>], vector<16xf32>,
    %mul3A_1412 = arith.mulf %select_n3A_1043, %mul3A_1325 : vector<16xf32>
    %add3A_1413 = arith.constant 19 : i32
    %add3A_1414 = vector.broadcast %add3A_1413 : i32 to vector<16xi32>
    %add3A_1415 = arith.addi %mul3A_896, %add3A_1414 : vector<16xi32>
    tpu.vector_store_idx %arg9[%add3A_1415], %mul3A_1412 : memref<3200xf32, #tpu.memory_space<vmem>>[vector<16xi32>], vector<16xf32>,
    %mul3A_1416 = arith.mulf %select_n3A_1077, %mul3A_1316 : vector<16xf32>
    %add3A_1417 = arith.constant 20 : i32
    %add3A_1418 = vector.broadcast %add3A_1417 : i32 to vector<16xi32>
    %add3A_1419 = arith.addi %mul3A_896, %add3A_1418 : vector<16xi32>
    tpu.vector_store_idx %arg9[%add3A_1419], %mul3A_1416 : memref<3200xf32, #tpu.memory_space<vmem>>[vector<16xi32>], vector<16xf32>,
    %mul3A_1420 = arith.mulf %select_n3A_1077, %mul3A_1317 : vector<16xf32>
    %add3A_1421 = arith.constant 21 : i32
    %add3A_1422 = vector.broadcast %add3A_1421 : i32 to vector<16xi32>
    %add3A_1423 = arith.addi %mul3A_896, %add3A_1422 : vector<16xi32>
    tpu.vector_store_idx %arg9[%add3A_1423], %mul3A_1420 : memref<3200xf32, #tpu.memory_space<vmem>>[vector<16xi32>], vector<16xf32>,
    %mul3A_1424 = arith.mulf %select_n3A_1077, %mul3A_1328 : vector<16xf32>
    %add3A_1425 = arith.constant 22 : i32
    %add3A_1426 = vector.broadcast %add3A_1425 : i32 to vector<16xi32>
    %add3A_1427 = arith.addi %mul3A_896, %add3A_1426 : vector<16xi32>
    tpu.vector_store_idx %arg9[%add3A_1427], %mul3A_1424 : memref<3200xf32, #tpu.memory_space<vmem>>[vector<16xi32>], vector<16xf32>,
    %mul3A_1428 = arith.mulf %select_n3A_1077, %mul3A_1319 : vector<16xf32>
    %add3A_1429 = arith.constant 23 : i32
    %add3A_1430 = vector.broadcast %add3A_1429 : i32 to vector<16xi32>
    %add3A_1431 = arith.addi %mul3A_896, %add3A_1430 : vector<16xi32>
    tpu.vector_store_idx %arg9[%add3A_1431], %mul3A_1428 : memref<3200xf32, #tpu.memory_space<vmem>>[vector<16xi32>], vector<16xf32>,
    %mul3A_1432 = arith.mulf %select_n3A_1077, %mul3A_1320 : vector<16xf32>
    %add3A_1433 = arith.constant 24 : i32
    %add3A_1434 = vector.broadcast %add3A_1433 : i32 to vector<16xi32>
    %add3A_1435 = arith.addi %mul3A_896, %add3A_1434 : vector<16xi32>
    tpu.vector_store_idx %arg9[%add3A_1435], %mul3A_1432 : memref<3200xf32, #tpu.memory_space<vmem>>[vector<16xi32>], vector<16xf32>,
    %mul3A_1436 = arith.mulf %select_n3A_1077, %mul3A_1321 : vector<16xf32>
    %add3A_1437 = arith.constant 25 : i32
    %add3A_1438 = vector.broadcast %add3A_1437 : i32 to vector<16xi32>
    %add3A_1439 = arith.addi %mul3A_896, %add3A_1438 : vector<16xi32>
    tpu.vector_store_idx %arg9[%add3A_1439], %mul3A_1436 : memref<3200xf32, #tpu.memory_space<vmem>>[vector<16xi32>], vector<16xf32>,
    %mul3A_1440 = arith.mulf %select_n3A_1077, %mul3A_1322 : vector<16xf32>
    %add3A_1441 = arith.constant 26 : i32
    %add3A_1442 = vector.broadcast %add3A_1441 : i32 to vector<16xi32>
    %add3A_1443 = arith.addi %mul3A_896, %add3A_1442 : vector<16xi32>
    tpu.vector_store_idx %arg9[%add3A_1443], %mul3A_1440 : memref<3200xf32, #tpu.memory_space<vmem>>[vector<16xi32>], vector<16xf32>,
    %mul3A_1444 = arith.mulf %select_n3A_1077, %mul3A_1323 : vector<16xf32>
    %add3A_1445 = arith.constant 27 : i32
    %add3A_1446 = vector.broadcast %add3A_1445 : i32 to vector<16xi32>
    %add3A_1447 = arith.addi %mul3A_896, %add3A_1446 : vector<16xi32>
    tpu.vector_store_idx %arg9[%add3A_1447], %mul3A_1444 : memref<3200xf32, #tpu.memory_space<vmem>>[vector<16xi32>], vector<16xf32>,
    %mul3A_1448 = arith.mulf %select_n3A_1077, %mul3A_1324 : vector<16xf32>
    %add3A_1449 = arith.constant 28 : i32
    %add3A_1450 = vector.broadcast %add3A_1449 : i32 to vector<16xi32>
    %add3A_1451 = arith.addi %mul3A_896, %add3A_1450 : vector<16xi32>
    tpu.vector_store_idx %arg9[%add3A_1451], %mul3A_1448 : memref<3200xf32, #tpu.memory_space<vmem>>[vector<16xi32>], vector<16xf32>,
    %mul3A_1452 = arith.mulf %select_n3A_1077, %mul3A_1325 : vector<16xf32>
    %add3A_1453 = arith.constant 29 : i32
    %add3A_1454 = vector.broadcast %add3A_1453 : i32 to vector<16xi32>
    %add3A_1455 = arith.addi %mul3A_896, %add3A_1454 : vector<16xi32>
    tpu.vector_store_idx %arg9[%add3A_1455], %mul3A_1452 : memref<3200xf32, #tpu.memory_space<vmem>>[vector<16xi32>], vector<16xf32>,
    %mul3A_1456 = arith.mulf %select_n3A_1111, %mul3A_1316 : vector<16xf32>
    %add3A_1457 = arith.constant 30 : i32
    %add3A_1458 = vector.broadcast %add3A_1457 : i32 to vector<16xi32>
    %add3A_1459 = arith.addi %mul3A_896, %add3A_1458 : vector<16xi32>
    tpu.vector_store_idx %arg9[%add3A_1459], %mul3A_1456 : memref<3200xf32, #tpu.memory_space<vmem>>[vector<16xi32>], vector<16xf32>,
    %mul3A_1460 = arith.mulf %select_n3A_1111, %mul3A_1317 : vector<16xf32>
    %add3A_1461 = arith.constant 31 : i32
    %add3A_1462 = vector.broadcast %add3A_1461 : i32 to vector<16xi32>
    %add3A_1463 = arith.addi %mul3A_896, %add3A_1462 : vector<16xi32>
    tpu.vector_store_idx %arg9[%add3A_1463], %mul3A_1460 : memref<3200xf32, #tpu.memory_space<vmem>>[vector<16xi32>], vector<16xf32>,
    %mul3A_1464 = arith.mulf %select_n3A_1111, %mul3A_1318 : vector<16xf32>
    %add3A_1465 = arith.constant 32 : i32
    %add3A_1466 = vector.broadcast %add3A_1465 : i32 to vector<16xi32>
    %add3A_1467 = arith.addi %mul3A_896, %add3A_1466 : vector<16xi32>
    tpu.vector_store_idx %arg9[%add3A_1467], %mul3A_1464 : memref<3200xf32, #tpu.memory_space<vmem>>[vector<16xi32>], vector<16xf32>,
    %mul3A_1468 = arith.mulf %select_n3A_1111, %mul3A_1329 : vector<16xf32>
    %add3A_1469 = arith.constant 33 : i32
    %add3A_1470 = vector.broadcast %add3A_1469 : i32 to vector<16xi32>
    %add3A_1471 = arith.addi %mul3A_896, %add3A_1470 : vector<16xi32>
    tpu.vector_store_idx %arg9[%add3A_1471], %mul3A_1468 : memref<3200xf32, #tpu.memory_space<vmem>>[vector<16xi32>], vector<16xf32>,
    %mul3A_1472 = arith.mulf %select_n3A_1111, %mul3A_1320 : vector<16xf32>
    %add3A_1473 = arith.constant 34 : i32
    %add3A_1474 = vector.broadcast %add3A_1473 : i32 to vector<16xi32>
    %add3A_1475 = arith.addi %mul3A_896, %add3A_1474 : vector<16xi32>
    tpu.vector_store_idx %arg9[%add3A_1475], %mul3A_1472 : memref<3200xf32, #tpu.memory_space<vmem>>[vector<16xi32>], vector<16xf32>,
    %mul3A_1476 = arith.mulf %select_n3A_1111, %mul3A_1321 : vector<16xf32>
    %add3A_1477 = arith.constant 35 : i32
    %add3A_1478 = vector.broadcast %add3A_1477 : i32 to vector<16xi32>
    %add3A_1479 = arith.addi %mul3A_896, %add3A_1478 : vector<16xi32>
    tpu.vector_store_idx %arg9[%add3A_1479], %mul3A_1476 : memref<3200xf32, #tpu.memory_space<vmem>>[vector<16xi32>], vector<16xf32>,
    %mul3A_1480 = arith.mulf %select_n3A_1111, %mul3A_1322 : vector<16xf32>
    %add3A_1481 = arith.constant 36 : i32
    %add3A_1482 = vector.broadcast %add3A_1481 : i32 to vector<16xi32>
    %add3A_1483 = arith.addi %mul3A_896, %add3A_1482 : vector<16xi32>
    tpu.vector_store_idx %arg9[%add3A_1483], %mul3A_1480 : memref<3200xf32, #tpu.memory_space<vmem>>[vector<16xi32>], vector<16xf32>,
    %mul3A_1484 = arith.mulf %select_n3A_1111, %mul3A_1323 : vector<16xf32>
    %add3A_1485 = arith.constant 37 : i32
    %add3A_1486 = vector.broadcast %add3A_1485 : i32 to vector<16xi32>
    %add3A_1487 = arith.addi %mul3A_896, %add3A_1486 : vector<16xi32>
    tpu.vector_store_idx %arg9[%add3A_1487], %mul3A_1484 : memref<3200xf32, #tpu.memory_space<vmem>>[vector<16xi32>], vector<16xf32>,
    %mul3A_1488 = arith.mulf %select_n3A_1111, %mul3A_1324 : vector<16xf32>
    %add3A_1489 = arith.constant 38 : i32
    %add3A_1490 = vector.broadcast %add3A_1489 : i32 to vector<16xi32>
    %add3A_1491 = arith.addi %mul3A_896, %add3A_1490 : vector<16xi32>
    tpu.vector_store_idx %arg9[%add3A_1491], %mul3A_1488 : memref<3200xf32, #tpu.memory_space<vmem>>[vector<16xi32>], vector<16xf32>,
    %mul3A_1492 = arith.mulf %select_n3A_1111, %mul3A_1325 : vector<16xf32>
    %add3A_1493 = arith.constant 39 : i32
    %add3A_1494 = vector.broadcast %add3A_1493 : i32 to vector<16xi32>
    %add3A_1495 = arith.addi %mul3A_896, %add3A_1494 : vector<16xi32>
    tpu.vector_store_idx %arg9[%add3A_1495], %mul3A_1492 : memref<3200xf32, #tpu.memory_space<vmem>>[vector<16xi32>], vector<16xf32>,
    %mul3A_1496 = arith.mulf %select_n3A_1145, %mul3A_1316 : vector<16xf32>
    %add3A_1497 = arith.constant 40 : i32
    %add3A_1498 = vector.broadcast %add3A_1497 : i32 to vector<16xi32>
    %add3A_1499 = arith.addi %mul3A_896, %add3A_1498 : vector<16xi32>
    tpu.vector_store_idx %arg9[%add3A_1499], %mul3A_1496 : memref<3200xf32, #tpu.memory_space<vmem>>[vector<16xi32>], vector<16xf32>,
    %mul3A_1500 = arith.mulf %select_n3A_1145, %mul3A_1317 : vector<16xf32>
    %add3A_1501 = arith.constant 41 : i32
    %add3A_1502 = vector.broadcast %add3A_1501 : i32 to vector<16xi32>
    %add3A_1503 = arith.addi %mul3A_896, %add3A_1502 : vector<16xi32>
    tpu.vector_store_idx %arg9[%add3A_1503], %mul3A_1500 : memref<3200xf32, #tpu.memory_space<vmem>>[vector<16xi32>], vector<16xf32>,
    %mul3A_1504 = arith.mulf %select_n3A_1145, %mul3A_1318 : vector<16xf32>
    %add3A_1505 = arith.constant 42 : i32
    %add3A_1506 = vector.broadcast %add3A_1505 : i32 to vector<16xi32>
    %add3A_1507 = arith.addi %mul3A_896, %add3A_1506 : vector<16xi32>
    tpu.vector_store_idx %arg9[%add3A_1507], %mul3A_1504 : memref<3200xf32, #tpu.memory_space<vmem>>[vector<16xi32>], vector<16xf32>,
    %mul3A_1508 = arith.mulf %select_n3A_1145, %mul3A_1319 : vector<16xf32>
    %add3A_1509 = arith.constant 43 : i32
    %add3A_1510 = vector.broadcast %add3A_1509 : i32 to vector<16xi32>
    %add3A_1511 = arith.addi %mul3A_896, %add3A_1510 : vector<16xi32>
    tpu.vector_store_idx %arg9[%add3A_1511], %mul3A_1508 : memref<3200xf32, #tpu.memory_space<vmem>>[vector<16xi32>], vector<16xf32>,
    %mul3A_1512 = arith.mulf %select_n3A_1145, %mul3A_1330 : vector<16xf32>
    %add3A_1513 = arith.constant 44 : i32
    %add3A_1514 = vector.broadcast %add3A_1513 : i32 to vector<16xi32>
    %add3A_1515 = arith.addi %mul3A_896, %add3A_1514 : vector<16xi32>
    tpu.vector_store_idx %arg9[%add3A_1515], %mul3A_1512 : memref<3200xf32, #tpu.memory_space<vmem>>[vector<16xi32>], vector<16xf32>,
    %mul3A_1516 = arith.mulf %select_n3A_1145, %mul3A_1321 : vector<16xf32>
    %add3A_1517 = arith.constant 45 : i32
    %add3A_1518 = vector.broadcast %add3A_1517 : i32 to vector<16xi32>
    %add3A_1519 = arith.addi %mul3A_896, %add3A_1518 : vector<16xi32>
    tpu.vector_store_idx %arg9[%add3A_1519], %mul3A_1516 : memref<3200xf32, #tpu.memory_space<vmem>>[vector<16xi32>], vector<16xf32>,
    %mul3A_1520 = arith.mulf %select_n3A_1145, %mul3A_1322 : vector<16xf32>
    %add3A_1521 = arith.constant 46 : i32
    %add3A_1522 = vector.broadcast %add3A_1521 : i32 to vector<16xi32>
    %add3A_1523 = arith.addi %mul3A_896, %add3A_1522 : vector<16xi32>
    tpu.vector_store_idx %arg9[%add3A_1523], %mul3A_1520 : memref<3200xf32, #tpu.memory_space<vmem>>[vector<16xi32>], vector<16xf32>,
    %mul3A_1524 = arith.mulf %select_n3A_1145, %mul3A_1323 : vector<16xf32>
    %add3A_1525 = arith.constant 47 : i32
    %add3A_1526 = vector.broadcast %add3A_1525 : i32 to vector<16xi32>
    %add3A_1527 = arith.addi %mul3A_896, %add3A_1526 : vector<16xi32>
    tpu.vector_store_idx %arg9[%add3A_1527], %mul3A_1524 : memref<3200xf32, #tpu.memory_space<vmem>>[vector<16xi32>], vector<16xf32>,
    %mul3A_1528 = arith.mulf %select_n3A_1145, %mul3A_1324 : vector<16xf32>
    %add3A_1529 = arith.constant 48 : i32
    %add3A_1530 = vector.broadcast %add3A_1529 : i32 to vector<16xi32>
    %add3A_1531 = arith.addi %mul3A_896, %add3A_1530 : vector<16xi32>
    tpu.vector_store_idx %arg9[%add3A_1531], %mul3A_1528 : memref<3200xf32, #tpu.memory_space<vmem>>[vector<16xi32>], vector<16xf32>,
    %mul3A_1532 = arith.mulf %select_n3A_1145, %mul3A_1325 : vector<16xf32>
    %add3A_1533 = arith.constant 49 : i32
    %add3A_1534 = vector.broadcast %add3A_1533 : i32 to vector<16xi32>
    %add3A_1535 = arith.addi %mul3A_896, %add3A_1534 : vector<16xi32>
    tpu.vector_store_idx %arg9[%add3A_1535], %mul3A_1532 : memref<3200xf32, #tpu.memory_space<vmem>>[vector<16xi32>], vector<16xf32>,
    %mul3A_1536 = arith.mulf %select_n3A_1179, %mul3A_1316 : vector<16xf32>
    %add3A_1537 = arith.constant 50 : i32
    %add3A_1538 = vector.broadcast %add3A_1537 : i32 to vector<16xi32>
    %add3A_1539 = arith.addi %mul3A_896, %add3A_1538 : vector<16xi32>
    tpu.vector_store_idx %arg9[%add3A_1539], %mul3A_1536 : memref<3200xf32, #tpu.memory_space<vmem>>[vector<16xi32>], vector<16xf32>,
    %mul3A_1540 = arith.mulf %select_n3A_1179, %mul3A_1317 : vector<16xf32>
    %add3A_1541 = arith.constant 51 : i32
    %add3A_1542 = vector.broadcast %add3A_1541 : i32 to vector<16xi32>
    %add3A_1543 = arith.addi %mul3A_896, %add3A_1542 : vector<16xi32>
    tpu.vector_store_idx %arg9[%add3A_1543], %mul3A_1540 : memref<3200xf32, #tpu.memory_space<vmem>>[vector<16xi32>], vector<16xf32>,
    %mul3A_1544 = arith.mulf %select_n3A_1179, %mul3A_1318 : vector<16xf32>
    %add3A_1545 = arith.constant 52 : i32
    %add3A_1546 = vector.broadcast %add3A_1545 : i32 to vector<16xi32>
    %add3A_1547 = arith.addi %mul3A_896, %add3A_1546 : vector<16xi32>
    tpu.vector_store_idx %arg9[%add3A_1547], %mul3A_1544 : memref<3200xf32, #tpu.memory_space<vmem>>[vector<16xi32>], vector<16xf32>,
    %mul3A_1548 = arith.mulf %select_n3A_1179, %mul3A_1319 : vector<16xf32>
    %add3A_1549 = arith.constant 53 : i32
    %add3A_1550 = vector.broadcast %add3A_1549 : i32 to vector<16xi32>
    %add3A_1551 = arith.addi %mul3A_896, %add3A_1550 : vector<16xi32>
    tpu.vector_store_idx %arg9[%add3A_1551], %mul3A_1548 : memref<3200xf32, #tpu.memory_space<vmem>>[vector<16xi32>], vector<16xf32>,
    %mul3A_1552 = arith.mulf %select_n3A_1179, %mul3A_1320 : vector<16xf32>
    %add3A_1553 = arith.constant 54 : i32
    %add3A_1554 = vector.broadcast %add3A_1553 : i32 to vector<16xi32>
    %add3A_1555 = arith.addi %mul3A_896, %add3A_1554 : vector<16xi32>
    tpu.vector_store_idx %arg9[%add3A_1555], %mul3A_1552 : memref<3200xf32, #tpu.memory_space<vmem>>[vector<16xi32>], vector<16xf32>,
    %mul3A_1556 = arith.mulf %select_n3A_1179, %mul3A_1331 : vector<16xf32>
    %add3A_1557 = arith.constant 55 : i32
    %add3A_1558 = vector.broadcast %add3A_1557 : i32 to vector<16xi32>
    %add3A_1559 = arith.addi %mul3A_896, %add3A_1558 : vector<16xi32>
    tpu.vector_store_idx %arg9[%add3A_1559], %mul3A_1556 : memref<3200xf32, #tpu.memory_space<vmem>>[vector<16xi32>], vector<16xf32>,
    %mul3A_1560 = arith.mulf %select_n3A_1179, %mul3A_1322 : vector<16xf32>
    %add3A_1561 = arith.constant 56 : i32
    %add3A_1562 = vector.broadcast %add3A_1561 : i32 to vector<16xi32>
    %add3A_1563 = arith.addi %mul3A_896, %add3A_1562 : vector<16xi32>
    tpu.vector_store_idx %arg9[%add3A_1563], %mul3A_1560 : memref<3200xf32, #tpu.memory_space<vmem>>[vector<16xi32>], vector<16xf32>,
    %mul3A_1564 = arith.mulf %select_n3A_1179, %mul3A_1323 : vector<16xf32>
    %add3A_1565 = arith.constant 57 : i32
    %add3A_1566 = vector.broadcast %add3A_1565 : i32 to vector<16xi32>
    %add3A_1567 = arith.addi %mul3A_896, %add3A_1566 : vector<16xi32>
    tpu.vector_store_idx %arg9[%add3A_1567], %mul3A_1564 : memref<3200xf32, #tpu.memory_space<vmem>>[vector<16xi32>], vector<16xf32>,
    %mul3A_1568 = arith.mulf %select_n3A_1179, %mul3A_1324 : vector<16xf32>
    %add3A_1569 = arith.constant 58 : i32
    %add3A_1570 = vector.broadcast %add3A_1569 : i32 to vector<16xi32>
    %add3A_1571 = arith.addi %mul3A_896, %add3A_1570 : vector<16xi32>
    tpu.vector_store_idx %arg9[%add3A_1571], %mul3A_1568 : memref<3200xf32, #tpu.memory_space<vmem>>[vector<16xi32>], vector<16xf32>,
    %mul3A_1572 = arith.mulf %select_n3A_1179, %mul3A_1325 : vector<16xf32>
    %add3A_1573 = arith.constant 59 : i32
    %add3A_1574 = vector.broadcast %add3A_1573 : i32 to vector<16xi32>
    %add3A_1575 = arith.addi %mul3A_896, %add3A_1574 : vector<16xi32>
    tpu.vector_store_idx %arg9[%add3A_1575], %mul3A_1572 : memref<3200xf32, #tpu.memory_space<vmem>>[vector<16xi32>], vector<16xf32>,
    %mul3A_1576 = arith.mulf %select_n3A_1213, %mul3A_1316 : vector<16xf32>
    %add3A_1577 = arith.constant 60 : i32
    %add3A_1578 = vector.broadcast %add3A_1577 : i32 to vector<16xi32>
    %add3A_1579 = arith.addi %mul3A_896, %add3A_1578 : vector<16xi32>
    tpu.vector_store_idx %arg9[%add3A_1579], %mul3A_1576 : memref<3200xf32, #tpu.memory_space<vmem>>[vector<16xi32>], vector<16xf32>,
    %mul3A_1580 = arith.mulf %select_n3A_1213, %mul3A_1317 : vector<16xf32>
    %add3A_1581 = arith.constant 61 : i32
    %add3A_1582 = vector.broadcast %add3A_1581 : i32 to vector<16xi32>
    %add3A_1583 = arith.addi %mul3A_896, %add3A_1582 : vector<16xi32>
    tpu.vector_store_idx %arg9[%add3A_1583], %mul3A_1580 : memref<3200xf32, #tpu.memory_space<vmem>>[vector<16xi32>], vector<16xf32>,
    %mul3A_1584 = arith.mulf %select_n3A_1213, %mul3A_1318 : vector<16xf32>
    %add3A_1585 = arith.constant 62 : i32
    %add3A_1586 = vector.broadcast %add3A_1585 : i32 to vector<16xi32>
    %add3A_1587 = arith.addi %mul3A_896, %add3A_1586 : vector<16xi32>
    tpu.vector_store_idx %arg9[%add3A_1587], %mul3A_1584 : memref<3200xf32, #tpu.memory_space<vmem>>[vector<16xi32>], vector<16xf32>,
    %mul3A_1588 = arith.mulf %select_n3A_1213, %mul3A_1319 : vector<16xf32>
    %add3A_1589 = arith.constant 63 : i32
    %add3A_1590 = vector.broadcast %add3A_1589 : i32 to vector<16xi32>
    %add3A_1591 = arith.addi %mul3A_896, %add3A_1590 : vector<16xi32>
    tpu.vector_store_idx %arg9[%add3A_1591], %mul3A_1588 : memref<3200xf32, #tpu.memory_space<vmem>>[vector<16xi32>], vector<16xf32>,
    %mul3A_1592 = arith.mulf %select_n3A_1213, %mul3A_1320 : vector<16xf32>
    %add3A_1593 = arith.constant 64 : i32
    %add3A_1594 = vector.broadcast %add3A_1593 : i32 to vector<16xi32>
    %add3A_1595 = arith.addi %mul3A_896, %add3A_1594 : vector<16xi32>
    tpu.vector_store_idx %arg9[%add3A_1595], %mul3A_1592 : memref<3200xf32, #tpu.memory_space<vmem>>[vector<16xi32>], vector<16xf32>,
    %mul3A_1596 = arith.mulf %select_n3A_1213, %mul3A_1321 : vector<16xf32>
    %add3A_1597 = arith.constant 65 : i32
    %add3A_1598 = vector.broadcast %add3A_1597 : i32 to vector<16xi32>
    %add3A_1599 = arith.addi %mul3A_896, %add3A_1598 : vector<16xi32>
    tpu.vector_store_idx %arg9[%add3A_1599], %mul3A_1596 : memref<3200xf32, #tpu.memory_space<vmem>>[vector<16xi32>], vector<16xf32>,
    %mul3A_1600 = arith.mulf %select_n3A_1213, %mul3A_1332 : vector<16xf32>
    %add3A_1601 = arith.constant 66 : i32
    %add3A_1602 = vector.broadcast %add3A_1601 : i32 to vector<16xi32>
    %add3A_1603 = arith.addi %mul3A_896, %add3A_1602 : vector<16xi32>
    tpu.vector_store_idx %arg9[%add3A_1603], %mul3A_1600 : memref<3200xf32, #tpu.memory_space<vmem>>[vector<16xi32>], vector<16xf32>,
    %mul3A_1604 = arith.mulf %select_n3A_1213, %mul3A_1323 : vector<16xf32>
    %add3A_1605 = arith.constant 67 : i32
    %add3A_1606 = vector.broadcast %add3A_1605 : i32 to vector<16xi32>
    %add3A_1607 = arith.addi %mul3A_896, %add3A_1606 : vector<16xi32>
    tpu.vector_store_idx %arg9[%add3A_1607], %mul3A_1604 : memref<3200xf32, #tpu.memory_space<vmem>>[vector<16xi32>], vector<16xf32>,
    %mul3A_1608 = arith.mulf %select_n3A_1213, %mul3A_1324 : vector<16xf32>
    %add3A_1609 = arith.constant 68 : i32
    %add3A_1610 = vector.broadcast %add3A_1609 : i32 to vector<16xi32>
    %add3A_1611 = arith.addi %mul3A_896, %add3A_1610 : vector<16xi32>
    tpu.vector_store_idx %arg9[%add3A_1611], %mul3A_1608 : memref<3200xf32, #tpu.memory_space<vmem>>[vector<16xi32>], vector<16xf32>,
    %mul3A_1612 = arith.mulf %select_n3A_1213, %mul3A_1325 : vector<16xf32>
    %add3A_1613 = arith.constant 69 : i32
    %add3A_1614 = vector.broadcast %add3A_1613 : i32 to vector<16xi32>
    %add3A_1615 = arith.addi %mul3A_896, %add3A_1614 : vector<16xi32>
    tpu.vector_store_idx %arg9[%add3A_1615], %mul3A_1612 : memref<3200xf32, #tpu.memory_space<vmem>>[vector<16xi32>], vector<16xf32>,
    %mul3A_1616 = arith.mulf %select_n3A_1247, %mul3A_1316 : vector<16xf32>
    %add3A_1617 = arith.constant 70 : i32
    %add3A_1618 = vector.broadcast %add3A_1617 : i32 to vector<16xi32>
    %add3A_1619 = arith.addi %mul3A_896, %add3A_1618 : vector<16xi32>
    tpu.vector_store_idx %arg9[%add3A_1619], %mul3A_1616 : memref<3200xf32, #tpu.memory_space<vmem>>[vector<16xi32>], vector<16xf32>,
    %mul3A_1620 = arith.mulf %select_n3A_1247, %mul3A_1317 : vector<16xf32>
    %add3A_1621 = arith.constant 71 : i32
    %add3A_1622 = vector.broadcast %add3A_1621 : i32 to vector<16xi32>
    %add3A_1623 = arith.addi %mul3A_896, %add3A_1622 : vector<16xi32>
    tpu.vector_store_idx %arg9[%add3A_1623], %mul3A_1620 : memref<3200xf32, #tpu.memory_space<vmem>>[vector<16xi32>], vector<16xf32>,
    %mul3A_1624 = arith.mulf %select_n3A_1247, %mul3A_1318 : vector<16xf32>
    %add3A_1625 = arith.constant 72 : i32
    %add3A_1626 = vector.broadcast %add3A_1625 : i32 to vector<16xi32>
    %add3A_1627 = arith.addi %mul3A_896, %add3A_1626 : vector<16xi32>
    tpu.vector_store_idx %arg9[%add3A_1627], %mul3A_1624 : memref<3200xf32, #tpu.memory_space<vmem>>[vector<16xi32>], vector<16xf32>,
    %mul3A_1628 = arith.mulf %select_n3A_1247, %mul3A_1319 : vector<16xf32>
    %add3A_1629 = arith.constant 73 : i32
    %add3A_1630 = vector.broadcast %add3A_1629 : i32 to vector<16xi32>
    %add3A_1631 = arith.addi %mul3A_896, %add3A_1630 : vector<16xi32>
    tpu.vector_store_idx %arg9[%add3A_1631], %mul3A_1628 : memref<3200xf32, #tpu.memory_space<vmem>>[vector<16xi32>], vector<16xf32>,
    %mul3A_1632 = arith.mulf %select_n3A_1247, %mul3A_1320 : vector<16xf32>
    %add3A_1633 = arith.constant 74 : i32
    %add3A_1634 = vector.broadcast %add3A_1633 : i32 to vector<16xi32>
    %add3A_1635 = arith.addi %mul3A_896, %add3A_1634 : vector<16xi32>
    tpu.vector_store_idx %arg9[%add3A_1635], %mul3A_1632 : memref<3200xf32, #tpu.memory_space<vmem>>[vector<16xi32>], vector<16xf32>,
    %mul3A_1636 = arith.mulf %select_n3A_1247, %mul3A_1321 : vector<16xf32>
    %add3A_1637 = arith.constant 75 : i32
    %add3A_1638 = vector.broadcast %add3A_1637 : i32 to vector<16xi32>
    %add3A_1639 = arith.addi %mul3A_896, %add3A_1638 : vector<16xi32>
    tpu.vector_store_idx %arg9[%add3A_1639], %mul3A_1636 : memref<3200xf32, #tpu.memory_space<vmem>>[vector<16xi32>], vector<16xf32>,
    %mul3A_1640 = arith.mulf %select_n3A_1247, %mul3A_1322 : vector<16xf32>
    %add3A_1641 = arith.constant 76 : i32
    %add3A_1642 = vector.broadcast %add3A_1641 : i32 to vector<16xi32>
    %add3A_1643 = arith.addi %mul3A_896, %add3A_1642 : vector<16xi32>
    tpu.vector_store_idx %arg9[%add3A_1643], %mul3A_1640 : memref<3200xf32, #tpu.memory_space<vmem>>[vector<16xi32>], vector<16xf32>,
    %mul3A_1644 = arith.mulf %select_n3A_1247, %mul3A_1333 : vector<16xf32>
    %add3A_1645 = arith.constant 77 : i32
    %add3A_1646 = vector.broadcast %add3A_1645 : i32 to vector<16xi32>
    %add3A_1647 = arith.addi %mul3A_896, %add3A_1646 : vector<16xi32>
    tpu.vector_store_idx %arg9[%add3A_1647], %mul3A_1644 : memref<3200xf32, #tpu.memory_space<vmem>>[vector<16xi32>], vector<16xf32>,
    %mul3A_1648 = arith.mulf %select_n3A_1247, %mul3A_1324 : vector<16xf32>
    %add3A_1649 = arith.constant 78 : i32
    %add3A_1650 = vector.broadcast %add3A_1649 : i32 to vector<16xi32>
    %add3A_1651 = arith.addi %mul3A_896, %add3A_1650 : vector<16xi32>
    tpu.vector_store_idx %arg9[%add3A_1651], %mul3A_1648 : memref<3200xf32, #tpu.memory_space<vmem>>[vector<16xi32>], vector<16xf32>,
    %mul3A_1652 = arith.mulf %select_n3A_1247, %mul3A_1325 : vector<16xf32>
    %add3A_1653 = arith.constant 79 : i32
    %add3A_1654 = vector.broadcast %add3A_1653 : i32 to vector<16xi32>
    %add3A_1655 = arith.addi %mul3A_896, %add3A_1654 : vector<16xi32>
    tpu.vector_store_idx %arg9[%add3A_1655], %mul3A_1652 : memref<3200xf32, #tpu.memory_space<vmem>>[vector<16xi32>], vector<16xf32>,
    %mul3A_1656 = arith.mulf %select_n3A_1281, %mul3A_1316 : vector<16xf32>
    %add3A_1657 = arith.constant 80 : i32
    %add3A_1658 = vector.broadcast %add3A_1657 : i32 to vector<16xi32>
    %add3A_1659 = arith.addi %mul3A_896, %add3A_1658 : vector<16xi32>
    tpu.vector_store_idx %arg9[%add3A_1659], %mul3A_1656 : memref<3200xf32, #tpu.memory_space<vmem>>[vector<16xi32>], vector<16xf32>,
    %mul3A_1660 = arith.mulf %select_n3A_1281, %mul3A_1317 : vector<16xf32>
    %add3A_1661 = arith.constant 81 : i32
    %add3A_1662 = vector.broadcast %add3A_1661 : i32 to vector<16xi32>
    %add3A_1663 = arith.addi %mul3A_896, %add3A_1662 : vector<16xi32>
    tpu.vector_store_idx %arg9[%add3A_1663], %mul3A_1660 : memref<3200xf32, #tpu.memory_space<vmem>>[vector<16xi32>], vector<16xf32>,
    %mul3A_1664 = arith.mulf %select_n3A_1281, %mul3A_1318 : vector<16xf32>
    %add3A_1665 = arith.constant 82 : i32
    %add3A_1666 = vector.broadcast %add3A_1665 : i32 to vector<16xi32>
    %add3A_1667 = arith.addi %mul3A_896, %add3A_1666 : vector<16xi32>
    tpu.vector_store_idx %arg9[%add3A_1667], %mul3A_1664 : memref<3200xf32, #tpu.memory_space<vmem>>[vector<16xi32>], vector<16xf32>,
    %mul3A_1668 = arith.mulf %select_n3A_1281, %mul3A_1319 : vector<16xf32>
    %add3A_1669 = arith.constant 83 : i32
    %add3A_1670 = vector.broadcast %add3A_1669 : i32 to vector<16xi32>
    %add3A_1671 = arith.addi %mul3A_896, %add3A_1670 : vector<16xi32>
    tpu.vector_store_idx %arg9[%add3A_1671], %mul3A_1668 : memref<3200xf32, #tpu.memory_space<vmem>>[vector<16xi32>], vector<16xf32>,
    %mul3A_1672 = arith.mulf %select_n3A_1281, %mul3A_1320 : vector<16xf32>
    %add3A_1673 = arith.constant 84 : i32
    %add3A_1674 = vector.broadcast %add3A_1673 : i32 to vector<16xi32>
    %add3A_1675 = arith.addi %mul3A_896, %add3A_1674 : vector<16xi32>
    tpu.vector_store_idx %arg9[%add3A_1675], %mul3A_1672 : memref<3200xf32, #tpu.memory_space<vmem>>[vector<16xi32>], vector<16xf32>,
    %mul3A_1676 = arith.mulf %select_n3A_1281, %mul3A_1321 : vector<16xf32>
    %add3A_1677 = arith.constant 85 : i32
    %add3A_1678 = vector.broadcast %add3A_1677 : i32 to vector<16xi32>
    %add3A_1679 = arith.addi %mul3A_896, %add3A_1678 : vector<16xi32>
    tpu.vector_store_idx %arg9[%add3A_1679], %mul3A_1676 : memref<3200xf32, #tpu.memory_space<vmem>>[vector<16xi32>], vector<16xf32>,
    %mul3A_1680 = arith.mulf %select_n3A_1281, %mul3A_1322 : vector<16xf32>
    %add3A_1681 = arith.constant 86 : i32
    %add3A_1682 = vector.broadcast %add3A_1681 : i32 to vector<16xi32>
    %add3A_1683 = arith.addi %mul3A_896, %add3A_1682 : vector<16xi32>
    tpu.vector_store_idx %arg9[%add3A_1683], %mul3A_1680 : memref<3200xf32, #tpu.memory_space<vmem>>[vector<16xi32>], vector<16xf32>,
    %mul3A_1684 = arith.mulf %select_n3A_1281, %mul3A_1323 : vector<16xf32>
    %add3A_1685 = arith.constant 87 : i32
    %add3A_1686 = vector.broadcast %add3A_1685 : i32 to vector<16xi32>
    %add3A_1687 = arith.addi %mul3A_896, %add3A_1686 : vector<16xi32>
    tpu.vector_store_idx %arg9[%add3A_1687], %mul3A_1684 : memref<3200xf32, #tpu.memory_space<vmem>>[vector<16xi32>], vector<16xf32>,
    %mul3A_1688 = arith.mulf %select_n3A_1281, %mul3A_1334 : vector<16xf32>
    %add3A_1689 = arith.constant 88 : i32
    %add3A_1690 = vector.broadcast %add3A_1689 : i32 to vector<16xi32>
    %add3A_1691 = arith.addi %mul3A_896, %add3A_1690 : vector<16xi32>
    tpu.vector_store_idx %arg9[%add3A_1691], %mul3A_1688 : memref<3200xf32, #tpu.memory_space<vmem>>[vector<16xi32>], vector<16xf32>,
    %mul3A_1692 = arith.mulf %select_n3A_1281, %mul3A_1325 : vector<16xf32>
    %add3A_1693 = arith.constant 89 : i32
    %add3A_1694 = vector.broadcast %add3A_1693 : i32 to vector<16xi32>
    %add3A_1695 = arith.addi %mul3A_896, %add3A_1694 : vector<16xi32>
    tpu.vector_store_idx %arg9[%add3A_1695], %mul3A_1692 : memref<3200xf32, #tpu.memory_space<vmem>>[vector<16xi32>], vector<16xf32>,
    %mul3A_1696 = arith.mulf %select_n3A_1315, %mul3A_1316 : vector<16xf32>
    %add3A_1697 = arith.constant 90 : i32
    %add3A_1698 = vector.broadcast %add3A_1697 : i32 to vector<16xi32>
    %add3A_1699 = arith.addi %mul3A_896, %add3A_1698 : vector<16xi32>
    tpu.vector_store_idx %arg9[%add3A_1699], %mul3A_1696 : memref<3200xf32, #tpu.memory_space<vmem>>[vector<16xi32>], vector<16xf32>,
    %mul3A_1700 = arith.mulf %select_n3A_1315, %mul3A_1317 : vector<16xf32>
    %add3A_1701 = arith.constant 91 : i32
    %add3A_1702 = vector.broadcast %add3A_1701 : i32 to vector<16xi32>
    %add3A_1703 = arith.addi %mul3A_896, %add3A_1702 : vector<16xi32>
    tpu.vector_store_idx %arg9[%add3A_1703], %mul3A_1700 : memref<3200xf32, #tpu.memory_space<vmem>>[vector<16xi32>], vector<16xf32>,
    %mul3A_1704 = arith.mulf %select_n3A_1315, %mul3A_1318 : vector<16xf32>
    %add3A_1705 = arith.constant 92 : i32
    %add3A_1706 = vector.broadcast %add3A_1705 : i32 to vector<16xi32>
    %add3A_1707 = arith.addi %mul3A_896, %add3A_1706 : vector<16xi32>
    tpu.vector_store_idx %arg9[%add3A_1707], %mul3A_1704 : memref<3200xf32, #tpu.memory_space<vmem>>[vector<16xi32>], vector<16xf32>,
    %mul3A_1708 = arith.mulf %select_n3A_1315, %mul3A_1319 : vector<16xf32>
    %add3A_1709 = arith.constant 93 : i32
    %add3A_1710 = vector.broadcast %add3A_1709 : i32 to vector<16xi32>
    %add3A_1711 = arith.addi %mul3A_896, %add3A_1710 : vector<16xi32>
    tpu.vector_store_idx %arg9[%add3A_1711], %mul3A_1708 : memref<3200xf32, #tpu.memory_space<vmem>>[vector<16xi32>], vector<16xf32>,
    %mul3A_1712 = arith.mulf %select_n3A_1315, %mul3A_1320 : vector<16xf32>
    %add3A_1713 = arith.constant 94 : i32
    %add3A_1714 = vector.broadcast %add3A_1713 : i32 to vector<16xi32>
    %add3A_1715 = arith.addi %mul3A_896, %add3A_1714 : vector<16xi32>
    tpu.vector_store_idx %arg9[%add3A_1715], %mul3A_1712 : memref<3200xf32, #tpu.memory_space<vmem>>[vector<16xi32>], vector<16xf32>,
    %mul3A_1716 = arith.mulf %select_n3A_1315, %mul3A_1321 : vector<16xf32>
    %add3A_1717 = arith.constant 95 : i32
    %add3A_1718 = vector.broadcast %add3A_1717 : i32 to vector<16xi32>
    %add3A_1719 = arith.addi %mul3A_896, %add3A_1718 : vector<16xi32>
    tpu.vector_store_idx %arg9[%add3A_1719], %mul3A_1716 : memref<3200xf32, #tpu.memory_space<vmem>>[vector<16xi32>], vector<16xf32>,
    %mul3A_1720 = arith.mulf %select_n3A_1315, %mul3A_1322 : vector<16xf32>
    %add3A_1721 = arith.constant 96 : i32
    %add3A_1722 = vector.broadcast %add3A_1721 : i32 to vector<16xi32>
    %add3A_1723 = arith.addi %mul3A_896, %add3A_1722 : vector<16xi32>
    tpu.vector_store_idx %arg9[%add3A_1723], %mul3A_1720 : memref<3200xf32, #tpu.memory_space<vmem>>[vector<16xi32>], vector<16xf32>,
    %mul3A_1724 = arith.mulf %select_n3A_1315, %mul3A_1323 : vector<16xf32>
    %add3A_1725 = arith.constant 97 : i32
    %add3A_1726 = vector.broadcast %add3A_1725 : i32 to vector<16xi32>
    %add3A_1727 = arith.addi %mul3A_896, %add3A_1726 : vector<16xi32>
    tpu.vector_store_idx %arg9[%add3A_1727], %mul3A_1724 : memref<3200xf32, #tpu.memory_space<vmem>>[vector<16xi32>], vector<16xf32>,
    %mul3A_1728 = arith.mulf %select_n3A_1315, %mul3A_1324 : vector<16xf32>
    %add3A_1729 = arith.constant 98 : i32
    %add3A_1730 = vector.broadcast %add3A_1729 : i32 to vector<16xi32>
    %add3A_1731 = arith.addi %mul3A_896, %add3A_1730 : vector<16xi32>
    tpu.vector_store_idx %arg9[%add3A_1731], %mul3A_1728 : memref<3200xf32, #tpu.memory_space<vmem>>[vector<16xi32>], vector<16xf32>,
    %mul3A_1732 = arith.mulf %select_n3A_1315, %mul3A_1335 : vector<16xf32>
    %add3A_1733 = arith.constant 99 : i32
    %add3A_1734 = vector.broadcast %add3A_1733 : i32 to vector<16xi32>
    %add3A_1735 = arith.addi %mul3A_896, %add3A_1734 : vector<16xi32>
    tpu.vector_store_idx %arg9[%add3A_1735], %mul3A_1732 : memref<3200xf32, #tpu.memory_space<vmem>>[vector<16xi32>], vector<16xf32>,
    %mul3A_1736 = arith.constant 10 : i32
    %mul3A_1737 = arith.muli %mul3A_46, %mul3A_1736 : i32
    %mul3A_1738 = arith.constant 10 : i32
    %mul3A_1739 = arith.muli %mul3A_1737, %mul3A_1738 : i32
    "tpu.region"() ({
      %run_scoped3A = tpu.sem_alloc : memref<!tpu.dma_semaphore, #tpu.memory_space<semaphore_mem>>
      %dma_start3A_1760 = tpu.memref_slice %arg5[%mul3A_1739] : memref<102400xf32, #tpu.memory_space<hbm>> -> memref<3200xf32, #tpu.memory_space<hbm>>
      %dma_start3A_1761 = tpu.memref_slice %arg5[%mul3A_1739] : memref<102400xf32, #tpu.memory_space<hbm>> -> memref<3200xf32, #tpu.memory_space<hbm>>
      tpu.enqueue_dma source(%arg9 : memref<3200xf32, #tpu.memory_space<vmem>>) target(%dma_start3A_1761 : memref<3200xf32, #tpu.memory_space<hbm>>) target_semaphore(%run_scoped3A : memref<!tpu.dma_semaphore, #tpu.memory_space<semaphore_mem>>)
      %dma_wait3A_1762 = tpu.memref_slice %arg5[%mul3A_1739] : memref<102400xf32, #tpu.memory_space<hbm>> -> memref<3200xf32, #tpu.memory_space<hbm>>
      %dma_wait3A_1763 = tpu.memref_slice %arg5[%mul3A_1739] : memref<102400xf32, #tpu.memory_space<hbm>> -> memref<3200xf32, #tpu.memory_space<hbm>>
      tpu.wait_dma2 semaphore(%run_scoped3A : memref<!tpu.dma_semaphore, #tpu.memory_space<semaphore_mem>>) src(%arg9 : memref<3200xf32, #tpu.memory_space<vmem>>) dst(%dma_wait3A_1763 : memref<3200xf32, #tpu.memory_space<hbm>>)
      tpu.yield
    }) : () -> ()
    %scan3A = arith.constant 0 : i32
    %scan3A_1740 = arith.constant 0 : i32
    %scan3A_1741 = arith.constant 16 : i32
    %scan3A_1742 = arith.addi %scan3A_1740, %scan3A_1741 : i32
    %scan3A_1743 = arith.constant 1 : i32
    scf.for %scan3A_1760 = %scan3A_1740 to %scan3A_1742 step %scan3A_1743  : i32 {
      %mul3A_1761 = arith.constant 2 : i32
      %mul3A_1762 = arith.muli %mul3A_1761, %scan3A_1760 : i32
      %add3A_1763 = arith.constant 0 : i32
      %add3A_1764 = arith.addi %mul3A_1762, %add3A_1763 : i32
      %add3A_1765 = arith.constant 0 : i32
      %add3A_1766 = arith.addi %mul3A_2, %add3A_1765 : i32
      %mul3A_1767 = arith.constant 5 : i32
      %mul3A_1768 = arith.muli %add3A_1766, %mul3A_1767 : i32
      %dma_wait3A_1769 = tpu.memref_slice %arg3[%mul3A_1768] : memref<5242880xf32, #tpu.memory_space<hbm>> -> memref<5120xf32, #tpu.memory_space<hbm>>
      %dma_wait3A_1770 = tpu.memref_slice %arg3[%mul3A_1768] : memref<5242880xf32, #tpu.memory_space<hbm>> -> memref<5120xf32, #tpu.memory_space<hbm>>
      tpu.wait_dma2 semaphore(%arg14 : memref<!tpu.dma_semaphore, #tpu.memory_space<semaphore_mem>>) src(%dma_wait3A_1770 : memref<5120xf32, #tpu.memory_space<hbm>>) dst(%arg10 : memref<5120xf32, #tpu.memory_space<vmem>>)
      %ge3A = arith.constant 2 : i32
      %ge3A_1771 = arith.cmpi sge, %add3A_1764, %ge3A : i32
      %convert_element_type3A = arith.extui %ge3A_1771 : i1 to i32
      %cond3A = arith.constant 0 : i32
      %cond3A_1772 = arith.cmpi ne, %convert_element_type3A, %cond3A : i32
      scf.if %cond3A_1772 {
        %add3A_1828 = arith.constant 0 : i32
        %add3A_1829 = arith.addi %mul3A_2, %add3A_1828 : i32
        %mul3A_1830 = arith.constant 5 : i32
        %mul3A_1831 = arith.muli %add3A_1829, %mul3A_1830 : i32
        %mul3A_1832 = arith.constant 5 : i32
        %mul3A_1833 = arith.muli %mul3A_1831, %mul3A_1832 : i32
        %dma_wait3A_1834 = tpu.memref_slice %arg6[%mul3A_1833] : memref<26214400xf32, #tpu.memory_space<hbm>> -> memref<25600xf32, #tpu.memory_space<hbm>>
        %dma_wait3A_1835 = tpu.memref_slice %arg6[%mul3A_1833] : memref<26214400xf32, #tpu.memory_space<hbm>> -> memref<25600xf32, #tpu.memory_space<hbm>>
        tpu.wait_dma2 semaphore(%arg16 : memref<!tpu.dma_semaphore, #tpu.memory_space<semaphore_mem>>) src(%arg12 : memref<25600xf32, #tpu.memory_space<vmem>>) dst(%dma_wait3A_1835 : memref<25600xf32, #tpu.memory_space<hbm>>)
      } else {
      }
      %scan3A_1773 = arith.constant 0 : i32
      %scan3A_1774 = arith.constant 0 : i32
      %scan3A_1775 = arith.constant 64 : i32
      %scan3A_1776 = arith.addi %scan3A_1774, %scan3A_1775 : i32
      %scan3A_1777 = arith.constant 1 : i32
      scf.for %scan3A_1828 = %scan3A_1774 to %scan3A_1776 step %scan3A_1777  : i32 {
        %mul3A_1829 = arith.constant 16 : i32
        %mul3A_1830 = arith.muli %scan3A_1828, %mul3A_1829 : i32
        %iota3A_1831 = tpu.iota {dimensions = array<i32: 0>} : vector<16xi32>
        %add3A_1832 = vector.broadcast %mul3A_1830 : i32 to vector<16xi32>
        %add3A_1833 = arith.addi %add3A_1832, %iota3A_1831 : vector<16xi32>
        %mul3A_1834 = arith.constant 5 : i32
        %mul3A_1835 = vector.broadcast %mul3A_1834 : i32 to vector<16xi32>
        %mul3A_1836 = arith.muli %add3A_1833, %mul3A_1835 : vector<16xi32>
        %mul3A_1837 = arith.constant 25 : i32
        %mul3A_1838 = vector.broadcast %mul3A_1837 : i32 to vector<16xi32>
        %mul3A_1839 = arith.muli %add3A_1833, %mul3A_1838 : vector<16xi32>
        %add3A_1840 = arith.constant 0 : i32
        %add3A_1841 = vector.broadcast %add3A_1840 : i32 to vector<16xi32>
        %add3A_1842 = arith.addi %mul3A_1836, %add3A_1841 : vector<16xi32>
        %gather3A_1843 = tpu.vector_load_idx %arg10[%add3A_1842] : memref<5120xf32, #tpu.memory_space<vmem>>[vector<16xi32>], vector<16xf32>,
        %add3A_1844 = arith.constant 1 : i32
        %add3A_1845 = vector.broadcast %add3A_1844 : i32 to vector<16xi32>
        %add3A_1846 = arith.addi %mul3A_1836, %add3A_1845 : vector<16xi32>
        %gather3A_1847 = tpu.vector_load_idx %arg10[%add3A_1846] : memref<5120xf32, #tpu.memory_space<vmem>>[vector<16xi32>], vector<16xf32>,
        %add3A_1848 = arith.constant 2 : i32
        %add3A_1849 = vector.broadcast %add3A_1848 : i32 to vector<16xi32>
        %add3A_1850 = arith.addi %mul3A_1836, %add3A_1849 : vector<16xi32>
        %gather3A_1851 = tpu.vector_load_idx %arg10[%add3A_1850] : memref<5120xf32, #tpu.memory_space<vmem>>[vector<16xi32>], vector<16xf32>,
        %add3A_1852 = arith.constant 3 : i32
        %add3A_1853 = vector.broadcast %add3A_1852 : i32 to vector<16xi32>
        %add3A_1854 = arith.addi %mul3A_1836, %add3A_1853 : vector<16xi32>
        %gather3A_1855 = tpu.vector_load_idx %arg10[%add3A_1854] : memref<5120xf32, #tpu.memory_space<vmem>>[vector<16xi32>], vector<16xf32>,
        %add3A_1856 = arith.constant 4 : i32
        %add3A_1857 = vector.broadcast %add3A_1856 : i32 to vector<16xi32>
        %add3A_1858 = arith.addi %mul3A_1836, %add3A_1857 : vector<16xi32>
        %gather3A_1859 = tpu.vector_load_idx %arg10[%add3A_1858] : memref<5120xf32, #tpu.memory_space<vmem>>[vector<16xi32>], vector<16xf32>,
        %add3A_1860 = arith.addf %gather3A_1843, %gather3A_1847 : vector<16xf32>
        %add3A_1861 = arith.addf %add3A_1860, %gather3A_1851 : vector<16xf32>
        %add3A_1862 = arith.addf %add3A_1861, %gather3A_1855 : vector<16xf32>
        %add3A_1863 = arith.addf %add3A_1862, %gather3A_1859 : vector<16xf32>
        %mul3A_1864 = arith.mulf %get3A_16, %add3A_1863 : vector<16xf32>
        %mul3A_1865 = arith.mulf %get3A_20, %gather3A_1843 : vector<16xf32>
        %add3A_1866 = arith.addf %mul3A_1864, %mul3A_1865 : vector<16xf32>
        %mul3A_1867 = arith.mulf %get3A_16, %add3A_1863 : vector<16xf32>
        %mul3A_1868 = arith.mulf %get3A_20, %gather3A_1847 : vector<16xf32>
        %add3A_1869 = arith.addf %mul3A_1867, %mul3A_1868 : vector<16xf32>
        %mul3A_1870 = arith.mulf %get3A_16, %add3A_1863 : vector<16xf32>
        %mul3A_1871 = arith.mulf %get3A_20, %gather3A_1851 : vector<16xf32>
        %add3A_1872 = arith.addf %mul3A_1870, %mul3A_1871 : vector<16xf32>
        %mul3A_1873 = arith.mulf %get3A_16, %add3A_1863 : vector<16xf32>
        %mul3A_1874 = arith.mulf %get3A_20, %gather3A_1855 : vector<16xf32>
        %add3A_1875 = arith.addf %mul3A_1873, %mul3A_1874 : vector<16xf32>
        %mul3A_1876 = arith.mulf %get3A_16, %add3A_1863 : vector<16xf32>
        %mul3A_1877 = arith.mulf %get3A_20, %gather3A_1859 : vector<16xf32>
        %add3A_1878 = arith.addf %mul3A_1876, %mul3A_1877 : vector<16xf32>
        %eq3A_1879 = arith.constant 0.000000e+00 : f32
        %eq3A_1880 = vector.broadcast %eq3A_1879 : f32 to vector<16xf32>
        %eq3A_1881 = arith.cmpf oeq, %add3A_1866, %eq3A_1880 : vector<16xf32>
        %jit3A_1882 = arith.constant 9.99999997E-7 : f32
        %broadcast_in_dim3A_1883 = vector.broadcast %jit3A_1882 : f32 to vector<16xf32>
        %select_n3A_1884 = arith.select %eq3A_1881, %broadcast_in_dim3A_1883, %add3A_1866 : vector<16xi1>, vector<16xf32>
        %abs3A_1885 = math.absf %select_n3A_1884 : vector<16xf32>
        %bitcast_convert_type3A_1886 = tpu.bitcast %abs3A_1885 : vector<16xf32> -> vector<16xi32>
        %sub3A_1887 = arith.constant 2129950677 : i32
        %sub3A_1888 = vector.broadcast %sub3A_1887 : i32 to vector<16xi32>
        %sub3A_1889 = arith.subi %sub3A_1888, %bitcast_convert_type3A_1886 : vector<16xi32>
        %bitcast_convert_type3A_1890 = tpu.bitcast %sub3A_1889 : vector<16xi32> -> vector<16xf32>
        %mul3A_1891 = arith.mulf %abs3A_1885, %bitcast_convert_type3A_1890 : vector<16xf32>
        %sub3A_1892 = arith.constant 2.000000e+00 : f32
        %sub3A_1893 = vector.broadcast %sub3A_1892 : f32 to vector<16xf32>
        %sub3A_1894 = arith.subf %sub3A_1893, %mul3A_1891 : vector<16xf32>
        %mul3A_1895 = arith.mulf %bitcast_convert_type3A_1890, %sub3A_1894 : vector<16xf32>
        %mul3A_1896 = arith.mulf %abs3A_1885, %mul3A_1895 : vector<16xf32>
        %sub3A_1897 = arith.constant 2.000000e+00 : f32
        %sub3A_1898 = vector.broadcast %sub3A_1897 : f32 to vector<16xf32>
        %sub3A_1899 = arith.subf %sub3A_1898, %mul3A_1896 : vector<16xf32>
        %mul3A_1900 = arith.mulf %mul3A_1895, %sub3A_1899 : vector<16xf32>
        %mul3A_1901 = arith.mulf %abs3A_1885, %mul3A_1900 : vector<16xf32>
        %sub3A_1902 = arith.constant 2.000000e+00 : f32
        %sub3A_1903 = vector.broadcast %sub3A_1902 : f32 to vector<16xf32>
        %sub3A_1904 = arith.subf %sub3A_1903, %mul3A_1901 : vector<16xf32>
        %mul3A_1905 = arith.mulf %mul3A_1900, %sub3A_1904 : vector<16xf32>
        %lt3A_1906 = arith.constant 0.000000e+00 : f32
        %lt3A_1907 = vector.broadcast %lt3A_1906 : f32 to vector<16xf32>
        %lt3A_1908 = arith.cmpf olt, %select_n3A_1884, %lt3A_1907 : vector<16xf32>
        %neg3A_1909 = arith.constant 0.000000e+00 : f32
        %neg3A_1910 = vector.broadcast %neg3A_1909 : f32 to vector<16xf32>
        %neg3A_1911 = arith.subf %neg3A_1910, %mul3A_1905 : vector<16xf32>
        %select_n3A_1912 = arith.select %lt3A_1908, %neg3A_1911, %mul3A_1905 : vector<16xi1>, vector<16xf32>
        %eq3A_1913 = arith.constant 0.000000e+00 : f32
        %eq3A_1914 = vector.broadcast %eq3A_1913 : f32 to vector<16xf32>
        %eq3A_1915 = arith.cmpf oeq, %add3A_1869, %eq3A_1914 : vector<16xf32>
        %jit3A_1916 = arith.constant 9.99999997E-7 : f32
        %broadcast_in_dim3A_1917 = vector.broadcast %jit3A_1916 : f32 to vector<16xf32>
        %select_n3A_1918 = arith.select %eq3A_1915, %broadcast_in_dim3A_1917, %add3A_1869 : vector<16xi1>, vector<16xf32>
        %abs3A_1919 = math.absf %select_n3A_1918 : vector<16xf32>
        %bitcast_convert_type3A_1920 = tpu.bitcast %abs3A_1919 : vector<16xf32> -> vector<16xi32>
        %sub3A_1921 = arith.constant 2129950677 : i32
        %sub3A_1922 = vector.broadcast %sub3A_1921 : i32 to vector<16xi32>
        %sub3A_1923 = arith.subi %sub3A_1922, %bitcast_convert_type3A_1920 : vector<16xi32>
        %bitcast_convert_type3A_1924 = tpu.bitcast %sub3A_1923 : vector<16xi32> -> vector<16xf32>
        %mul3A_1925 = arith.mulf %abs3A_1919, %bitcast_convert_type3A_1924 : vector<16xf32>
        %sub3A_1926 = arith.constant 2.000000e+00 : f32
        %sub3A_1927 = vector.broadcast %sub3A_1926 : f32 to vector<16xf32>
        %sub3A_1928 = arith.subf %sub3A_1927, %mul3A_1925 : vector<16xf32>
        %mul3A_1929 = arith.mulf %bitcast_convert_type3A_1924, %sub3A_1928 : vector<16xf32>
        %mul3A_1930 = arith.mulf %abs3A_1919, %mul3A_1929 : vector<16xf32>
        %sub3A_1931 = arith.constant 2.000000e+00 : f32
        %sub3A_1932 = vector.broadcast %sub3A_1931 : f32 to vector<16xf32>
        %sub3A_1933 = arith.subf %sub3A_1932, %mul3A_1930 : vector<16xf32>
        %mul3A_1934 = arith.mulf %mul3A_1929, %sub3A_1933 : vector<16xf32>
        %mul3A_1935 = arith.mulf %abs3A_1919, %mul3A_1934 : vector<16xf32>
        %sub3A_1936 = arith.constant 2.000000e+00 : f32
        %sub3A_1937 = vector.broadcast %sub3A_1936 : f32 to vector<16xf32>
        %sub3A_1938 = arith.subf %sub3A_1937, %mul3A_1935 : vector<16xf32>
        %mul3A_1939 = arith.mulf %mul3A_1934, %sub3A_1938 : vector<16xf32>
        %lt3A_1940 = arith.constant 0.000000e+00 : f32
        %lt3A_1941 = vector.broadcast %lt3A_1940 : f32 to vector<16xf32>
        %lt3A_1942 = arith.cmpf olt, %select_n3A_1918, %lt3A_1941 : vector<16xf32>
        %neg3A_1943 = arith.constant 0.000000e+00 : f32
        %neg3A_1944 = vector.broadcast %neg3A_1943 : f32 to vector<16xf32>
        %neg3A_1945 = arith.subf %neg3A_1944, %mul3A_1939 : vector<16xf32>
        %select_n3A_1946 = arith.select %lt3A_1942, %neg3A_1945, %mul3A_1939 : vector<16xi1>, vector<16xf32>
        %eq3A_1947 = arith.constant 0.000000e+00 : f32
        %eq3A_1948 = vector.broadcast %eq3A_1947 : f32 to vector<16xf32>
        %eq3A_1949 = arith.cmpf oeq, %add3A_1872, %eq3A_1948 : vector<16xf32>
        %jit3A_1950 = arith.constant 9.99999997E-7 : f32
        %broadcast_in_dim3A_1951 = vector.broadcast %jit3A_1950 : f32 to vector<16xf32>
        %select_n3A_1952 = arith.select %eq3A_1949, %broadcast_in_dim3A_1951, %add3A_1872 : vector<16xi1>, vector<16xf32>
        %abs3A_1953 = math.absf %select_n3A_1952 : vector<16xf32>
        %bitcast_convert_type3A_1954 = tpu.bitcast %abs3A_1953 : vector<16xf32> -> vector<16xi32>
        %sub3A_1955 = arith.constant 2129950677 : i32
        %sub3A_1956 = vector.broadcast %sub3A_1955 : i32 to vector<16xi32>
        %sub3A_1957 = arith.subi %sub3A_1956, %bitcast_convert_type3A_1954 : vector<16xi32>
        %bitcast_convert_type3A_1958 = tpu.bitcast %sub3A_1957 : vector<16xi32> -> vector<16xf32>
        %mul3A_1959 = arith.mulf %abs3A_1953, %bitcast_convert_type3A_1958 : vector<16xf32>
        %sub3A_1960 = arith.constant 2.000000e+00 : f32
        %sub3A_1961 = vector.broadcast %sub3A_1960 : f32 to vector<16xf32>
        %sub3A_1962 = arith.subf %sub3A_1961, %mul3A_1959 : vector<16xf32>
        %mul3A_1963 = arith.mulf %bitcast_convert_type3A_1958, %sub3A_1962 : vector<16xf32>
        %mul3A_1964 = arith.mulf %abs3A_1953, %mul3A_1963 : vector<16xf32>
        %sub3A_1965 = arith.constant 2.000000e+00 : f32
        %sub3A_1966 = vector.broadcast %sub3A_1965 : f32 to vector<16xf32>
        %sub3A_1967 = arith.subf %sub3A_1966, %mul3A_1964 : vector<16xf32>
        %mul3A_1968 = arith.mulf %mul3A_1963, %sub3A_1967 : vector<16xf32>
        %mul3A_1969 = arith.mulf %abs3A_1953, %mul3A_1968 : vector<16xf32>
        %sub3A_1970 = arith.constant 2.000000e+00 : f32
        %sub3A_1971 = vector.broadcast %sub3A_1970 : f32 to vector<16xf32>
        %sub3A_1972 = arith.subf %sub3A_1971, %mul3A_1969 : vector<16xf32>
        %mul3A_1973 = arith.mulf %mul3A_1968, %sub3A_1972 : vector<16xf32>
        %lt3A_1974 = arith.constant 0.000000e+00 : f32
        %lt3A_1975 = vector.broadcast %lt3A_1974 : f32 to vector<16xf32>
        %lt3A_1976 = arith.cmpf olt, %select_n3A_1952, %lt3A_1975 : vector<16xf32>
        %neg3A_1977 = arith.constant 0.000000e+00 : f32
        %neg3A_1978 = vector.broadcast %neg3A_1977 : f32 to vector<16xf32>
        %neg3A_1979 = arith.subf %neg3A_1978, %mul3A_1973 : vector<16xf32>
        %select_n3A_1980 = arith.select %lt3A_1976, %neg3A_1979, %mul3A_1973 : vector<16xi1>, vector<16xf32>
        %eq3A_1981 = arith.constant 0.000000e+00 : f32
        %eq3A_1982 = vector.broadcast %eq3A_1981 : f32 to vector<16xf32>
        %eq3A_1983 = arith.cmpf oeq, %add3A_1875, %eq3A_1982 : vector<16xf32>
        %jit3A_1984 = arith.constant 9.99999997E-7 : f32
        %broadcast_in_dim3A_1985 = vector.broadcast %jit3A_1984 : f32 to vector<16xf32>
        %select_n3A_1986 = arith.select %eq3A_1983, %broadcast_in_dim3A_1985, %add3A_1875 : vector<16xi1>, vector<16xf32>
        %abs3A_1987 = math.absf %select_n3A_1986 : vector<16xf32>
        %bitcast_convert_type3A_1988 = tpu.bitcast %abs3A_1987 : vector<16xf32> -> vector<16xi32>
        %sub3A_1989 = arith.constant 2129950677 : i32
        %sub3A_1990 = vector.broadcast %sub3A_1989 : i32 to vector<16xi32>
        %sub3A_1991 = arith.subi %sub3A_1990, %bitcast_convert_type3A_1988 : vector<16xi32>
        %bitcast_convert_type3A_1992 = tpu.bitcast %sub3A_1991 : vector<16xi32> -> vector<16xf32>
        %mul3A_1993 = arith.mulf %abs3A_1987, %bitcast_convert_type3A_1992 : vector<16xf32>
        %sub3A_1994 = arith.constant 2.000000e+00 : f32
        %sub3A_1995 = vector.broadcast %sub3A_1994 : f32 to vector<16xf32>
        %sub3A_1996 = arith.subf %sub3A_1995, %mul3A_1993 : vector<16xf32>
        %mul3A_1997 = arith.mulf %bitcast_convert_type3A_1992, %sub3A_1996 : vector<16xf32>
        %mul3A_1998 = arith.mulf %abs3A_1987, %mul3A_1997 : vector<16xf32>
        %sub3A_1999 = arith.constant 2.000000e+00 : f32
        %sub3A_2000 = vector.broadcast %sub3A_1999 : f32 to vector<16xf32>
        %sub3A_2001 = arith.subf %sub3A_2000, %mul3A_1998 : vector<16xf32>
        %mul3A_2002 = arith.mulf %mul3A_1997, %sub3A_2001 : vector<16xf32>
        %mul3A_2003 = arith.mulf %abs3A_1987, %mul3A_2002 : vector<16xf32>
        %sub3A_2004 = arith.constant 2.000000e+00 : f32
        %sub3A_2005 = vector.broadcast %sub3A_2004 : f32 to vector<16xf32>
        %sub3A_2006 = arith.subf %sub3A_2005, %mul3A_2003 : vector<16xf32>
        %mul3A_2007 = arith.mulf %mul3A_2002, %sub3A_2006 : vector<16xf32>
        %lt3A_2008 = arith.constant 0.000000e+00 : f32
        %lt3A_2009 = vector.broadcast %lt3A_2008 : f32 to vector<16xf32>
        %lt3A_2010 = arith.cmpf olt, %select_n3A_1986, %lt3A_2009 : vector<16xf32>
        %neg3A_2011 = arith.constant 0.000000e+00 : f32
        %neg3A_2012 = vector.broadcast %neg3A_2011 : f32 to vector<16xf32>
        %neg3A_2013 = arith.subf %neg3A_2012, %mul3A_2007 : vector<16xf32>
        %select_n3A_2014 = arith.select %lt3A_2010, %neg3A_2013, %mul3A_2007 : vector<16xi1>, vector<16xf32>
        %eq3A_2015 = arith.constant 0.000000e+00 : f32
        %eq3A_2016 = vector.broadcast %eq3A_2015 : f32 to vector<16xf32>
        %eq3A_2017 = arith.cmpf oeq, %add3A_1878, %eq3A_2016 : vector<16xf32>
        %jit3A_2018 = arith.constant 9.99999997E-7 : f32
        %broadcast_in_dim3A_2019 = vector.broadcast %jit3A_2018 : f32 to vector<16xf32>
        %select_n3A_2020 = arith.select %eq3A_2017, %broadcast_in_dim3A_2019, %add3A_1878 : vector<16xi1>, vector<16xf32>
        %abs3A_2021 = math.absf %select_n3A_2020 : vector<16xf32>
        %bitcast_convert_type3A_2022 = tpu.bitcast %abs3A_2021 : vector<16xf32> -> vector<16xi32>
        %sub3A_2023 = arith.constant 2129950677 : i32
        %sub3A_2024 = vector.broadcast %sub3A_2023 : i32 to vector<16xi32>
        %sub3A_2025 = arith.subi %sub3A_2024, %bitcast_convert_type3A_2022 : vector<16xi32>
        %bitcast_convert_type3A_2026 = tpu.bitcast %sub3A_2025 : vector<16xi32> -> vector<16xf32>
        %mul3A_2027 = arith.mulf %abs3A_2021, %bitcast_convert_type3A_2026 : vector<16xf32>
        %sub3A_2028 = arith.constant 2.000000e+00 : f32
        %sub3A_2029 = vector.broadcast %sub3A_2028 : f32 to vector<16xf32>
        %sub3A_2030 = arith.subf %sub3A_2029, %mul3A_2027 : vector<16xf32>
        %mul3A_2031 = arith.mulf %bitcast_convert_type3A_2026, %sub3A_2030 : vector<16xf32>
        %mul3A_2032 = arith.mulf %abs3A_2021, %mul3A_2031 : vector<16xf32>
        %sub3A_2033 = arith.constant 2.000000e+00 : f32
        %sub3A_2034 = vector.broadcast %sub3A_2033 : f32 to vector<16xf32>
        %sub3A_2035 = arith.subf %sub3A_2034, %mul3A_2032 : vector<16xf32>
        %mul3A_2036 = arith.mulf %mul3A_2031, %sub3A_2035 : vector<16xf32>
        %mul3A_2037 = arith.mulf %abs3A_2021, %mul3A_2036 : vector<16xf32>
        %sub3A_2038 = arith.constant 2.000000e+00 : f32
        %sub3A_2039 = vector.broadcast %sub3A_2038 : f32 to vector<16xf32>
        %sub3A_2040 = arith.subf %sub3A_2039, %mul3A_2037 : vector<16xf32>
        %mul3A_2041 = arith.mulf %mul3A_2036, %sub3A_2040 : vector<16xf32>
        %lt3A_2042 = arith.constant 0.000000e+00 : f32
        %lt3A_2043 = vector.broadcast %lt3A_2042 : f32 to vector<16xf32>
        %lt3A_2044 = arith.cmpf olt, %select_n3A_2020, %lt3A_2043 : vector<16xf32>
        %neg3A_2045 = arith.constant 0.000000e+00 : f32
        %neg3A_2046 = vector.broadcast %neg3A_2045 : f32 to vector<16xf32>
        %neg3A_2047 = arith.subf %neg3A_2046, %mul3A_2041 : vector<16xf32>
        %select_n3A_2048 = arith.select %lt3A_2044, %neg3A_2047, %mul3A_2041 : vector<16xi1>, vector<16xf32>
        %mul3A_2049 = arith.mulf %get3A_24, %add3A_1866 : vector<16xf32>
        %mul3A_2050 = arith.mulf %get3A_24, %add3A_1869 : vector<16xf32>
        %mul3A_2051 = arith.mulf %get3A_24, %add3A_1872 : vector<16xf32>
        %mul3A_2052 = arith.mulf %get3A_24, %add3A_1875 : vector<16xf32>
        %mul3A_2053 = arith.mulf %get3A_24, %add3A_1878 : vector<16xf32>
        %mul3A_2054 = arith.mulf %get3A_28, %add3A_1866 : vector<16xf32>
        %mul3A_2055 = arith.mulf %get3A_28, %add3A_1869 : vector<16xf32>
        %mul3A_2056 = arith.mulf %get3A_28, %add3A_1872 : vector<16xf32>
        %mul3A_2057 = arith.mulf %get3A_28, %add3A_1875 : vector<16xf32>
        %mul3A_2058 = arith.mulf %get3A_28, %add3A_1878 : vector<16xf32>
        %mul3A_2059 = arith.mulf %select_n3A_1912, %mul3A_2054 : vector<16xf32>
        %add3A_2060 = arith.constant 0 : i32
        %add3A_2061 = vector.broadcast %add3A_2060 : i32 to vector<16xi32>
        %add3A_2062 = arith.addi %mul3A_1839, %add3A_2061 : vector<16xi32>
        tpu.vector_store_idx %arg12[%add3A_2062], %mul3A_2059 : memref<25600xf32, #tpu.memory_space<vmem>>[vector<16xi32>], vector<16xf32>,
        %mul3A_2063 = arith.mulf %select_n3A_1912, %mul3A_2050 : vector<16xf32>
        %add3A_2064 = arith.constant 1 : i32
        %add3A_2065 = vector.broadcast %add3A_2064 : i32 to vector<16xi32>
        %add3A_2066 = arith.addi %mul3A_1839, %add3A_2065 : vector<16xi32>
        tpu.vector_store_idx %arg12[%add3A_2066], %mul3A_2063 : memref<25600xf32, #tpu.memory_space<vmem>>[vector<16xi32>], vector<16xf32>,
        %mul3A_2067 = arith.mulf %select_n3A_1912, %mul3A_2051 : vector<16xf32>
        %add3A_2068 = arith.constant 2 : i32
        %add3A_2069 = vector.broadcast %add3A_2068 : i32 to vector<16xi32>
        %add3A_2070 = arith.addi %mul3A_1839, %add3A_2069 : vector<16xi32>
        tpu.vector_store_idx %arg12[%add3A_2070], %mul3A_2067 : memref<25600xf32, #tpu.memory_space<vmem>>[vector<16xi32>], vector<16xf32>,
        %mul3A_2071 = arith.mulf %select_n3A_1912, %mul3A_2052 : vector<16xf32>
        %add3A_2072 = arith.constant 3 : i32
        %add3A_2073 = vector.broadcast %add3A_2072 : i32 to vector<16xi32>
        %add3A_2074 = arith.addi %mul3A_1839, %add3A_2073 : vector<16xi32>
        tpu.vector_store_idx %arg12[%add3A_2074], %mul3A_2071 : memref<25600xf32, #tpu.memory_space<vmem>>[vector<16xi32>], vector<16xf32>,
        %mul3A_2075 = arith.mulf %select_n3A_1912, %mul3A_2053 : vector<16xf32>
        %add3A_2076 = arith.constant 4 : i32
        %add3A_2077 = vector.broadcast %add3A_2076 : i32 to vector<16xi32>
        %add3A_2078 = arith.addi %mul3A_1839, %add3A_2077 : vector<16xi32>
        tpu.vector_store_idx %arg12[%add3A_2078], %mul3A_2075 : memref<25600xf32, #tpu.memory_space<vmem>>[vector<16xi32>], vector<16xf32>,
        %mul3A_2079 = arith.mulf %select_n3A_1946, %mul3A_2049 : vector<16xf32>
        %add3A_2080 = arith.constant 5 : i32
        %add3A_2081 = vector.broadcast %add3A_2080 : i32 to vector<16xi32>
        %add3A_2082 = arith.addi %mul3A_1839, %add3A_2081 : vector<16xi32>
        tpu.vector_store_idx %arg12[%add3A_2082], %mul3A_2079 : memref<25600xf32, #tpu.memory_space<vmem>>[vector<16xi32>], vector<16xf32>,
        %mul3A_2083 = arith.mulf %select_n3A_1946, %mul3A_2055 : vector<16xf32>
        %add3A_2084 = arith.constant 6 : i32
        %add3A_2085 = vector.broadcast %add3A_2084 : i32 to vector<16xi32>
        %add3A_2086 = arith.addi %mul3A_1839, %add3A_2085 : vector<16xi32>
        tpu.vector_store_idx %arg12[%add3A_2086], %mul3A_2083 : memref<25600xf32, #tpu.memory_space<vmem>>[vector<16xi32>], vector<16xf32>,
        %mul3A_2087 = arith.mulf %select_n3A_1946, %mul3A_2051 : vector<16xf32>
        %add3A_2088 = arith.constant 7 : i32
        %add3A_2089 = vector.broadcast %add3A_2088 : i32 to vector<16xi32>
        %add3A_2090 = arith.addi %mul3A_1839, %add3A_2089 : vector<16xi32>
        tpu.vector_store_idx %arg12[%add3A_2090], %mul3A_2087 : memref<25600xf32, #tpu.memory_space<vmem>>[vector<16xi32>], vector<16xf32>,
        %mul3A_2091 = arith.mulf %select_n3A_1946, %mul3A_2052 : vector<16xf32>
        %add3A_2092 = arith.constant 8 : i32
        %add3A_2093 = vector.broadcast %add3A_2092 : i32 to vector<16xi32>
        %add3A_2094 = arith.addi %mul3A_1839, %add3A_2093 : vector<16xi32>
        tpu.vector_store_idx %arg12[%add3A_2094], %mul3A_2091 : memref<25600xf32, #tpu.memory_space<vmem>>[vector<16xi32>], vector<16xf32>,
        %mul3A_2095 = arith.mulf %select_n3A_1946, %mul3A_2053 : vector<16xf32>
        %add3A_2096 = arith.constant 9 : i32
        %add3A_2097 = vector.broadcast %add3A_2096 : i32 to vector<16xi32>
        %add3A_2098 = arith.addi %mul3A_1839, %add3A_2097 : vector<16xi32>
        tpu.vector_store_idx %arg12[%add3A_2098], %mul3A_2095 : memref<25600xf32, #tpu.memory_space<vmem>>[vector<16xi32>], vector<16xf32>,
        %mul3A_2099 = arith.mulf %select_n3A_1980, %mul3A_2049 : vector<16xf32>
        %add3A_2100 = arith.constant 10 : i32
        %add3A_2101 = vector.broadcast %add3A_2100 : i32 to vector<16xi32>
        %add3A_2102 = arith.addi %mul3A_1839, %add3A_2101 : vector<16xi32>
        tpu.vector_store_idx %arg12[%add3A_2102], %mul3A_2099 : memref<25600xf32, #tpu.memory_space<vmem>>[vector<16xi32>], vector<16xf32>,
        %mul3A_2103 = arith.mulf %select_n3A_1980, %mul3A_2050 : vector<16xf32>
        %add3A_2104 = arith.constant 11 : i32
        %add3A_2105 = vector.broadcast %add3A_2104 : i32 to vector<16xi32>
        %add3A_2106 = arith.addi %mul3A_1839, %add3A_2105 : vector<16xi32>
        tpu.vector_store_idx %arg12[%add3A_2106], %mul3A_2103 : memref<25600xf32, #tpu.memory_space<vmem>>[vector<16xi32>], vector<16xf32>,
        %mul3A_2107 = arith.mulf %select_n3A_1980, %mul3A_2056 : vector<16xf32>
        %add3A_2108 = arith.constant 12 : i32
        %add3A_2109 = vector.broadcast %add3A_2108 : i32 to vector<16xi32>
        %add3A_2110 = arith.addi %mul3A_1839, %add3A_2109 : vector<16xi32>
        tpu.vector_store_idx %arg12[%add3A_2110], %mul3A_2107 : memref<25600xf32, #tpu.memory_space<vmem>>[vector<16xi32>], vector<16xf32>,
        %mul3A_2111 = arith.mulf %select_n3A_1980, %mul3A_2052 : vector<16xf32>
        %add3A_2112 = arith.constant 13 : i32
        %add3A_2113 = vector.broadcast %add3A_2112 : i32 to vector<16xi32>
        %add3A_2114 = arith.addi %mul3A_1839, %add3A_2113 : vector<16xi32>
        tpu.vector_store_idx %arg12[%add3A_2114], %mul3A_2111 : memref<25600xf32, #tpu.memory_space<vmem>>[vector<16xi32>], vector<16xf32>,
        %mul3A_2115 = arith.mulf %select_n3A_1980, %mul3A_2053 : vector<16xf32>
        %add3A_2116 = arith.constant 14 : i32
        %add3A_2117 = vector.broadcast %add3A_2116 : i32 to vector<16xi32>
        %add3A_2118 = arith.addi %mul3A_1839, %add3A_2117 : vector<16xi32>
        tpu.vector_store_idx %arg12[%add3A_2118], %mul3A_2115 : memref<25600xf32, #tpu.memory_space<vmem>>[vector<16xi32>], vector<16xf32>,
        %mul3A_2119 = arith.mulf %select_n3A_2014, %mul3A_2049 : vector<16xf32>
        %add3A_2120 = arith.constant 15 : i32
        %add3A_2121 = vector.broadcast %add3A_2120 : i32 to vector<16xi32>
        %add3A_2122 = arith.addi %mul3A_1839, %add3A_2121 : vector<16xi32>
        tpu.vector_store_idx %arg12[%add3A_2122], %mul3A_2119 : memref<25600xf32, #tpu.memory_space<vmem>>[vector<16xi32>], vector<16xf32>,
        %mul3A_2123 = arith.mulf %select_n3A_2014, %mul3A_2050 : vector<16xf32>
        %add3A_2124 = arith.constant 16 : i32
        %add3A_2125 = vector.broadcast %add3A_2124 : i32 to vector<16xi32>
        %add3A_2126 = arith.addi %mul3A_1839, %add3A_2125 : vector<16xi32>
        tpu.vector_store_idx %arg12[%add3A_2126], %mul3A_2123 : memref<25600xf32, #tpu.memory_space<vmem>>[vector<16xi32>], vector<16xf32>,
        %mul3A_2127 = arith.mulf %select_n3A_2014, %mul3A_2051 : vector<16xf32>
        %add3A_2128 = arith.constant 17 : i32
        %add3A_2129 = vector.broadcast %add3A_2128 : i32 to vector<16xi32>
        %add3A_2130 = arith.addi %mul3A_1839, %add3A_2129 : vector<16xi32>
        tpu.vector_store_idx %arg12[%add3A_2130], %mul3A_2127 : memref<25600xf32, #tpu.memory_space<vmem>>[vector<16xi32>], vector<16xf32>,
        %mul3A_2131 = arith.mulf %select_n3A_2014, %mul3A_2057 : vector<16xf32>
        %add3A_2132 = arith.constant 18 : i32
        %add3A_2133 = vector.broadcast %add3A_2132 : i32 to vector<16xi32>
        %add3A_2134 = arith.addi %mul3A_1839, %add3A_2133 : vector<16xi32>
        tpu.vector_store_idx %arg12[%add3A_2134], %mul3A_2131 : memref<25600xf32, #tpu.memory_space<vmem>>[vector<16xi32>], vector<16xf32>,
        %mul3A_2135 = arith.mulf %select_n3A_2014, %mul3A_2053 : vector<16xf32>
        %add3A_2136 = arith.constant 19 : i32
        %add3A_2137 = vector.broadcast %add3A_2136 : i32 to vector<16xi32>
        %add3A_2138 = arith.addi %mul3A_1839, %add3A_2137 : vector<16xi32>
        tpu.vector_store_idx %arg12[%add3A_2138], %mul3A_2135 : memref<25600xf32, #tpu.memory_space<vmem>>[vector<16xi32>], vector<16xf32>,
        %mul3A_2139 = arith.mulf %select_n3A_2048, %mul3A_2049 : vector<16xf32>
        %add3A_2140 = arith.constant 20 : i32
        %add3A_2141 = vector.broadcast %add3A_2140 : i32 to vector<16xi32>
        %add3A_2142 = arith.addi %mul3A_1839, %add3A_2141 : vector<16xi32>
        tpu.vector_store_idx %arg12[%add3A_2142], %mul3A_2139 : memref<25600xf32, #tpu.memory_space<vmem>>[vector<16xi32>], vector<16xf32>,
        %mul3A_2143 = arith.mulf %select_n3A_2048, %mul3A_2050 : vector<16xf32>
        %add3A_2144 = arith.constant 21 : i32
        %add3A_2145 = vector.broadcast %add3A_2144 : i32 to vector<16xi32>
        %add3A_2146 = arith.addi %mul3A_1839, %add3A_2145 : vector<16xi32>
        tpu.vector_store_idx %arg12[%add3A_2146], %mul3A_2143 : memref<25600xf32, #tpu.memory_space<vmem>>[vector<16xi32>], vector<16xf32>,
        %mul3A_2147 = arith.mulf %select_n3A_2048, %mul3A_2051 : vector<16xf32>
        %add3A_2148 = arith.constant 22 : i32
        %add3A_2149 = vector.broadcast %add3A_2148 : i32 to vector<16xi32>
        %add3A_2150 = arith.addi %mul3A_1839, %add3A_2149 : vector<16xi32>
        tpu.vector_store_idx %arg12[%add3A_2150], %mul3A_2147 : memref<25600xf32, #tpu.memory_space<vmem>>[vector<16xi32>], vector<16xf32>,
        %mul3A_2151 = arith.mulf %select_n3A_2048, %mul3A_2052 : vector<16xf32>
        %add3A_2152 = arith.constant 23 : i32
        %add3A_2153 = vector.broadcast %add3A_2152 : i32 to vector<16xi32>
        %add3A_2154 = arith.addi %mul3A_1839, %add3A_2153 : vector<16xi32>
        tpu.vector_store_idx %arg12[%add3A_2154], %mul3A_2151 : memref<25600xf32, #tpu.memory_space<vmem>>[vector<16xi32>], vector<16xf32>,
        %mul3A_2155 = arith.mulf %select_n3A_2048, %mul3A_2058 : vector<16xf32>
        %add3A_2156 = arith.constant 24 : i32
        %add3A_2157 = vector.broadcast %add3A_2156 : i32 to vector<16xi32>
        %add3A_2158 = arith.addi %mul3A_1839, %add3A_2157 : vector<16xi32>
        tpu.vector_store_idx %arg12[%add3A_2158], %mul3A_2155 : memref<25600xf32, #tpu.memory_space<vmem>>[vector<16xi32>], vector<16xf32>,
      }
      %scan3A_1778 = arith.constant 64 : i32
      %lt3A_1779 = arith.constant 30 : i32
      %lt3A_1780 = arith.cmpi slt, %add3A_1764, %lt3A_1779 : i32
      %convert_element_type3A_1781 = arith.extui %lt3A_1780 : i1 to i32
      %cond3A_1782 = arith.constant 0 : i32
      %cond3A_1783 = arith.cmpi ne, %convert_element_type3A_1781, %cond3A_1782 : i32
      scf.if %cond3A_1783 {
        %add3A_1828 = arith.constant 2 : i32
        %add3A_1829 = arith.addi %add3A_1764, %add3A_1828 : i32
        %mul3A_1830 = arith.constant 1024 : i32
        %mul3A_1831 = arith.muli %add3A_1829, %mul3A_1830 : i32
        %add3A_1832 = arith.addi %mul3A_2, %mul3A_1831 : i32
        %mul3A_1833 = arith.constant 5 : i32
        %mul3A_1834 = arith.muli %add3A_1832, %mul3A_1833 : i32
        %dma_start3A_1835 = tpu.memref_slice %arg3[%mul3A_1834] : memref<5242880xf32, #tpu.memory_space<hbm>> -> memref<5120xf32, #tpu.memory_space<hbm>>
        %dma_start3A_1836 = tpu.memref_slice %arg3[%mul3A_1834] : memref<5242880xf32, #tpu.memory_space<hbm>> -> memref<5120xf32, #tpu.memory_space<hbm>>
        tpu.enqueue_dma source(%dma_start3A_1836 : memref<5120xf32, #tpu.memory_space<hbm>>) target(%arg10 : memref<5120xf32, #tpu.memory_space<vmem>>) target_semaphore(%arg14 : memref<!tpu.dma_semaphore, #tpu.memory_space<semaphore_mem>>)
      } else {
      }
      %mul3A_1784 = arith.constant 1024 : i32
      %mul3A_1785 = arith.muli %add3A_1764, %mul3A_1784 : i32
      %add3A_1786 = arith.addi %mul3A_2, %mul3A_1785 : i32
      %mul3A_1787 = arith.constant 5 : i32
      %mul3A_1788 = arith.muli %add3A_1786, %mul3A_1787 : i32
      %mul3A_1789 = arith.constant 5 : i32
      %mul3A_1790 = arith.muli %mul3A_1788, %mul3A_1789 : i32
      %dma_start3A_1791 = tpu.memref_slice %arg6[%mul3A_1790] : memref<26214400xf32, #tpu.memory_space<hbm>> -> memref<25600xf32, #tpu.memory_space<hbm>>
      %dma_start3A_1792 = tpu.memref_slice %arg6[%mul3A_1790] : memref<26214400xf32, #tpu.memory_space<hbm>> -> memref<25600xf32, #tpu.memory_space<hbm>>
      tpu.enqueue_dma source(%arg12 : memref<25600xf32, #tpu.memory_space<vmem>>) target(%dma_start3A_1792 : memref<25600xf32, #tpu.memory_space<hbm>>) target_semaphore(%arg16 : memref<!tpu.dma_semaphore, #tpu.memory_space<semaphore_mem>>)
      %mul3A_1793 = arith.constant 2 : i32
      %mul3A_1794 = arith.muli %mul3A_1793, %scan3A_1760 : i32
      %add3A_1795 = arith.constant 1 : i32
      %add3A_1796 = arith.addi %mul3A_1794, %add3A_1795 : i32
      %add3A_1797 = arith.constant 0 : i32
      %add3A_1798 = arith.addi %mul3A_2, %add3A_1797 : i32
      %mul3A_1799 = arith.constant 5 : i32
      %mul3A_1800 = arith.muli %add3A_1798, %mul3A_1799 : i32
      %dma_wait3A_1801 = tpu.memref_slice %arg3[%mul3A_1800] : memref<5242880xf32, #tpu.memory_space<hbm>> -> memref<5120xf32, #tpu.memory_space<hbm>>
      %dma_wait3A_1802 = tpu.memref_slice %arg3[%mul3A_1800] : memref<5242880xf32, #tpu.memory_space<hbm>> -> memref<5120xf32, #tpu.memory_space<hbm>>
      tpu.wait_dma2 semaphore(%arg15 : memref<!tpu.dma_semaphore, #tpu.memory_space<semaphore_mem>>) src(%dma_wait3A_1802 : memref<5120xf32, #tpu.memory_space<hbm>>) dst(%arg11 : memref<5120xf32, #tpu.memory_space<vmem>>)
      %ge3A_1803 = arith.constant 2 : i32
      %ge3A_1804 = arith.cmpi sge, %add3A_1796, %ge3A_1803 : i32
      %convert_element_type3A_1805 = arith.extui %ge3A_1804 : i1 to i32
      %cond3A_1806 = arith.constant 0 : i32
      %cond3A_1807 = arith.cmpi ne, %convert_element_type3A_1805, %cond3A_1806 : i32
      scf.if %cond3A_1807 {
        %add3A_1828 = arith.constant 0 : i32
        %add3A_1829 = arith.addi %mul3A_2, %add3A_1828 : i32
        %mul3A_1830 = arith.constant 5 : i32
        %mul3A_1831 = arith.muli %add3A_1829, %mul3A_1830 : i32
        %mul3A_1832 = arith.constant 5 : i32
        %mul3A_1833 = arith.muli %mul3A_1831, %mul3A_1832 : i32
        %dma_wait3A_1834 = tpu.memref_slice %arg6[%mul3A_1833] : memref<26214400xf32, #tpu.memory_space<hbm>> -> memref<25600xf32, #tpu.memory_space<hbm>>
        %dma_wait3A_1835 = tpu.memref_slice %arg6[%mul3A_1833] : memref<26214400xf32, #tpu.memory_space<hbm>> -> memref<25600xf32, #tpu.memory_space<hbm>>
        tpu.wait_dma2 semaphore(%arg17 : memref<!tpu.dma_semaphore, #tpu.memory_space<semaphore_mem>>) src(%arg13 : memref<25600xf32, #tpu.memory_space<vmem>>) dst(%dma_wait3A_1835 : memref<25600xf32, #tpu.memory_space<hbm>>)
      } else {
      }
      %scan3A_1808 = arith.constant 0 : i32
      %scan3A_1809 = arith.constant 0 : i32
      %scan3A_1810 = arith.constant 64 : i32
      %scan3A_1811 = arith.addi %scan3A_1809, %scan3A_1810 : i32
      %scan3A_1812 = arith.constant 1 : i32
      scf.for %scan3A_1828 = %scan3A_1809 to %scan3A_1811 step %scan3A_1812  : i32 {
        %mul3A_1829 = arith.constant 16 : i32
        %mul3A_1830 = arith.muli %scan3A_1828, %mul3A_1829 : i32
        %iota3A_1831 = tpu.iota {dimensions = array<i32: 0>} : vector<16xi32>
        %add3A_1832 = vector.broadcast %mul3A_1830 : i32 to vector<16xi32>
        %add3A_1833 = arith.addi %add3A_1832, %iota3A_1831 : vector<16xi32>
        %mul3A_1834 = arith.constant 5 : i32
        %mul3A_1835 = vector.broadcast %mul3A_1834 : i32 to vector<16xi32>
        %mul3A_1836 = arith.muli %add3A_1833, %mul3A_1835 : vector<16xi32>
        %mul3A_1837 = arith.constant 25 : i32
        %mul3A_1838 = vector.broadcast %mul3A_1837 : i32 to vector<16xi32>
        %mul3A_1839 = arith.muli %add3A_1833, %mul3A_1838 : vector<16xi32>
        %add3A_1840 = arith.constant 0 : i32
        %add3A_1841 = vector.broadcast %add3A_1840 : i32 to vector<16xi32>
        %add3A_1842 = arith.addi %mul3A_1836, %add3A_1841 : vector<16xi32>
        %gather3A_1843 = tpu.vector_load_idx %arg11[%add3A_1842] : memref<5120xf32, #tpu.memory_space<vmem>>[vector<16xi32>], vector<16xf32>,
        %add3A_1844 = arith.constant 1 : i32
        %add3A_1845 = vector.broadcast %add3A_1844 : i32 to vector<16xi32>
        %add3A_1846 = arith.addi %mul3A_1836, %add3A_1845 : vector<16xi32>
        %gather3A_1847 = tpu.vector_load_idx %arg11[%add3A_1846] : memref<5120xf32, #tpu.memory_space<vmem>>[vector<16xi32>], vector<16xf32>,
        %add3A_1848 = arith.constant 2 : i32
        %add3A_1849 = vector.broadcast %add3A_1848 : i32 to vector<16xi32>
        %add3A_1850 = arith.addi %mul3A_1836, %add3A_1849 : vector<16xi32>
        %gather3A_1851 = tpu.vector_load_idx %arg11[%add3A_1850] : memref<5120xf32, #tpu.memory_space<vmem>>[vector<16xi32>], vector<16xf32>,
        %add3A_1852 = arith.constant 3 : i32
        %add3A_1853 = vector.broadcast %add3A_1852 : i32 to vector<16xi32>
        %add3A_1854 = arith.addi %mul3A_1836, %add3A_1853 : vector<16xi32>
        %gather3A_1855 = tpu.vector_load_idx %arg11[%add3A_1854] : memref<5120xf32, #tpu.memory_space<vmem>>[vector<16xi32>], vector<16xf32>,
        %add3A_1856 = arith.constant 4 : i32
        %add3A_1857 = vector.broadcast %add3A_1856 : i32 to vector<16xi32>
        %add3A_1858 = arith.addi %mul3A_1836, %add3A_1857 : vector<16xi32>
        %gather3A_1859 = tpu.vector_load_idx %arg11[%add3A_1858] : memref<5120xf32, #tpu.memory_space<vmem>>[vector<16xi32>], vector<16xf32>,
        %add3A_1860 = arith.addf %gather3A_1843, %gather3A_1847 : vector<16xf32>
        %add3A_1861 = arith.addf %add3A_1860, %gather3A_1851 : vector<16xf32>
        %add3A_1862 = arith.addf %add3A_1861, %gather3A_1855 : vector<16xf32>
        %add3A_1863 = arith.addf %add3A_1862, %gather3A_1859 : vector<16xf32>
        %mul3A_1864 = arith.mulf %get3A_16, %add3A_1863 : vector<16xf32>
        %mul3A_1865 = arith.mulf %get3A_20, %gather3A_1843 : vector<16xf32>
        %add3A_1866 = arith.addf %mul3A_1864, %mul3A_1865 : vector<16xf32>
        %mul3A_1867 = arith.mulf %get3A_16, %add3A_1863 : vector<16xf32>
        %mul3A_1868 = arith.mulf %get3A_20, %gather3A_1847 : vector<16xf32>
        %add3A_1869 = arith.addf %mul3A_1867, %mul3A_1868 : vector<16xf32>
        %mul3A_1870 = arith.mulf %get3A_16, %add3A_1863 : vector<16xf32>
        %mul3A_1871 = arith.mulf %get3A_20, %gather3A_1851 : vector<16xf32>
        %add3A_1872 = arith.addf %mul3A_1870, %mul3A_1871 : vector<16xf32>
        %mul3A_1873 = arith.mulf %get3A_16, %add3A_1863 : vector<16xf32>
        %mul3A_1874 = arith.mulf %get3A_20, %gather3A_1855 : vector<16xf32>
        %add3A_1875 = arith.addf %mul3A_1873, %mul3A_1874 : vector<16xf32>
        %mul3A_1876 = arith.mulf %get3A_16, %add3A_1863 : vector<16xf32>
        %mul3A_1877 = arith.mulf %get3A_20, %gather3A_1859 : vector<16xf32>
        %add3A_1878 = arith.addf %mul3A_1876, %mul3A_1877 : vector<16xf32>
        %eq3A_1879 = arith.constant 0.000000e+00 : f32
        %eq3A_1880 = vector.broadcast %eq3A_1879 : f32 to vector<16xf32>
        %eq3A_1881 = arith.cmpf oeq, %add3A_1866, %eq3A_1880 : vector<16xf32>
        %jit3A_1882 = arith.constant 9.99999997E-7 : f32
        %broadcast_in_dim3A_1883 = vector.broadcast %jit3A_1882 : f32 to vector<16xf32>
        %select_n3A_1884 = arith.select %eq3A_1881, %broadcast_in_dim3A_1883, %add3A_1866 : vector<16xi1>, vector<16xf32>
        %abs3A_1885 = math.absf %select_n3A_1884 : vector<16xf32>
        %bitcast_convert_type3A_1886 = tpu.bitcast %abs3A_1885 : vector<16xf32> -> vector<16xi32>
        %sub3A_1887 = arith.constant 2129950677 : i32
        %sub3A_1888 = vector.broadcast %sub3A_1887 : i32 to vector<16xi32>
        %sub3A_1889 = arith.subi %sub3A_1888, %bitcast_convert_type3A_1886 : vector<16xi32>
        %bitcast_convert_type3A_1890 = tpu.bitcast %sub3A_1889 : vector<16xi32> -> vector<16xf32>
        %mul3A_1891 = arith.mulf %abs3A_1885, %bitcast_convert_type3A_1890 : vector<16xf32>
        %sub3A_1892 = arith.constant 2.000000e+00 : f32
        %sub3A_1893 = vector.broadcast %sub3A_1892 : f32 to vector<16xf32>
        %sub3A_1894 = arith.subf %sub3A_1893, %mul3A_1891 : vector<16xf32>
        %mul3A_1895 = arith.mulf %bitcast_convert_type3A_1890, %sub3A_1894 : vector<16xf32>
        %mul3A_1896 = arith.mulf %abs3A_1885, %mul3A_1895 : vector<16xf32>
        %sub3A_1897 = arith.constant 2.000000e+00 : f32
        %sub3A_1898 = vector.broadcast %sub3A_1897 : f32 to vector<16xf32>
        %sub3A_1899 = arith.subf %sub3A_1898, %mul3A_1896 : vector<16xf32>
        %mul3A_1900 = arith.mulf %mul3A_1895, %sub3A_1899 : vector<16xf32>
        %mul3A_1901 = arith.mulf %abs3A_1885, %mul3A_1900 : vector<16xf32>
        %sub3A_1902 = arith.constant 2.000000e+00 : f32
        %sub3A_1903 = vector.broadcast %sub3A_1902 : f32 to vector<16xf32>
        %sub3A_1904 = arith.subf %sub3A_1903, %mul3A_1901 : vector<16xf32>
        %mul3A_1905 = arith.mulf %mul3A_1900, %sub3A_1904 : vector<16xf32>
        %lt3A_1906 = arith.constant 0.000000e+00 : f32
        %lt3A_1907 = vector.broadcast %lt3A_1906 : f32 to vector<16xf32>
        %lt3A_1908 = arith.cmpf olt, %select_n3A_1884, %lt3A_1907 : vector<16xf32>
        %neg3A_1909 = arith.constant 0.000000e+00 : f32
        %neg3A_1910 = vector.broadcast %neg3A_1909 : f32 to vector<16xf32>
        %neg3A_1911 = arith.subf %neg3A_1910, %mul3A_1905 : vector<16xf32>
        %select_n3A_1912 = arith.select %lt3A_1908, %neg3A_1911, %mul3A_1905 : vector<16xi1>, vector<16xf32>
        %eq3A_1913 = arith.constant 0.000000e+00 : f32
        %eq3A_1914 = vector.broadcast %eq3A_1913 : f32 to vector<16xf32>
        %eq3A_1915 = arith.cmpf oeq, %add3A_1869, %eq3A_1914 : vector<16xf32>
        %jit3A_1916 = arith.constant 9.99999997E-7 : f32
        %broadcast_in_dim3A_1917 = vector.broadcast %jit3A_1916 : f32 to vector<16xf32>
        %select_n3A_1918 = arith.select %eq3A_1915, %broadcast_in_dim3A_1917, %add3A_1869 : vector<16xi1>, vector<16xf32>
        %abs3A_1919 = math.absf %select_n3A_1918 : vector<16xf32>
        %bitcast_convert_type3A_1920 = tpu.bitcast %abs3A_1919 : vector<16xf32> -> vector<16xi32>
        %sub3A_1921 = arith.constant 2129950677 : i32
        %sub3A_1922 = vector.broadcast %sub3A_1921 : i32 to vector<16xi32>
        %sub3A_1923 = arith.subi %sub3A_1922, %bitcast_convert_type3A_1920 : vector<16xi32>
        %bitcast_convert_type3A_1924 = tpu.bitcast %sub3A_1923 : vector<16xi32> -> vector<16xf32>
        %mul3A_1925 = arith.mulf %abs3A_1919, %bitcast_convert_type3A_1924 : vector<16xf32>
        %sub3A_1926 = arith.constant 2.000000e+00 : f32
        %sub3A_1927 = vector.broadcast %sub3A_1926 : f32 to vector<16xf32>
        %sub3A_1928 = arith.subf %sub3A_1927, %mul3A_1925 : vector<16xf32>
        %mul3A_1929 = arith.mulf %bitcast_convert_type3A_1924, %sub3A_1928 : vector<16xf32>
        %mul3A_1930 = arith.mulf %abs3A_1919, %mul3A_1929 : vector<16xf32>
        %sub3A_1931 = arith.constant 2.000000e+00 : f32
        %sub3A_1932 = vector.broadcast %sub3A_1931 : f32 to vector<16xf32>
        %sub3A_1933 = arith.subf %sub3A_1932, %mul3A_1930 : vector<16xf32>
        %mul3A_1934 = arith.mulf %mul3A_1929, %sub3A_1933 : vector<16xf32>
        %mul3A_1935 = arith.mulf %abs3A_1919, %mul3A_1934 : vector<16xf32>
        %sub3A_1936 = arith.constant 2.000000e+00 : f32
        %sub3A_1937 = vector.broadcast %sub3A_1936 : f32 to vector<16xf32>
        %sub3A_1938 = arith.subf %sub3A_1937, %mul3A_1935 : vector<16xf32>
        %mul3A_1939 = arith.mulf %mul3A_1934, %sub3A_1938 : vector<16xf32>
        %lt3A_1940 = arith.constant 0.000000e+00 : f32
        %lt3A_1941 = vector.broadcast %lt3A_1940 : f32 to vector<16xf32>
        %lt3A_1942 = arith.cmpf olt, %select_n3A_1918, %lt3A_1941 : vector<16xf32>
        %neg3A_1943 = arith.constant 0.000000e+00 : f32
        %neg3A_1944 = vector.broadcast %neg3A_1943 : f32 to vector<16xf32>
        %neg3A_1945 = arith.subf %neg3A_1944, %mul3A_1939 : vector<16xf32>
        %select_n3A_1946 = arith.select %lt3A_1942, %neg3A_1945, %mul3A_1939 : vector<16xi1>, vector<16xf32>
        %eq3A_1947 = arith.constant 0.000000e+00 : f32
        %eq3A_1948 = vector.broadcast %eq3A_1947 : f32 to vector<16xf32>
        %eq3A_1949 = arith.cmpf oeq, %add3A_1872, %eq3A_1948 : vector<16xf32>
        %jit3A_1950 = arith.constant 9.99999997E-7 : f32
        %broadcast_in_dim3A_1951 = vector.broadcast %jit3A_1950 : f32 to vector<16xf32>
        %select_n3A_1952 = arith.select %eq3A_1949, %broadcast_in_dim3A_1951, %add3A_1872 : vector<16xi1>, vector<16xf32>
        %abs3A_1953 = math.absf %select_n3A_1952 : vector<16xf32>
        %bitcast_convert_type3A_1954 = tpu.bitcast %abs3A_1953 : vector<16xf32> -> vector<16xi32>
        %sub3A_1955 = arith.constant 2129950677 : i32
        %sub3A_1956 = vector.broadcast %sub3A_1955 : i32 to vector<16xi32>
        %sub3A_1957 = arith.subi %sub3A_1956, %bitcast_convert_type3A_1954 : vector<16xi32>
        %bitcast_convert_type3A_1958 = tpu.bitcast %sub3A_1957 : vector<16xi32> -> vector<16xf32>
        %mul3A_1959 = arith.mulf %abs3A_1953, %bitcast_convert_type3A_1958 : vector<16xf32>
        %sub3A_1960 = arith.constant 2.000000e+00 : f32
        %sub3A_1961 = vector.broadcast %sub3A_1960 : f32 to vector<16xf32>
        %sub3A_1962 = arith.subf %sub3A_1961, %mul3A_1959 : vector<16xf32>
        %mul3A_1963 = arith.mulf %bitcast_convert_type3A_1958, %sub3A_1962 : vector<16xf32>
        %mul3A_1964 = arith.mulf %abs3A_1953, %mul3A_1963 : vector<16xf32>
        %sub3A_1965 = arith.constant 2.000000e+00 : f32
        %sub3A_1966 = vector.broadcast %sub3A_1965 : f32 to vector<16xf32>
        %sub3A_1967 = arith.subf %sub3A_1966, %mul3A_1964 : vector<16xf32>
        %mul3A_1968 = arith.mulf %mul3A_1963, %sub3A_1967 : vector<16xf32>
        %mul3A_1969 = arith.mulf %abs3A_1953, %mul3A_1968 : vector<16xf32>
        %sub3A_1970 = arith.constant 2.000000e+00 : f32
        %sub3A_1971 = vector.broadcast %sub3A_1970 : f32 to vector<16xf32>
        %sub3A_1972 = arith.subf %sub3A_1971, %mul3A_1969 : vector<16xf32>
        %mul3A_1973 = arith.mulf %mul3A_1968, %sub3A_1972 : vector<16xf32>
        %lt3A_1974 = arith.constant 0.000000e+00 : f32
        %lt3A_1975 = vector.broadcast %lt3A_1974 : f32 to vector<16xf32>
        %lt3A_1976 = arith.cmpf olt, %select_n3A_1952, %lt3A_1975 : vector<16xf32>
        %neg3A_1977 = arith.constant 0.000000e+00 : f32
        %neg3A_1978 = vector.broadcast %neg3A_1977 : f32 to vector<16xf32>
        %neg3A_1979 = arith.subf %neg3A_1978, %mul3A_1973 : vector<16xf32>
        %select_n3A_1980 = arith.select %lt3A_1976, %neg3A_1979, %mul3A_1973 : vector<16xi1>, vector<16xf32>
        %eq3A_1981 = arith.constant 0.000000e+00 : f32
        %eq3A_1982 = vector.broadcast %eq3A_1981 : f32 to vector<16xf32>
        %eq3A_1983 = arith.cmpf oeq, %add3A_1875, %eq3A_1982 : vector<16xf32>
        %jit3A_1984 = arith.constant 9.99999997E-7 : f32
        %broadcast_in_dim3A_1985 = vector.broadcast %jit3A_1984 : f32 to vector<16xf32>
        %select_n3A_1986 = arith.select %eq3A_1983, %broadcast_in_dim3A_1985, %add3A_1875 : vector<16xi1>, vector<16xf32>
        %abs3A_1987 = math.absf %select_n3A_1986 : vector<16xf32>
        %bitcast_convert_type3A_1988 = tpu.bitcast %abs3A_1987 : vector<16xf32> -> vector<16xi32>
        %sub3A_1989 = arith.constant 2129950677 : i32
        %sub3A_1990 = vector.broadcast %sub3A_1989 : i32 to vector<16xi32>
        %sub3A_1991 = arith.subi %sub3A_1990, %bitcast_convert_type3A_1988 : vector<16xi32>
        %bitcast_convert_type3A_1992 = tpu.bitcast %sub3A_1991 : vector<16xi32> -> vector<16xf32>
        %mul3A_1993 = arith.mulf %abs3A_1987, %bitcast_convert_type3A_1992 : vector<16xf32>
        %sub3A_1994 = arith.constant 2.000000e+00 : f32
        %sub3A_1995 = vector.broadcast %sub3A_1994 : f32 to vector<16xf32>
        %sub3A_1996 = arith.subf %sub3A_1995, %mul3A_1993 : vector<16xf32>
        %mul3A_1997 = arith.mulf %bitcast_convert_type3A_1992, %sub3A_1996 : vector<16xf32>
        %mul3A_1998 = arith.mulf %abs3A_1987, %mul3A_1997 : vector<16xf32>
        %sub3A_1999 = arith.constant 2.000000e+00 : f32
        %sub3A_2000 = vector.broadcast %sub3A_1999 : f32 to vector<16xf32>
        %sub3A_2001 = arith.subf %sub3A_2000, %mul3A_1998 : vector<16xf32>
        %mul3A_2002 = arith.mulf %mul3A_1997, %sub3A_2001 : vector<16xf32>
        %mul3A_2003 = arith.mulf %abs3A_1987, %mul3A_2002 : vector<16xf32>
        %sub3A_2004 = arith.constant 2.000000e+00 : f32
        %sub3A_2005 = vector.broadcast %sub3A_2004 : f32 to vector<16xf32>
        %sub3A_2006 = arith.subf %sub3A_2005, %mul3A_2003 : vector<16xf32>
        %mul3A_2007 = arith.mulf %mul3A_2002, %sub3A_2006 : vector<16xf32>
        %lt3A_2008 = arith.constant 0.000000e+00 : f32
        %lt3A_2009 = vector.broadcast %lt3A_2008 : f32 to vector<16xf32>
        %lt3A_2010 = arith.cmpf olt, %select_n3A_1986, %lt3A_2009 : vector<16xf32>
        %neg3A_2011 = arith.constant 0.000000e+00 : f32
        %neg3A_2012 = vector.broadcast %neg3A_2011 : f32 to vector<16xf32>
        %neg3A_2013 = arith.subf %neg3A_2012, %mul3A_2007 : vector<16xf32>
        %select_n3A_2014 = arith.select %lt3A_2010, %neg3A_2013, %mul3A_2007 : vector<16xi1>, vector<16xf32>
        %eq3A_2015 = arith.constant 0.000000e+00 : f32
        %eq3A_2016 = vector.broadcast %eq3A_2015 : f32 to vector<16xf32>
        %eq3A_2017 = arith.cmpf oeq, %add3A_1878, %eq3A_2016 : vector<16xf32>
        %jit3A_2018 = arith.constant 9.99999997E-7 : f32
        %broadcast_in_dim3A_2019 = vector.broadcast %jit3A_2018 : f32 to vector<16xf32>
        %select_n3A_2020 = arith.select %eq3A_2017, %broadcast_in_dim3A_2019, %add3A_1878 : vector<16xi1>, vector<16xf32>
        %abs3A_2021 = math.absf %select_n3A_2020 : vector<16xf32>
        %bitcast_convert_type3A_2022 = tpu.bitcast %abs3A_2021 : vector<16xf32> -> vector<16xi32>
        %sub3A_2023 = arith.constant 2129950677 : i32
        %sub3A_2024 = vector.broadcast %sub3A_2023 : i32 to vector<16xi32>
        %sub3A_2025 = arith.subi %sub3A_2024, %bitcast_convert_type3A_2022 : vector<16xi32>
        %bitcast_convert_type3A_2026 = tpu.bitcast %sub3A_2025 : vector<16xi32> -> vector<16xf32>
        %mul3A_2027 = arith.mulf %abs3A_2021, %bitcast_convert_type3A_2026 : vector<16xf32>
        %sub3A_2028 = arith.constant 2.000000e+00 : f32
        %sub3A_2029 = vector.broadcast %sub3A_2028 : f32 to vector<16xf32>
        %sub3A_2030 = arith.subf %sub3A_2029, %mul3A_2027 : vector<16xf32>
        %mul3A_2031 = arith.mulf %bitcast_convert_type3A_2026, %sub3A_2030 : vector<16xf32>
        %mul3A_2032 = arith.mulf %abs3A_2021, %mul3A_2031 : vector<16xf32>
        %sub3A_2033 = arith.constant 2.000000e+00 : f32
        %sub3A_2034 = vector.broadcast %sub3A_2033 : f32 to vector<16xf32>
        %sub3A_2035 = arith.subf %sub3A_2034, %mul3A_2032 : vector<16xf32>
        %mul3A_2036 = arith.mulf %mul3A_2031, %sub3A_2035 : vector<16xf32>
        %mul3A_2037 = arith.mulf %abs3A_2021, %mul3A_2036 : vector<16xf32>
        %sub3A_2038 = arith.constant 2.000000e+00 : f32
        %sub3A_2039 = vector.broadcast %sub3A_2038 : f32 to vector<16xf32>
        %sub3A_2040 = arith.subf %sub3A_2039, %mul3A_2037 : vector<16xf32>
        %mul3A_2041 = arith.mulf %mul3A_2036, %sub3A_2040 : vector<16xf32>
        %lt3A_2042 = arith.constant 0.000000e+00 : f32
        %lt3A_2043 = vector.broadcast %lt3A_2042 : f32 to vector<16xf32>
        %lt3A_2044 = arith.cmpf olt, %select_n3A_2020, %lt3A_2043 : vector<16xf32>
        %neg3A_2045 = arith.constant 0.000000e+00 : f32
        %neg3A_2046 = vector.broadcast %neg3A_2045 : f32 to vector<16xf32>
        %neg3A_2047 = arith.subf %neg3A_2046, %mul3A_2041 : vector<16xf32>
        %select_n3A_2048 = arith.select %lt3A_2044, %neg3A_2047, %mul3A_2041 : vector<16xi1>, vector<16xf32>
        %mul3A_2049 = arith.mulf %get3A_24, %add3A_1866 : vector<16xf32>
        %mul3A_2050 = arith.mulf %get3A_24, %add3A_1869 : vector<16xf32>
        %mul3A_2051 = arith.mulf %get3A_24, %add3A_1872 : vector<16xf32>
        %mul3A_2052 = arith.mulf %get3A_24, %add3A_1875 : vector<16xf32>
        %mul3A_2053 = arith.mulf %get3A_24, %add3A_1878 : vector<16xf32>
        %mul3A_2054 = arith.mulf %get3A_28, %add3A_1866 : vector<16xf32>
        %mul3A_2055 = arith.mulf %get3A_28, %add3A_1869 : vector<16xf32>
        %mul3A_2056 = arith.mulf %get3A_28, %add3A_1872 : vector<16xf32>
        %mul3A_2057 = arith.mulf %get3A_28, %add3A_1875 : vector<16xf32>
        %mul3A_2058 = arith.mulf %get3A_28, %add3A_1878 : vector<16xf32>
        %mul3A_2059 = arith.mulf %select_n3A_1912, %mul3A_2054 : vector<16xf32>
        %add3A_2060 = arith.constant 0 : i32
        %add3A_2061 = vector.broadcast %add3A_2060 : i32 to vector<16xi32>
        %add3A_2062 = arith.addi %mul3A_1839, %add3A_2061 : vector<16xi32>
        tpu.vector_store_idx %arg13[%add3A_2062], %mul3A_2059 : memref<25600xf32, #tpu.memory_space<vmem>>[vector<16xi32>], vector<16xf32>,
        %mul3A_2063 = arith.mulf %select_n3A_1912, %mul3A_2050 : vector<16xf32>
        %add3A_2064 = arith.constant 1 : i32
        %add3A_2065 = vector.broadcast %add3A_2064 : i32 to vector<16xi32>
        %add3A_2066 = arith.addi %mul3A_1839, %add3A_2065 : vector<16xi32>
        tpu.vector_store_idx %arg13[%add3A_2066], %mul3A_2063 : memref<25600xf32, #tpu.memory_space<vmem>>[vector<16xi32>], vector<16xf32>,
        %mul3A_2067 = arith.mulf %select_n3A_1912, %mul3A_2051 : vector<16xf32>
        %add3A_2068 = arith.constant 2 : i32
        %add3A_2069 = vector.broadcast %add3A_2068 : i32 to vector<16xi32>
        %add3A_2070 = arith.addi %mul3A_1839, %add3A_2069 : vector<16xi32>
        tpu.vector_store_idx %arg13[%add3A_2070], %mul3A_2067 : memref<25600xf32, #tpu.memory_space<vmem>>[vector<16xi32>], vector<16xf32>,
        %mul3A_2071 = arith.mulf %select_n3A_1912, %mul3A_2052 : vector<16xf32>
        %add3A_2072 = arith.constant 3 : i32
        %add3A_2073 = vector.broadcast %add3A_2072 : i32 to vector<16xi32>
        %add3A_2074 = arith.addi %mul3A_1839, %add3A_2073 : vector<16xi32>
        tpu.vector_store_idx %arg13[%add3A_2074], %mul3A_2071 : memref<25600xf32, #tpu.memory_space<vmem>>[vector<16xi32>], vector<16xf32>,
        %mul3A_2075 = arith.mulf %select_n3A_1912, %mul3A_2053 : vector<16xf32>
        %add3A_2076 = arith.constant 4 : i32
        %add3A_2077 = vector.broadcast %add3A_2076 : i32 to vector<16xi32>
        %add3A_2078 = arith.addi %mul3A_1839, %add3A_2077 : vector<16xi32>
        tpu.vector_store_idx %arg13[%add3A_2078], %mul3A_2075 : memref<25600xf32, #tpu.memory_space<vmem>>[vector<16xi32>], vector<16xf32>,
        %mul3A_2079 = arith.mulf %select_n3A_1946, %mul3A_2049 : vector<16xf32>
        %add3A_2080 = arith.constant 5 : i32
        %add3A_2081 = vector.broadcast %add3A_2080 : i32 to vector<16xi32>
        %add3A_2082 = arith.addi %mul3A_1839, %add3A_2081 : vector<16xi32>
        tpu.vector_store_idx %arg13[%add3A_2082], %mul3A_2079 : memref<25600xf32, #tpu.memory_space<vmem>>[vector<16xi32>], vector<16xf32>,
        %mul3A_2083 = arith.mulf %select_n3A_1946, %mul3A_2055 : vector<16xf32>
        %add3A_2084 = arith.constant 6 : i32
        %add3A_2085 = vector.broadcast %add3A_2084 : i32 to vector<16xi32>
        %add3A_2086 = arith.addi %mul3A_1839, %add3A_2085 : vector<16xi32>
        tpu.vector_store_idx %arg13[%add3A_2086], %mul3A_2083 : memref<25600xf32, #tpu.memory_space<vmem>>[vector<16xi32>], vector<16xf32>,
        %mul3A_2087 = arith.mulf %select_n3A_1946, %mul3A_2051 : vector<16xf32>
        %add3A_2088 = arith.constant 7 : i32
        %add3A_2089 = vector.broadcast %add3A_2088 : i32 to vector<16xi32>
        %add3A_2090 = arith.addi %mul3A_1839, %add3A_2089 : vector<16xi32>
        tpu.vector_store_idx %arg13[%add3A_2090], %mul3A_2087 : memref<25600xf32, #tpu.memory_space<vmem>>[vector<16xi32>], vector<16xf32>,
        %mul3A_2091 = arith.mulf %select_n3A_1946, %mul3A_2052 : vector<16xf32>
        %add3A_2092 = arith.constant 8 : i32
        %add3A_2093 = vector.broadcast %add3A_2092 : i32 to vector<16xi32>
        %add3A_2094 = arith.addi %mul3A_1839, %add3A_2093 : vector<16xi32>
        tpu.vector_store_idx %arg13[%add3A_2094], %mul3A_2091 : memref<25600xf32, #tpu.memory_space<vmem>>[vector<16xi32>], vector<16xf32>,
        %mul3A_2095 = arith.mulf %select_n3A_1946, %mul3A_2053 : vector<16xf32>
        %add3A_2096 = arith.constant 9 : i32
        %add3A_2097 = vector.broadcast %add3A_2096 : i32 to vector<16xi32>
        %add3A_2098 = arith.addi %mul3A_1839, %add3A_2097 : vector<16xi32>
        tpu.vector_store_idx %arg13[%add3A_2098], %mul3A_2095 : memref<25600xf32, #tpu.memory_space<vmem>>[vector<16xi32>], vector<16xf32>,
        %mul3A_2099 = arith.mulf %select_n3A_1980, %mul3A_2049 : vector<16xf32>
        %add3A_2100 = arith.constant 10 : i32
        %add3A_2101 = vector.broadcast %add3A_2100 : i32 to vector<16xi32>
        %add3A_2102 = arith.addi %mul3A_1839, %add3A_2101 : vector<16xi32>
        tpu.vector_store_idx %arg13[%add3A_2102], %mul3A_2099 : memref<25600xf32, #tpu.memory_space<vmem>>[vector<16xi32>], vector<16xf32>,
        %mul3A_2103 = arith.mulf %select_n3A_1980, %mul3A_2050 : vector<16xf32>
        %add3A_2104 = arith.constant 11 : i32
        %add3A_2105 = vector.broadcast %add3A_2104 : i32 to vector<16xi32>
        %add3A_2106 = arith.addi %mul3A_1839, %add3A_2105 : vector<16xi32>
        tpu.vector_store_idx %arg13[%add3A_2106], %mul3A_2103 : memref<25600xf32, #tpu.memory_space<vmem>>[vector<16xi32>], vector<16xf32>,
        %mul3A_2107 = arith.mulf %select_n3A_1980, %mul3A_2056 : vector<16xf32>
        %add3A_2108 = arith.constant 12 : i32
        %add3A_2109 = vector.broadcast %add3A_2108 : i32 to vector<16xi32>
        %add3A_2110 = arith.addi %mul3A_1839, %add3A_2109 : vector<16xi32>
        tpu.vector_store_idx %arg13[%add3A_2110], %mul3A_2107 : memref<25600xf32, #tpu.memory_space<vmem>>[vector<16xi32>], vector<16xf32>,
        %mul3A_2111 = arith.mulf %select_n3A_1980, %mul3A_2052 : vector<16xf32>
        %add3A_2112 = arith.constant 13 : i32
        %add3A_2113 = vector.broadcast %add3A_2112 : i32 to vector<16xi32>
        %add3A_2114 = arith.addi %mul3A_1839, %add3A_2113 : vector<16xi32>
        tpu.vector_store_idx %arg13[%add3A_2114], %mul3A_2111 : memref<25600xf32, #tpu.memory_space<vmem>>[vector<16xi32>], vector<16xf32>,
        %mul3A_2115 = arith.mulf %select_n3A_1980, %mul3A_2053 : vector<16xf32>
        %add3A_2116 = arith.constant 14 : i32
        %add3A_2117 = vector.broadcast %add3A_2116 : i32 to vector<16xi32>
        %add3A_2118 = arith.addi %mul3A_1839, %add3A_2117 : vector<16xi32>
        tpu.vector_store_idx %arg13[%add3A_2118], %mul3A_2115 : memref<25600xf32, #tpu.memory_space<vmem>>[vector<16xi32>], vector<16xf32>,
        %mul3A_2119 = arith.mulf %select_n3A_2014, %mul3A_2049 : vector<16xf32>
        %add3A_2120 = arith.constant 15 : i32
        %add3A_2121 = vector.broadcast %add3A_2120 : i32 to vector<16xi32>
        %add3A_2122 = arith.addi %mul3A_1839, %add3A_2121 : vector<16xi32>
        tpu.vector_store_idx %arg13[%add3A_2122], %mul3A_2119 : memref<25600xf32, #tpu.memory_space<vmem>>[vector<16xi32>], vector<16xf32>,
        %mul3A_2123 = arith.mulf %select_n3A_2014, %mul3A_2050 : vector<16xf32>
        %add3A_2124 = arith.constant 16 : i32
        %add3A_2125 = vector.broadcast %add3A_2124 : i32 to vector<16xi32>
        %add3A_2126 = arith.addi %mul3A_1839, %add3A_2125 : vector<16xi32>
        tpu.vector_store_idx %arg13[%add3A_2126], %mul3A_2123 : memref<25600xf32, #tpu.memory_space<vmem>>[vector<16xi32>], vector<16xf32>,
        %mul3A_2127 = arith.mulf %select_n3A_2014, %mul3A_2051 : vector<16xf32>
        %add3A_2128 = arith.constant 17 : i32
        %add3A_2129 = vector.broadcast %add3A_2128 : i32 to vector<16xi32>
        %add3A_2130 = arith.addi %mul3A_1839, %add3A_2129 : vector<16xi32>
        tpu.vector_store_idx %arg13[%add3A_2130], %mul3A_2127 : memref<25600xf32, #tpu.memory_space<vmem>>[vector<16xi32>], vector<16xf32>,
        %mul3A_2131 = arith.mulf %select_n3A_2014, %mul3A_2057 : vector<16xf32>
        %add3A_2132 = arith.constant 18 : i32
        %add3A_2133 = vector.broadcast %add3A_2132 : i32 to vector<16xi32>
        %add3A_2134 = arith.addi %mul3A_1839, %add3A_2133 : vector<16xi32>
        tpu.vector_store_idx %arg13[%add3A_2134], %mul3A_2131 : memref<25600xf32, #tpu.memory_space<vmem>>[vector<16xi32>], vector<16xf32>,
        %mul3A_2135 = arith.mulf %select_n3A_2014, %mul3A_2053 : vector<16xf32>
        %add3A_2136 = arith.constant 19 : i32
        %add3A_2137 = vector.broadcast %add3A_2136 : i32 to vector<16xi32>
        %add3A_2138 = arith.addi %mul3A_1839, %add3A_2137 : vector<16xi32>
        tpu.vector_store_idx %arg13[%add3A_2138], %mul3A_2135 : memref<25600xf32, #tpu.memory_space<vmem>>[vector<16xi32>], vector<16xf32>,
        %mul3A_2139 = arith.mulf %select_n3A_2048, %mul3A_2049 : vector<16xf32>
        %add3A_2140 = arith.constant 20 : i32
        %add3A_2141 = vector.broadcast %add3A_2140 : i32 to vector<16xi32>
        %add3A_2142 = arith.addi %mul3A_1839, %add3A_2141 : vector<16xi32>
        tpu.vector_store_idx %arg13[%add3A_2142], %mul3A_2139 : memref<25600xf32, #tpu.memory_space<vmem>>[vector<16xi32>], vector<16xf32>,
        %mul3A_2143 = arith.mulf %select_n3A_2048, %mul3A_2050 : vector<16xf32>
        %add3A_2144 = arith.constant 21 : i32
        %add3A_2145 = vector.broadcast %add3A_2144 : i32 to vector<16xi32>
        %add3A_2146 = arith.addi %mul3A_1839, %add3A_2145 : vector<16xi32>
        tpu.vector_store_idx %arg13[%add3A_2146], %mul3A_2143 : memref<25600xf32, #tpu.memory_space<vmem>>[vector<16xi32>], vector<16xf32>,
        %mul3A_2147 = arith.mulf %select_n3A_2048, %mul3A_2051 : vector<16xf32>
        %add3A_2148 = arith.constant 22 : i32
        %add3A_2149 = vector.broadcast %add3A_2148 : i32 to vector<16xi32>
        %add3A_2150 = arith.addi %mul3A_1839, %add3A_2149 : vector<16xi32>
        tpu.vector_store_idx %arg13[%add3A_2150], %mul3A_2147 : memref<25600xf32, #tpu.memory_space<vmem>>[vector<16xi32>], vector<16xf32>,
        %mul3A_2151 = arith.mulf %select_n3A_2048, %mul3A_2052 : vector<16xf32>
        %add3A_2152 = arith.constant 23 : i32
        %add3A_2153 = vector.broadcast %add3A_2152 : i32 to vector<16xi32>
        %add3A_2154 = arith.addi %mul3A_1839, %add3A_2153 : vector<16xi32>
        tpu.vector_store_idx %arg13[%add3A_2154], %mul3A_2151 : memref<25600xf32, #tpu.memory_space<vmem>>[vector<16xi32>], vector<16xf32>,
        %mul3A_2155 = arith.mulf %select_n3A_2048, %mul3A_2058 : vector<16xf32>
        %add3A_2156 = arith.constant 24 : i32
        %add3A_2157 = vector.broadcast %add3A_2156 : i32 to vector<16xi32>
        %add3A_2158 = arith.addi %mul3A_1839, %add3A_2157 : vector<16xi32>
        tpu.vector_store_idx %arg13[%add3A_2158], %mul3A_2155 : memref<25600xf32, #tpu.memory_space<vmem>>[vector<16xi32>], vector<16xf32>,
      }
      %scan3A_1813 = arith.constant 64 : i32
      %lt3A_1814 = arith.constant 30 : i32
      %lt3A_1815 = arith.cmpi slt, %add3A_1796, %lt3A_1814 : i32
      %convert_element_type3A_1816 = arith.extui %lt3A_1815 : i1 to i32
      %cond3A_1817 = arith.constant 0 : i32
      %cond3A_1818 = arith.cmpi ne, %convert_element_type3A_1816, %cond3A_1817 : i32
      scf.if %cond3A_1818 {
        %add3A_1828 = arith.constant 2 : i32
        %add3A_1829 = arith.addi %add3A_1796, %add3A_1828 : i32
        %mul3A_1830 = arith.constant 1024 : i32
        %mul3A_1831 = arith.muli %add3A_1829, %mul3A_1830 : i32
        %add3A_1832 = arith.addi %mul3A_2, %mul3A_1831 : i32
        %mul3A_1833 = arith.constant 5 : i32
        %mul3A_1834 = arith.muli %add3A_1832, %mul3A_1833 : i32
        %dma_start3A_1835 = tpu.memref_slice %arg3[%mul3A_1834] : memref<5242880xf32, #tpu.memory_space<hbm>> -> memref<5120xf32, #tpu.memory_space<hbm>>
        %dma_start3A_1836 = tpu.memref_slice %arg3[%mul3A_1834] : memref<5242880xf32, #tpu.memory_space<hbm>> -> memref<5120xf32, #tpu.memory_space<hbm>>
        tpu.enqueue_dma source(%dma_start3A_1836 : memref<5120xf32, #tpu.memory_space<hbm>>) target(%arg11 : memref<5120xf32, #tpu.memory_space<vmem>>) target_semaphore(%arg15 : memref<!tpu.dma_semaphore, #tpu.memory_space<semaphore_mem>>)
      } else {
      }
      %mul3A_1819 = arith.constant 1024 : i32
      %mul3A_1820 = arith.muli %add3A_1796, %mul3A_1819 : i32
      %add3A_1821 = arith.addi %mul3A_2, %mul3A_1820 : i32
      %mul3A_1822 = arith.constant 5 : i32
      %mul3A_1823 = arith.muli %add3A_1821, %mul3A_1822 : i32
      %mul3A_1824 = arith.constant 5 : i32
      %mul3A_1825 = arith.muli %mul3A_1823, %mul3A_1824 : i32
      %dma_start3A_1826 = tpu.memref_slice %arg6[%mul3A_1825] : memref<26214400xf32, #tpu.memory_space<hbm>> -> memref<25600xf32, #tpu.memory_space<hbm>>
      %dma_start3A_1827 = tpu.memref_slice %arg6[%mul3A_1825] : memref<26214400xf32, #tpu.memory_space<hbm>> -> memref<25600xf32, #tpu.memory_space<hbm>>
      tpu.enqueue_dma source(%arg13 : memref<25600xf32, #tpu.memory_space<vmem>>) target(%dma_start3A_1827 : memref<25600xf32, #tpu.memory_space<hbm>>) target_semaphore(%arg17 : memref<!tpu.dma_semaphore, #tpu.memory_space<semaphore_mem>>)
    }
    %scan3A_1744 = arith.constant 16 : i32
    %add3A_1745 = arith.constant 0 : i32
    %add3A_1746 = arith.addi %mul3A_2, %add3A_1745 : i32
    %mul3A_1747 = arith.constant 5 : i32
    %mul3A_1748 = arith.muli %add3A_1746, %mul3A_1747 : i32
    %mul3A_1749 = arith.constant 5 : i32
    %mul3A_1750 = arith.muli %mul3A_1748, %mul3A_1749 : i32
    %dma_wait3A = tpu.memref_slice %arg6[%mul3A_1750] : memref<26214400xf32, #tpu.memory_space<hbm>> -> memref<25600xf32, #tpu.memory_space<hbm>>
    %dma_wait3A_1751 = tpu.memref_slice %arg6[%mul3A_1750] : memref<26214400xf32, #tpu.memory_space<hbm>> -> memref<25600xf32, #tpu.memory_space<hbm>>
    tpu.wait_dma2 semaphore(%arg16 : memref<!tpu.dma_semaphore, #tpu.memory_space<semaphore_mem>>) src(%arg12 : memref<25600xf32, #tpu.memory_space<vmem>>) dst(%dma_wait3A_1751 : memref<25600xf32, #tpu.memory_space<hbm>>)
    %add3A_1752 = arith.constant 1024 : i32
    %add3A_1753 = arith.addi %mul3A_2, %add3A_1752 : i32
    %mul3A_1754 = arith.constant 5 : i32
    %mul3A_1755 = arith.muli %add3A_1753, %mul3A_1754 : i32
    %mul3A_1756 = arith.constant 5 : i32
    %mul3A_1757 = arith.muli %mul3A_1755, %mul3A_1756 : i32
    %dma_wait3A_1758 = tpu.memref_slice %arg6[%mul3A_1757] : memref<26214400xf32, #tpu.memory_space<hbm>> -> memref<25600xf32, #tpu.memory_space<hbm>>
    %dma_wait3A_1759 = tpu.memref_slice %arg6[%mul3A_1757] : memref<26214400xf32, #tpu.memory_space<hbm>> -> memref<25600xf32, #tpu.memory_space<hbm>>
    tpu.wait_dma2 semaphore(%arg17 : memref<!tpu.dma_semaphore, #tpu.memory_space<semaphore_mem>>) src(%arg13 : memref<25600xf32, #tpu.memory_space<vmem>>) dst(%dma_wait3A_1759 : memref<25600xf32, #tpu.memory_space<hbm>>)
    return
  }
}

</mosaic_0001>

<sc_bundles>
// kernel: discrete_noise_posterior_sc.3.cloned.1.call-start
scs
__scs_entry_jumppad:
0x0: {  	(pc) =	sbr.rel $0x88, $3  }
0x1: {  	(tag) =	ssettag $0x0;
	lr =	simm.s32 $0x1  }
0x2: {  	[smem:$0x3F9E] =	sst lr;
	_ =	strace $0xD0000000  }
0x3: {  	_ = 	snop  }
0x4: {  	_ = 	snop  }
0x5: {  	_ = 	snop  }
0x6: {  	_ = 	snop  }
0x7: {  	_ = 	snop  }
__scs_overlays_trampoline_lowered:
0x8: {  	[smem:$0x3FAD] =	sst s0  }
0x9: {  	[smem:$0x3FAE] =	sst s1  }
0xa: {  	[smem:$0x3FAF] =	sst s2  }
0xb: {  	[smem:$0x3FB0] =	sst s3  }
0xc: {  	[smem:$0x3FB1] =	sst s4  }
0xd: {  	[smem:$0x3FB2] =	sst s5  }
0xe: {  	[smem:$0x3FB3] =	sst s6  }
0xf: {  	[smem:$0x3FB4] =	sst s7  }
0x10: {  	[smem:$0x3FB5] =	sst s8  }
0x11: {  	[smem:$0x3FB6] =	sst s9;
	s0 =	simm.s32 @!p0 $0x0  }
0x12: {  	s1 =	sld [smem:$0x3F9C];
	s0 =	simm.s32 @p0 $0x1  }
0x13: {  	[smem:$0x3FB7] =	sst s0;
	s0 =	simm.s32 @!p1 $0x0  }
0x14: {  	s2 =	sld [smem:$0x3F9B];
	s0 =	simm.s32 @p1 $0x1  }
0x15: {  	[smem:$0x3FB8] =	sst s0;
	s0 =	simm.s32 @!p2 $0x0  }
0x16: {  	s3 =	sld [smem:$0x3FDB];
	s0 =	simm.s32 @p2 $0x1  }
0x17: {  	s4 =	simm.s32 $0x1BF5;
	[smem:$0x3FBA] =	sst s0  }
0x18: {  	s0 =	sld [smem:$0x3F9D];
	_ =	swait.ge [sflag:s4], $0x0  }
0x19: {  	s7 =	sld [smem:$0x3F9E]  }
0x1a: {  	s8 =	sadd.s32 $0xFFFFE003, lr  }
0x1b: {  	s9 =	sadd.s32 $0xFFFFFEF7, lr;
	s5 =	simm.s32 $0xFFFFFFFF;
	p2 =	slt.u32 s8, $0xFFFFF086  }
0x1c: {  	p1 =	slt.u32 s9, $0xF7A;
	s5 =	simm.s32 @!p2 $0x0  }
0x1d: {  	s5 =	simm.s32 @p1 $0x1;
	p0 =	seq.s32 s7, s2  }
0x1e: {  	s7 =	smul.u32 @!p0 $0xF7A, s2;
	p2 =	seq.s32 @!p0 s5, $0x0  }
0x1f: {  	s9 =	smul.u32 $0xF7A, s1;
	s8 =	simm.s32 @!p0 $0x1BF5;
	p2 =	por !p2, p0  }
0x20: {  	[sflag:s8] =	ssyncset.s32 @!p0 $0xFFFFF086;
	s6 =	sadd.s32 @!p0 s3, s7;
	s7 =	simm.s32 @!p0 $0x108  }
0x21: {  	s3 =	sadd.s32 s3, s9;
	s6 =	sadd.s32 @!p0 $0x88, s6;
	s7 =	simm.s32 @p2 $0x1082  }
0x22: {  	[simem:s7], [sflag:s8] =	dma.local @!p0 [hbm:s6], $0xF7A  }
0x23: {  	s9 =	sor.u32 $0xD0000000, s2;
	s6 =	simm.s32 $0x108;
	_ =	swait.ge @!p0 [sflag:s8], $0x0  }
0x24: {  	s3 =	sadd.s32 $0x88, s3;
	s6 =	simm.s32 @!p1 $0x1082;
	[sflag:s4] =	ssyncset.s32 $0xFFFFF086  }
0x25: {  	[simem:s6], [sflag:s4] =	dma.local [hbm:s3], $0xF7A  }
0x26: {  	[smem:$0x3F9E] =	sst s1;
	(tag) =	ssettag s2;
	_ =	strace s9  }
0x27: {  	s1 =	sld [smem:$0x3FAE]  }
0x28: {  	s2 =	sld [smem:$0x3FAF]  }
0x29: {  	s4 =	sld [smem:$0x3FB1]  }
0x2a: {  	p0 =	seq.s32 s5, $0x0;
	s5 =	sld [smem:$0x3FB2]  }
0x2b: {  	s6 =	sld [smem:$0x3FB3]  }
0x2c: {  	s7 =	sld [smem:$0x3FB4]  }
0x2d: {  	s3 =	simm.s32 $0x108;
	s8 =	sld [smem:$0x3FB5]  }
0x2e: {  	s3 =	simm.s32 @!p0 $0x1082;
	s9 =	sld [smem:$0x3FB6]  }
0x2f: {  	lr =	sadd.s32 s0, s3;
	s0 =	sld [smem:$0x3FAD]  }
0x30: {  	s3 =	sld [smem:$0x3FB0]  }
0x31: {  	[smem:$0x3FB9] =	sst s10  }
0x32: {  	s10 =	sld [smem:$0x3FB7];
	_ =	sdelay $0x3  }
0x33: {  	p0 =	seq.s32 s10, $0x1;
	s10 =	sld [smem:$0x3FB9];
	_ =	sdelay $0x3  }
0x34: {  	[smem:$0x3FB9] =	sst s10  }
0x35: {  	s10 =	sld [smem:$0x3FB8];
	_ =	sdelay $0x3  }
0x36: {  	p1 =	seq.s32 s10, $0x1;
	s10 =	sld [smem:$0x3FB9];
	_ =	sdelay $0x3  }
0x37: {  	[smem:$0x3FB9] =	sst s10  }
0x38: {  	s10 =	sld [smem:$0x3FBA]  }
0x39: {  	_ = 	snop;
	(pc) =	sbr.ind lr, $3  }
0x3a: {  	_ = 	snop  }
0x3b: {  	_ = 	snop  }
0x3c: {  	p2 =	seq.s32 s10, $0x1;
	s10 =	sld [smem:$0x3FB9]  }
0x3d: {  	_ =	shalt  }
0x3e: {  	_ =	shalt  }
0x3f: {  	_ =	shalt  }
0x40: {  	_ =	shalt  }
0x41: {  	_ =	shalt  }
0x42: {  	_ =	shalt  }
0x43: {  	_ =	shalt  }
0x44: {  	_ =	shalt  }
0x45: {  	_ =	shalt  }
0x46: {  	_ =	shalt  }
0x47: {  	_ =	shalt  }
0x48: {  	_ =	shalt  }
0x49: {  	_ =	shalt  }
0x4a: {  	_ =	shalt  }
0x4b: {  	_ =	shalt  }
0x4c: {  	_ =	shalt  }
0x4d: {  	_ =	shalt  }
0x4e: {  	_ =	shalt  }
0x4f: {  	_ =	shalt  }
0x50: {  	_ =	shalt  }
0x51: {  	_ =	shalt  }
0x52: {  	_ =	shalt  }
0x53: {  	_ =	shalt  }
0x54: {  	_ =	shalt  }
0x55: {  	_ =	shalt  }
0x56: {  	_ =	shalt  }
0x57: {  	_ =	shalt  }
0x58: {  	_ =	shalt  }
0x59: {  	_ =	shalt  }
0x5a: {  	_ =	shalt  }
0x5b: {  	_ =	shalt  }
0x5c: {  	_ =	shalt  }
0x5d: {  	_ =	shalt  }
0x5e: {  	_ =	shalt  }
0x5f: {  	_ =	shalt  }
0x60: {  	_ =	shalt  }
0x61: {  	_ =	shalt  }
0x62: {  	_ =	shalt  }
0x63: {  	_ =	shalt  }
0x64: {  	_ =	shalt  }
0x65: {  	_ =	shalt  }
0x66: {  	_ =	shalt  }
0x67: {  	_ =	shalt  }
0x68: {  	_ =	shalt  }
0x69: {  	_ =	shalt  }
0x6a: {  	_ =	shalt  }
0x6b: {  	_ =	shalt  }
0x6c: {  	_ =	shalt  }
0x6d: {  	_ =	shalt  }
0x6e: {  	_ =	shalt  }
0x6f: {  	_ =	shalt  }
0x70: {  	_ =	shalt  }
0x71: {  	_ =	shalt  }
0x72: {  	_ =	shalt  }
0x73: {  	_ =	shalt  }
0x74: {  	_ =	shalt  }
0x75: {  	_ =	shalt  }
0x76: {  	_ =	shalt  }
0x77: {  	_ =	shalt  }
0x78: {  	_ =	shalt  }
0x79: {  	_ =	shalt  }
0x7a: {  	_ =	shalt  }
0x7b: {  	_ =	shalt  }
0x7c: {  	_ =	shalt  }
0x7d: {  	_ =	shalt  }
0x7e: {  	_ =	shalt  }
0x7f: {  	_ =	shalt  }
0x80: {  	_ =	shalt  }
0x81: {  	_ =	shalt  }
0x82: {  	_ =	shalt  }
0x83: {  	_ =	shalt  }
0x84: {  	_ =	shalt  }
0x85: {  	_ =	shalt  }
0x86: {  	_ =	shalt  }
0x87: {  	_ =	shalt  }
.Lfunc_end0:
.L_simem_size_0:
called_computation.1_lowered:
.L_overlay_start_0:
0x88: {  	s2 =	sld [smem:$0x3FD9]  }
0x89: {  	s3 =	sld [smem:$0x3FFE];
	_ =	sdelay $0x1  }
0x8a: {  	s1 =	srdreg.scid  }
0x8b: {  	s0 =	sand.u32 $0x1, s1  }
0x8c: {  	s14 =	sshll.u32 s0, $0xA;
	s2 =	sadd.s32 s3, s2  }
0x8d: {  	s2 =	sadd.s32 s2, s14  }
0x8e: {  	[smem:$0x3FC5] =	sst s2  }
0x8f: {  	_ = 	snop  }
0x90: {  	s2 =	sld [smem:$0x3FD0];
	_ =	sdelay $0x2  }
0x91: {  	s15 =	simm.s32 $0xA;
	s4 =	simm.s32 $0x10  }
0x92: {  	[smem:s4], [sflag:s15] =	dma.local [hbm:s2], $0x1  }
0x93: {  	_ =	swait.eq [sflag:s15], $0x1  }
0x94: {  	[sflag:s15] =	ssyncset.done $0x0  }
0x95: {  	s16 =	sld [smem:$0x10];
	[sflag:s15] =	ssyncadd.s32 $0xFFFFFFFF  }
0x96: {  	s17 =	sld [smem:$0x11];
	(tm) =	ssettm $0x1  }
0x97: {  	s18 =	sld [smem:$0x3FFB];
	_ =	sdelay $0x3  }
0x98: {  	_ =	strace s18  }
0x99: {  	s4 =	sld [smem:$0x3FFC];
	_ =	sdelay $0x3  }
0x9a: {  	_ =	strace s4  }
0x9b: {  	s4 =	sld [smem:$0x3FFD];
	_ =	sdelay $0x3  }
0x9c: {  	_ =	strace s4  }
0x9d: {  	_ =	strace $0x8FFFFFFF  }
0x9e: {  	s19 =	sld [smem:$0x3FDB];
	_ =	sdelay $0x1  }
0x9f: {  	s5 =	simm.s32 $_scs_section_size  }
0xa0: {  	s6 =	simm.s32 $_size__tile_overlayer_lowered;
	s7 =	simm.s32 $_tile_overlayer_lowered  }
0xa1: {  	s22 =	simm.s32 $0x1BFF;
	s21 =	sshll.u32 s7, $0x1;
	s4 =	sadd.s32 s5, s19  }
0xa2: {  	s8 =	simm.s32 $0x0;
	s20 =	sshll.u32 s6, $0x1;
	s6 =	sadd.s32 s21, s4  }
0xa3: {  	[timem:s8], [sflag:s22] =	dma.local [hbm:s6], s20  }
0xa4: {  	_ =	swait.ge [sflag:s22], s20  }
0xa5: {  	s5 =	ssub.s32 $0x0, s20;
	[sflag:s22] =	ssyncset.done $0x0  }
0xa6: {  	[sflag:s22] =	ssyncadd.s32 s5;
	_ =	sdelay $0x1  }
0xa7: {  	s23 =	simm.s32 $0x1B8B  }
0xa8: {  	_ =	swait.ge [sflag:s23], $0x1  }
0xa9: {  	[sflag:s23] =	ssyncset.done $0x0  }
0xaa: {  	s25 =	simm.s32 $0x1B8E;
	s24 =	sld [smem:$0x3FFE];
	[sflag:s23] =	ssyncadd.s32 $0xFFFFFFFF  }
0xab: {  	s26 =	simm.s32 $execute0_lowered;
	[smem:$0x3FD2] =	sst s25  }
0xac: {  	s6 =	sshll.u32 s26, $0x1;
	_ =	strace $0x80000046;
	[dreg:$0x1] =	wrdreg $0xFFFFFFFF  }
0xad: {  	s28 =	simm.s32 $_size_execute0_lowered;
	s4 =	sadd.s32 s4, s6;
	[dreg:$0x0] =	wrdreg $0x0  }
0xae: {  	s6 =	sshll.u32 s28, $0x1;
	[dreg:$0x2] =	wrdreg s4  }
0xaf: {  	[dreg:$0x3] =	wrdreg s6  }
0xb0: {  	[dreg:$0x4] =	wrdreg $0xC0  }
0xb1: {  	_ =	task [dreg:s8], $0x5FFFF  }
0xb2: {  	[dreg:$0x1] =	wrdreg $0xFFFFFFFF  }
0xb3: {  	[dreg:$0x0] =	wrdreg $0x60  }
0xb4: {  	[dreg:$0x2] =	wrdreg s24  }
0xb5: {  	[dreg:$0x3] =	wrdreg s16  }
0xb6: {  	[dreg:$0x4] =	wrdreg s17  }
0xb7: {  	[dreg:$0x5] =	wrdreg $0x9  }
0xb8: {  	_ =	task.clear_ibuf [dreg:s8], $0x6FFFF;
	_ =	strace $0x90000046  }
0xb9: {  	s29 =	simm.s32 $0x9;
	_ =	strace $0x80000048  }
0xba: {  	_ =	swait.ge [sflag:s29], $0x1  }
0xbb: {  	[sflag:s29] =	ssyncadd.s32 $0xFFFFFFFF  }
0xbc: {  	_ =	strace $0x90000048  }
0xbd: {  	_ =	sfence  }
0xbe: {  	s30 =	sld [smem:$0x0];
	_ =	sdelay $0x2  }
0xbf: {  	s31 =	sshll.u32 s1, $0xD;
	s1 =	sshrl.u32 s1, $0x2  }
0xc0: {  	s3 =	sand.u32 $0x4000, s31;
	s1 =	sadd.s32 s1, s30  }
0xc1: {  	s0 =	sor.u32 s3, s0;
	s1 =	sshll.u32 s1, $0x11  }
0xc2: {  	s0 =	sor.u32 s1, s0  }
0xc3: {  	s0 =	sadd.s32 $0x8F2B, s0  }
0xc4: {  	[sflag:s0] =	ssyncadd.remote.s32 $0x1  }
0xc5: {  	_ =	sfence.sel $0xFFFF  }
0xc6: {  	[dreg:$0x0] =	wrdreg $0xFFFFFFFF;
	(pc) =	sbr.abs _section_cstart, $3  }
0xc7: {  	[dreg:$0x1] =	wrdreg $0xFFFFFFFF  }
0xc8: {  	_ =	task.clear_ibuf [dreg:s8], $0x2FFFF;
	_ =	strace $0x9FFFFFFF  }
0xc9: {  	(tm) =	ssettm $0x7FFFFFFF  }
tec
execute0_lowered:
.L_overlay_start_1:
0x0: {  	(tag) =	ssettag $0x1  }
0x1: {  	v0 =	vlaneseq.u32  }
0x2: {  	v1 =	vmul.u32 $0xA, v0;
	_ =	sdelay $0x1  }
0x3: {  	v2 =	vor.u32 $0x1, v1  }
0x4: {  	[tilespmem:$0x1FC70] =	vst v2;
	v2 =	vadd.s32 $0x2, v1  }
0x5: {  	[tilespmem:$0x1FC80] =	vst v2;
	v2 =	vadd.s32 $0x3, v1  }
0x6: {  	[tilespmem:$0x1FC90] =	vst v2;
	v2 =	vadd.s32 $0x4, v1  }
0x7: {  	[tilespmem:$0x1FCA0] =	vst v2;
	v2 =	vadd.s32 $0x5, v1  }
0x8: {  	[tilespmem:$0x1FCB0] =	vst v2;
	v2 =	vadd.s32 $0x6, v1  }
0x9: {  	[tilespmem:$0x1FCC0] =	vst v2;
	v2 =	vadd.s32 $0x7, v1  }
0xa: {  	v6 =	vmul.u32 $0x64, v0;
	[tilespmem:$0x1FCD0] =	vst v2;
	v2 =	vadd.s32 $0x8, v1  }
0xb: {  	[tilespmem:$0x1FCE0] =	vst v2;
	v2 =	vadd.s32 $0x9, v1  }
0xc: {  	[tilespmem:$0x1FCF0] =	vst v2;
	v2 =	vor.u32 $0x1, v6  }
0xd: {  	[tilespmem:$0x1FD00] =	vst v2;
	v2 =	vor.u32 $0x2, v6  }
0xe: {  	[tilespmem:$0x1FD10] =	vst v2;
	v2 =	vor.u32 $0x3, v6  }
0xf: {  	[tilespmem:$0x1FD20] =	vst v2;
	v2 =	vadd.s32 $0x4, v6  }
0x10: {  	[tilespmem:$0x1FD30] =	vst v2;
	v2 =	vadd.s32 $0x5, v6  }
0x11: {  	[tilespmem:$0x1FD40] =	vst v2;
	v2 =	vadd.s32 $0x6, v6  }
0x12: {  	[tilespmem:$0x1FD50] =	vst v2;
	v2 =	vadd.s32 $0x7, v6  }
0x13: {  	[tilespmem:$0x1FD60] =	vst v2;
	v2 =	vadd.s32 $0x8, v6  }
0x14: {  	[tilespmem:$0x1FD70] =	vst v2;
	v2 =	vadd.s32 $0x9, v6  }
0x15: {  	[tilespmem:$0x1FD80] =	vst v2;
	v2 =	vadd.s32 $0xA, v6  }
0x16: {  	[tilespmem:$0x1FD90] =	vst v2;
	v2 =	vadd.s32 $0xB, v6  }
0x17: {  	[tilespmem:$0x1FDA0] =	vst v2;
	v2 =	vadd.s32 $0xC, v6  }
0x18: {  	[tilespmem:$0x1FDB0] =	vst v2;
	v2 =	vadd.s32 $0xD, v6  }
0x19: {  	[tilespmem:$0x1FDC0] =	vst v2;
	v2 =	vadd.s32 $0xE, v6  }
0x1a: {  	[tilespmem:$0x1FDD0] =	vst v2;
	v2 =	vadd.s32 $0xF, v6  }
0x1b: {  	[tilespmem:$0x1FDE0] =	vst v2;
	v2 =	vadd.s32 $0x10, v6  }
0x1c: {  	[tilespmem:$0x1FDF0] =	vst v2;
	v2 =	vadd.s32 $0x11, v6  }
0x1d: {  	[tilespmem:$0x1FE00] =	vst v2;
	v2 =	vadd.s32 $0x12, v6  }
0x1e: {  	[tilespmem:$0x1FE10] =	vst v2;
	v2 =	vadd.s32 $0x13, v6  }
0x1f: {  	[tilespmem:$0x1FE20] =	vst v2;
	v2 =	vadd.s32 $0x14, v6  }
0x20: {  	s5 =	rddreg [dreg:$0x0];
	[tilespmem:$0x1FE30] =	vst v2;
	v2 =	vadd.s32 $0x15, v6  }
0x21: {  	s10 =	rddreg [dreg:$0x1];
	s3 =	simm.s32 $0x0;
	[tilespmem:$0x1FE40] =	vst v2;
	v2 =	vadd.s32 $0x16, v6  }
0x22: {  	[smem:$0x7FF] =	sst s3;
	[tilespmem:$0x1FE50] =	vst v2;
	v2 =	vadd.s32 $0x17, v6  }
0x23: {  	s2 =	rddreg [dreg:$0x2];
	_ =	strace $0x80000047;
	[tilespmem:$0x1FE60] =	vst v2;
	v2 =	vadd.s32 $0x18, v6  }
0x24: {  	[tilespmem:$0x1FE70] =	vst v2;
	v2 =	vadd.s32 $0x19, v6  }
0x25: {  	[tilespmem:$0x1FE80] =	vst v2;
	v2 =	vadd.s32 $0x1A, v6  }
0x26: {  	[tilespmem:$0x1FE90] =	vst v2;
	v2 =	vadd.s32 $0x1B, v6  }
0x27: {  	[tilespmem:$0x1FEA0] =	vst v2;
	v2 =	vadd.s32 $0x1C, v6  }
0x28: {  	[tilespmem:$0x1FEB0] =	vst v2;
	v2 =	vadd.s32 $0x1D, v6  }
0x29: {  	[tilespmem:$0x1FEC0] =	vst v2;
	v2 =	vadd.s32 $0x1E, v6  }
0x2a: {  	[tilespmem:$0x1FED0] =	vst v2;
	v2 =	vadd.s32 $0x1F, v6  }
0x2b: {  	[tilespmem:$0x1FEE0] =	vst v2;
	v2 =	vadd.s32 $0x20, v6  }
0x2c: {  	[tilespmem:$0x1FEF0] =	vst v2;
	v2 =	vadd.s32 $0x21, v6  }
0x2d: {  	[tilespmem:$0x1FF00] =	vst v2;
	v2 =	vadd.s32 $0x22, v6  }
0x2e: {  	[tilespmem:$0x1FF10] =	vst v2;
	v2 =	vadd.s32 $0x23, v6  }
0x2f: {  	[tilespmem:$0x1FF20] =	vst v2;
	v2 =	vadd.s32 $0x24, v6  }
0x30: {  	[tilespmem:$0x1FF30] =	vst v2;
	v2 =	vadd.s32 $0x25, v6  }
0x31: {  	s1 =	srdreg.scid;
	[tilespmem:$0x1FF40] =	vst v2;
	v2 =	vadd.s32 $0x26, v6  }
0x32: {  	s0 =	stileid.u32;
	s14 =	simm.s32 $0x1200;
	s15 =	simm.s32 $0x2600;
	[tilespmem:$0x1FF50] =	vst v2;
	v2 =	vadd.s32 $0x27, v6  }
0x33: {  	s16 =	simm.s32 $0x5;
	s17 =	simm.s32 $0x400;
	s18 =	simm.s32 $0x580;
	[tilespmem:$0x1FF60] =	vst v2;
	v2 =	vadd.s32 $0x28, v6  }
0x34: {  	s19 =	simm.s32 $0x1;
	s6 =	sand.u32 $0x1, s1;
	s31 =	sshll.u32 s0, $0x1;
	[tilespmem:$0x1FF70] =	vst v2;
	v2 =	vadd.s32 $0x29, v6  }
0x35: {  	s20 =	simm.s32 $0x3A00;
	s21 =	simm.s32 $0x2;
	s7 =	sor.u32 s6, s31;
	[tilespmem:$0x1FF80] =	vst v2;
	v2 =	vadd.s32 $0x2A, v6  }
0x36: {  	s22 =	simm.s32 $0x9E00;
	s23 =	simm.s32 $0x3;
	s4 =	smul.u32 $0x28, s7;
	[tilespmem:$0x1FF90] =	vst v2;
	v2 =	vadd.s32 $0x2B, v6  }
0x37: {  	s24 =	simm.s32 $0x4;
	s6 =	ssub.s32 $0x2, s6;
	s8 =	smul.u32 $0x5000, s7;
	[tilespmem:$0x1FFA0] =	vst v2;
	v2 =	vadd.s32 $0x2C, v6  }
0x38: {  	s25 =	simm.s32 $0x0;
	s11 =	sshrl.u32 s6, $0x1;
	s12 =	smul.u32 $0x190, s7;
	[tilespmem:$0x1FFB0] =	vst v2;
	v2 =	vadd.s32 $0x2D, v6  }
0x39: {  	s13 =	ssub.s32 s6, s11;
	s6 =	sshll.u32 s7, $0xF;
	s9 =	sadd.s32 s4, s5;
	[tilespmem:$0x1FFC0] =	vst v2;
	v2 =	vadd.s32 $0x2E, v6  }
0x3a: {  	s4 =	sadd.s32 $0x1001A00, s5;
	s5 =	sadd.s32 $0x1000, s5;
	s10 =	sadd.s32 s10, s12;
	[tilespmem:$0x1FFD0] =	vst v2;
	v2 =	vadd.s32 $0x2F, v6  }
0x3b: {  	v60 =	vadd.s32 $0x31, v6;
	s11 =	sor.u32 $0x800, s6;
	s12 =	sor.u32 $0xC00, s6;
	s7 =	sadd.s32 s4, s8;
	[tilespmem:$0x1FFE0] =	vst v2;
	v2 =	vadd.s32 $0x30, v6  }
0x3c: {  	v61 =	vadd.s32 $0x32, v6;
	v62 =	vadd.s32 $0x33, v6;
	v63 =	vadd.s32 $0x34, v6;
	s13 =	smax.u32 s13, $0x1;
	s9 =	sadd.s32 $0x1A00, s9;
	s8 =	sadd.s32 $0x280, s7;
	[tilespmem:$0x1FFF0] =	vst v2  }
.LBB2_1:
0x3d: {  	[tilespmem:s14], [sflag:$0x1] =	stream.linear.gather [hbm4b:s7+s3], $0x1400, $0x38;
	[tilespmem:$0x10200] =	vst v63  }
0x3e: {  	_ = 	snop  }
0x3f: {  	[tilespmem:s15], [sflag:$0x2] =	stream.linear.gather [hbm4b:s8+s3], $0x1400, $0x38;
	[tilespmem:$0x10200] =	vst v63  }
0x40: {  	_ = 	snop  }
0x41: {  	[tilespmem:s3], [sflag:$0x5] =	stream.linear.gather [hbm4b:s5+s3], $0x400, $0x38;
	[tilespmem:$0x10200] =	vst v63  }
0x42: {  	_ =	swait.ge [sflag:s16], $0x400  }
0x43: {  	[sflag:s16] =	ssyncset.done $0x0  }
0x44: {  	[sflag:s16] =	ssyncadd.s32 $0xFFFFFC00  }
0x45: {  	v2 =	vld [tilespmem:$0x0]  }
0x46: {  	v3 =	vld [tilespmem:$0x80]  }
0x47: {  	v4 =	vld [tilespmem:$0x100]  }
0x48: {  	v5 =	vld [tilespmem:$0x180]  }
0x49: {  	v7 =	vld [tilespmem:$0x380]  }
0x4a: {  	v8 =	vld [tilespmem:$0x300]  }
0x4b: {  	v9 =	vld [tilespmem:$0x280]  }
0x4c: {  	v10 =	vld [tilespmem:$0x200];
	[tilespmem:s17], [sflag:$0x5] =	stream.linear.gather [hbm4b:s9+s3], $0x140, $0x38  }
0x4d: {  	_ =	swait.ge [sflag:s16], $0x140  }
0x4e: {  	v12 =	vld [tilespmem:$0x1FC70];
	_ =	sdelay $0x1  }
0x4f: {  	v13 =	vld [tilespmem:$0x1FC80];
	_ =	sdelay $0x1  }
0x50: {  	v14 =	vld [tilespmem:$0x1FC90]  }
0x51: {  	[sflag:s16] =	ssyncset.done $0x0;
	v16 =	vld [tilespmem:$0x1FCA0]  }
0x52: {  	v17 =	vld [tilespmem:$0x1FCB0];
	[sflag:s16] =	ssyncadd.s32 $0xFFFFFEC0  }
0x53: {  	v11 =	vld.idx.msk [tilespmem:v1+s17+$0x0], $0xffff  }
0x54: {  	v12 =	vld.idx.msk [tilespmem:v12+s17+$0x0], $0xffff  }
0x55: {  	v18 =	vld [tilespmem:$0x1FCC0]  }
0x56: {  	v13 =	vld.idx.msk [tilespmem:v13+s17+$0x0], $0xffff  }
0x57: {  	v19 =	vld [tilespmem:$0x1FCD0]  }
0x58: {  	v14 =	vld.idx.msk [tilespmem:v14+s17+$0x0], $0xffff  }
0x59: {  	v20 =	vld [tilespmem:$0x1FCE0];
	v15 =	vadd.f32 v12, v11  }
0x5a: {  	v16 =	vld.idx.msk [tilespmem:v16+s17+$0x0], $0xffff  }
0x5b: {  	v21 =	vld [tilespmem:$0x1FCF0];
	v15 =	vadd.f32 v13, v15  }
0x5c: {  	v17 =	vld.idx.msk [tilespmem:v17+s17+$0x0], $0xffff  }
0x5d: {  	v15 =	vadd.f32 v14, v15  }
0x5e: {  	v18 =	vld.idx.msk [tilespmem:v18+s17+$0x0], $0xffff  }
0x5f: {  	v15 =	vadd.f32 v16, v15  }
0x60: {  	v19 =	vld.idx.msk [tilespmem:v19+s17+$0x0], $0xffff  }
0x61: {  	v15 =	vadd.f32 v17, v15  }
0x62: {  	v20 =	vld.idx.msk [tilespmem:v20+s17+$0x0], $0xffff  }
0x63: {  	v15 =	vadd.f32 v18, v15  }
0x64: {  	v22 =	vld.idx.msk [tilespmem:v21+s17+$0x0], $0xffff  }
0x65: {  	v15 =	vadd.f32 v19, v15;
	_ =	sdelay $0x1  }
0x66: {  	v15 =	vadd.f32 v20, v15;
	_ =	sdelay $0x1  }
0x67: {  	v15 =	vadd.f32 v22, v15;
	_ =	sdelay $0x1  }
0x68: {  	v11 =	vmul.f32 v11, v9;
	v15 =	vmul.f32 v15, v10  }
0x69: {  	v37 =	vmul.f32 v12, v9  }
0x6a: {  	v23 =	vadd.f32 v15, v11  }
0x6b: {  	v13 =	vmul.f32 v13, v9;
	v29 =	vadd.f32 v15, v37  }
0x6c: {  	v45 =	vmul.f32 v16, v9;
	v47 =	vmul.f32 v18, v9;
	vm0 =	veq.f32 v23, $0.0e+00  }
0x6d: {  	v28 =	vadd.f32 v15, v13;
	vm13 =	veq.f32 v29, $0.0e+00;
	v38 =	vsel vm0, $0x358637BD, v23  }
0x6e: {  	v48 =	vmul.f32 v19, v9;
	v30 =	vsel vm13, $0x358637BD, v29;
	v39 =	vand.u32 $0x7FFFFFFF, v38  }
0x6f: {  	vm14 =	veq.f32 v28, $0.0e+00;
	v41 =	vand.u32 $0x7FFFFFFF, v30;
	v40 =	vsub.s32 $0x7EF477D5, v39  }
0x70: {  	v31 =	vsel vm14, $0x358637BD, v28;
	v25 =	vsub.s32 $0x7EF477D5, v41;
	v24 =	vmul.f32 v40, v39  }
0x71: {  	v52 =	vmul.f32 v20, v9;
	v32 =	vand.u32 $0x7FFFFFFF, v31;
	v26 =	vmul.f32 v25, v41  }
0x72: {  	v55 =	vmul.f32 v22, v9;
	v33 =	vsub.s32 $0x7EF477D5, v32;
	v24 =	vsub.f32 $2.000000000e+00, v24  }
0x73: {  	v14 =	vmul.f32 v14, v9;
	v44 =	vmul.f32 v33, v32;
	v42 =	vsub.f32 $2.000000000e+00, v26  }
0x74: {  	v17 =	vmul.f32 v17, v9;
	v21 =	vmul.f32 v40, v24  }
0x75: {  	v27 =	vadd.f32 v15, v14;
	v34 =	vmul.f32 v25, v42;
	v24 =	vsub.f32 $2.000000000e+00, v44  }
0x76: {  	v11 =	vadd.f32 v15, v55;
	v20 =	vmul.f32 v29, v8;
	v43 =	vmul.f32 v21, v39  }
0x77: {  	vm15 =	veq.f32 v27, $0.0e+00;
	v25 =	vmul.f32 v34, v41;
	v33 =	vmul.f32 v33, v24  }
0x78: {  	v18 =	vmul.f32 v28, v8;
	v19 =	vmul.f32 v27, v8;
	v46 =	vsub.f32 $2.000000000e+00, v43  }
0x79: {  	v22 =	vmul.f32 v11, v8;
	v49 =	vsub.f32 $2.000000000e+00, v25;
	v51 =	vmul.f32 v33, v32  }
0x7a: {  	vm4 =	vlt.f32 v38, $0.0e+00;
	vm6 =	vlt.f32 v30, $0.0e+00;
	v16 =	vmul.f32 v46, v21  }
0x7b: {  	v25 =	vadd.f32 v15, v17;
	v50 =	vmul.f32 v49, v34;
	v17 =	vsub.f32 $2.000000000e+00, v51  }
0x7c: {  	v26 =	vadd.f32 v15, v45;
	v34 =	vsel vm15, $0x358637BD, v27;
	v12 =	vmul.f32 v16, v39  }
0x7d: {  	v35 =	vand.u32 $0x7FFFFFFF, v34;
	v13 =	vmul.f32 v50, v41;
	v17 =	vmul.f32 v17, v33  }
0x7e: {  	v45 =	vmul.f32 v23, v7;
	v54 =	vsub.s32 $0x7EF477D5, v35;
	v53 =	vsub.f32 $2.000000000e+00, v12  }
0x7f: {  	v57 =	vmul.f32 v54, v35;
	v13 =	vsub.f32 $2.000000000e+00, v13;
	v58 =	vmul.f32 v17, v32  }
0x80: {  	v24 =	vadd.f32 v15, v47;
	v21 =	vadd.f32 v15, v48;
	v16 =	vmul.f32 v53, v16  }
0x81: {  	v42 =	vsub.f32 $2.000000000e+00, v57;
	v13 =	vmul.f32 v13, v50;
	v14 =	vsub.f32 $2.000000000e+00, v58  }
0x82: {  	v12 =	vadd.f32 v15, v52;
	v15 =	vmul.f32 v26, v8;
	v56 =	vsub.f32 $0.0e+00, v16  }
0x83: {  	v49 =	vld [tilespmem:$0x1FD00];
	v30 =	vmul.f32 v54, v42;
	v43 =	vsub.f32 $0.0e+00, v13;
	v44 =	vmul.f32 v14, v17  }
0x84: {  	v51 =	vld [tilespmem:$0x1FD10];
	v17 =	vmul.f32 v24, v8;
	v59 =	vsel vm4, v56, v16;
	v16 =	vmul.f32 v25, v8  }
0x85: {  	v52 =	vld [tilespmem:$0x1FD20];
	v36 =	vsel vm6, v43, v13;
	v13 =	vmul.f32 v21, v8;
	v14 =	vmul.f32 v59, v45  }
0x86: {  	v53 =	vld [tilespmem:$0x1FD30];
	v47 =	vmul.f32 v59, v20;
	v48 =	vmul.f32 v59, v18  }
0x87: {  	v43 =	vld [tilespmem:$0x1FD40];
	v50 =	vmul.f32 v59, v19;
	v41 =	vmul.f32 v59, v15  }
0x88: {  	v56 =	vld [tilespmem:$0x1FD50];
	v54 =	vmul.f32 v59, v17;
	[tilespmem:v6+s18+$0x0] =	vst.idx.msk $0xffff, v14;
	v14 =	vmul.f32 v12, v8  }
0x89: {  	vm5 =	veq.f32 v26, $0.0e+00;
	v58 =	vld [tilespmem:$0x1FD60];
	v32 =	vmul.f32 v59, v22;
	v42 =	vmul.f32 v59, v16  }
0x8a: {  	v33 =	vsel vm5, $0x358637BD, v26;
	v55 =	vmul.f32 v59, v13;
	v57 =	vmul.f32 v59, v14;
	v59 =	vld [tilespmem:$0x1FD70]  }
0x8b: {  	v37 =	vand.u32 $0x7FFFFFFF, v33;
	v45 =	vld [tilespmem:$0x1FD80];
	[tilespmem:v49+s18+$0x0] =	vst.idx.msk $0xffff, v47  }
0x8c: {  	v39 =	vsub.s32 $0x7EF477D5, v37;
	v47 =	vld [tilespmem:$0x1FD90];
	[tilespmem:v51+s18+$0x0] =	vst.idx.msk $0xffff, v48  }
0x8d: {  	v40 =	vmul.f32 v39, v37;
	v49 =	vld [tilespmem:$0x1FDA0];
	[tilespmem:v52+s18+$0x0] =	vst.idx.msk $0xffff, v50  }
0x8e: {  	v51 =	vld [tilespmem:$0x1FDB0];
	[tilespmem:v53+s18+$0x0] =	vst.idx.msk $0xffff, v41  }
0x8f: {  	v40 =	vsub.f32 $2.000000000e+00, v40;
	v53 =	vld [tilespmem:$0x1FDC0];
	[tilespmem:v43+s18+$0x0] =	vst.idx.msk $0xffff, v42  }
0x90: {  	v23 =	vmul.f32 v23, v8;
	v46 =	vsub.f32 $0.0e+00, v44;
	[tilespmem:v56+s18+$0x0] =	vst.idx.msk $0xffff, v54;
	v56 =	vld [tilespmem:$0x1FDD0]  }
0x91: {  	v29 =	vmul.f32 v29, v7;
	vm7 =	vlt.f32 v31, $0.0e+00;
	v39 =	vmul.f32 v39, v40;
	[tilespmem:v58+s18+$0x0] =	vst.idx.msk $0xffff, v55  }
0x92: {  	vm8 =	veq.f32 v25, $0.0e+00;
	v31 =	vsel vm7, v46, v44;
	v44 =	vmul.f32 v36, v23;
	[tilespmem:v59+s18+$0x0] =	vst.idx.msk $0xffff, v57;
	v59 =	vld [tilespmem:$0x1FDE0]  }
0x93: {  	v40 =	vsel vm8, $0x358637BD, v25;
	v29 =	vmul.f32 v36, v29;
	[tilespmem:v45+s18+$0x0] =	vst.idx.msk $0xffff, v32  }
0x94: {  	v46 =	vmul.f32 v39, v37;
	v48 =	vmul.f32 v36, v18;
	v41 =	vand.u32 $0x7FFFFFFF, v40;
	[tilespmem:v47+s18+$0x0] =	vst.idx.msk $0xffff, v44  }
0x95: {  	v50 =	vmul.f32 v36, v19;
	v55 =	vsub.s32 $0x7EF477D5, v41;
	[tilespmem:v49+s18+$0x0] =	vst.idx.msk $0xffff, v29  }
0x96: {  	v52 =	vmul.f32 v36, v15;
	v58 =	vmul.f32 v55, v41;
	v32 =	vsub.f32 $2.000000000e+00, v46;
	v46 =	vld [tilespmem:$0x1FDF0];
	[tilespmem:v51+s18+$0x0] =	vst.idx.msk $0xffff, v48  }
0x97: {  	v38 =	vmul.f32 v30, v35;
	v49 =	vld [tilespmem:$0x1FE00];
	[tilespmem:v53+s18+$0x0] =	vst.idx.msk $0xffff, v50  }
0x98: {  	v54 =	vmul.f32 v36, v16;
	v48 =	vsub.f32 $2.000000000e+00, v58;
	[tilespmem:v56+s18+$0x0] =	vst.idx.msk $0xffff, v52;
	v52 =	vld [tilespmem:$0x1FE10]  }
0x99: {  	v38 =	vsub.f32 $2.000000000e+00, v38  }
0x9a: {  	[tilespmem:v59+s18+$0x0] =	vst.idx.msk $0xffff, v54;
	v54 =	vmul.f32 v55, v48;
	v55 =	vld [tilespmem:$0x1FE20]  }
0x9b: {  	v30 =	vmul.f32 v38, v30;
	v58 =	vld [tilespmem:$0x1FE30]  }
0x9c: {  	v42 =	vld [tilespmem:$0x1FE40];
	v57 =	vmul.f32 v36, v17  }
0x9d: {  	v35 =	vmul.f32 v30, v35;
	v45 =	vmul.f32 v36, v13;
	v44 =	vld [tilespmem:$0x1FE50]  }
0x9e: {  	v47 =	vmul.f32 v36, v14;
	v32 =	vmul.f32 v32, v39;
	[tilespmem:v46+s18+$0x0] =	vst.idx.msk $0xffff, v57;
	v46 =	vld [tilespmem:$0x1FE60]  }
0x9f: {  	v28 =	vmul.f32 v28, v7;
	v35 =	vsub.f32 $2.000000000e+00, v35;
	v59 =	vmul.f32 v54, v41;
	[tilespmem:v49+s18+$0x0] =	vst.idx.msk $0xffff, v45;
	v49 =	vld [tilespmem:$0x1FE70]  }
0xa0: {  	vm10 =	veq.f32 v24, $0.0e+00;
	v37 =	vmul.f32 v32, v37;
	v50 =	vmul.f32 v36, v22;
	[tilespmem:v52+s18+$0x0] =	vst.idx.msk $0xffff, v47;
	v52 =	vld [tilespmem:$0x1FE80]  }
0xa1: {  	v30 =	vmul.f32 v35, v30;
	v53 =	vmul.f32 v31, v23;
	v35 =	vsub.f32 $2.000000000e+00, v59  }
0xa2: {  	v28 =	vmul.f32 v31, v28;
	v56 =	vmul.f32 v31, v20;
	v57 =	vsub.f32 $2.000000000e+00, v37;
	[tilespmem:v55+s18+$0x0] =	vst.idx.msk $0xffff, v50  }
0xa3: {  	vm9 =	vlt.f32 v34, $0.0e+00;
	v43 =	vmul.f32 v31, v19;
	v34 =	vmul.f32 v35, v54;
	v55 =	vld [tilespmem:$0x1FE90];
	[tilespmem:v58+s18+$0x0] =	vst.idx.msk $0xffff, v53  }
0xa4: {  	v51 =	vsub.f32 $0.0e+00, v30;
	v36 =	vsel vm10, $0x358637BD, v24;
	v32 =	vmul.f32 v57, v32;
	v57 =	vld [tilespmem:$0x1FEA0];
	[tilespmem:v42+s18+$0x0] =	vst.idx.msk $0xffff, v56  }
0xa5: {  	v38 =	vand.u32 $0x7FFFFFFF, v36;
	v45 =	vmul.f32 v31, v15;
	v59 =	vmul.f32 v34, v41;
	v41 =	vld [tilespmem:$0x1FEB0];
	[tilespmem:v44+s18+$0x0] =	vst.idx.msk $0xffff, v28  }
0xa6: {  	v30 =	vsel vm9, v51, v30;
	v51 =	vsub.s32 $0x7EF477D5, v38;
	v47 =	vmul.f32 v31, v16;
	[tilespmem:v46+s18+$0x0] =	vst.idx.msk $0xffff, v43;
	v43 =	vld [tilespmem:$0x1FEC0]  }
0xa7: {  	v54 =	vmul.f32 v51, v38;
	[tilespmem:v49+s18+$0x0] =	vst.idx.msk $0xffff, v45;
	v45 =	vld [tilespmem:$0x1FED0]  }
0xa8: {  	[tilespmem:v52+s18+$0x0] =	vst.idx.msk $0xffff, v47;
	v47 =	vld [tilespmem:$0x1FEE0]  }
0xa9: {  	vm11 =	vlt.f32 v33, $0.0e+00;
	v50 =	vmul.f32 v31, v17;
	v33 =	vsub.f32 $2.000000000e+00, v54  }
0xaa: {  	v53 =	vmul.f32 v31, v13;
	v49 =	vld [tilespmem:$0x1FEF0]  }
0xab: {  	v56 =	vmul.f32 v31, v14;
	v33 =	vmul.f32 v51, v33;
	v51 =	vld [tilespmem:$0x1FF00];
	[tilespmem:v55+s18+$0x0] =	vst.idx.msk $0xffff, v50  }
0xac: {  	v54 =	vld [tilespmem:$0x1FF10];
	v58 =	vmul.f32 v31, v22;
	[tilespmem:v57+s18+$0x0] =	vst.idx.msk $0xffff, v53  }
0xad: {  	v42 =	vmul.f32 v30, v23;
	[tilespmem:v41+s18+$0x0] =	vst.idx.msk $0xffff, v56  }
0xae: {  	v44 =	vmul.f32 v30, v20;
	[tilespmem:v43+s18+$0x0] =	vst.idx.msk $0xffff, v58;
	v58 =	vld [tilespmem:$0x1FF20]  }
0xaf: {  	v27 =	vmul.f32 v27, v7;
	vm13 =	vlt.f32 v40, $0.0e+00;
	v40 =	vld [tilespmem:$0x1FF30];
	v31 =	vsub.f32 $2.000000000e+00, v59;
	[tilespmem:v45+s18+$0x0] =	vst.idx.msk $0xffff, v42  }
0xb0: {  	v46 =	vmul.f32 v30, v18;
	[tilespmem:v47+s18+$0x0] =	vst.idx.msk $0xffff, v44;
	v44 =	vld [tilespmem:$0x1FF40]  }
0xb1: {  	v27 =	vmul.f32 v30, v27;
	v48 =	vsub.f32 $0.0e+00, v32;
	v31 =	vmul.f32 v31, v34;
	v47 =	vld [tilespmem:$0x1FF50]  }
0xb2: {  	vm12 =	veq.f32 v21, $0.0e+00;
	v50 =	vmul.f32 v30, v15;
	[tilespmem:v49+s18+$0x0] =	vst.idx.msk $0xffff, v46;
	v49 =	vld [tilespmem:$0x1FF60]  }
0xb3: {  	v35 =	vsel vm12, $0x358637BD, v21;
	v32 =	vsel vm11, v48, v32;
	v56 =	vsub.f32 $0.0e+00, v31;
	[tilespmem:v51+s18+$0x0] =	vst.idx.msk $0xffff, v27;
	v51 =	vld [tilespmem:$0x1FF70]  }
0xb4: {  	v48 =	vmul.f32 v33, v38;
	v34 =	vand.u32 $0x7FFFFFFF, v35;
	v52 =	vmul.f32 v30, v16;
	[tilespmem:v54+s18+$0x0] =	vst.idx.msk $0xffff, v50;
	v54 =	vld [tilespmem:$0x1FF80]  }
0xb5: {  	v55 =	vmul.f32 v30, v17;
	v53 =	vsub.s32 $0x7EF477D5, v34;
	v31 =	vsel vm13, v56, v31;
	v56 =	vld [tilespmem:$0x1FF90]  }
0xb6: {  	v59 =	vmul.f32 v30, v13;
	v57 =	vmul.f32 v53, v34;
	[tilespmem:v58+s18+$0x0] =	vst.idx.msk $0xffff, v52  }
0xb7: {  	v29 =	vsub.f32 $2.000000000e+00, v48;
	v42 =	vmul.f32 v30, v14;
	[tilespmem:v40+s18+$0x0] =	vst.idx.msk $0xffff, v55  }
0xb8: {  	v43 =	vsub.f32 $2.000000000e+00, v57;
	v45 =	vmul.f32 v30, v22;
	v58 =	vld [tilespmem:$0x1FFA0];
	[tilespmem:v44+s18+$0x0] =	vst.idx.msk $0xffff, v59  }
0xb9: {  	v48 =	vmul.f32 v32, v23;
	v29 =	vmul.f32 v29, v33;
	v41 =	vld [tilespmem:$0x1FFB0];
	[tilespmem:v47+s18+$0x0] =	vst.idx.msk $0xffff, v42  }
0xba: {  	v33 =	vmul.f32 v53, v43;
	v43 =	vld [tilespmem:$0x1FFC0];
	v50 =	vmul.f32 v32, v20;
	[tilespmem:v49+s18+$0x0] =	vst.idx.msk $0xffff, v45  }
0xbb: {  	v52 =	vmul.f32 v32, v18;
	v45 =	vld [tilespmem:$0x1FFD0];
	[tilespmem:v51+s18+$0x0] =	vst.idx.msk $0xffff, v48  }
0xbc: {  	v49 =	vld [tilespmem:$0x1FFE0];
	[tilespmem:v54+s18+$0x0] =	vst.idx.msk $0xffff, v50  }
0xbd: {  	v26 =	vmul.f32 v26, v7;
	[tilespmem:v56+s18+$0x0] =	vst.idx.msk $0xffff, v52;
	v52 =	vld [tilespmem:$0x1FFF0]  }
0xbe: {  	vm5 =	veq.f32 v11, $0.0e+00;
	v25 =	vmul.f32 v25, v7;
	v55 =	vmul.f32 v32, v19  }
0xbf: {  	vm14 =	veq.f32 v12, $0.0e+00;
	v24 =	vmul.f32 v24, v7;
	v26 =	vmul.f32 v32, v26  }
0xc0: {  	vm15 =	vlt.f32 v36, $0.0e+00;
	v36 =	vsel vm5, $0x358637BD, v11;
	v59 =	vmul.f32 v32, v16;
	[tilespmem:v58+s18+$0x0] =	vst.idx.msk $0xffff, v55  }
0xc1: {  	v37 =	vsel vm14, $0x358637BD, v12;
	v46 =	vmul.f32 v29, v38;
	v42 =	vmul.f32 v32, v17;
	[tilespmem:v41+s18+$0x0] =	vst.idx.msk $0xffff, v26  }
0xc2: {  	vm6 =	vlt.f32 v37, $0.0e+00;
	v53 =	vmul.f32 v33, v34;
	v44 =	vmul.f32 v32, v13;
	[tilespmem:v43+s18+$0x0] =	vst.idx.msk $0xffff, v59  }
0xc3: {  	v21 =	vmul.f32 v21, v7;
	v30 =	vsub.f32 $2.000000000e+00, v46;
	v46 =	vmul.f32 v32, v14;
	[tilespmem:v45+s18+$0x0] =	vst.idx.msk $0xffff, v42  }
0xc4: {  	v25 =	vmul.f32 v31, v25;
	v57 =	vsub.f32 $2.000000000e+00, v53;
	v50 =	vmul.f32 v32, v22;
	[tilespmem:v49+s18+$0x0] =	vst.idx.msk $0xffff, v44  }
0xc5: {  	v53 =	vmul.f32 v31, v23;
	v29 =	vmul.f32 v30, v29;
	v54 =	vadd.s32 $0x35, v6;
	[tilespmem:v52+s18+$0x0] =	vst.idx.msk $0xffff, v46  }
0xc6: {  	v28 =	vmul.f32 v57, v33;
	v56 =	vadd.s32 $0x36, v6;
	v55 =	vmul.f32 v31, v20;
	[tilespmem:v60+s18+$0x0] =	vst.idx.msk $0xffff, v50  }
0xc7: {  	v30 =	vand.u32 $0x7FFFFFFF, v37;
	v57 =	vmul.f32 v31, v18;
	v58 =	vadd.s32 $0x37, v6;
	[tilespmem:v61+s18+$0x0] =	vst.idx.msk $0xffff, v53  }
0xc8: {  	v47 =	vmul.f32 v28, v34;
	v59 =	vmul.f32 v31, v19;
	v44 =	vadd.s32 $0x38, v6;
	[tilespmem:v62+s18+$0x0] =	vst.idx.msk $0xffff, v55  }
0xc9: {  	v48 =	vsub.s32 $0x7EF477D5, v30;
	v45 =	vmul.f32 v31, v15;
	v46 =	vadd.s32 $0x39, v6;
	[tilespmem:v63+s18+$0x0] =	vst.idx.msk $0xffff, v57  }
0xca: {  	v33 =	vsub.f32 $2.000000000e+00, v47;
	v47 =	vadd.s32 $0x3A, v6;
	v51 =	vmul.f32 v48, v30;
	[tilespmem:v54+s18+$0x0] =	vst.idx.msk $0xffff, v59  }
0xcb: {  	v40 =	vsub.f32 $0.0e+00, v29;
	v49 =	vmul.f32 v31, v17;
	v50 =	vadd.s32 $0x3B, v6;
	[tilespmem:v56+s18+$0x0] =	vst.idx.msk $0xffff, v45  }
0xcc: {  	v32 =	vsub.f32 $2.000000000e+00, v51;
	v51 =	vmul.f32 v31, v13;
	v52 =	vadd.s32 $0x3C, v6;
	[tilespmem:v58+s18+$0x0] =	vst.idx.msk $0xffff, v25  }
0xcd: {  	vm4 =	vlt.f32 v35, $0.0e+00;
	v53 =	vmul.f32 v31, v14;
	v54 =	vadd.s32 $0x3D, v6;
	[tilespmem:v44+s18+$0x0] =	vst.idx.msk $0xffff, v49  }
0xce: {  	v29 =	vsel vm15, v40, v29;
	v57 =	vadd.s32 $0x3E, v6;
	v56 =	vmul.f32 v31, v22;
	[tilespmem:v46+s18+$0x0] =	vst.idx.msk $0xffff, v51  }
0xcf: {  	v32 =	vmul.f32 v48, v32;
	v59 =	vadd.s32 $0x3F, v6;
	v58 =	vmul.f32 v29, v23;
	[tilespmem:v47+s18+$0x0] =	vst.idx.msk $0xffff, v53  }
0xd0: {  	v38 =	vand.u32 $0x7FFFFFFF, v36;
	v40 =	vmul.f32 v29, v20;
	v41 =	vadd.s32 $0x40, v6;
	[tilespmem:v50+s18+$0x0] =	vst.idx.msk $0xffff, v56  }
0xd1: {  	v43 =	vadd.s32 $0x41, v6;
	v48 =	vmul.f32 v32, v30;
	v42 =	vmul.f32 v29, v18;
	[tilespmem:v52+s18+$0x0] =	vst.idx.msk $0xffff, v58  }
0xd2: {  	v28 =	vmul.f32 v33, v28;
	v45 =	vadd.s32 $0x42, v6;
	v44 =	vmul.f32 v29, v19;
	[tilespmem:v54+s18+$0x0] =	vst.idx.msk $0xffff, v40  }
0xd3: {  	v33 =	vsub.f32 $2.000000000e+00, v48;
	v46 =	vmul.f32 v29, v15;
	v47 =	vadd.s32 $0x43, v6;
	[tilespmem:v57+s18+$0x0] =	vst.idx.msk $0xffff, v42  }
0xd4: {  	v48 =	vmul.f32 v29, v16;
	v55 =	vsub.f32 $0.0e+00, v28;
	v49 =	vadd.s32 $0x44, v6;
	[tilespmem:v59+s18+$0x0] =	vst.idx.msk $0xffff, v44  }
0xd5: {  	v24 =	vmul.f32 v29, v24;
	v32 =	vmul.f32 v33, v32;
	v50 =	vadd.s32 $0x45, v6;
	[tilespmem:v41+s18+$0x0] =	vst.idx.msk $0xffff, v46  }
0xd6: {  	v28 =	vsel vm4, v55, v28;
	v53 =	vadd.s32 $0x46, v6;
	v52 =	vmul.f32 v29, v13;
	[tilespmem:v43+s18+$0x0] =	vst.idx.msk $0xffff, v48  }
0xd7: {  	v55 =	vmul.f32 v29, v14;
	v51 =	vsub.s32 $0x7EF477D5, v38;
	v56 =	vadd.s32 $0x47, v6;
	[tilespmem:v45+s18+$0x0] =	vst.idx.msk $0xffff, v24  }
0xd8: {  	v58 =	vadd.s32 $0x48, v6;
	v54 =	vmul.f32 v51, v38;
	v57 =	vmul.f32 v29, v22;
	[tilespmem:v47+s18+$0x0] =	vst.idx.msk $0xffff, v52  }
0xd9: {  	v30 =	vmul.f32 v32, v30;
	v39 =	vmul.f32 v28, v23;
	v40 =	vadd.s32 $0x49, v6;
	[tilespmem:v49+s18+$0x0] =	vst.idx.msk $0xffff, v55  }
0xda: {  	v42 =	vadd.s32 $0x4A, v6;
	v59 =	vsub.f32 $2.000000000e+00, v54;
	v41 =	vmul.f32 v28, v20;
	[tilespmem:v50+s18+$0x0] =	vst.idx.msk $0xffff, v57  }
0xdb: {  	v30 =	vsub.f32 $2.000000000e+00, v30;
	v44 =	vadd.s32 $0x4B, v6;
	v43 =	vmul.f32 v28, v18;
	[tilespmem:v53+s18+$0x0] =	vst.idx.msk $0xffff, v39  }
0xdc: {  	v46 =	vadd.s32 $0x4C, v6;
	v31 =	vmul.f32 v51, v59;
	v45 =	vmul.f32 v28, v19;
	[tilespmem:v56+s18+$0x0] =	vst.idx.msk $0xffff, v41  }
0xdd: {  	v30 =	vmul.f32 v30, v32;
	v48 =	vmul.f32 v28, v15;
	v49 =	vadd.s32 $0x4D, v6;
	[tilespmem:v58+s18+$0x0] =	vst.idx.msk $0xffff, v43  }
0xde: {  	v51 =	vadd.s32 $0x4E, v6;
	v47 =	vmul.f32 v31, v38;
	v50 =	vmul.f32 v28, v16;
	[tilespmem:v40+s18+$0x0] =	vst.idx.msk $0xffff, v45  }
0xdf: {  	v54 =	vadd.s32 $0x4F, v6;
	v52 =	vsub.f32 $0.0e+00, v30;
	v53 =	vmul.f32 v28, v17;
	[tilespmem:v42+s18+$0x0] =	vst.idx.msk $0xffff, v48  }
0xe0: {  	v21 =	vmul.f32 v28, v21;
	v55 =	vadd.s32 $0x50, v6;
	v34 =	vsub.f32 $2.000000000e+00, v47;
	[tilespmem:v44+s18+$0x0] =	vst.idx.msk $0xffff, v50  }
0xe1: {  	v30 =	vsel vm6, v52, v30;
	v57 =	vadd.s32 $0x51, v6;
	v56 =	vmul.f32 v28, v14;
	[tilespmem:v46+s18+$0x0] =	vst.idx.msk $0xffff, v53  }
0xe2: {  	v59 =	vadd.s32 $0x52, v6;
	v31 =	vmul.f32 v34, v31;
	v58 =	vmul.f32 v28, v22;
	[tilespmem:v49+s18+$0x0] =	vst.idx.msk $0xffff, v21  }
0xe3: {  	v37 =	vmul.f32 v30, v23;
	v39 =	vadd.s32 $0x53, v6;
	[tilespmem:v51+s18+$0x0] =	vst.idx.msk $0xffff, v56  }
0xe4: {  	v41 =	vmul.f32 v30, v20;
	v40 =	vmul.f32 v31, v38;
	v42 =	vadd.s32 $0x54, v6;
	[tilespmem:v54+s18+$0x0] =	vst.idx.msk $0xffff, v58  }
0xe5: {  	v43 =	vmul.f32 v30, v18;
	v44 =	vadd.s32 $0x55, v6;
	[tilespmem:v55+s18+$0x0] =	vst.idx.msk $0xffff, v37  }
0xe6: {  	v45 =	vmul.f32 v30, v19;
	v29 =	vsub.f32 $2.000000000e+00, v40;
	v46 =	vadd.s32 $0x56, v6;
	[tilespmem:v57+s18+$0x0] =	vst.idx.msk $0xffff, v41  }
0xe7: {  	v47 =	vmul.f32 v30, v15;
	v48 =	vadd.s32 $0x57, v6;
	[tilespmem:v59+s18+$0x0] =	vst.idx.msk $0xffff, v43  }
0xe8: {  	v50 =	vadd.s32 $0x58, v6;
	v29 =	vmul.f32 v29, v31;
	v49 =	vmul.f32 v30, v16;
	[tilespmem:v39+s18+$0x0] =	vst.idx.msk $0xffff, v45  }
0xe9: {  	v12 =	vmul.f32 v12, v7;
	v52 =	vadd.s32 $0x59, v6;
	v51 =	vmul.f32 v30, v17;
	[tilespmem:v42+s18+$0x0] =	vst.idx.msk $0xffff, v47  }
0xea: {  	v53 =	vmul.f32 v30, v13;
	v31 =	vsub.f32 $0.0e+00, v29;
	v54 =	vadd.s32 $0x5A, v6;
	[tilespmem:v44+s18+$0x0] =	vst.idx.msk $0xffff, v49  }
0xeb: {  	vm7 =	vlt.f32 v36, $0.0e+00;
	v12 =	vmul.f32 v30, v12;
	v55 =	vadd.s32 $0x5B, v6;
	[tilespmem:v46+s18+$0x0] =	vst.idx.msk $0xffff, v51  }
0xec: {  	v56 =	vmul.f32 v30, v22;
	v29 =	vsel vm7, v31, v29;
	v57 =	vadd.s32 $0x5C, v6;
	[tilespmem:v48+s18+$0x0] =	vst.idx.msk $0xffff, v53  }
0xed: {  	v58 =	vmul.f32 v29, v23;
	v59 =	vadd.s32 $0x5D, v6;
	[tilespmem:v50+s18+$0x0] =	vst.idx.msk $0xffff, v12  }
0xee: {  	v26 =	vadd.s32 $0x5E, v6;
	v20 =	vmul.f32 v29, v20;
	[tilespmem:v52+s18+$0x0] =	vst.idx.msk $0xffff, v56  }
0xef: {  	v28 =	vadd.s32 $0x5F, v6;
	v27 =	vmul.f32 v29, v18;
	[tilespmem:v54+s18+$0x0] =	vst.idx.msk $0xffff, v58  }
0xf0: {  	v30 =	vadd.s32 $0x60, v6;
	v19 =	vmul.f32 v29, v19;
	[tilespmem:v55+s18+$0x0] =	vst.idx.msk $0xffff, v20  }
0xf1: {  	v32 =	vadd.s32 $0x61, v6;
	v31 =	vmul.f32 v29, v15;
	[tilespmem:v57+s18+$0x0] =	vst.idx.msk $0xffff, v27  }
0xf2: {  	v33 =	vadd.s32 $0x62, v6;
	v16 =	vmul.f32 v29, v16;
	[tilespmem:v59+s18+$0x0] =	vst.idx.msk $0xffff, v19  }
0xf3: {  	v35 =	vadd.s32 $0x63, v6;
	v34 =	vmul.f32 v29, v17;
	[tilespmem:v26+s18+$0x0] =	vst.idx.msk $0xffff, v31  }
0xf4: {  	v11 =	vmul.f32 v11, v7;
	v36 =	vadd.s32 $0xA0, v1;
	v13 =	vmul.f32 v29, v13;
	[tilespmem:v28+s18+$0x0] =	vst.idx.msk $0xffff, v16  }
0xf5: {  	v38 =	vadd.s32 $0xA1, v1;
	v37 =	vmul.f32 v29, v14;
	[tilespmem:v30+s18+$0x0] =	vst.idx.msk $0xffff, v34  }
0xf6: {  	v11 =	vmul.f32 v29, v11;
	[tilespmem:v32+s18+$0x0] =	vst.idx.msk $0xffff, v13  }
0xf7: {  	v39 =	vadd.s32 $0xA2, v1;
	[tilespmem:v33+s18+$0x0] =	vst.idx.msk $0xffff, v37  }
0xf8: {  	[tilespmem:v35+s18+$0x0] =	vst.idx.msk $0xffff, v11  }
0xf9: {  	v40 =	vadd.s32 $0xA3, v1;
	v11 =	vld.idx.msk [tilespmem:v36+s17+$0x0], $0xffff  }
0xfa: {  	v14 =	vld.idx.msk [tilespmem:v38+s17+$0x0], $0xffff  }
0xfb: {  	v41 =	vadd.s32 $0xA4, v1  }
0xfc: {  	v12 =	vld.idx.msk [tilespmem:v39+s17+$0x0], $0xffff  }
0xfd: {  	v42 =	vadd.s32 $0xA5, v1  }
0xfe: {  	v13 =	vld.idx.msk [tilespmem:v40+s17+$0x0], $0xffff  }
0xff: {  	v43 =	vadd.s32 $0xA6, v1;
	v44 =	vadd.f32 v14, v11  }
0x100: {  	v15 =	vld.idx.msk [tilespmem:v41+s17+$0x0], $0xffff  }
0x101: {  	v45 =	vadd.s32 $0xA7, v1;
	v18 =	vadd.f32 v12, v44  }
0x102: {  	v16 =	vld.idx.msk [tilespmem:v42+s17+$0x0], $0xffff  }
0x103: {  	v46 =	vadd.s32 $0xA8, v1;
	v18 =	vadd.f32 v13, v18  }
0x104: {  	v17 =	vld.idx.msk [tilespmem:v43+s17+$0x0], $0xffff  }
0x105: {  	v47 =	vadd.s32 $0xA9, v1;
	v18 =	vadd.f32 v15, v18  }
0x106: {  	v19 =	vld.idx.msk [tilespmem:v45+s17+$0x0], $0xffff  }
0x107: {  	v18 =	vadd.f32 v16, v18  }
0x108: {  	v20 =	vld.idx.msk [tilespmem:v46+s17+$0x0], $0xffff  }
0x109: {  	v18 =	vadd.f32 v17, v18  }
0x10a: {  	v26 =	vld.idx.msk [tilespmem:v47+s17+$0x0], $0xffff  }
0x10b: {  	v18 =	vadd.f32 v19, v18;
	_ =	sdelay $0x1  }
0x10c: {  	v18 =	vadd.f32 v20, v18;
	_ =	sdelay $0x1  }
0x10d: {  	v11 =	vmul.f32 v11, v9;
	v14 =	vmul.f32 v14, v9;
	v18 =	vadd.f32 v26, v18  }
0x10e: {  	v51 =	vmul.f32 v15, v9;
	v53 =	vmul.f32 v16, v9  }
0x10f: {  	v54 =	vmul.f32 v17, v9;
	v10 =	vmul.f32 v18, v10  }
0x110: {  	v12 =	vmul.f32 v12, v9;
	v13 =	vmul.f32 v13, v9  }
0x111: {  	v56 =	vmul.f32 v19, v9;
	v18 =	vadd.f32 v10, v11;
	v27 =	vadd.f32 v10, v14  }
0x112: {  	v58 =	vmul.f32 v20, v9;
	v25 =	vadd.f32 v10, v12;
	v24 =	vadd.f32 v10, v13  }
0x113: {  	v26 =	vmul.f32 v26, v9;
	v23 =	vadd.f32 v10, v51;
	v22 =	vadd.f32 v10, v53  }
0x114: {  	v21 =	vadd.f32 v10, v54;
	v11 =	vadd.f32 v10, v56;
	vm8 =	veq.f32 v18, $0.0e+00  }
0x115: {  	v9 =	vadd.f32 v10, v58;
	v10 =	vadd.f32 v10, v26;
	v28 =	vsel vm8, $0x358637BD, v18  }
0x116: {  	vm9 =	veq.f32 v27, $0.0e+00;
	vm10 =	veq.f32 v25, $0.0e+00;
	v48 =	vand.u32 $0x7FFFFFFF, v28  }
0x117: {  	vm11 =	veq.f32 v24, $0.0e+00;
	vm12 =	veq.f32 v23, $0.0e+00;
	v49 =	vsub.s32 $0x7EF477D5, v48  }
0x118: {  	vm13 =	veq.f32 v22, $0.0e+00;
	v20 =	vsel vm10, $0x358637BD, v25;
	v50 =	vmul.f32 v49, v48  }
0x119: {  	vm7 =	veq.f32 v21, $0.0e+00;
	v13 =	vsel vm9, $0x358637BD, v27;
	v41 =	vand.u32 $0x7FFFFFFF, v20  }
0x11a: {  	v35 =	vsel vm12, $0x358637BD, v23;
	v42 =	vsub.s32 $0x7EF477D5, v41;
	v52 =	vsub.f32 $2.000000000e+00, v50  }
0x11b: {  	v30 =	vsel vm11, $0x358637BD, v24;
	v47 =	vand.u32 $0x7FFFFFFF, v35;
	v44 =	vmul.f32 v42, v41  }
0x11c: {  	v59 =	vand.u32 $0x7FFFFFFF, v13;
	v55 =	vmul.f32 v49, v52;
	v49 =	vsub.s32 $0x7EF477D5, v47  }
0x11d: {  	v39 =	vsub.s32 $0x7EF477D5, v59;
	v33 =	vsub.f32 $2.000000000e+00, v44;
	v50 =	vmul.f32 v49, v47  }
0x11e: {  	v34 =	vsel vm13, $0x358637BD, v22;
	v40 =	vmul.f32 v39, v59;
	v57 =	vmul.f32 v55, v48  }
0x11f: {  	v43 =	vand.u32 $0x7FFFFFFF, v30;
	v31 =	vmul.f32 v42, v33;
	v33 =	vsub.f32 $2.000000000e+00, v50  }
0x120: {  	v45 =	vsub.s32 $0x7EF477D5, v43;
	v19 =	vsub.f32 $2.000000000e+00, v40;
	v12 =	vsub.f32 $2.000000000e+00, v57  }
0x121: {  	vm14 =	vlt.f32 v28, $0.0e+00;
	v46 =	vmul.f32 v45, v43;
	v33 =	vmul.f32 v49, v33  }
0x122: {  	vm15 =	vlt.f32 v13, $0.0e+00;
	v17 =	vmul.f32 v39, v19;
	v12 =	vmul.f32 v12, v55  }
0x123: {  	vm4 =	vlt.f32 v20, $0.0e+00;
	v19 =	vsub.f32 $2.000000000e+00, v46;
	v55 =	vmul.f32 v33, v47  }
0x124: {  	vm5 =	vlt.f32 v30, $0.0e+00;
	v29 =	vmul.f32 v12, v48;
	v48 =	vmul.f32 v17, v59  }
0x125: {  	vm6 =	vlt.f32 v35, $0.0e+00;
	v13 =	vmul.f32 v24, v8;
	v19 =	vmul.f32 v45, v19  }
0x126: {  	v51 =	vmul.f32 v31, v41;
	v56 =	vsub.f32 $2.000000000e+00, v55;
	v37 =	vsub.f32 $2.000000000e+00, v48  }
0x127: {  	v50 =	vadd.s32 $0x640, v6;
	v53 =	vmul.f32 v19, v43;
	v29 =	vsub.f32 $2.000000000e+00, v29  }
0x128: {  	v55 =	vadd.s32 $0x643, v6;
	v39 =	vmul.f32 v56, v33;
	v52 =	vmul.f32 v37, v17  }
0x129: {  	v12 =	vmul.f32 v29, v12;
	v29 =	vsub.f32 $2.000000000e+00, v51;
	v17 =	vsub.f32 $2.000000000e+00, v53  }
0x12a: {  	v56 =	vadd.s32 $0x644, v6;
	v51 =	vmul.f32 v18, v7;
	v16 =	vmul.f32 v52, v59  }
0x12b: {  	v53 =	vadd.s32 $0x642, v6;
	v54 =	vmul.f32 v29, v31;
	v17 =	vmul.f32 v17, v19  }
0x12c: {  	v31 =	vand.u32 $0x7FFFFFFF, v34;
	v58 =	vsub.f32 $0.0e+00, v12;
	v19 =	vmul.f32 v18, v8  }
0x12d: {  	v18 =	vmul.f32 v11, v8;
	v57 =	vsub.s32 $0x7EF477D5, v31;
	v32 =	vmul.f32 v17, v43  }
0x12e: {  	v16 =	vsub.f32 $2.000000000e+00, v16;
	v14 =	vmul.f32 v54, v41;
	v59 =	vmul.f32 v57, v31  }
0x12f: {  	v33 =	vsel vm14, v58, v12;
	v43 =	vmul.f32 v39, v47;
	v40 =	vsub.f32 $2.000000000e+00, v32  }
0x130: {  	v58 =	vadd.s32 $0x645, v6;
	v15 =	vmul.f32 v16, v52;
	v14 =	vsub.f32 $2.000000000e+00, v14  }
0x131: {  	v41 =	vsub.f32 $2.000000000e+00, v59;
	v52 =	vadd.s32 $0x641, v6;
	v12 =	vmul.f32 v40, v17  }
0x132: {  	v16 =	vmul.f32 v22, v8;
	v59 =	vmul.f32 v33, v13;
	v42 =	vsub.f32 $0.0e+00, v15  }
0x133: {  	v14 =	vmul.f32 v14, v54;
	v44 =	vmul.f32 v57, v41;
	v47 =	vsub.f32 $0.0e+00, v12  }
0x134: {  	v54 =	vmul.f32 v33, v51;
	v29 =	vsel vm15, v42, v15;
	v15 =	vmul.f32 v27, v8  }
0x135: {  	v45 =	vsub.f32 $0.0e+00, v14;
	v26 =	vsel vm5, v47, v12;
	v12 =	vmul.f32 v25, v8  }
0x136: {  	v46 =	vsub.f32 $2.000000000e+00, v43;
	v48 =	vmul.f32 v44, v31;
	[tilespmem:v50+s18+$0x0] =	vst.idx.msk $0xffff, v54;
	v37 =	vmul.f32 v33, v15  }
0x137: {  	v28 =	vsel vm4, v45, v14;
	v14 =	vmul.f32 v23, v8;
	v57 =	vmul.f32 v33, v12  }
0x138: {  	v30 =	vmul.f32 v46, v39;
	v49 =	vsub.f32 $2.000000000e+00, v48;
	v45 =	vadd.s32 $0x646, v6;
	[tilespmem:v52+s18+$0x0] =	vst.idx.msk $0xffff, v37  }
0x139: {  	v17 =	vmul.f32 v21, v8;
	v47 =	vadd.s32 $0x647, v6;
	v46 =	vmul.f32 v33, v14;
	[tilespmem:v53+s18+$0x0] =	vst.idx.msk $0xffff, v57  }
0x13a: {  	v48 =	vmul.f32 v33, v16;
	v35 =	vmul.f32 v49, v44;
	v49 =	vadd.s32 $0x648, v6;
	[tilespmem:v55+s18+$0x0] =	vst.idx.msk $0xffff, v59  }
0x13b: {  	v20 =	vmul.f32 v9, v8;
	v51 =	vadd.s32 $0x649, v6;
	v50 =	vmul.f32 v33, v17;
	[tilespmem:v56+s18+$0x0] =	vst.idx.msk $0xffff, v46  }
0x13c: {  	v8 =	vmul.f32 v10, v8;
	v52 =	vmul.f32 v33, v18;
	v53 =	vadd.s32 $0x64A, v6;
	[tilespmem:v58+s18+$0x0] =	vst.idx.msk $0xffff, v48  }
0x13d: {  	vm9 =	veq.f32 v11, $0.0e+00;
	v54 =	vmul.f32 v33, v20;
	v55 =	vadd.s32 $0x64B, v6;
	[tilespmem:v45+s18+$0x0] =	vst.idx.msk $0xffff, v50  }
0x13e: {  	v33 =	vmul.f32 v33, v8;
	v57 =	vadd.s32 $0x64C, v6;
	v56 =	vmul.f32 v27, v7;
	[tilespmem:v47+s18+$0x0] =	vst.idx.msk $0xffff, v52  }
0x13f: {  	vm8 =	vlt.f32 v34, $0.0e+00;
	v59 =	vadd.s32 $0x64D, v6;
	v58 =	vmul.f32 v29, v19;
	[tilespmem:v49+s18+$0x0] =	vst.idx.msk $0xffff, v54  }
0x140: {  	v24 =	vmul.f32 v24, v7;
	v44 =	vmul.f32 v29, v56;
	v45 =	vadd.s32 $0x64E, v6;
	[tilespmem:v51+s18+$0x0] =	vst.idx.msk $0xffff, v33  }
0x141: {  	v39 =	vsel vm9, $0x358637BD, v11;
	v46 =	vmul.f32 v29, v12;
	v47 =	vadd.s32 $0x64F, v6;
	[tilespmem:v53+s18+$0x0] =	vst.idx.msk $0xffff, v58  }
0x142: {  	v32 =	vsub.f32 $0.0e+00, v30;
	v48 =	vmul.f32 v29, v13;
	v49 =	vadd.s32 $0x650, v6;
	[tilespmem:v55+s18+$0x0] =	vst.idx.msk $0xffff, v44  }
0x143: {  	v43 =	vmul.f32 v29, v20;
	v50 =	vmul.f32 v29, v14;
	v51 =	vadd.s32 $0x651, v6;
	[tilespmem:v57+s18+$0x0] =	vst.idx.msk $0xffff, v46  }
0x144: {  	v25 =	vmul.f32 v25, v7;
	v52 =	vmul.f32 v29, v16;
	v53 =	vadd.s32 $0x652, v6;
	[tilespmem:v59+s18+$0x0] =	vst.idx.msk $0xffff, v48  }
0x145: {  	v37 =	vsel vm7, $0x358637BD, v21;
	v56 =	vadd.s32 $0x653, v6;
	v55 =	vmul.f32 v29, v17;
	[tilespmem:v45+s18+$0x0] =	vst.idx.msk $0xffff, v50  }
0x146: {  	v40 =	vand.u32 $0x7FFFFFFF, v37;
	v58 =	vmul.f32 v29, v18;
	v59 =	vadd.s32 $0x654, v6;
	[tilespmem:v47+s18+$0x0] =	vst.idx.msk $0xffff, v52  }
0x147: {  	v31 =	vmul.f32 v35, v31;
	v54 =	vsub.s32 $0x7EF477D5, v40;
	v44 =	vadd.s32 $0x655, v6;
	[tilespmem:v49+s18+$0x0] =	vst.idx.msk $0xffff, v55  }
0x148: {  	v29 =	vmul.f32 v29, v8;
	v57 =	vmul.f32 v54, v40;
	v46 =	vadd.s32 $0x656, v6;
	[tilespmem:v51+s18+$0x0] =	vst.idx.msk $0xffff, v58  }
0x149: {  	v31 =	vsub.f32 $2.000000000e+00, v31;
	v48 =	vadd.s32 $0x657, v6;
	v47 =	vmul.f32 v28, v19;
	[tilespmem:v53+s18+$0x0] =	vst.idx.msk $0xffff, v43  }
0x14a: {  	v45 =	vsub.f32 $2.000000000e+00, v57;
	v50 =	vadd.s32 $0x658, v6;
	v49 =	vmul.f32 v28, v15;
	[tilespmem:v56+s18+$0x0] =	vst.idx.msk $0xffff, v29  }
0x14b: {  	v31 =	vmul.f32 v31, v35;
	v52 =	vmul.f32 v28, v25;
	v53 =	vadd.s32 $0x659, v6;
	[tilespmem:v59+s18+$0x0] =	vst.idx.msk $0xffff, v47  }
0x14c: {  	v36 =	vmul.f32 v54, v45;
	v54 =	vmul.f32 v28, v13;
	v55 =	vadd.s32 $0x65A, v6;
	[tilespmem:v44+s18+$0x0] =	vst.idx.msk $0xffff, v49  }
0x14d: {  	v27 =	vsel vm6, v32, v30;
	v57 =	vadd.s32 $0x65B, v6;
	v56 =	vmul.f32 v28, v14;
	[tilespmem:v46+s18+$0x0] =	vst.idx.msk $0xffff, v52  }
0x14e: {  	v51 =	vsub.f32 $0.0e+00, v31;
	v58 =	vmul.f32 v28, v16;
	v59 =	vadd.s32 $0x65C, v6;
	[tilespmem:v48+s18+$0x0] =	vst.idx.msk $0xffff, v54  }
0x14f: {  	v45 =	vadd.s32 $0x65D, v6;
	v41 =	vmul.f32 v36, v40;
	v44 =	vmul.f32 v28, v17;
	[tilespmem:v50+s18+$0x0] =	vst.idx.msk $0xffff, v56  }
0x150: {  	v25 =	vsel vm8, v51, v31;
	v47 =	vadd.s32 $0x65E, v6;
	v46 =	vmul.f32 v28, v18;
	[tilespmem:v53+s18+$0x0] =	vst.idx.msk $0xffff, v58  }
0x151: {  	v51 =	vadd.s32 $0x660, v6;
	v49 =	vadd.s32 $0x65F, v6;
	v48 =	vmul.f32 v28, v20;
	[tilespmem:v55+s18+$0x0] =	vst.idx.msk $0xffff, v44  }
0x152: {  	v32 =	vsub.f32 $2.000000000e+00, v41;
	v41 =	vand.u32 $0x7FFFFFFF, v39;
	v28 =	vmul.f32 v28, v8;
	[tilespmem:v57+s18+$0x0] =	vst.idx.msk $0xffff, v46  }
0x153: {  	v54 =	vadd.s32 $0x661, v6;
	v50 =	vsub.s32 $0x7EF477D5, v41;
	v53 =	vmul.f32 v26, v19;
	[tilespmem:v59+s18+$0x0] =	vst.idx.msk $0xffff, v48  }
0x154: {  	v56 =	vadd.s32 $0x662, v6;
	v52 =	vmul.f32 v50, v41;
	v55 =	vmul.f32 v26, v15;
	[tilespmem:v45+s18+$0x0] =	vst.idx.msk $0xffff, v28  }
0x155: {  	vm11 =	veq.f32 v9, $0.0e+00;
	v58 =	vadd.s32 $0x663, v6;
	v57 =	vmul.f32 v26, v12;
	[tilespmem:v47+s18+$0x0] =	vst.idx.msk $0xffff, v53  }
0x156: {  	v24 =	vmul.f32 v26, v24;
	v43 =	vadd.s32 $0x664, v6;
	v31 =	vsub.f32 $2.000000000e+00, v52;
	[tilespmem:v49+s18+$0x0] =	vst.idx.msk $0xffff, v55  }
0x157: {  	v44 =	vmul.f32 v26, v14;
	v59 =	vmul.f32 v32, v36;
	v45 =	vadd.s32 $0x665, v6;
	[tilespmem:v51+s18+$0x0] =	vst.idx.msk $0xffff, v57  }
0x158: {  	v48 =	vadd.s32 $0x666, v6;
	v31 =	vmul.f32 v50, v31;
	v47 =	vmul.f32 v26, v16;
	[tilespmem:v54+s18+$0x0] =	vst.idx.msk $0xffff, v24  }
0x159: {  	v50 =	vmul.f32 v26, v17;
	v46 =	vmul.f32 v59, v40;
	v51 =	vadd.s32 $0x667, v6;
	[tilespmem:v56+s18+$0x0] =	vst.idx.msk $0xffff, v44  }
0x15a: {  	v52 =	vmul.f32 v26, v18;
	v53 =	vadd.s32 $0x668, v6;
	v49 =	vmul.f32 v31, v41;
	[tilespmem:v58+s18+$0x0] =	vst.idx.msk $0xffff, v47  }
0x15b: {  	v55 =	vadd.s32 $0x669, v6;
	v34 =	vsub.f32 $2.000000000e+00, v46;
	v54 =	vmul.f32 v26, v20;
	[tilespmem:v43+s18+$0x0] =	vst.idx.msk $0xffff, v50  }
0x15c: {  	v57 =	vadd.s32 $0x66A, v6;
	v38 =	vsub.f32 $2.000000000e+00, v49;
	v26 =	vmul.f32 v26, v8;
	[tilespmem:v45+s18+$0x0] =	vst.idx.msk $0xffff, v52  }
0x15d: {  	v56 =	vmul.f32 v34, v59;
	v59 =	vadd.s32 $0x66B, v6;
	v58 =	vmul.f32 v27, v19;
	[tilespmem:v48+s18+$0x0] =	vst.idx.msk $0xffff, v54  }
0x15e: {  	v36 =	vmul.f32 v27, v15;
	v30 =	vmul.f32 v38, v31;
	v38 =	vadd.s32 $0x66C, v6;
	[tilespmem:v51+s18+$0x0] =	vst.idx.msk $0xffff, v26  }
0x15f: {  	v42 =	vadd.s32 $0x66D, v6;
	v23 =	vmul.f32 v23, v7;
	v40 =	vmul.f32 v27, v12;
	[tilespmem:v53+s18+$0x0] =	vst.idx.msk $0xffff, v58  }
0x160: {  	vm13 =	veq.f32 v10, $0.0e+00;
	v44 =	vadd.s32 $0x66E, v6;
	v43 =	vmul.f32 v27, v13;
	[tilespmem:v55+s18+$0x0] =	vst.idx.msk $0xffff, v36  }
0x161: {  	v22 =	vmul.f32 v22, v7;
	v23 =	vmul.f32 v27, v23;
	v45 =	vadd.s32 $0x66F, v6;
	[tilespmem:v57+s18+$0x0] =	vst.idx.msk $0xffff, v40  }
0x162: {  	v11 =	vmul.f32 v11, v7;
	v47 =	vmul.f32 v27, v16;
	v48 =	vadd.s32 $0x670, v6;
	[tilespmem:v59+s18+$0x0] =	vst.idx.msk $0xffff, v43  }
0x163: {  	vm10 =	vlt.f32 v37, $0.0e+00;
	v49 =	vmul.f32 v27, v17;
	v50 =	vadd.s32 $0x671, v6;
	[tilespmem:v38+s18+$0x0] =	vst.idx.msk $0xffff, v23  }
0x164: {  	v34 =	vsub.f32 $0.0e+00, v56;
	v52 =	vadd.s32 $0x672, v6;
	v51 =	vmul.f32 v27, v18;
	[tilespmem:v42+s18+$0x0] =	vst.idx.msk $0xffff, v47  }
0x165: {  	v46 =	vmul.f32 v30, v41;
	v54 =	vadd.s32 $0x673, v6;
	v53 =	vmul.f32 v27, v20;
	[tilespmem:v44+s18+$0x0] =	vst.idx.msk $0xffff, v49  }
0x166: {  	v24 =	vsel vm10, v34, v56;
	v56 =	vmul.f32 v27, v8;
	v57 =	vadd.s32 $0x674, v6;
	[tilespmem:v45+s18+$0x0] =	vst.idx.msk $0xffff, v51  }
0x167: {  	v41 =	vadd.s32 $0x676, v6;
	v59 =	vmul.f32 v25, v19;
	v38 =	vadd.s32 $0x675, v6;
	[tilespmem:v48+s18+$0x0] =	vst.idx.msk $0xffff, v53  }
0x168: {  	v34 =	vsel vm11, $0x358637BD, v9;
	v29 =	vsub.f32 $2.000000000e+00, v46;
	v40 =	vmul.f32 v25, v15;
	[tilespmem:v50+s18+$0x0] =	vst.idx.msk $0xffff, v56  }
0x169: {  	v36 =	vand.u32 $0x7FFFFFFF, v34;
	v43 =	vadd.s32 $0x677, v6;
	v42 =	vmul.f32 v25, v12;
	[tilespmem:v52+s18+$0x0] =	vst.idx.msk $0xffff, v59  }
0x16a: {  	v55 =	vsub.s32 $0x7EF477D5, v36;
	v44 =	vmul.f32 v25, v13;
	v45 =	vadd.s32 $0x678, v6;
	[tilespmem:v54+s18+$0x0] =	vst.idx.msk $0xffff, v40  }
0x16b: {  	v46 =	vmul.f32 v25, v14;
	v58 =	vmul.f32 v55, v36;
	v47 =	vadd.s32 $0x679, v6;
	[tilespmem:v57+s18+$0x0] =	vst.idx.msk $0xffff, v42  }
0x16c: {  	vm12 =	vlt.f32 v39, $0.0e+00;
	v22 =	vmul.f32 v25, v22;
	v48 =	vadd.s32 $0x67A, v6;
	[tilespmem:v38+s18+$0x0] =	vst.idx.msk $0xffff, v44  }
0x16d: {  	v28 =	vsub.f32 $2.000000000e+00, v58;
	v51 =	vadd.s32 $0x67B, v6;
	v50 =	vmul.f32 v25, v17;
	[tilespmem:v41+s18+$0x0] =	vst.idx.msk $0xffff, v46  }
0x16e: {  	v21 =	vmul.f32 v21, v7;
	v53 =	vadd.s32 $0x67C, v6;
	v52 =	vmul.f32 v25, v18;
	[tilespmem:v43+s18+$0x0] =	vst.idx.msk $0xffff, v22  }
0x16f: {  	v28 =	vmul.f32 v55, v28;
	v55 =	vadd.s32 $0x67D, v6;
	v54 =	vmul.f32 v25, v20;
	[tilespmem:v45+s18+$0x0] =	vst.idx.msk $0xffff, v50  }
0x170: {  	v33 =	vsel vm13, $0x358637BD, v10;
	v25 =	vmul.f32 v25, v8;
	v57 =	vadd.s32 $0x67E, v6;
	[tilespmem:v47+s18+$0x0] =	vst.idx.msk $0xffff, v52  }
0x171: {  	v35 =	vand.u32 $0x7FFFFFFF, v33;
	v58 =	vmul.f32 v24, v19;
	v59 =	vadd.s32 $0x67F, v6;
	[tilespmem:v48+s18+$0x0] =	vst.idx.msk $0xffff, v54  }
0x172: {  	v37 =	vmul.f32 v24, v15;
	v39 =	vmul.f32 v24, v12;
	v38 =	vadd.s32 $0x680, v6;
	[tilespmem:v51+s18+$0x0] =	vst.idx.msk $0xffff, v25  }
0x173: {  	v21 =	vmul.f32 v24, v21;
	v29 =	vmul.f32 v29, v30;
	v40 =	vadd.s32 $0x681, v6;
	[tilespmem:v53+s18+$0x0] =	vst.idx.msk $0xffff, v58  }
0x174: {  	v49 =	vmul.f32 v28, v36;
	v42 =	vadd.s32 $0x682, v6;
	v41 =	vmul.f32 v24, v13;
	[tilespmem:v55+s18+$0x0] =	vst.idx.msk $0xffff, v37  }
0x175: {  	v56 =	vsub.f32 $0.0e+00, v29;
	v44 =	vadd.s32 $0x683, v6;
	v43 =	vmul.f32 v24, v14;
	[tilespmem:v57+s18+$0x0] =	vst.idx.msk $0xffff, v39  }
0x176: {  	v30 =	vsub.f32 $2.000000000e+00, v49;
	v46 =	vadd.s32 $0x684, v6;
	v45 =	vmul.f32 v24, v16;
	[tilespmem:v59+s18+$0x0] =	vst.idx.msk $0xffff, v41  }
0x177: {  	vm14 =	vlt.f32 v34, $0.0e+00;
	v49 =	vmul.f32 v24, v18;
	v47 =	vadd.s32 $0x685, v6;
	[tilespmem:v38+s18+$0x0] =	vst.idx.msk $0xffff, v43  }
0x178: {  	v28 =	vmul.f32 v30, v28;
	v22 =	vsel vm12, v56, v29;
	v50 =	vadd.s32 $0x686, v6;
	[tilespmem:v40+s18+$0x0] =	vst.idx.msk $0xffff, v45  }
0x179: {  	v52 =	vmul.f32 v24, v20;
	v48 =	vsub.s32 $0x7EF477D5, v35;
	v53 =	vadd.s32 $0x687, v6;
	[tilespmem:v42+s18+$0x0] =	vst.idx.msk $0xffff, v21  }
0x17a: {  	v24 =	vmul.f32 v24, v8;
	v51 =	vmul.f32 v48, v35;
	v55 =	vadd.s32 $0x688, v6;
	[tilespmem:v44+s18+$0x0] =	vst.idx.msk $0xffff, v49  }
0x17b: {  	v30 =	vmul.f32 v28, v36;
	v58 =	vadd.s32 $0x689, v6;
	v57 =	vmul.f32 v22, v19;
	[tilespmem:v46+s18+$0x0] =	vst.idx.msk $0xffff, v52  }
0x17c: {  	v36 =	vadd.s32 $0x68A, v6;
	v56 =	vsub.f32 $2.000000000e+00, v51;
	v59 =	vmul.f32 v22, v15;
	[tilespmem:v47+s18+$0x0] =	vst.idx.msk $0xffff, v24  }
0x17d: {  	v54 =	vsub.f32 $2.000000000e+00, v30;
	v39 =	vadd.s32 $0x68B, v6;
	v38 =	vmul.f32 v22, v12;
	[tilespmem:v50+s18+$0x0] =	vst.idx.msk $0xffff, v57  }
0x17e: {  	v37 =	vmul.f32 v48, v56;
	v41 =	vadd.s32 $0x68C, v6;
	v40 =	vmul.f32 v22, v13;
	[tilespmem:v53+s18+$0x0] =	vst.idx.msk $0xffff, v59  }
0x17f: {  	v25 =	vmul.f32 v54, v28;
	v43 =	vmul.f32 v22, v14;
	v44 =	vadd.s32 $0x68D, v6;
	[tilespmem:v55+s18+$0x0] =	vst.idx.msk $0xffff, v38  }
0x180: {  	v45 =	vmul.f32 v22, v16;
	v42 =	vmul.f32 v37, v35;
	v46 =	vadd.s32 $0x68E, v6;
	[tilespmem:v58+s18+$0x0] =	vst.idx.msk $0xffff, v40  }
0x181: {  	v11 =	vmul.f32 v22, v11;
	v48 =	vmul.f32 v22, v17;
	v49 =	vadd.s32 $0x68F, v6;
	[tilespmem:v36+s18+$0x0] =	vst.idx.msk $0xffff, v43  }
0x182: {  	v51 =	vadd.s32 $0x690, v6;
	v47 =	vsub.f32 $0.0e+00, v25;
	v50 =	vsub.f32 $2.000000000e+00, v42;
	[tilespmem:v39+s18+$0x0] =	vst.idx.msk $0xffff, v45  }
0x183: {  	v52 =	vmul.f32 v22, v20;
	v22 =	vmul.f32 v22, v8;
	v53 =	vadd.s32 $0x691, v6;
	[tilespmem:v41+s18+$0x0] =	vst.idx.msk $0xffff, v48  }
0x184: {  	v25 =	vsel vm14, v47, v25;
	v54 =	vmul.f32 v50, v37;
	v55 =	vadd.s32 $0x692, v6;
	[tilespmem:v44+s18+$0x0] =	vst.idx.msk $0xffff, v11  }
0x185: {  	v57 =	vadd.s32 $0x693, v6;
	v56 =	vmul.f32 v25, v19;
	[tilespmem:v46+s18+$0x0] =	vst.idx.msk $0xffff, v52  }
0x186: {  	v32 =	vadd.s32 $0x694, v6;
	v59 =	vmul.f32 v25, v15;
	v58 =	vmul.f32 v54, v35;
	[tilespmem:v49+s18+$0x0] =	vst.idx.msk $0xffff, v22  }
0x187: {  	v34 =	vmul.f32 v25, v12;
	v35 =	vadd.s32 $0x695, v6;
	[tilespmem:v51+s18+$0x0] =	vst.idx.msk $0xffff, v56  }
0x188: {  	v37 =	vadd.s32 $0x696, v6;
	v36 =	vmul.f32 v25, v13;
	v27 =	vsub.f32 $2.000000000e+00, v58;
	[tilespmem:v53+s18+$0x0] =	vst.idx.msk $0xffff, v59  }
0x189: {  	v38 =	vmul.f32 v25, v14;
	v39 =	vadd.s32 $0x697, v6;
	[tilespmem:v55+s18+$0x0] =	vst.idx.msk $0xffff, v34  }
0x18a: {  	v40 =	vmul.f32 v25, v16;
	v41 =	vadd.s32 $0x698, v6;
	v11 =	vmul.f32 v27, v54;
	[tilespmem:v57+s18+$0x0] =	vst.idx.msk $0xffff, v36  }
0x18b: {  	v9 =	vmul.f32 v9, v7;
	v42 =	vmul.f32 v25, v17;
	v43 =	vadd.s32 $0x699, v6;
	[tilespmem:v32+s18+$0x0] =	vst.idx.msk $0xffff, v38  }
0x18c: {  	v45 =	vadd.s32 $0x69A, v6;
	v44 =	vmul.f32 v25, v18;
	v27 =	vsub.f32 $0.0e+00, v11;
	[tilespmem:v35+s18+$0x0] =	vst.idx.msk $0xffff, v40  }
0x18d: {  	vm15 =	vlt.f32 v33, $0.0e+00;
	v9 =	vmul.f32 v25, v9;
	v46 =	vadd.s32 $0x69B, v6;
	[tilespmem:v37+s18+$0x0] =	vst.idx.msk $0xffff, v42  }
0x18e: {  	v47 =	vadd.s32 $0x69C, v6;
	v8 =	vmul.f32 v25, v8;
	v11 =	vsel vm15, v27, v11;
	[tilespmem:v39+s18+$0x0] =	vst.idx.msk $0xffff, v44  }
0x18f: {  	v49 =	vadd.s32 $0x69D, v6;
	v48 =	vmul.f32 v11, v19;
	[tilespmem:v41+s18+$0x0] =	vst.idx.msk $0xffff, v9  }
0x190: {  	v50 =	vadd.s32 $0x69E, v6;
	[tilespmem:v43+s18+$0x0] =	vst.idx.msk $0xffff, v8;
	v8 =	vmul.f32 v11, v15  }
0x191: {  	v52 =	vadd.s32 $0x69F, v6;
	v51 =	vmul.f32 v11, v12;
	[tilespmem:v45+s18+$0x0] =	vst.idx.msk $0xffff, v48  }
0x192: {  	v53 =	vadd.s32 $0x6A0, v6;
	[tilespmem:v46+s18+$0x0] =	vst.idx.msk $0xffff, v8;
	v8 =	vmul.f32 v11, v13  }
0x193: {  	v55 =	vadd.s32 $0x6A1, v6;
	v54 =	vmul.f32 v11, v14;
	[tilespmem:v47+s18+$0x0] =	vst.idx.msk $0xffff, v51  }
0x194: {  	v56 =	vadd.s32 $0x6A2, v6;
	[tilespmem:v49+s18+$0x0] =	vst.idx.msk $0xffff, v8;
	v8 =	vmul.f32 v11, v16  }
0x195: {  	v58 =	vadd.s32 $0x6A3, v6;
	v57 =	vmul.f32 v11, v17;
	[tilespmem:v50+s18+$0x0] =	vst.idx.msk $0xffff, v54  }
0x196: {  	v7 =	vmul.f32 v10, v7;
	[tilespmem:v52+s18+$0x0] =	vst.idx.msk $0xffff, v8;
	v8 =	vmul.f32 v11, v18  }
0x197: {  	v59 =	vmul.f32 v11, v20;
	[tilespmem:v53+s18+$0x0] =	vst.idx.msk $0xffff, v57  }
0x198: {  	v7 =	vmul.f32 v11, v7;
	[tilespmem:v55+s18+$0x0] =	vst.idx.msk $0xffff, v8  }
0x199: {  	[tilespmem:v56+s18+$0x0] =	vst.idx.msk $0xffff, v59  }
0x19a: {  	[tilespmem:v58+s18+$0x0] =	vst.idx.msk $0xffff, v7  }
0x19b: {  	[hbm4b:s10+s3] =	stream.linear.scatter [tilespmem:s18], [sflag:$0x5], $0xC80, $0x38;
	[tilespmem:$0x10200] =	vst v63  }
0x19c: {  	_ =	swait.ge [sflag:s16], $0xC80  }
0x19d: {  	[sflag:s16] =	ssyncset.done $0x0  }
0x19e: {  	s26 =	simm.s32 $0x0;
	[sflag:s16] =	ssyncadd.s32 $0xFFFFF380  }
.LBB2_2:
0x19f: {  	s28 =	simm.s32 $0x0  }
0x1a0: {  	v7 =	vor.u32 s28, v0  }
0x1a1: {  	_ =	swait.ge [sflag:s19], $0x1400;
	v8 =	vmul.u32 $0x5, v7  }
0x1a2: {  	p1 =	seq.s32 s26, $0x0;
	[sflag:s19] =	ssyncset.done $0x0  }
0x1a3: {  	s28 =	simm.s32 @!p1 $0x3;
	[sflag:s19] =	ssyncadd.s32 $0xFFFFEC00;
	v9 =	vadd.s32 $0x1, v8  }
0x1a4: {  	_ =	swait.ge @!p1 [sflag:s28], $0x6400  }
0x1a5: {  	[sflag:s28] =	ssyncset.done @!p1 $0x0;
	v10 =	vadd.s32 $0x2, v8  }
0x1a6: {  	[sflag:s28] =	ssyncadd.s32 @!p1 $0xFFFF9C00  }
0x1a7: {  	v12 =	vadd.s32 $0x3, v8;
	v34 =	vld.idx.msk [tilespmem:v8+s14+$0x0], $0xffff  }
0x1a8: {  	v9 =	vld.idx.msk [tilespmem:v9+s14+$0x0], $0xffff  }
0x1a9: {  	v8 =	vadd.s32 $0x4, v8  }
0x1aa: {  	v7 =	vmul.u32 $0x19, v7;
	v10 =	vld.idx.msk [tilespmem:v10+s14+$0x0], $0xffff;
	_ =	sdelay $0x1  }
0x1ab: {  	v11 =	vadd.s32 $0x7, v7;
	v21 =	vadd.s32 $0x4, v7;
	v32 =	vadd.s32 $0x1, v7;
	v12 =	vld.idx.msk [tilespmem:v12+s14+$0x0], $0xffff  }
0x1ac: {  	v30 =	vadd.s32 $0x3, v7;
	v33 =	vadd.s32 $0x2, v7;
	v13 =	vadd.f32 v9, v34  }
0x1ad: {  	v26 =	vadd.s32 $0x6, v7;
	v31 =	vadd.s32 $0x5, v7;
	v29 =	vadd.s32 $0x8, v7;
	v39 =	vld.idx.msk [tilespmem:v8+s14+$0x0], $0xffff  }
0x1ae: {  	v28 =	vadd.s32 $0x9, v7;
	v27 =	vadd.s32 $0xA, v7;
	v8 =	vadd.f32 v10, v13  }
0x1af: {  	v25 =	vadd.s32 $0xB, v7;
	v24 =	vadd.s32 $0xC, v7;
	v23 =	vadd.s32 $0xD, v7  }
0x1b0: {  	v20 =	vadd.s32 $0xE, v7;
	v19 =	vadd.s32 $0xF, v7;
	v8 =	vadd.f32 v12, v8  }
0x1b1: {  	v18 =	vadd.s32 $0x10, v7;
	v17 =	vadd.s32 $0x11, v7;
	v16 =	vadd.s32 $0x12, v7;
	s28 =	simm.s32 $0x10  }
0x1b2: {  	v15 =	vadd.s32 $0x13, v7;
	v22 =	vor.u32 s28, v0;
	v35 =	vadd.f32 v39, v8  }
0x1b3: {  	v9 =	vmul.f32 v9, v3;
	v34 =	vmul.f32 v34, v3;
	v8 =	vmul.u32 $0x5, v22  }
0x1b4: {  	v14 =	vadd.s32 $0x15, v7;
	v37 =	vmul.f32 v12, v3;
	v42 =	vmul.f32 v35, v2  }
0x1b5: {  	v59 =	vmul.f32 v10, v3;
	v13 =	vadd.s32 $0x14, v7;
	v12 =	vadd.s32 $0x1, v8  }
0x1b6: {  	v10 =	vadd.s32 $0x2, v8;
	v36 =	vadd.f32 v42, v34;
	v41 =	vadd.f32 v42, v9  }
0x1b7: {  	s29 =	simm.s32 $0x20;
	s28 =	sshll.u32 s26, $0xB;
	v9 =	vadd.s32 $0x4, v8;
	v35 =	vadd.f32 v42, v59;
	v34 =	vadd.f32 v42, v37  }
.LBB2_3:
0x1b8: {  	p0 =	sne.s32 s29, $0x3F0;
	vm0 =	veq.f32 v36, $0.0e+00;
	v43 =	vmul.f32 v41, v5;
	s30 =	smov.u32 s29;
	s29 =	sadd.s32 $0x10, s29  }
0x1b9: {  	v44 =	vsel vm0, $0x358637BD, v36;
	vm0 =	veq.f32 v35, $0.0e+00;
	vm1 =	veq.f32 v34, $0.0e+00  }
0x1ba: {  	v45 =	vand.u32 $0x7FFFFFFF, v44;
	v46 =	vsel vm0, $0x358637BD, v35;
	v47 =	vsel vm1, $0x358637BD, v34  }
0x1bb: {  	v40 =	vsub.s32 $0x7EF477D5, v45;
	v48 =	vand.u32 $0x7FFFFFFF, v46;
	v49 =	vand.u32 $0x7FFFFFFF, v47  }
0x1bc: {  	v37 =	vmul.f32 v40, v45;
	v50 =	vsub.s32 $0x7EF477D5, v48;
	v51 =	vsub.s32 $0x7EF477D5, v49  }
0x1bd: {  	vm0 =	veq.f32 v41, $0.0e+00;
	v52 =	vmul.f32 v50, v48;
	v53 =	vmul.f32 v51, v49  }
0x1be: {  	v38 =	vmul.f32 v34, v4;
	v55 =	vsel vm0, $0x358637BD, v41;
	v54 =	vsub.f32 $2.000000000e+00, v37  }
0x1bf: {  	v56 =	vand.u32 $0x7FFFFFFF, v55;
	v52 =	vsub.f32 $2.000000000e+00, v52;
	v53 =	vsub.f32 $2.000000000e+00, v53  }
0x1c0: {  	v57 =	vsub.s32 $0x7EF477D5, v56;
	v37 =	vadd.s32 $0x3, v8;
	v54 =	vmul.f32 v40, v54  }
0x1c1: {  	v40 =	vmul.f32 v57, v56;
	v50 =	vmul.f32 v50, v52  }
0x1c2: {  	v51 =	vmul.f32 v51, v53;
	v52 =	vmul.f32 v54, v45  }
0x1c3: {  	v53 =	vsub.f32 $2.000000000e+00, v40;
	v40 =	vmul.f32 v35, v4;
	v58 =	vmul.f32 v50, v48  }
0x1c4: {  	v41 =	vmul.f32 v41, v4;
	v59 =	vmul.f32 v51, v49;
	v52 =	vsub.f32 $2.000000000e+00, v52  }
0x1c5: {  	v39 =	vmul.f32 v39, v3;
	v53 =	vmul.f32 v57, v53;
	v57 =	vsub.f32 $2.000000000e+00, v58  }
0x1c6: {  	v58 =	vmul.f32 v36, v5;
	v52 =	vmul.f32 v52, v54;
	v54 =	vsub.f32 $2.000000000e+00, v59  }
0x1c7: {  	v59 =	vmul.f32 v53, v56;
	v50 =	vmul.f32 v57, v50  }
0x1c8: {  	v45 =	vmul.f32 v52, v45;
	v51 =	vmul.f32 v54, v51  }
0x1c9: {  	v39 =	vadd.f32 v42, v39;
	v42 =	vsub.f32 $2.000000000e+00, v59;
	v48 =	vmul.f32 v50, v48  }
0x1ca: {  	vm0 =	vlt.f32 v44, $0.0e+00;
	v45 =	vsub.f32 $2.000000000e+00, v45;
	v44 =	vmul.f32 v51, v49  }
0x1cb: {  	vm1 =	veq.f32 v39, $0.0e+00;
	v42 =	vmul.f32 v42, v53;
	v48 =	vsub.f32 $2.000000000e+00, v48  }
0x1cc: {  	v49 =	vsel vm1, $0x358637BD, v39;
	v45 =	vmul.f32 v45, v52;
	v44 =	vsub.f32 $2.000000000e+00, v44  }
0x1cd: {  	v52 =	vmul.f32 v42, v56;
	v48 =	vmul.f32 v48, v50;
	v50 =	vand.u32 $0x7FFFFFFF, v49  }
0x1ce: {  	v53 =	vsub.f32 $0.0e+00, v45;
	v44 =	vmul.f32 v44, v51;
	v51 =	vsub.s32 $0x7EF477D5, v50  }
0x1cf: {  	v52 =	vsub.f32 $2.000000000e+00, v52;
	v54 =	vsub.f32 $0.0e+00, v48;
	v56 =	vmul.f32 v51, v50  }
0x1d0: {  	v45 =	vsel vm0, v53, v45;
	vm0 =	vlt.f32 v47, $0.0e+00;
	v47 =	vsub.f32 $0.0e+00, v44  }
0x1d1: {  	v42 =	vmul.f32 v52, v42;
	v52 =	vsub.f32 $2.000000000e+00, v56;
	v53 =	vmul.f32 v45, v58  }
0x1d2: {  	v56 =	vmul.f32 v45, v41;
	v44 =	vsel vm0, v47, v44;
	v47 =	vmul.f32 v39, v4  }
0x1d3: {  	v57 =	vsub.f32 $0.0e+00, v42;
	v51 =	vmul.f32 v51, v52;
	[tilespmem:v7+s20+$0x0] =	vst.idx.msk $0xffff, v53;
	v52 =	vmul.f32 v45, v40  }
0x1d4: {  	v36 =	vmul.f32 v36, v4;
	vm0 =	vlt.f32 v55, $0.0e+00;
	[tilespmem:v32+s20+$0x0] =	vst.idx.msk $0xffff, v56;
	v32 =	vmul.f32 v45, v38  }
0x1d5: {  	v42 =	vsel vm0, v57, v42;
	[tilespmem:v33+s20+$0x0] =	vst.idx.msk $0xffff, v52;
	v33 =	vmul.f32 v45, v47  }
0x1d6: {  	v45 =	vmul.f32 v51, v50;
	[tilespmem:v30+s20+$0x0] =	vst.idx.msk $0xffff, v32;
	v30 =	vmul.f32 v42, v36  }
0x1d7: {  	[tilespmem:v21+s20+$0x0] =	vst.idx.msk $0xffff, v33;
	v21 =	vmul.f32 v42, v43  }
0x1d8: {  	vm0 =	vlt.f32 v46, $0.0e+00;
	v32 =	vsub.f32 $2.000000000e+00, v45;
	[tilespmem:v31+s20+$0x0] =	vst.idx.msk $0xffff, v30;
	v30 =	vmul.f32 v42, v40  }
0x1d9: {  	v31 =	vsel vm0, v54, v48;
	[tilespmem:v26+s20+$0x0] =	vst.idx.msk $0xffff, v21;
	v21 =	vmul.f32 v42, v38  }
0x1da: {  	v26 =	vmul.f32 v32, v51;
	[tilespmem:v11+s20+$0x0] =	vst.idx.msk $0xffff, v30;
	v11 =	vmul.f32 v42, v47  }
0x1db: {  	v30 =	vmul.f32 v35, v5;
	[tilespmem:v29+s20+$0x0] =	vst.idx.msk $0xffff, v21;
	v21 =	vmul.f32 v31, v36  }
0x1dc: {  	v29 =	vmul.f32 v26, v50;
	[tilespmem:v28+s20+$0x0] =	vst.idx.msk $0xffff, v11;
	v11 =	vmul.f32 v31, v41  }
0x1dd: {  	[tilespmem:v27+s20+$0x0] =	vst.idx.msk $0xffff, v21;
	v21 =	vmul.f32 v31, v30  }
0x1de: {  	v27 =	vsub.f32 $2.000000000e+00, v29;
	[tilespmem:v25+s20+$0x0] =	vst.idx.msk $0xffff, v11;
	v11 =	vmul.f32 v31, v38  }
0x1df: {  	v22 =	vmul.u32 $0x19, v22;
	v25 =	vmul.f32 v34, v5;
	[tilespmem:v24+s20+$0x0] =	vst.idx.msk $0xffff, v21;
	v21 =	vmul.f32 v31, v47  }
0x1e0: {  	v24 =	vmul.f32 v27, v26;
	[tilespmem:v23+s20+$0x0] =	vst.idx.msk $0xffff, v11;
	v23 =	vmul.f32 v44, v36  }
0x1e1: {  	v26 =	vmul.f32 v44, v40;
	v11 =	vadd.s32 $0x7, v22;
	[tilespmem:v20+s20+$0x0] =	vst.idx.msk $0xffff, v21;
	v20 =	vmul.f32 v44, v41  }
0x1e2: {  	v21 =	vadd.s32 $0x4, v22;
	v27 =	vsub.f32 $0.0e+00, v24;
	[tilespmem:v19+s20+$0x0] =	vst.idx.msk $0xffff, v23;
	v19 =	vmul.f32 v44, v25  }
0x1e3: {  	vm0 =	vlt.f32 v49, $0.0e+00;
	v32 =	vadd.s32 $0x1, v22;
	[tilespmem:v18+s20+$0x0] =	vst.idx.msk $0xffff, v20;
	v18 =	vmul.f32 v44, v47  }
0x1e4: {  	v30 =	vadd.s32 $0x3, v22;
	v20 =	vsel vm0, v27, v24;
	[tilespmem:v17+s20+$0x0] =	vst.idx.msk $0xffff, v26;
	v17 =	vadd.s32 $0x16, v7  }
0x1e5: {  	v33 =	vadd.s32 $0x2, v22;
	[tilespmem:v16+s20+$0x0] =	vst.idx.msk $0xffff, v19;
	v16 =	vmul.f32 v20, v36;
	v19 =	vadd.s32 $0x17, v7  }
0x1e6: {  	v26 =	vadd.s32 $0x6, v22;
	[tilespmem:v15+s20+$0x0] =	vst.idx.msk $0xffff, v18;
	v15 =	vmul.f32 v20, v41;
	v18 =	vadd.s32 $0x18, v7;
	v7 =	vmovc v22  }
0x1e7: {  	v22 =	vmul.f32 v39, v5;
	v31 =	vadd.s32 $0x5, v7;
	[tilespmem:v13+s20+$0x0] =	vst.idx.msk $0xffff, v16;
	v13 =	vmul.f32 v20, v40  }
0x1e8: {  	[tilespmem:v14+s20+$0x0] =	vst.idx.msk $0xffff, v15;
	v14 =	vmul.f32 v20, v38  }
0x1e9: {  	[tilespmem:v17+s20+$0x0] =	vst.idx.msk $0xffff, v13;
	v13 =	vmul.f32 v20, v22  }
0x1ea: {  	v29 =	vadd.s32 $0x8, v7;
	[tilespmem:v19+s20+$0x0] =	vst.idx.msk $0xffff, v14  }
0x1eb: {  	v28 =	vadd.s32 $0x9, v7;
	[tilespmem:v18+s20+$0x0] =	vst.idx.msk $0xffff, v13  }
0x1ec: {  	v27 =	vadd.s32 $0xA, v7;
	v12 =	vld.idx.msk [tilespmem:v12+s14+$0x0], $0xffff  }
0x1ed: {  	v25 =	vadd.s32 $0xB, v7;
	v34 =	vld.idx.msk [tilespmem:v8+s14+$0x0], $0xffff  }
0x1ee: {  	v24 =	vadd.s32 $0xC, v7;
	v35 =	vld.idx.msk [tilespmem:v10+s14+$0x0], $0xffff  }
0x1ef: {  	v23 =	vadd.s32 $0xD, v7;
	v10 =	vld.idx.msk [tilespmem:v37+s14+$0x0], $0xffff  }
0x1f0: {  	v20 =	vadd.s32 $0xE, v7;
	v39 =	vld.idx.msk [tilespmem:v9+s14+$0x0], $0xffff  }
0x1f1: {  	v19 =	vadd.s32 $0xF, v7  }
0x1f2: {  	v18 =	vadd.s32 $0x10, v7  }
0x1f3: {  	v17 =	vadd.s32 $0x11, v7;
	v8 =	vadd.f32 v12, v34  }
0x1f4: {  	v16 =	vadd.s32 $0x12, v7  }
0x1f5: {  	v15 =	vadd.s32 $0x13, v7;
	v8 =	vadd.f32 v35, v8  }
0x1f6: {  	v13 =	vadd.s32 $0x14, v7  }
0x1f7: {  	v14 =	vadd.s32 $0x15, v7;
	v8 =	vadd.f32 v10, v8;
	_ =	sdelay $0x1  }
0x1f8: {  	v22 =	vor.u32 s30, v0;
	v9 =	vadd.f32 v39, v8  }
.Ltmp0:
0x1f9: {  	v37 =	vmul.f32 v12, v3;
	v38 =	vmul.f32 v10, v3;
	v8 =	vmul.u32 $0x5, v22;
	(pc) =	sbr.rel @p0 .LBB2_3-.Ltmp0, $4  }
0x1fa: {  	v34 =	vmul.f32 v34, v3;
	v42 =	vmul.f32 v9, v2  }
0x1fb: {  	v35 =	vmul.f32 v35, v3;
	v12 =	vadd.s32 $0x1, v8;
	v10 =	vadd.s32 $0x2, v8  }
0x1fc: {  	v9 =	vadd.s32 $0x4, v8;
	v36 =	vadd.f32 v42, v34;
	v41 =	vadd.f32 v42, v37  }
0x1fd: {  	v35 =	vadd.f32 v42, v35;
	v34 =	vadd.f32 v42, v38  }
0x1fe: {  	vm0 =	veq.f32 v36, $0.0e+00  }
0x1ff: {  	v37 =	vsel vm0, $0x358637BD, v36  }
0x200: {  	v38 =	vand.u32 $0x7FFFFFFF, v37  }
0x201: {  	v40 =	vsub.s32 $0x7EF477D5, v38  }
0x202: {  	vm10 =	veq.f32 v35, $0.0e+00;
	v45 =	vmul.f32 v40, v38  }
0x203: {  	vm11 =	veq.f32 v41, $0.0e+00;
	vm1 =	veq.f32 v34, $0.0e+00;
	v43 =	vsel vm10, $0x358637BD, v35  }
0x204: {  	v49 =	vsel vm11, $0x358637BD, v41;
	v46 =	vand.u32 $0x7FFFFFFF, v43;
	v45 =	vsub.f32 $2.000000000e+00, v45  }
0x205: {  	v44 =	vsel vm1, $0x358637BD, v34;
	v52 =	vand.u32 $0x7FFFFFFF, v49;
	v48 =	vsub.s32 $0x7EF477D5, v46  }
0x206: {  	v51 =	vmul.f32 v48, v46;
	v40 =	vmul.f32 v40, v45;
	v45 =	vsub.s32 $0x7EF477D5, v52  }
0x207: {  	v47 =	vand.u32 $0x7FFFFFFF, v44;
	v54 =	vmul.f32 v45, v52  }
0x208: {  	v50 =	vsub.s32 $0x7EF477D5, v47;
	v51 =	vsub.f32 $2.000000000e+00, v51;
	v55 =	vmul.f32 v40, v38  }
0x209: {  	v56 =	vmul.f32 v41, v5;
	v53 =	vmul.f32 v50, v47;
	v57 =	vsub.f32 $2.000000000e+00, v54  }
0x20a: {  	v39 =	vmul.f32 v39, v3;
	v48 =	vmul.f32 v48, v51;
	v58 =	vsub.f32 $2.000000000e+00, v55  }
0x20b: {  	v41 =	vmul.f32 v41, v4;
	v53 =	vsub.f32 $2.000000000e+00, v53;
	v45 =	vmul.f32 v45, v57  }
0x20c: {  	v55 =	vmul.f32 v48, v46;
	v40 =	vmul.f32 v58, v40  }
0x20d: {  	v39 =	vadd.f32 v42, v39;
	v50 =	vmul.f32 v50, v53;
	v53 =	vmul.f32 v45, v52  }
0x20e: {  	vm13 =	vlt.f32 v37, $0.0e+00;
	v55 =	vsub.f32 $2.000000000e+00, v55;
	v38 =	vmul.f32 v40, v38  }
0x20f: {  	v51 =	vmul.f32 v35, v4;
	v57 =	vmul.f32 v50, v47;
	v59 =	vsub.f32 $2.000000000e+00, v53  }
0x210: {  	v54 =	vmul.f32 v34, v4;
	v48 =	vmul.f32 v55, v48;
	v38 =	vsub.f32 $2.000000000e+00, v38  }
0x211: {  	v57 =	vsub.f32 $2.000000000e+00, v57;
	v55 =	vmul.f32 v36, v5;
	v42 =	vmul.f32 v59, v45  }
0x212: {  	vm12 =	veq.f32 v39, $0.0e+00;
	v58 =	vmul.f32 v48, v46;
	v38 =	vmul.f32 v38, v40  }
0x213: {  	v46 =	vmul.f32 v57, v50;
	v40 =	vsel vm12, $0x358637BD, v39;
	v50 =	vmul.f32 v42, v52  }
0x214: {  	v36 =	vmul.f32 v36, v4;
	v52 =	vand.u32 $0x7FFFFFFF, v40;
	v53 =	vsub.f32 $0.0e+00, v38  }
0x215: {  	v45 =	vsub.f32 $2.000000000e+00, v58;
	v57 =	vsub.s32 $0x7EF477D5, v52;
	v59 =	vsub.f32 $2.000000000e+00, v50  }
0x216: {  	v47 =	vmul.f32 v46, v47;
	v58 =	vmul.f32 v57, v52;
	v38 =	vsel vm13, v53, v38  }
0x217: {  	v37 =	vmul.f32 v59, v42;
	v59 =	vmul.f32 v38, v55  }
0x218: {  	v45 =	vmul.f32 v45, v48;
	v42 =	vsub.f32 $2.000000000e+00, v58;
	v53 =	vmul.f32 v38, v41  }
0x219: {  	v50 =	vmul.f32 v39, v4;
	v58 =	vsub.f32 $0.0e+00, v37;
	[tilespmem:v7+s20+$0x0] =	vst.idx.msk $0xffff, v59;
	v59 =	vmul.f32 v38, v51  }
0x21a: {  	vm14 =	vlt.f32 v49, $0.0e+00;
	v42 =	vmul.f32 v57, v42;
	v57 =	vmul.f32 v38, v54;
	[tilespmem:v32+s20+$0x0] =	vst.idx.msk $0xffff, v53  }
0x21b: {  	v37 =	vsel vm14, v58, v37;
	[tilespmem:v33+s20+$0x0] =	vst.idx.msk $0xffff, v59;
	v58 =	vmul.f32 v38, v50  }
0x21c: {  	v47 =	vsub.f32 $2.000000000e+00, v47;
	v59 =	vmul.f32 v42, v52;
	[tilespmem:v30+s20+$0x0] =	vst.idx.msk $0xffff, v57;
	v30 =	vmul.f32 v37, v36  }
0x21d: {  	vm15 =	vlt.f32 v43, $0.0e+00;
	v49 =	vsub.f32 $0.0e+00, v45;
	[tilespmem:v21+s20+$0x0] =	vst.idx.msk $0xffff, v58;
	v21 =	vmul.f32 v37, v56  }
0x21e: {  	v48 =	vmul.f32 v47, v46;
	v53 =	vsub.f32 $2.000000000e+00, v59;
	[tilespmem:v31+s20+$0x0] =	vst.idx.msk $0xffff, v30;
	v30 =	vmul.f32 v37, v51  }
0x21f: {  	v31 =	vsel vm15, v49, v45;
	[tilespmem:v26+s20+$0x0] =	vst.idx.msk $0xffff, v21;
	v21 =	vmul.f32 v37, v54  }
0x220: {  	v26 =	vmul.f32 v53, v42;
	[tilespmem:v11+s20+$0x0] =	vst.idx.msk $0xffff, v30;
	v11 =	vmul.f32 v37, v50  }
0x221: {  	v30 =	vmul.f32 v35, v5;
	[tilespmem:v29+s20+$0x0] =	vst.idx.msk $0xffff, v21;
	v21 =	vmul.f32 v31, v36  }
0x222: {  	v29 =	vmul.f32 v26, v52;
	[tilespmem:v28+s20+$0x0] =	vst.idx.msk $0xffff, v11;
	v11 =	vmul.f32 v31, v41  }
0x223: {  	v28 =	vsub.f32 $0.0e+00, v48;
	[tilespmem:v27+s20+$0x0] =	vst.idx.msk $0xffff, v21;
	v21 =	vmul.f32 v31, v30  }
0x224: {  	vm4 =	vlt.f32 v44, $0.0e+00;
	v27 =	vsub.f32 $2.000000000e+00, v29;
	[tilespmem:v25+s20+$0x0] =	vst.idx.msk $0xffff, v11;
	v11 =	vmul.f32 v31, v54  }
0x225: {  	v25 =	vsel vm4, v28, v48;
	[tilespmem:v24+s20+$0x0] =	vst.idx.msk $0xffff, v21;
	v21 =	vmul.f32 v31, v50  }
0x226: {  	v24 =	vmul.f32 v27, v26;
	[tilespmem:v23+s20+$0x0] =	vst.idx.msk $0xffff, v11;
	v11 =	vmul.f32 v25, v36  }
0x227: {  	v23 =	vmul.f32 v34, v5;
	[tilespmem:v20+s20+$0x0] =	vst.idx.msk $0xffff, v21;
	v20 =	vmul.f32 v25, v41  }
0x228: {  	v21 =	vmul.f32 v25, v51;
	v26 =	vsub.f32 $0.0e+00, v24;
	[tilespmem:v19+s20+$0x0] =	vst.idx.msk $0xffff, v11  }
0x229: {  	vm5 =	vlt.f32 v40, $0.0e+00;
	v11 =	vmul.f32 v25, v23;
	[tilespmem:v18+s20+$0x0] =	vst.idx.msk $0xffff, v20  }
0x22a: {  	v18 =	vmul.f32 v25, v50;
	v19 =	vsel vm5, v26, v24;
	[tilespmem:v17+s20+$0x0] =	vst.idx.msk $0xffff, v21;
	v17 =	vadd.s32 $0x16, v7  }
0x22b: {  	[tilespmem:v16+s20+$0x0] =	vst.idx.msk $0xffff, v11;
	v11 =	vmul.f32 v19, v36;
	v16 =	vadd.s32 $0x17, v7  }
0x22c: {  	v7 =	vadd.s32 $0x18, v7;
	[tilespmem:v15+s20+$0x0] =	vst.idx.msk $0xffff, v18;
	v15 =	vmul.f32 v19, v41  }
0x22d: {  	v18 =	vmul.f32 v39, v5;
	[tilespmem:v13+s20+$0x0] =	vst.idx.msk $0xffff, v11;
	v11 =	vmul.f32 v19, v51  }
0x22e: {  	v13 =	vmul.f32 v19, v54;
	[tilespmem:v14+s20+$0x0] =	vst.idx.msk $0xffff, v15  }
0x22f: {  	[tilespmem:v17+s20+$0x0] =	vst.idx.msk $0xffff, v11;
	v11 =	vmul.f32 v19, v18  }
0x230: {  	[tilespmem:v16+s20+$0x0] =	vst.idx.msk $0xffff, v13  }
0x231: {  	[tilespmem:v7+s20+$0x0] =	vst.idx.msk $0xffff, v11  }
0x232: {  	v7 =	vadd.s32 $0x3, v8;
	v11 =	vld.idx.msk [tilespmem:v12+s14+$0x0], $0xffff  }
0x233: {  	v8 =	vld.idx.msk [tilespmem:v8+s14+$0x0], $0xffff;
	_ =	sdelay $0x1  }
0x234: {  	v10 =	vld.idx.msk [tilespmem:v10+s14+$0x0], $0xffff;
	_ =	sdelay $0x1  }
0x235: {  	v12 =	vld.idx.msk [tilespmem:v7+s14+$0x0], $0xffff  }
0x236: {  	v7 =	vadd.f32 v11, v8  }
0x237: {  	v13 =	vld.idx.msk [tilespmem:v9+s14+$0x0], $0xffff  }
0x238: {  	v7 =	vadd.f32 v10, v7;
	_ =	sdelay $0x1  }
0x239: {  	v7 =	vadd.f32 v12, v7;
	_ =	sdelay $0x1  }
0x23a: {  	v9 =	vadd.f32 v13, v7;
	_ =	sdelay $0x1  }
0x23b: {  	v8 =	vmul.f32 v8, v3;
	v14 =	vmul.f32 v9, v2  }
0x23c: {  	v7 =	vmul.u32 $0x19, v22  }
0x23d: {  	v11 =	vmul.f32 v11, v3;
	v16 =	vadd.f32 v14, v8  }
0x23e: {  	v13 =	vmul.f32 v13, v3;
	v15 =	vadd.s32 $0x7, v7;
	v9 =	vmul.f32 v10, v3  }
0x23f: {  	v17 =	vadd.s32 $0x4, v7;
	v8 =	vmul.f32 v12, v3;
	vm6 =	veq.f32 v16, $0.0e+00  }
0x240: {  	v12 =	vadd.f32 v14, v9;
	v11 =	vadd.f32 v14, v11;
	v18 =	vsel vm6, $0x358637BD, v16  }
0x241: {  	v10 =	vadd.s32 $0x1, v7;
	v8 =	vadd.f32 v14, v8;
	v20 =	vand.u32 $0x7FFFFFFF, v18  }
0x242: {  	vm7 =	veq.f32 v12, $0.0e+00;
	vm9 =	veq.f32 v11, $0.0e+00;
	v9 =	vsub.s32 $0x7EF477D5, v20  }
0x243: {  	v21 =	vsel vm7, $0x358637BD, v12;
	vm8 =	veq.f32 v8, $0.0e+00;
	v23 =	vmul.f32 v9, v20  }
0x244: {  	v27 =	vsel vm9, $0x358637BD, v11;
	v24 =	vand.u32 $0x7FFFFFFF, v21;
	v22 =	vsel vm8, $0x358637BD, v8  }
0x245: {  	v26 =	vsub.s32 $0x7EF477D5, v24;
	v25 =	vand.u32 $0x7FFFFFFF, v22;
	v23 =	vsub.f32 $2.000000000e+00, v23  }
0x246: {  	v30 =	vand.u32 $0x7FFFFFFF, v27;
	v29 =	vmul.f32 v26, v24;
	v28 =	vsub.s32 $0x7EF477D5, v25  }
0x247: {  	v55 =	vsub.s32 $0x7EF477D5, v30;
	v31 =	vmul.f32 v28, v25;
	v23 =	vmul.f32 v9, v23  }
0x248: {  	v19 =	vadd.s32 $0x3, v7;
	v9 =	vsub.f32 $2.000000000e+00, v29;
	v29 =	vmul.f32 v55, v30  }
0x249: {  	v56 =	vadd.s32 $0x2, v7;
	v31 =	vsub.f32 $2.000000000e+00, v31;
	v58 =	vmul.f32 v23, v20  }
0x24a: {  	v57 =	vadd.s32 $0x6, v7;
	v59 =	vmul.f32 v11, v5;
	v29 =	vsub.f32 $2.000000000e+00, v29  }
0x24b: {  	v26 =	vmul.f32 v26, v9;
	v28 =	vmul.f32 v28, v31;
	v31 =	vsub.f32 $2.000000000e+00, v58  }
0x24c: {  	v44 =	vadd.s32 $0x5, v7;
	v47 =	vmul.f32 v12, v4;
	v29 =	vmul.f32 v55, v29  }
0x24d: {  	v13 =	vadd.f32 v14, v13;
	v45 =	vmul.f32 v26, v24;
	v23 =	vmul.f32 v31, v23  }
0x24e: {  	v46 =	vadd.s32 $0x8, v7;
	v51 =	vmul.f32 v16, v5;
	v48 =	vmul.f32 v29, v30  }
0x24f: {  	v54 =	vmul.f32 v13, v4;
	v37 =	vsub.f32 $2.000000000e+00, v45;
	v20 =	vmul.f32 v23, v20  }
0x250: {  	v11 =	vmul.f32 v11, v4;
	v16 =	vmul.f32 v16, v4;
	v14 =	vsub.f32 $2.000000000e+00, v48  }
0x251: {  	v12 =	vmul.f32 v12, v5;
	v26 =	vmul.f32 v37, v26;
	v20 =	vsub.f32 $2.000000000e+00, v20  }
0x252: {  	vm10 =	veq.f32 v13, $0.0e+00;
	v49 =	vmul.f32 v28, v25;
	v14 =	vmul.f32 v14, v29  }
0x253: {  	vm11 =	vlt.f32 v18, $0.0e+00;
	v24 =	vmul.f32 v26, v24;
	v20 =	vmul.f32 v20, v23  }
0x254: {  	v50 =	vsub.f32 $2.000000000e+00, v49;
	v23 =	vsel vm10, $0x358637BD, v13;
	v29 =	vmul.f32 v14, v30  }
0x255: {  	v24 =	vsub.f32 $2.000000000e+00, v24;
	v30 =	vand.u32 $0x7FFFFFFF, v23;
	v52 =	vsub.f32 $0.0e+00, v20  }
0x256: {  	v28 =	vmul.f32 v50, v28;
	v53 =	vsub.s32 $0x7EF477D5, v30;
	v18 =	vsub.f32 $2.000000000e+00, v29  }
0x257: {  	v24 =	vmul.f32 v24, v26;
	v29 =	vmul.f32 v53, v30;
	v20 =	vsel vm11, v52, v20  }
0x258: {  	vm12 =	vlt.f32 v27, $0.0e+00;
	v14 =	vmul.f32 v18, v14;
	v26 =	vmul.f32 v20, v51  }
0x259: {  	v9 =	vmul.f32 v8, v4;
	v18 =	vsub.f32 $2.000000000e+00, v29;
	v39 =	vmul.f32 v20, v11  }
0x25a: {  	v25 =	vmul.f32 v28, v25;
	v55 =	vsub.f32 $0.0e+00, v14;
	[tilespmem:v7+s20+$0x0] =	vst.idx.msk $0xffff, v26;
	v26 =	vmul.f32 v20, v47  }
0x25b: {  	vm13 =	vlt.f32 v21, $0.0e+00;
	v18 =	vmul.f32 v53, v18;
	[tilespmem:v10+s20+$0x0] =	vst.idx.msk $0xffff, v39;
	v10 =	vmul.f32 v20, v9  }
0x25c: {  	v25 =	vsub.f32 $2.000000000e+00, v25;
	v14 =	vsel vm12, v55, v14;
	v20 =	vmul.f32 v20, v54;
	[tilespmem:v56+s20+$0x0] =	vst.idx.msk $0xffff, v26  }
0x25d: {  	v31 =	vadd.s32 $0x9, v7;
	v27 =	vmul.f32 v18, v30;
	[tilespmem:v19+s20+$0x0] =	vst.idx.msk $0xffff, v10;
	v10 =	vmul.f32 v14, v16  }
0x25e: {  	v19 =	vmul.f32 v25, v28;
	v25 =	vsub.f32 $0.0e+00, v24;
	[tilespmem:v17+s20+$0x0] =	vst.idx.msk $0xffff, v20;
	v17 =	vmul.f32 v14, v59  }
0x25f: {  	v29 =	vadd.s32 $0xA, v7;
	v20 =	vsub.f32 $2.000000000e+00, v27;
	[tilespmem:v44+s20+$0x0] =	vst.idx.msk $0xffff, v10;
	v10 =	vmul.f32 v14, v47  }
0x260: {  	v26 =	vadd.s32 $0xB, v7;
	v24 =	vsel vm13, v25, v24;
	[tilespmem:v57+s20+$0x0] =	vst.idx.msk $0xffff, v17;
	v17 =	vmul.f32 v14, v9  }
0x261: {  	v21 =	vadd.s32 $0xC, v7;
	v18 =	vmul.f32 v20, v18;
	[tilespmem:v15+s20+$0x0] =	vst.idx.msk $0xffff, v10;
	v10 =	vmul.f32 v14, v54  }
0x262: {  	vm14 =	vlt.f32 v22, $0.0e+00;
	v25 =	vadd.s32 $0xD, v7;
	v15 =	vmul.f32 v24, v16;
	[tilespmem:v46+s20+$0x0] =	vst.idx.msk $0xffff, v17  }
0x263: {  	v14 =	vadd.s32 $0xE, v7;
	v20 =	vmul.f32 v18, v30;
	[tilespmem:v31+s20+$0x0] =	vst.idx.msk $0xffff, v10;
	v10 =	vmul.f32 v24, v11  }
0x264: {  	v28 =	vsub.f32 $0.0e+00, v19;
	v12 =	vmul.f32 v24, v12;
	v17 =	vadd.s32 $0xF, v7;
	[tilespmem:v29+s20+$0x0] =	vst.idx.msk $0xffff, v15  }
0x265: {  	v27 =	vadd.s32 $0x10, v7;
	v15 =	vsub.f32 $2.000000000e+00, v20;
	[tilespmem:v26+s20+$0x0] =	vst.idx.msk $0xffff, v10;
	v10 =	vmul.f32 v24, v9  }
0x266: {  	v19 =	vsel vm14, v28, v19;
	v20 =	vadd.s32 $0x11, v7;
	[tilespmem:v21+s20+$0x0] =	vst.idx.msk $0xffff, v12;
	v12 =	vmul.f32 v24, v54  }
0x267: {  	v21 =	vadd.s32 $0x12, v7;
	v15 =	vmul.f32 v15, v18;
	[tilespmem:v25+s20+$0x0] =	vst.idx.msk $0xffff, v10;
	v10 =	vmul.f32 v19, v16  }
0x268: {  	v8 =	vmul.f32 v8, v5;
	v18 =	vadd.s32 $0x13, v7;
	[tilespmem:v14+s20+$0x0] =	vst.idx.msk $0xffff, v12;
	v12 =	vmul.f32 v19, v11  }
0x269: {  	v22 =	vmul.f32 v19, v47;
	v14 =	vadd.s32 $0x14, v7;
	v24 =	vsub.f32 $0.0e+00, v15;
	[tilespmem:v17+s20+$0x0] =	vst.idx.msk $0xffff, v10  }
0x26a: {  	vm15 =	vlt.f32 v23, $0.0e+00;
	v8 =	vmul.f32 v19, v8;
	v10 =	vadd.s32 $0x15, v7;
	[tilespmem:v27+s20+$0x0] =	vst.idx.msk $0xffff, v12  }
0x26b: {  	v17 =	vadd.s32 $0x16, v7;
	v12 =	vmul.f32 v19, v54;
	v15 =	vsel vm15, v24, v15;
	[tilespmem:v20+s20+$0x0] =	vst.idx.msk $0xffff, v22  }
0x26c: {  	[tilespmem:v21+s20+$0x0] =	vst.idx.msk $0xffff, v8;
	v8 =	vmul.f32 v15, v16;
	v16 =	vadd.s32 $0x17, v7  }
0x26d: {  	p0 =	seq.s32 s26, $0xF;
	v11 =	vmul.f32 v15, v11;
	v7 =	vadd.s32 $0x18, v7;
	[tilespmem:v18+s20+$0x0] =	vst.idx.msk $0xffff, v12  }
0x26e: {  	s29 =	sadd.s32 @!p0 s28, s11;
	v12 =	vmul.f32 v13, v5;
	[tilespmem:v14+s20+$0x0] =	vst.idx.msk $0xffff, v8;
	v8 =	vmul.f32 v15, v47  }
0x26f: {  	s29 =	smul.u32 @!p0 $0x5, s29;
	v9 =	vmul.f32 v15, v9;
	[tilespmem:v10+s20+$0x0] =	vst.idx.msk $0xffff, v11  }
0x270: {  	[tilespmem:v17+s20+$0x0] =	vst.idx.msk $0xffff, v8;
	v8 =	vmul.f32 v15, v12  }
0x271: {  	s30 =	sadd.s32 s6, s28;
	s31 =	simm.s32 @!p0 $0x0;
	s29 =	sshrl.u32 @!p0 s29, $0x3;
	[tilespmem:v16+s20+$0x0] =	vst.idx.msk $0xffff, v9  }
0x272: {  	s1 =	simm.s32 @!p0 $0x1200;
	s30 =	smul.u32 $0x19, s30;
	s29 =	sadd.s32 @!p0 s4, s29;
	[tilespmem:v7+s20+$0x0] =	vst.idx.msk $0xffff, v8  }
0x273: {  	[tilespmem:s1], [sflag:$0x1] =	stream.linear.gather @!p0 [hbm4b:s29+s31], $0x1400, $0x38;
	[tilespmem:$0x10200] =	vst v63  }
0x274: {  	s31 =	sshrl.u32 s30, $0x3;
	s29 =	simm.s32 $0x0  }
0x275: {  	s1 =	sadd.s32 s2, s31;
	v7 =	vor.u32 s29, v0  }
0x276: {  	[hbm4b:s1+s3] =	stream.linear.scatter [tilespmem:s20], [sflag:$0x3], $0x6400, $0x38;
	v8 =	vmul.u32 $0x5, v7;
	[tilespmem:$0x10200] =	vst v63  }
0x277: {  	_ =	swait.ge [sflag:s21], $0x1400  }
0x278: {  	[sflag:s21] =	ssyncset.done $0x0;
	v9 =	vadd.s32 $0x1, v8  }
0x279: {  	s1 =	simm.s32 @!p1 $0x4;
	[sflag:s21] =	ssyncadd.s32 $0xFFFFEC00  }
0x27a: {  	_ =	swait.ge @!p1 [sflag:s1], $0x6400  }
0x27b: {  	v10 =	vadd.s32 $0x2, v8;
	[sflag:s1] =	ssyncset.done @!p1 $0x0  }
0x27c: {  	[sflag:s1] =	ssyncadd.s32 @!p1 $0xFFFF9C00  }
0x27d: {  	v12 =	vadd.s32 $0x3, v8;
	v9 =	vld.idx.msk [tilespmem:v9+s15+$0x0], $0xffff  }
0x27e: {  	v56 =	vld.idx.msk [tilespmem:v8+s15+$0x0], $0xffff  }
0x27f: {  	v8 =	vadd.s32 $0x4, v8  }
0x280: {  	v7 =	vmul.u32 $0x19, v7;
	v10 =	vld.idx.msk [tilespmem:v10+s15+$0x0], $0xffff  }
0x281: {  	s31 =	simm.s32 $0x10  }
0x282: {  	v22 =	vor.u32 s31, v0;
	v11 =	vadd.s32 $0x7, v7;
	v21 =	vadd.s32 $0x4, v7;
	v12 =	vld.idx.msk [tilespmem:v12+s15+$0x0], $0xffff  }
0x283: {  	v32 =	vadd.s32 $0x1, v7;
	v30 =	vadd.s32 $0x3, v7;
	v13 =	vadd.f32 v9, v56  }
0x284: {  	v33 =	vadd.s32 $0x2, v7;
	v26 =	vadd.s32 $0x6, v7;
	v31 =	vadd.s32 $0x5, v7;
	v39 =	vld.idx.msk [tilespmem:v8+s15+$0x0], $0xffff  }
0x285: {  	v29 =	vadd.s32 $0x8, v7;
	v28 =	vadd.s32 $0x9, v7;
	v8 =	vadd.f32 v10, v13  }
0x286: {  	v27 =	vadd.s32 $0xA, v7;
	v25 =	vadd.s32 $0xB, v7;
	v24 =	vadd.s32 $0xC, v7  }
0x287: {  	v23 =	vadd.s32 $0xD, v7;
	v20 =	vadd.s32 $0xE, v7;
	v8 =	vadd.f32 v12, v8  }
0x288: {  	v19 =	vadd.s32 $0xF, v7;
	v18 =	vadd.s32 $0x10, v7;
	v17 =	vadd.s32 $0x11, v7  }
0x289: {  	v16 =	vadd.s32 $0x12, v7;
	v15 =	vadd.s32 $0x13, v7;
	v57 =	vadd.f32 v39, v8  }
0x28a: {  	v9 =	vmul.f32 v9, v3;
	v34 =	vmul.f32 v56, v3;
	v8 =	vmul.u32 $0x5, v22  }
0x28b: {  	v14 =	vadd.s32 $0x15, v7;
	v58 =	vmul.f32 v12, v3;
	v42 =	vmul.f32 v57, v2  }
0x28c: {  	v59 =	vmul.f32 v10, v3;
	v13 =	vadd.s32 $0x14, v7;
	v12 =	vadd.s32 $0x1, v8  }
0x28d: {  	v10 =	vadd.s32 $0x2, v8;
	v36 =	vadd.f32 v42, v34;
	v41 =	vadd.f32 v42, v9  }
0x28e: {  	s30 =	simm.s32 $0x20;
	s29 =	sor.u32 $0x400, s28;
	v9 =	vadd.s32 $0x4, v8;
	v35 =	vadd.f32 v42, v59;
	v34 =	vadd.f32 v42, v58  }
.LBB2_5:
0x28f: {  	p1 =	sne.s32 s30, $0x3F0;
	vm0 =	veq.f32 v36, $0.0e+00;
	v43 =	vmul.f32 v41, v5;
	s31 =	smov.u32 s30;
	s30 =	sadd.s32 $0x10, s30  }
0x290: {  	v44 =	vsel vm0, $0x358637BD, v36;
	vm0 =	veq.f32 v35, $0.0e+00;
	vm1 =	veq.f32 v34, $0.0e+00  }
0x291: {  	v45 =	vand.u32 $0x7FFFFFFF, v44;
	v46 =	vsel vm0, $0x358637BD, v35;
	v47 =	vsel vm1, $0x358637BD, v34  }
0x292: {  	v40 =	vsub.s32 $0x7EF477D5, v45;
	v48 =	vand.u32 $0x7FFFFFFF, v46;
	v49 =	vand.u32 $0x7FFFFFFF, v47  }
0x293: {  	v37 =	vmul.f32 v40, v45;
	v50 =	vsub.s32 $0x7EF477D5, v48;
	v51 =	vsub.s32 $0x7EF477D5, v49  }
0x294: {  	vm0 =	veq.f32 v41, $0.0e+00;
	v52 =	vmul.f32 v50, v48;
	v53 =	vmul.f32 v51, v49  }
0x295: {  	v38 =	vmul.f32 v34, v4;
	v55 =	vsel vm0, $0x358637BD, v41;
	v54 =	vsub.f32 $2.000000000e+00, v37  }
0x296: {  	v56 =	vand.u32 $0x7FFFFFFF, v55;
	v52 =	vsub.f32 $2.000000000e+00, v52;
	v53 =	vsub.f32 $2.000000000e+00, v53  }
0x297: {  	v57 =	vsub.s32 $0x7EF477D5, v56;
	v37 =	vadd.s32 $0x3, v8;
	v54 =	vmul.f32 v40, v54  }
0x298: {  	v40 =	vmul.f32 v57, v56;
	v50 =	vmul.f32 v50, v52  }
0x299: {  	v51 =	vmul.f32 v51, v53;
	v52 =	vmul.f32 v54, v45  }
0x29a: {  	v53 =	vsub.f32 $2.000000000e+00, v40;
	v40 =	vmul.f32 v35, v4;
	v58 =	vmul.f32 v50, v48  }
0x29b: {  	v41 =	vmul.f32 v41, v4;
	v59 =	vmul.f32 v51, v49;
	v52 =	vsub.f32 $2.000000000e+00, v52  }
0x29c: {  	v39 =	vmul.f32 v39, v3;
	v53 =	vmul.f32 v57, v53;
	v57 =	vsub.f32 $2.000000000e+00, v58  }
0x29d: {  	v58 =	vmul.f32 v36, v5;
	v52 =	vmul.f32 v52, v54;
	v54 =	vsub.f32 $2.000000000e+00, v59  }
0x29e: {  	v59 =	vmul.f32 v53, v56;
	v50 =	vmul.f32 v57, v50  }
0x29f: {  	v45 =	vmul.f32 v52, v45;
	v51 =	vmul.f32 v54, v51  }
0x2a0: {  	v39 =	vadd.f32 v42, v39;
	v42 =	vsub.f32 $2.000000000e+00, v59;
	v48 =	vmul.f32 v50, v48  }
0x2a1: {  	vm0 =	vlt.f32 v44, $0.0e+00;
	v45 =	vsub.f32 $2.000000000e+00, v45;
	v44 =	vmul.f32 v51, v49  }
0x2a2: {  	vm1 =	veq.f32 v39, $0.0e+00;
	v42 =	vmul.f32 v42, v53;
	v48 =	vsub.f32 $2.000000000e+00, v48  }
0x2a3: {  	v49 =	vsel vm1, $0x358637BD, v39;
	v45 =	vmul.f32 v45, v52;
	v44 =	vsub.f32 $2.000000000e+00, v44  }
0x2a4: {  	v52 =	vmul.f32 v42, v56;
	v48 =	vmul.f32 v48, v50;
	v50 =	vand.u32 $0x7FFFFFFF, v49  }
0x2a5: {  	v53 =	vsub.f32 $0.0e+00, v45;
	v44 =	vmul.f32 v44, v51;
	v51 =	vsub.s32 $0x7EF477D5, v50  }
0x2a6: {  	v52 =	vsub.f32 $2.000000000e+00, v52;
	v54 =	vsub.f32 $0.0e+00, v48;
	v56 =	vmul.f32 v51, v50  }
0x2a7: {  	v45 =	vsel vm0, v53, v45;
	vm0 =	vlt.f32 v47, $0.0e+00;
	v47 =	vsub.f32 $0.0e+00, v44  }
0x2a8: {  	v42 =	vmul.f32 v52, v42;
	v52 =	vsub.f32 $2.000000000e+00, v56;
	v53 =	vmul.f32 v45, v58  }
0x2a9: {  	v56 =	vmul.f32 v45, v41;
	v44 =	vsel vm0, v47, v44;
	v47 =	vmul.f32 v39, v4  }
0x2aa: {  	v57 =	vsub.f32 $0.0e+00, v42;
	v51 =	vmul.f32 v51, v52;
	[tilespmem:v7+s22+$0x0] =	vst.idx.msk $0xffff, v53;
	v52 =	vmul.f32 v45, v40  }
0x2ab: {  	v36 =	vmul.f32 v36, v4;
	vm0 =	vlt.f32 v55, $0.0e+00;
	[tilespmem:v32+s22+$0x0] =	vst.idx.msk $0xffff, v56;
	v32 =	vmul.f32 v45, v38  }
0x2ac: {  	v42 =	vsel vm0, v57, v42;
	[tilespmem:v33+s22+$0x0] =	vst.idx.msk $0xffff, v52;
	v33 =	vmul.f32 v45, v47  }
0x2ad: {  	v45 =	vmul.f32 v51, v50;
	[tilespmem:v30+s22+$0x0] =	vst.idx.msk $0xffff, v32;
	v30 =	vmul.f32 v42, v36  }
0x2ae: {  	[tilespmem:v21+s22+$0x0] =	vst.idx.msk $0xffff, v33;
	v21 =	vmul.f32 v42, v43  }
0x2af: {  	vm0 =	vlt.f32 v46, $0.0e+00;
	v32 =	vsub.f32 $2.000000000e+00, v45;
	[tilespmem:v31+s22+$0x0] =	vst.idx.msk $0xffff, v30;
	v30 =	vmul.f32 v42, v40  }
0x2b0: {  	v31 =	vsel vm0, v54, v48;
	[tilespmem:v26+s22+$0x0] =	vst.idx.msk $0xffff, v21;
	v21 =	vmul.f32 v42, v38  }
0x2b1: {  	v26 =	vmul.f32 v32, v51;
	[tilespmem:v11+s22+$0x0] =	vst.idx.msk $0xffff, v30;
	v11 =	vmul.f32 v42, v47  }
0x2b2: {  	v30 =	vmul.f32 v35, v5;
	[tilespmem:v29+s22+$0x0] =	vst.idx.msk $0xffff, v21;
	v21 =	vmul.f32 v31, v36  }
0x2b3: {  	v29 =	vmul.f32 v26, v50;
	[tilespmem:v28+s22+$0x0] =	vst.idx.msk $0xffff, v11;
	v11 =	vmul.f32 v31, v41  }
0x2b4: {  	[tilespmem:v27+s22+$0x0] =	vst.idx.msk $0xffff, v21;
	v21 =	vmul.f32 v31, v30  }
0x2b5: {  	v27 =	vsub.f32 $2.000000000e+00, v29;
	[tilespmem:v25+s22+$0x0] =	vst.idx.msk $0xffff, v11;
	v11 =	vmul.f32 v31, v38  }
0x2b6: {  	v22 =	vmul.u32 $0x19, v22;
	v25 =	vmul.f32 v34, v5;
	[tilespmem:v24+s22+$0x0] =	vst.idx.msk $0xffff, v21;
	v21 =	vmul.f32 v31, v47  }
0x2b7: {  	v24 =	vmul.f32 v27, v26;
	[tilespmem:v23+s22+$0x0] =	vst.idx.msk $0xffff, v11;
	v23 =	vmul.f32 v44, v36  }
0x2b8: {  	v26 =	vmul.f32 v44, v40;
	v11 =	vadd.s32 $0x7, v22;
	[tilespmem:v20+s22+$0x0] =	vst.idx.msk $0xffff, v21;
	v20 =	vmul.f32 v44, v41  }
0x2b9: {  	v21 =	vadd.s32 $0x4, v22;
	v27 =	vsub.f32 $0.0e+00, v24;
	[tilespmem:v19+s22+$0x0] =	vst.idx.msk $0xffff, v23;
	v19 =	vmul.f32 v44, v25  }
0x2ba: {  	vm0 =	vlt.f32 v49, $0.0e+00;
	v32 =	vadd.s32 $0x1, v22;
	[tilespmem:v18+s22+$0x0] =	vst.idx.msk $0xffff, v20;
	v18 =	vmul.f32 v44, v47  }
0x2bb: {  	v30 =	vadd.s32 $0x3, v22;
	v20 =	vsel vm0, v27, v24;
	[tilespmem:v17+s22+$0x0] =	vst.idx.msk $0xffff, v26;
	v17 =	vadd.s32 $0x16, v7  }
0x2bc: {  	v33 =	vadd.s32 $0x2, v22;
	[tilespmem:v16+s22+$0x0] =	vst.idx.msk $0xffff, v19;
	v16 =	vmul.f32 v20, v36;
	v19 =	vadd.s32 $0x17, v7  }
0x2bd: {  	v26 =	vadd.s32 $0x6, v22;
	[tilespmem:v15+s22+$0x0] =	vst.idx.msk $0xffff, v18;
	v15 =	vmul.f32 v20, v41;
	v18 =	vadd.s32 $0x18, v7;
	v7 =	vmovc v22  }
0x2be: {  	v22 =	vmul.f32 v39, v5;
	v31 =	vadd.s32 $0x5, v7;
	[tilespmem:v13+s22+$0x0] =	vst.idx.msk $0xffff, v16;
	v13 =	vmul.f32 v20, v40  }
0x2bf: {  	[tilespmem:v14+s22+$0x0] =	vst.idx.msk $0xffff, v15;
	v14 =	vmul.f32 v20, v38  }
0x2c0: {  	[tilespmem:v17+s22+$0x0] =	vst.idx.msk $0xffff, v13;
	v13 =	vmul.f32 v20, v22  }
0x2c1: {  	v29 =	vadd.s32 $0x8, v7;
	[tilespmem:v19+s22+$0x0] =	vst.idx.msk $0xffff, v14  }
0x2c2: {  	v28 =	vadd.s32 $0x9, v7;
	[tilespmem:v18+s22+$0x0] =	vst.idx.msk $0xffff, v13  }
0x2c3: {  	v27 =	vadd.s32 $0xA, v7;
	v12 =	vld.idx.msk [tilespmem:v12+s15+$0x0], $0xffff  }
0x2c4: {  	v25 =	vadd.s32 $0xB, v7;
	v34 =	vld.idx.msk [tilespmem:v8+s15+$0x0], $0xffff  }
0x2c5: {  	v24 =	vadd.s32 $0xC, v7;
	v35 =	vld.idx.msk [tilespmem:v10+s15+$0x0], $0xffff  }
0x2c6: {  	v23 =	vadd.s32 $0xD, v7;
	v10 =	vld.idx.msk [tilespmem:v37+s15+$0x0], $0xffff  }
0x2c7: {  	v20 =	vadd.s32 $0xE, v7;
	v39 =	vld.idx.msk [tilespmem:v9+s15+$0x0], $0xffff  }
0x2c8: {  	v19 =	vadd.s32 $0xF, v7  }
0x2c9: {  	v18 =	vadd.s32 $0x10, v7  }
0x2ca: {  	v17 =	vadd.s32 $0x11, v7;
	v8 =	vadd.f32 v12, v34  }
0x2cb: {  	v16 =	vadd.s32 $0x12, v7  }
0x2cc: {  	v15 =	vadd.s32 $0x13, v7;
	v8 =	vadd.f32 v35, v8  }
0x2cd: {  	v13 =	vadd.s32 $0x14, v7  }
0x2ce: {  	v14 =	vadd.s32 $0x15, v7;
	v8 =	vadd.f32 v10, v8;
	_ =	sdelay $0x1  }
0x2cf: {  	v22 =	vor.u32 s31, v0;
	v9 =	vadd.f32 v39, v8  }
.Ltmp1:
0x2d0: {  	v37 =	vmul.f32 v12, v3;
	v38 =	vmul.f32 v10, v3;
	v8 =	vmul.u32 $0x5, v22;
	(pc) =	sbr.rel @p1 .LBB2_5-.Ltmp1, $4  }
0x2d1: {  	v34 =	vmul.f32 v34, v3;
	v42 =	vmul.f32 v9, v2  }
0x2d2: {  	v35 =	vmul.f32 v35, v3;
	v12 =	vadd.s32 $0x1, v8;
	v10 =	vadd.s32 $0x2, v8  }
0x2d3: {  	v9 =	vadd.s32 $0x4, v8;
	v36 =	vadd.f32 v42, v34;
	v41 =	vadd.f32 v42, v37  }
0x2d4: {  	v35 =	vadd.f32 v42, v35;
	v34 =	vadd.f32 v42, v38  }
0x2d5: {  	vm0 =	veq.f32 v36, $0.0e+00  }
0x2d6: {  	v37 =	vsel vm0, $0x358637BD, v36  }
0x2d7: {  	v38 =	vand.u32 $0x7FFFFFFF, v37  }
0x2d8: {  	v40 =	vsub.s32 $0x7EF477D5, v38  }
0x2d9: {  	vm10 =	veq.f32 v35, $0.0e+00;
	v45 =	vmul.f32 v40, v38  }
0x2da: {  	vm11 =	veq.f32 v41, $0.0e+00;
	vm1 =	veq.f32 v34, $0.0e+00;
	v43 =	vsel vm10, $0x358637BD, v35  }
0x2db: {  	v49 =	vsel vm11, $0x358637BD, v41;
	v46 =	vand.u32 $0x7FFFFFFF, v43;
	v45 =	vsub.f32 $2.000000000e+00, v45  }
0x2dc: {  	v44 =	vsel vm1, $0x358637BD, v34;
	v52 =	vand.u32 $0x7FFFFFFF, v49;
	v48 =	vsub.s32 $0x7EF477D5, v46  }
0x2dd: {  	v51 =	vmul.f32 v48, v46;
	v40 =	vmul.f32 v40, v45;
	v45 =	vsub.s32 $0x7EF477D5, v52  }
0x2de: {  	v47 =	vand.u32 $0x7FFFFFFF, v44;
	v54 =	vmul.f32 v45, v52  }
0x2df: {  	v50 =	vsub.s32 $0x7EF477D5, v47;
	v51 =	vsub.f32 $2.000000000e+00, v51;
	v55 =	vmul.f32 v40, v38  }
0x2e0: {  	v56 =	vmul.f32 v41, v5;
	v53 =	vmul.f32 v50, v47;
	v57 =	vsub.f32 $2.000000000e+00, v54  }
0x2e1: {  	v39 =	vmul.f32 v39, v3;
	v48 =	vmul.f32 v48, v51;
	v58 =	vsub.f32 $2.000000000e+00, v55  }
0x2e2: {  	v41 =	vmul.f32 v41, v4;
	v53 =	vsub.f32 $2.000000000e+00, v53;
	v45 =	vmul.f32 v45, v57  }
0x2e3: {  	v55 =	vmul.f32 v48, v46;
	v40 =	vmul.f32 v58, v40  }
0x2e4: {  	v39 =	vadd.f32 v42, v39;
	v50 =	vmul.f32 v50, v53;
	v53 =	vmul.f32 v45, v52  }
0x2e5: {  	vm13 =	vlt.f32 v37, $0.0e+00;
	v55 =	vsub.f32 $2.000000000e+00, v55;
	v38 =	vmul.f32 v40, v38  }
0x2e6: {  	v51 =	vmul.f32 v35, v4;
	v57 =	vmul.f32 v50, v47;
	v59 =	vsub.f32 $2.000000000e+00, v53  }
0x2e7: {  	v54 =	vmul.f32 v34, v4;
	v48 =	vmul.f32 v55, v48;
	v38 =	vsub.f32 $2.000000000e+00, v38  }
0x2e8: {  	v57 =	vsub.f32 $2.000000000e+00, v57;
	v55 =	vmul.f32 v36, v5;
	v42 =	vmul.f32 v59, v45  }
0x2e9: {  	vm12 =	veq.f32 v39, $0.0e+00;
	v58 =	vmul.f32 v48, v46;
	v38 =	vmul.f32 v38, v40  }
0x2ea: {  	v46 =	vmul.f32 v57, v50;
	v40 =	vsel vm12, $0x358637BD, v39;
	v50 =	vmul.f32 v42, v52  }
0x2eb: {  	v36 =	vmul.f32 v36, v4;
	v52 =	vand.u32 $0x7FFFFFFF, v40;
	v53 =	vsub.f32 $0.0e+00, v38  }
0x2ec: {  	v45 =	vsub.f32 $2.000000000e+00, v58;
	v57 =	vsub.s32 $0x7EF477D5, v52;
	v59 =	vsub.f32 $2.000000000e+00, v50  }
0x2ed: {  	v47 =	vmul.f32 v46, v47;
	v58 =	vmul.f32 v57, v52;
	v38 =	vsel vm13, v53, v38  }
0x2ee: {  	v37 =	vmul.f32 v59, v42;
	v59 =	vmul.f32 v38, v55  }
0x2ef: {  	v45 =	vmul.f32 v45, v48;
	v42 =	vsub.f32 $2.000000000e+00, v58;
	v53 =	vmul.f32 v38, v41  }
0x2f0: {  	v50 =	vmul.f32 v39, v4;
	v58 =	vsub.f32 $0.0e+00, v37;
	[tilespmem:v7+s22+$0x0] =	vst.idx.msk $0xffff, v59;
	v59 =	vmul.f32 v38, v51  }
0x2f1: {  	vm14 =	vlt.f32 v49, $0.0e+00;
	v49 =	vmul.f32 v38, v54;
	v42 =	vmul.f32 v57, v42;
	[tilespmem:v32+s22+$0x0] =	vst.idx.msk $0xffff, v53  }
0x2f2: {  	v47 =	vsub.f32 $2.000000000e+00, v47;
	v53 =	vmul.f32 v38, v50;
	v37 =	vsel vm14, v58, v37;
	[tilespmem:v33+s22+$0x0] =	vst.idx.msk $0xffff, v59  }
0x2f3: {  	v55 =	vmul.f32 v42, v52;
	[tilespmem:v30+s22+$0x0] =	vst.idx.msk $0xffff, v49;
	v57 =	vmul.f32 v37, v36  }
0x2f4: {  	vm15 =	vlt.f32 v43, $0.0e+00;
	v32 =	vmul.f32 v47, v46;
	v59 =	vmul.f32 v37, v56;
	[tilespmem:v21+s22+$0x0] =	vst.idx.msk $0xffff, v53  }
0x2f5: {  	v58 =	vsub.f32 $0.0e+00, v45;
	v43 =	vmul.f32 v37, v51;
	v38 =	vsub.f32 $2.000000000e+00, v55;
	[tilespmem:v31+s22+$0x0] =	vst.idx.msk $0xffff, v57  }
0x2f6: {  	v46 =	vmul.f32 v37, v54;
	v48 =	vmul.f32 v37, v50;
	[tilespmem:v26+s22+$0x0] =	vst.idx.msk $0xffff, v59  }
0x2f7: {  	v45 =	vsel vm15, v58, v45;
	v47 =	vmul.f32 v38, v42;
	[tilespmem:v11+s22+$0x0] =	vst.idx.msk $0xffff, v43  }
0x2f8: {  	v49 =	vmul.f32 v35, v5;
	v53 =	vmul.f32 v45, v36;
	[tilespmem:v29+s22+$0x0] =	vst.idx.msk $0xffff, v46  }
0x2f9: {  	v56 =	vmul.f32 v45, v41;
	v55 =	vmul.f32 v47, v52;
	[tilespmem:v28+s22+$0x0] =	vst.idx.msk $0xffff, v48  }
0x2fa: {  	v57 =	vsub.f32 $0.0e+00, v32;
	v58 =	vmul.f32 v45, v49;
	[tilespmem:v27+s22+$0x0] =	vst.idx.msk $0xffff, v53  }
0x2fb: {  	vm4 =	vlt.f32 v44, $0.0e+00;
	v29 =	vmul.f32 v45, v54;
	v59 =	vsub.f32 $2.000000000e+00, v55;
	[tilespmem:v25+s22+$0x0] =	vst.idx.msk $0xffff, v56  }
0x2fc: {  	v30 =	vsel vm4, v57, v32;
	v32 =	vmul.f32 v45, v50;
	[tilespmem:v24+s22+$0x0] =	vst.idx.msk $0xffff, v58  }
0x2fd: {  	v35 =	vmul.f32 v30, v36;
	v33 =	vmul.f32 v59, v47;
	[tilespmem:v23+s22+$0x0] =	vst.idx.msk $0xffff, v29  }
0x2fe: {  	v37 =	vmul.f32 v34, v5;
	v38 =	vmul.f32 v30, v41;
	[tilespmem:v20+s22+$0x0] =	vst.idx.msk $0xffff, v32  }
0x2ff: {  	v42 =	vmul.f32 v30, v51;
	v26 =	vsub.f32 $0.0e+00, v33;
	[tilespmem:v19+s22+$0x0] =	vst.idx.msk $0xffff, v35  }
0x300: {  	vm5 =	vlt.f32 v40, $0.0e+00;
	v43 =	vmul.f32 v30, v37;
	[tilespmem:v18+s22+$0x0] =	vst.idx.msk $0xffff, v38  }
0x301: {  	v44 =	vmul.f32 v30, v50;
	v46 =	vadd.s32 $0x16, v7;
	v45 =	vsel vm5, v26, v33;
	[tilespmem:v17+s22+$0x0] =	vst.idx.msk $0xffff, v42  }
0x302: {  	v48 =	vadd.s32 $0x17, v7;
	v47 =	vmul.f32 v45, v36;
	[tilespmem:v16+s22+$0x0] =	vst.idx.msk $0xffff, v43  }
0x303: {  	v7 =	vadd.s32 $0x18, v7;
	v49 =	vmul.f32 v45, v41;
	[tilespmem:v15+s22+$0x0] =	vst.idx.msk $0xffff, v44  }
0x304: {  	v50 =	vmul.f32 v39, v5;
	v51 =	vmul.f32 v45, v51;
	[tilespmem:v13+s22+$0x0] =	vst.idx.msk $0xffff, v47  }
0x305: {  	v52 =	vmul.f32 v45, v54;
	[tilespmem:v14+s22+$0x0] =	vst.idx.msk $0xffff, v49  }
0x306: {  	v53 =	vmul.f32 v45, v50;
	[tilespmem:v46+s22+$0x0] =	vst.idx.msk $0xffff, v51  }
0x307: {  	[tilespmem:v48+s22+$0x0] =	vst.idx.msk $0xffff, v52  }
0x308: {  	[tilespmem:v7+s22+$0x0] =	vst.idx.msk $0xffff, v53  }
0x309: {  	v7 =	vadd.s32 $0x3, v8;
	v11 =	vld.idx.msk [tilespmem:v12+s15+$0x0], $0xffff  }
0x30a: {  	v8 =	vld.idx.msk [tilespmem:v8+s15+$0x0], $0xffff;
	_ =	sdelay $0x1  }
0x30b: {  	v10 =	vld.idx.msk [tilespmem:v10+s15+$0x0], $0xffff;
	_ =	sdelay $0x1  }
0x30c: {  	v54 =	vld.idx.msk [tilespmem:v7+s15+$0x0], $0xffff  }
0x30d: {  	v7 =	vadd.f32 v11, v8  }
0x30e: {  	v13 =	vld.idx.msk [tilespmem:v9+s15+$0x0], $0xffff  }
0x30f: {  	v7 =	vadd.f32 v10, v7;
	_ =	sdelay $0x1  }
0x310: {  	v7 =	vadd.f32 v54, v7;
	_ =	sdelay $0x1  }
0x311: {  	v9 =	vadd.f32 v13, v7;
	_ =	sdelay $0x1  }
0x312: {  	v8 =	vmul.f32 v8, v3;
	v14 =	vmul.f32 v9, v2  }
0x313: {  	v7 =	vmul.u32 $0x19, v22  }
0x314: {  	v55 =	vmul.f32 v10, v3;
	v16 =	vadd.f32 v14, v8  }
0x315: {  	v11 =	vmul.f32 v11, v3;
	v13 =	vmul.f32 v13, v3;
	v15 =	vadd.s32 $0x7, v7  }
0x316: {  	v17 =	vadd.s32 $0x4, v7;
	v10 =	vadd.s32 $0x1, v7;
	vm6 =	veq.f32 v16, $0.0e+00  }
0x317: {  	v19 =	vadd.s32 $0x3, v7;
	v33 =	vadd.s32 $0x2, v7;
	v18 =	vsel vm6, $0x358637BD, v16  }
0x318: {  	v34 =	vadd.s32 $0x6, v7;
	v8 =	vmul.f32 v54, v3;
	v56 =	vand.u32 $0x7FFFFFFF, v18  }
0x319: {  	v12 =	vadd.f32 v14, v55;
	v11 =	vadd.f32 v14, v11;
	v57 =	vsub.s32 $0x7EF477D5, v56  }
0x31a: {  	v35 =	vadd.s32 $0x5, v7;
	v32 =	vadd.s32 $0x8, v7;
	v58 =	vmul.f32 v57, v56  }
0x31b: {  	v8 =	vadd.f32 v14, v8;
	vm7 =	veq.f32 v12, $0.0e+00;
	vm9 =	veq.f32 v11, $0.0e+00  }
0x31c: {  	v36 =	vmul.f32 v11, v5;
	v27 =	vsel vm9, $0x358637BD, v11;
	v23 =	vsub.f32 $2.000000000e+00, v58  }
0x31d: {  	v38 =	vmul.f32 v12, v4;
	v21 =	vsel vm7, $0x358637BD, v12;
	v46 =	vand.u32 $0x7FFFFFFF, v27  }
0x31e: {  	v59 =	vand.u32 $0x7FFFFFFF, v21;
	v48 =	vsub.s32 $0x7EF477D5, v46;
	v23 =	vmul.f32 v57, v23  }
0x31f: {  	vm8 =	veq.f32 v8, $0.0e+00;
	v43 =	vsub.s32 $0x7EF477D5, v59;
	v50 =	vmul.f32 v48, v46  }
0x320: {  	v22 =	vsel vm8, $0x358637BD, v8;
	v45 =	vmul.f32 v43, v59;
	v51 =	vmul.f32 v23, v56  }
0x321: {  	v11 =	vmul.f32 v11, v4;
	v25 =	vand.u32 $0x7FFFFFFF, v22;
	v29 =	vsub.f32 $2.000000000e+00, v50  }
0x322: {  	v44 =	vsub.s32 $0x7EF477D5, v25;
	v49 =	vsub.f32 $2.000000000e+00, v45;
	v52 =	vsub.f32 $2.000000000e+00, v51  }
0x323: {  	v41 =	vadd.s32 $0xF, v7;
	v47 =	vmul.f32 v44, v25;
	v29 =	vmul.f32 v48, v29  }
0x324: {  	v13 =	vadd.f32 v14, v13;
	v26 =	vmul.f32 v43, v49;
	v23 =	vmul.f32 v52, v23  }
0x325: {  	v9 =	vmul.f32 v8, v4;
	v31 =	vsub.f32 $2.000000000e+00, v47;
	v54 =	vmul.f32 v29, v46  }
0x326: {  	vm10 =	veq.f32 v13, $0.0e+00;
	v53 =	vmul.f32 v26, v59;
	v20 =	vmul.f32 v23, v56  }
0x327: {  	v58 =	vmul.f32 v16, v5;
	v28 =	vmul.f32 v44, v31;
	v56 =	vsub.f32 $2.000000000e+00, v54  }
0x328: {  	v16 =	vmul.f32 v16, v4;
	v37 =	vsub.f32 $2.000000000e+00, v53;
	v20 =	vsub.f32 $2.000000000e+00, v20  }
0x329: {  	vm11 =	vlt.f32 v18, $0.0e+00;
	v55 =	vmul.f32 v28, v25;
	v14 =	vmul.f32 v56, v29  }
0x32a: {  	vm12 =	vlt.f32 v27, $0.0e+00;
	v26 =	vmul.f32 v37, v26;
	v20 =	vmul.f32 v20, v23  }
0x32b: {  	v57 =	vsub.f32 $2.000000000e+00, v55;
	v23 =	vsel vm10, $0x358637BD, v13;
	v29 =	vmul.f32 v14, v46  }
0x32c: {  	v24 =	vmul.f32 v26, v59;
	v30 =	vand.u32 $0x7FFFFFFF, v23;
	v59 =	vsub.f32 $0.0e+00, v20  }
0x32d: {  	v37 =	vmul.f32 v13, v4;
	v44 =	vsub.s32 $0x7EF477D5, v30;
	v45 =	vsub.f32 $2.000000000e+00, v29  }
0x32e: {  	v28 =	vmul.f32 v57, v28;
	v46 =	vmul.f32 v44, v30;
	v20 =	vsel vm11, v59, v20  }
0x32f: {  	v24 =	vsub.f32 $2.000000000e+00, v24;
	v14 =	vmul.f32 v45, v14;
	v48 =	vmul.f32 v20, v58  }
0x330: {  	v25 =	vmul.f32 v28, v25;
	v47 =	vsub.f32 $2.000000000e+00, v46;
	v39 =	vmul.f32 v20, v11  }
0x331: {  	v24 =	vmul.f32 v24, v26;
	v51 =	vmul.f32 v20, v38;
	v50 =	vsub.f32 $0.0e+00, v14;
	[tilespmem:v7+s22+$0x0] =	vst.idx.msk $0xffff, v48  }
0x332: {  	vm13 =	vlt.f32 v21, $0.0e+00;
	v52 =	vmul.f32 v20, v9;
	v18 =	vmul.f32 v44, v47;
	[tilespmem:v10+s22+$0x0] =	vst.idx.msk $0xffff, v39  }
0x333: {  	v49 =	vadd.s32 $0xA, v7;
	v20 =	vmul.f32 v20, v37;
	v14 =	vsel vm12, v50, v14;
	[tilespmem:v33+s22+$0x0] =	vst.idx.msk $0xffff, v51  }
0x334: {  	v25 =	vsub.f32 $2.000000000e+00, v25;
	v54 =	vmul.f32 v18, v30;
	v55 =	vmul.f32 v14, v16;
	[tilespmem:v19+s22+$0x0] =	vst.idx.msk $0xffff, v52  }
0x335: {  	v31 =	vadd.s32 $0x9, v7;
	v57 =	vsub.f32 $0.0e+00, v24;
	v58 =	vmul.f32 v14, v36;
	[tilespmem:v17+s22+$0x0] =	vst.idx.msk $0xffff, v20  }
0x336: {  	v56 =	vmul.f32 v25, v28;
	v28 =	vmul.f32 v14, v38;
	v59 =	vsub.f32 $2.000000000e+00, v54;
	[tilespmem:v35+s22+$0x0] =	vst.idx.msk $0xffff, v55  }
0x337: {  	v53 =	vadd.s32 $0xB, v7;
	v24 =	vsel vm13, v57, v24;
	[tilespmem:v34+s22+$0x0] =	vst.idx.msk $0xffff, v58;
	v34 =	vmul.f32 v14, v9  }
0x338: {  	v33 =	vadd.s32 $0xC, v7;
	v36 =	vmul.f32 v14, v37;
	v18 =	vmul.f32 v59, v18;
	[tilespmem:v15+s22+$0x0] =	vst.idx.msk $0xffff, v28  }
0x339: {  	v12 =	vmul.f32 v12, v5;
	v40 =	vmul.f32 v24, v16;
	v35 =	vadd.s32 $0xD, v7;
	[tilespmem:v32+s22+$0x0] =	vst.idx.msk $0xffff, v34  }
0x33a: {  	v42 =	vmul.f32 v24, v11;
	v39 =	vadd.s32 $0xE, v7;
	v20 =	vmul.f32 v18, v30;
	[tilespmem:v31+s22+$0x0] =	vst.idx.msk $0xffff, v36  }
0x33b: {  	vm14 =	vlt.f32 v22, $0.0e+00;
	v12 =	vmul.f32 v24, v12;
	v28 =	vsub.f32 $0.0e+00, v56;
	[tilespmem:v49+s22+$0x0] =	vst.idx.msk $0xffff, v40  }
0x33c: {  	v43 =	vadd.s32 $0x10, v7;
	v45 =	vmul.f32 v24, v9;
	v44 =	vsub.f32 $2.000000000e+00, v20;
	[tilespmem:v53+s22+$0x0] =	vst.idx.msk $0xffff, v42  }
0x33d: {  	v46 =	vadd.s32 $0x11, v7;
	v47 =	vmul.f32 v24, v37;
	v19 =	vsel vm14, v28, v56;
	[tilespmem:v33+s22+$0x0] =	vst.idx.msk $0xffff, v12  }
0x33e: {  	v48 =	vadd.s32 $0x12, v7;
	v49 =	vmul.f32 v19, v16;
	v15 =	vmul.f32 v44, v18;
	[tilespmem:v35+s22+$0x0] =	vst.idx.msk $0xffff, v45  }
0x33f: {  	v8 =	vmul.f32 v8, v5;
	v50 =	vadd.s32 $0x13, v7;
	v51 =	vmul.f32 v19, v11;
	[tilespmem:v39+s22+$0x0] =	vst.idx.msk $0xffff, v47  }
0x340: {  	v52 =	vadd.s32 $0x14, v7;
	v53 =	vmul.f32 v19, v38;
	v54 =	vsub.f32 $0.0e+00, v15;
	[tilespmem:v41+s22+$0x0] =	vst.idx.msk $0xffff, v49  }
0x341: {  	vm15 =	vlt.f32 v23, $0.0e+00;
	v55 =	vadd.s32 $0x15, v7;
	v8 =	vmul.f32 v19, v8;
	[tilespmem:v43+s22+$0x0] =	vst.idx.msk $0xffff, v51  }
0x342: {  	v57 =	vadd.s32 $0x16, v7;
	v56 =	vmul.f32 v19, v37;
	v15 =	vsel vm15, v54, v15;
	[tilespmem:v46+s22+$0x0] =	vst.idx.msk $0xffff, v53  }
0x343: {  	v58 =	vadd.s32 $0x17, v7;
	[tilespmem:v48+s22+$0x0] =	vst.idx.msk $0xffff, v8;
	v8 =	vmul.f32 v15, v16  }
0x344: {  	v7 =	vadd.s32 $0x18, v7;
	v11 =	vmul.f32 v15, v11;
	[tilespmem:v50+s22+$0x0] =	vst.idx.msk $0xffff, v56  }
0x345: {  	s1 =	sadd.s32 @!p0 s28, s12;
	v59 =	vmul.f32 v13, v5;
	[tilespmem:v52+s22+$0x0] =	vst.idx.msk $0xffff, v8;
	v8 =	vmul.f32 v15, v38  }
0x346: {  	s1 =	smul.u32 @!p0 $0x5, s1;
	v9 =	vmul.f32 v15, v9;
	[tilespmem:v55+s22+$0x0] =	vst.idx.msk $0xffff, v11  }
0x347: {  	[tilespmem:v57+s22+$0x0] =	vst.idx.msk $0xffff, v8;
	v8 =	vmul.f32 v15, v59  }
0x348: {  	s31 =	sadd.s32 s6, s29;
	s29 =	simm.s32 @!p0 $0x0;
	s1 =	sshrl.u32 @!p0 s1, $0x3;
	[tilespmem:v58+s22+$0x0] =	vst.idx.msk $0xffff, v9  }
0x349: {  	s30 =	simm.s32 @!p0 $0x2600;
	s26 =	sadd.s32 $0x1, s26;
	s1 =	sadd.s32 @!p0 s4, s1;
	[tilespmem:v7+s22+$0x0] =	vst.idx.msk $0xffff, v8  }
0x34a: {  	[tilespmem:s30], [sflag:$0x2] =	stream.linear.gather @!p0 [hbm4b:s1+s29], $0x1400, $0x38;
	[tilespmem:$0x10200] =	vst v63  }
0x34b: {  	s28 =	smul.u32 $0x19, s31;
	p0 =	sne.s32 s26, $0x10  }
.Ltmp2:
0x34c: {  	_ = 	snop;
	(pc) =	sbr.rel @p0 .LBB2_2-.Ltmp2, $4  }
0x34d: {  	_ = 	snop  }
0x34e: {  	s31 =	sshrl.u32 s28, $0x3  }
0x34f: {  	s1 =	sadd.s32 s2, s31  }
0x350: {  	[hbm4b:s1+s3] =	stream.linear.scatter [tilespmem:s22], [sflag:$0x4], $0x6400, $0x38;
	[tilespmem:$0x10200] =	vst v63  }
0x351: {  	s25 =	sadd.s32 $0x1, s25  }
0x352: {  	_ =	swait.ge [sflag:s23], $0x6400;
	p0 =	sne.s32 s25, s13  }
.Ltmp3:
0x353: {  	[sflag:s23] =	ssyncset.done $0x0;
	(pc) =	sbr.rel @p0 .LBB2_1-.Ltmp3, $4  }
0x354: {  	[sflag:s23] =	ssyncadd.s32 $0xFFFF9C00  }
0x355: {  	_ =	swait.ge [sflag:s24], $0x6400  }
0x356: {  	[sflag:s24] =	ssyncset.done $0x0  }
0x357: {  	[sflag:s24] =	ssyncadd.s32 $0xFFFF9C00  }
0x358: {  	_ =	sfence.sel $0x180000  }
0x359: {  	[bflag:$0x0] =	sbarrier.arrive $0xFFFF  }
0x35a: {  	_ =	strace $0x90000047  }
0x35b: {  	[bflag:$0x2] =	sbarrier.arrive $0xFFFF  }
0x35c: {  	p0 =	sne.s32 s0, $0x0;
	s0 =	rddreg [dreg:$0x3]  }
0x35d: {  	s0 =	sadd.s32 @!p0 $0x100000, s0  }
0x35e: {  	[sflag:s0] =	ssyncadd.tile.s32 @!p0 $0x1;
	_ =	shalt  }
.Lfunc_end2:
_tile_overlayer_lowered:
.L_overlay_start_2:
0x35f: {  	(tag) =	ssettag $0x2  }
0x360: {  	s0 =	rddreg [dreg:$0x0];
	s2 =	stileid.u32  }
0x361: {  	s1 =	rddreg [dreg:$0x1];
	p0 =	sne.s32 s2, $0x0  }
0x362: {  	s3 =	rddreg [dreg:$0x2];
	[bflag:$0x3] =	sbarrier.arrive $0xFFFF;
	s2 =	simm.s32 @!p0 $0x1C05  }
0x363: {  	[timem:s3], [sflag:s2] =	dma.local @!p0 [hbm:s0], s1  }
0x364: {  	s0 =	simm.s32 @!p0 $0x5  }
0x365: {  	_ =	swait.ge @!p0 [sflag:s0], s1  }
0x366: {  	s1 =	ssub.s32 @!p0 $0x0, s1;
	[sflag:s0] =	ssyncset.done @!p0 $0x0  }
0x367: {  	[sflag:s0] =	ssyncadd.s32 @!p0 s1  }
0x368: {  	[bflag:$0x3] =	sbarrier.arrive $0xFFFF  }
0x369: {  	_ =	shalt  }

// kernel: sparse-core-data-format-call.cloned.1.call-start
scs
called_computation_lowered:
.L_overlay_start_0:
0x0: {  	s2 =	sld [smem:$0x3FD9]  }
0x1: {  	s3 =	sld [smem:$0x3FFE];
	_ =	sdelay $0x1  }
0x2: {  	s1 =	srdreg.scid  }
0x3: {  	s0 =	sand.u32 $0x1, s1  }
0x4: {  	s15 =	sshll.u32 s0, $0xA;
	s2 =	sadd.s32 s3, s2  }
0x5: {  	s2 =	sadd.s32 s2, s15  }
0x6: {  	[smem:$0x3FC5] =	sst s2  }
0x7: {  	_ = 	snop  }
0x8: {  	s2 =	sld [smem:$0x3FD0];
	_ =	sdelay $0x2  }
0x9: {  	s16 =	simm.s32 $0xA;
	s4 =	simm.s32 $0x10  }
0xa: {  	[smem:s4], [sflag:s16] =	dma.local [hbm:s2], $0x1  }
0xb: {  	_ =	swait.eq [sflag:s16], $0x1  }
0xc: {  	[sflag:s16] =	ssyncset.done $0x0  }
0xd: {  	[sflag:s16] =	ssyncadd.s32 $0xFFFFFFFF  }
0xe: {  	s17 =	sld [smem:$0x11];
	(tm) =	ssettm $0x1  }
0xf: {  	s18 =	sld [smem:$0x3FFB];
	_ =	sdelay $0x3  }
0x10: {  	_ =	strace s18  }
0x11: {  	s3 =	sld [smem:$0x3FFC];
	_ =	sdelay $0x3  }
0x12: {  	_ =	strace s3  }
0x13: {  	s3 =	sld [smem:$0x3FFD];
	_ =	sdelay $0x3  }
0x14: {  	_ =	strace s3  }
0x15: {  	_ =	strace $0x8FFFFFFF  }
0x16: {  	s19 =	sld [smem:$0x3FDB];
	_ =	sdelay $0x1  }
0x17: {  	s20 =	simm.s32 $_scs_section_size  }
0x18: {  	s5 =	simm.s32 $_size__tile_overlayer_lowered;
	s6 =	simm.s32 $_tile_overlayer_lowered  }
0x19: {  	s23 =	simm.s32 $0x1BFF;
	s22 =	sshll.u32 s6, $0x1;
	s3 =	sadd.s32 s20, s19  }
0x1a: {  	s7 =	simm.s32 $0x0;
	s21 =	sshll.u32 s5, $0x1;
	s5 =	sadd.s32 s22, s3  }
0x1b: {  	[timem:s7], [sflag:s23] =	dma.local [hbm:s5], s21  }
0x1c: {  	_ =	swait.ge [sflag:s23], s21  }
0x1d: {  	s4 =	ssub.s32 $0x0, s21;
	[sflag:s23] =	ssyncset.done $0x0  }
0x1e: {  	[sflag:s23] =	ssyncadd.s32 s4;
	_ =	sdelay $0x1  }
0x1f: {  	s24 =	simm.s32 $0x1B8B  }
0x20: {  	_ =	swait.ge [sflag:s24], $0x1  }
0x21: {  	[sflag:s24] =	ssyncset.done $0x0  }
0x22: {  	s26 =	simm.s32 $0x1B8E;
	s25 =	sld [smem:$0x3FFE];
	[sflag:s24] =	ssyncadd.s32 $0xFFFFFFFF  }
0x23: {  	s27 =	simm.s32 $execute0_lowered;
	[smem:$0x3FD2] =	sst s26  }
0x24: {  	s5 =	sshll.u32 s27, $0x1;
	_ =	strace $0x80000049;
	[dreg:$0x1] =	wrdreg $0xFFFFFFFF  }
0x25: {  	s28 =	simm.s32 $_size_execute0_lowered;
	s3 =	sadd.s32 s3, s5;
	[dreg:$0x0] =	wrdreg $0x0  }
0x26: {  	s5 =	sshll.u32 s28, $0x1;
	[dreg:$0x2] =	wrdreg s3  }
0x27: {  	[dreg:$0x3] =	wrdreg s5  }
0x28: {  	[dreg:$0x4] =	wrdreg $0xC0  }
0x29: {  	_ =	task [dreg:s7], $0x5FFFF  }
0x2a: {  	[dreg:$0x1] =	wrdreg $0xFFFFFFFF  }
0x2b: {  	[dreg:$0x0] =	wrdreg $0x60  }
0x2c: {  	[dreg:$0x2] =	wrdreg s25  }
0x2d: {  	[dreg:$0x3] =	wrdreg s17  }
0x2e: {  	[dreg:$0x4] =	wrdreg $0x9  }
0x2f: {  	_ =	task.clear_ibuf [dreg:s7], $0x5FFFF;
	_ =	strace $0x90000049  }
0x30: {  	s29 =	simm.s32 $0x9;
	_ =	strace $0x8000004B  }
0x31: {  	_ =	swait.ge [sflag:s29], $0x1  }
0x32: {  	[sflag:s29] =	ssyncadd.s32 $0xFFFFFFFF  }
0x33: {  	_ =	strace $0x9000004B  }
0x34: {  	_ =	sfence  }
0x35: {  	s30 =	sld [smem:$0x0];
	_ =	sdelay $0x2  }
0x36: {  	s31 =	sshll.u32 s1, $0xD;
	s1 =	sshrl.u32 s1, $0x2  }
0x37: {  	s3 =	sand.u32 $0x4000, s31;
	s1 =	sadd.s32 s1, s30  }
0x38: {  	s0 =	sor.u32 s3, s0;
	s1 =	sshll.u32 s1, $0x11  }
0x39: {  	s0 =	sor.u32 s1, s0  }
0x3a: {  	s0 =	sadd.s32 $0x8F2B, s0  }
0x3b: {  	[sflag:s0] =	ssyncadd.remote.s32 $0x1  }
0x3c: {  	_ =	sfence.sel $0xFFFF  }
0x3d: {  	[dreg:$0x0] =	wrdreg $0xFFFFFFFF;
	(pc) =	sbr.abs _section_cstart, $3  }
0x3e: {  	[dreg:$0x1] =	wrdreg $0xFFFFFFFF  }
0x3f: {  	_ =	task.clear_ibuf [dreg:s7], $0x2FFFF;
	_ =	strace $0x9FFFFFFF  }
0x40: {  	(tm) =	ssettm $0x7FFFFFFF  }
0x41: {  	_ =	shalt  }
tec
execute0_lowered:
.L_overlay_start_1:
0x0: {  	(tag) =	ssettag $0x1  }
0x1: {  	s0 =	srdreg.scid  }
0x2: {  	s1 =	sshll.u32 s0, $0x4  }
0x3: {  	s0 =	stileid.u32;
	s1 =	sand.u32 $0x10, s1  }
0x4: {  	s1 =	sor.u32 s0, s1  }
0x5: {  	s6 =	rddreg [dreg:$0x0];
	s2 =	sshll.u32 s1, $0x7  }
0x6: {  	s3 =	rddreg [dreg:$0x1];
	s5 =	simm.s32 $0x1;
	s4 =	ssub.s32 $0x100000, s2  }
0x7: {  	s31 =	simm.s32 $0x2;
	s12 =	simm.s32 $0x0;
	s30 =	sand.u32 $0xF80, s4  }
0x8: {  	s11 =	simm.s32 $0x0;
	s8 =	simm.s32 $0x0;
	p0 =	sne.s32 s30, $0x0  }
.Ltmp0:
0x9: {  	s7 =	sshrl.u32 s4, $0xC;
	s5 =	simm.s32 @!p0 $0x0;
	(pc) =	sbr.rel .LBB1_1-.Ltmp0, $4  }
0xa: {  	s10 =	simm.s32 $0x0;
	s1 =	rddreg [dreg:$0x2];
	s5 =	sadd.s32 s5, s7  }
0xb: {  	_ =	strace $0x8000004A;
	s4 =	simm.s32 $0x1;
	s5 =	smul.u32 $0x5, s5  }
0xc: {  	s6 =	sadd.s32 $0x1000, s6;
	s9 =	smov.u32 s2;
	[sflag:s4] =	ssyncpa.u1 $0x0  }
0xd: {  	[sflag:s31] =	ssyncpa.u1 $0x0;
	p0 =	por $0x0, $0x0;
	s7 =	sadd.s32 $0x1, s5  }
.LBB1_4:
0xe: {  	s15 =	sshll.u32 s11, $0x3  }
0xf: {  	s16 =	sand.u32 $0x78, s11;
	s17 =	sand.u32 $0xE0000, s11;
	s15 =	sand.u32 $0xFFC00, s15  }
0x10: {  	s12 =	sshll.u32 s12, $0x14;
	s30 =	sadd.s32 s3, s17;
	s15 =	sor.u32 s16, s15  }
0x11: {  	s12 =	sadd.s32 s12, s30;
	s15 =	sshrl.u32 s15, $0x3  }
0x12: {  	[tilespmem:s14+$0x0 ss:$0x81] =	vst.msk $0xff, v1;
	s31 =	sand.u32 $0x7, s11;
	s12 =	sadd.s32 s15, s12  }
0x13: {  	[hbm4b:s12+s31] =	stream.linear.scatter [tilespmem:s13], [sflag:$0x2], $0x400, $0x20;
	[tilespmem:$0x1010] =	vst v63  }
.LBB1_5:
0x14: {  	s13 =	sadd.s32 $0x1, s8  }
0x15: {  	s11 =	sadd.s32 $0x1000, s9;
	s15 =	smov.u32 s9;
	p2 =	sgt.s32 s13, $0x4  }
0x16: {  	s15 =	smov.u32 @p2 s11  }
0x17: {  	s13 =	simm.s32 @p2 $0x0;
	p2 =	sgt.s32 s15, $0xFFFFF  }
0x18: {  	s15 =	smov.u32 @p2 s2;
	p2 =	sne.s32 s10, s7  }
.Ltmp1:
0x19: {  	p1 =	slt.u32 s10, $0x2;
	(pc) =	sbr.rel @!p2 .LBB1_6-.Ltmp1, $4  }
0x1a: {  	s14 =	simm.s32 @!p1 $0x2  }
0x1b: {  	s12 =	smov.u32 s8;
	p0 =	por !p0, !p0;
	_ =	swait.ge @!p1 [sflag:s14], $0x400  }
0x1c: {  	s11 =	smov.u32 s9;
	[sflag:s14] =	ssyncset.done @!p1 $0x0;
	s8 =	smov.u32 s13  }
0x1d: {  	s10 =	sadd.s32 $0x1, s10;
	[sflag:s14] =	ssyncadd.s32 @!p1 $0xFFFFFC00;
	s9 =	smov.u32 s15  }
.LBB1_1:
0x1e: {  	p1 =	sge.u32 s10, s5  }
0x1f: {  	s31 =	sadd.s32 $0xFFFFFFFF, s10;
	s13 =	sxor.u32 @!p1 $0xFFFFFFFF, s10  }
0x20: {  	s14 =	sshll.u32 @!p1 s9, $0x7;
	s15 =	sshll.u32 @!p1 s8, $0x4;
	s16 =	simm.s32 @!p1 $0x400  }
0x21: {  	s13 =	sshll.u32 @!p1 s13, $0xA;
	s15 =	sand.u32 @!p1 $0x70, s15;
	s14 =	sadd.s32 @!p1 s6, s14  }
0x22: {  	s13 =	sand.u32 @!p1 $0x400, s13;
	s14 =	sadd.s32 @!p1 s15, s14;
	s15 =	simm.s32 @!p1 $0x8  }
0x23: {  	[tilespmem:s13], [sflag:$0x1] =	stream.strided.gather @!p1 [hbm4b:s14+s15], $0x400, s16, s15, $0x38;
	[tilespmem:$0x1010] =	vst v63  }
0x24: {  	p1 =	sge.u32 s31, s5  }
.Ltmp2:
0x25: {  	_ = 	snop;
	(pc) =	sbr.rel @p1 .LBB1_5-.Ltmp2, $1  }
0x26: {  	_ =	sdelay $0x3  }
0x27: {  	s13 =	simm.s32 $0x1  }
0x28: {  	s13 =	simm.s32 @!p0 $0x0  }
0x29: {  	s14 =	sshll.u32 s13, $0xA  }
0x2a: {  	v0 =	vmov s14;
	_ =	sdelay $0x1  }
0x2b: {  	_ =	swait.ge [sflag:s4], $0x400  }
0x2c: {  	s31 =	sand.u32 $0x1, s10;
	[sflag:s4] =	ssyncset.done $0x0  }
0x2d: {  	s16 =	simm.s32 $0x0;
	s13 =	smul.u32 $0x1020, s13;
	[sflag:s4] =	ssyncadd.s32 $0xFFFFFC00  }
0x2e: {  	s14 =	smul.u32 $0x1020, s31;
	v1 =	vld.idx.msk [tilespmem:v0+s16+$0x0 ss:$0x1], $0xff;
	_ =	sdelay $0x1  }
0x2f: {  	s13 =	sshrl.u32 s13, $0x2;
	s15 =	sshrl.u32 s14, $0x2  }
0x30: {  	s14 =	sor.u32 $0x800, s13;
	s13 =	sor.u32 $0x800, s15;
	s15 =	simm.s32 $0x20  }
.LBB1_3:
0x31: {  	s16 =	sshra.s32 s15, $0x2;
	p1 =	sne.s32 s15, $0xFE0;
	s15 =	sadd.s32 $0x20, s15  }
.Ltmp3:
0x32: {  	[tilespmem:s14+$0x0 ss:$0x81] =	vst.msk $0xff, v1;
	v1 =	vld.idx.msk [tilespmem:v0+s16+$0x0 ss:$0x1], $0xff;
	(pc) =	sbr.rel @p1 .LBB1_3-.Ltmp3, $2  }
0x33: {  	_ =	sdelay $0x2  }
0x34: {  	s14 =	sadd.s32 $0x1, s14  }
.Ltmp4:
0x35: {  	_ = 	snop;
	(pc) =	sbr.rel .LBB1_4-.Ltmp4, $1  }
0x36: {  	_ =	sdelay $0x3  }
.LBB1_6:
0x37: {  	_ =	sfence.sel $0x180000  }
0x38: {  	s2 =	simm.s32 $0x1;
	[bflag:$0x0] =	sbarrier.arrive $0xFFFF  }
0x39: {  	s31 =	simm.s32 $0x2;
	[sflag:s2] =	ssyncpa.u1 $0x1  }
0x3a: {  	[sflag:s31] =	ssyncpa.u1 $0x1  }
0x3b: {  	p0 =	sne.s32 s0, $0x0;
	_ =	strace $0x9000004A  }
0x3c: {  	s0 =	sadd.s32 @!p0 $0x100000, s1;
	[bflag:$0x2] =	sbarrier.arrive $0xFFFF  }
0x3d: {  	[sflag:s0] =	ssyncadd.tile.s32 @!p0 $0x1;
	_ =	shalt  }
.Lfunc_end1:
_tile_overlayer_lowered:
.L_overlay_start_2:
0x3e: {  	(tag) =	ssettag $0x2  }
0x3f: {  	s0 =	rddreg [dreg:$0x0];
	s2 =	stileid.u32  }
0x40: {  	s1 =	rddreg [dreg:$0x1];
	p0 =	sne.s32 s2, $0x0  }
0x41: {  	s3 =	rddreg [dreg:$0x2];
	[bflag:$0x3] =	sbarrier.arrive $0xFFFF;
	s2 =	simm.s32 @!p0 $0x1C01  }
0x42: {  	[timem:s3], [sflag:s2] =	dma.local @!p0 [hbm:s0], s1  }
0x43: {  	s0 =	simm.s32 @!p0 $0x1  }
0x44: {  	_ =	swait.ge @!p0 [sflag:s0], s1  }
0x45: {  	s1 =	ssub.s32 @!p0 $0x0, s1;
	[sflag:s0] =	ssyncset.done @!p0 $0x0  }
0x46: {  	[sflag:s0] =	ssyncadd.s32 @!p0 s1  }
0x47: {  	[bflag:$0x3] =	sbarrier.arrive $0xFFFF  }
0x48: {  	_ =	shalt  }

</sc_bundles>
